<compile_context>
chip_gen: v7x
topology: tpu7x:2x2x1
jax: 0.10.2.dev20260603
libtpu: 0.0.44.dev20260713+nightly
codegen_flags: <defaults>
</compile_context>

<pallas_src>
import functools

import jax
import jax.numpy as jnp
from jax import lax
from jax.experimental import pallas as pl
from jax.experimental.pallas import tpu as pltpu
import jax.experimental.pallas.tpu_sc as plsc

_NC = 2
_NS = 16
_CH = 128
_BR = 2000


def _edge_deg(dst2d, zrow):
    n_rows = dst2d.shape[0]
    cpw = n_rows // (_NC * _NS)
    rpt = zrow.shape[0]
    n_acc = _NS * rpt
    mesh = plsc.VectorSubcoreMesh(core_axis_name="c", subcore_axis_name="s")

    @functools.partial(
        pl.kernel,
        out_type=jax.ShapeDtypeStruct((_NC, n_acc), jnp.float32),
        mesh=mesh,
        scratch_types=[
            pltpu.VMEM((cpw, _CH), jnp.int32),
            pltpu.VMEM((_CH,), jnp.float32),
            pltpu.VMEM_SHARED((n_acc,), jnp.float32),
        ],
        compiler_params=pltpu.CompilerParams(use_tc_tiling_on_sc=False),
    )
    def k(dst_hbm, z_hbm, out_hbm, dst_v, ones_v, acc):
        cid = lax.axis_index("c")
        sid = lax.axis_index("s")
        wid = sid * _NC + cid
        pltpu.sync_copy(dst_hbm.at[pl.ds(wid * cpw, cpw)], dst_v)
        for i in range(_CH // 16):
            ones_v[pl.ds(16 * i, 16)] = jnp.ones((16,), jnp.float32)
        pltpu.sync_copy(z_hbm, acc.at[pl.ds(sid * rpt, rpt)])
        plsc.subcore_barrier()

        def body(j, carry):
            pltpu.sync_copy(ones_v, acc.at[dst_v.at[j]], add=True)
            return carry

        lax.fori_loop(0, cpw, body, 0)
        plsc.subcore_barrier()
        pltpu.sync_copy(acc.at[pl.ds(sid * rpt, rpt)],
                        out_hbm.at[cid, pl.ds(sid * rpt, rpt)])

    return k(dst2d, zrow)


def _segsum_pipeline(gtab, acc, src_v, dst_v, rows_v, gsem, ssem, K, nchunks):

    def fire_gathers(i, p):
        for b in range(K):
            pltpu.async_copy(gtab.at[src_v.at[i * K + b]],
                             rows_v.at[p, b], gsem.at[p])

    def drain_gathers(i, p):
        for b in range(K):
            pltpu.make_async_copy(gtab.at[src_v.at[i * K + b]],
                                  rows_v.at[p, b], gsem.at[p]).wait()

    def fire_scatters(i, p):
        for b in range(K):
            pltpu.async_copy(rows_v.at[p, b],
                             acc.at[dst_v.at[i * K + b]], ssem.at[p],
                             add=True)

    def drain_scatters(i, p):
        for b in range(K):
            pltpu.make_async_copy(rows_v.at[p, b],
                                  acc.at[dst_v.at[i * K + b]],
                                  ssem.at[p]).wait()

    ngroups = nchunks // K
    fire_gathers(0, 0)

    def body(i2, carry):
        g0 = 2 * i2
        g1 = 2 * i2 + 1
        drain_gathers(g0, 0)
        fire_gathers(g1, 1)
        fire_scatters(g0, 0)
        drain_scatters(g0, 0)
        drain_gathers(g1, 1)

        @pl.when(g1 + 1 < ngroups)
        def _():
            fire_gathers(g1 + 1, 0)

        fire_scatters(g1, 1)
        drain_scatters(g1, 1)
        return carry

    lax.fori_loop(0, ngroups // 2, body, 0)


def _edge_segsum_colsplit(gx, src2d, dst2d):
    Dh = gx.shape[2]
    n_acc = gx.shape[1]
    n_rows = src2d.shape[0]
    cpt = n_rows // _NS
    rpt = n_acc // _NS
    mesh = plsc.VectorSubcoreMesh(core_axis_name="c", subcore_axis_name="s")

    K = 4

    @functools.partial(
        pl.kernel,
        out_type=jax.ShapeDtypeStruct((_NC, n_acc, Dh), jnp.float32),
        mesh=mesh,
        scratch_types=[
            pltpu.VMEM((cpt, _CH), jnp.int32),
            pltpu.VMEM((cpt, _CH), jnp.int32),
            pltpu.VMEM((2, K, _CH, Dh), jnp.float32),
            pltpu.VMEM_SHARED((n_acc, Dh), jnp.float32),
            pltpu.VMEM_SHARED((n_acc, Dh), jnp.float32),
            pltpu.SemaphoreType.DMA((2,)),
            pltpu.SemaphoreType.DMA((2,)),
        ],
        compiler_params=pltpu.CompilerParams(use_tc_tiling_on_sc=False),
    )
    def k(g_hbm, src_hbm, dst_hbm, out_hbm,
          src_v, dst_v, rows_v, acc, gtab, gsem, ssem):
        cid = lax.axis_index("c")
        sid = lax.axis_index("s")
        pltpu.sync_copy(src_hbm.at[pl.ds(sid * cpt, cpt)], src_v)
        pltpu.sync_copy(dst_hbm.at[pl.ds(sid * cpt, cpt)], dst_v)
        pltpu.sync_copy(g_hbm.at[cid, pl.ds(sid * rpt, rpt)],
                        acc.at[pl.ds(sid * rpt, rpt)])
        pltpu.sync_copy(g_hbm.at[cid, pl.ds(sid * rpt, rpt)],
                        gtab.at[pl.ds(sid * rpt, rpt)])
        plsc.subcore_barrier()
        _segsum_pipeline(gtab, acc, src_v, dst_v, rows_v, gsem, ssem, K, cpt)
        plsc.subcore_barrier()
        pltpu.sync_copy(acc.at[pl.ds(sid * rpt, rpt)],
                        out_hbm.at[cid, pl.ds(sid * rpt, rpt)])

    return k(gx, src2d, dst2d)


def _edge_segsum(g, src2d, dst2d, zrows):
    D = g.shape[1]
    n_rows = src2d.shape[0]
    cpw = n_rows // (_NC * _NS)
    rpt = zrows.shape[0]
    n_acc = _NS * rpt
    mesh = plsc.VectorSubcoreMesh(core_axis_name="c", subcore_axis_name="s")

    K = 8

    @functools.partial(
        pl.kernel,
        out_type=jax.ShapeDtypeStruct((_NC, n_acc, D), jnp.float32),
        mesh=mesh,
        scratch_types=[
            pltpu.VMEM((cpw, _CH), jnp.int32),
            pltpu.VMEM((cpw, _CH), jnp.int32),
            pltpu.VMEM((2, K, _CH, D), jnp.float32),
            pltpu.VMEM_SHARED((n_acc, D), jnp.float32),
            pltpu.VMEM_SHARED((n_acc, D), jnp.float32),
            pltpu.SemaphoreType.DMA((2,)),
            pltpu.SemaphoreType.DMA((2,)),
        ],
        compiler_params=pltpu.CompilerParams(use_tc_tiling_on_sc=False),
    )
    def k(g_hbm, src_hbm, dst_hbm, z_hbm, out_hbm,
          src_v, dst_v, rows_v, acc, gtab, gsem, ssem):
        cid = lax.axis_index("c")
        sid = lax.axis_index("s")
        wid = sid * _NC + cid
        pltpu.sync_copy(src_hbm.at[pl.ds(wid * cpw, cpw)], src_v)
        pltpu.sync_copy(dst_hbm.at[pl.ds(wid * cpw, cpw)], dst_v)

        @pl.when(cid == 0)
        def _():
            pltpu.sync_copy(g_hbm.at[pl.ds(sid * rpt, rpt)],
                            acc.at[pl.ds(sid * rpt, rpt)])

        @pl.when(cid != 0)
        def _():
            pltpu.sync_copy(z_hbm, acc.at[pl.ds(sid * rpt, rpt)])

        pltpu.sync_copy(g_hbm.at[pl.ds(sid * rpt, rpt)],
                        gtab.at[pl.ds(sid * rpt, rpt)])
        plsc.subcore_barrier()
        _segsum_pipeline(gtab, acc, src_v, dst_v, rows_v, gsem, ssem, K, cpw)
        plsc.subcore_barrier()
        pltpu.sync_copy(acc.at[pl.ds(sid * rpt, rpt)],
                        out_hbm.at[cid, pl.ds(sid * rpt, rpt)])

    return k(g, src2d, dst2d, zrows)


def _tc_matmul(x, W):
    N, F = x.shape
    H = W.shape[1]

    def body(x_ref, w_ref, o_ref):
        o_ref[...] = jnp.dot(x_ref[...], w_ref[...],
                             preferred_element_type=jnp.float32)

    return pl.pallas_call(
        body,
        grid=(N // _BR,),
        in_specs=[pl.BlockSpec((_BR, F), lambda i: (i, 0)),
                  pl.BlockSpec((F, H), lambda i: (0, 0))],
        out_specs=pl.BlockSpec((_BR, H), lambda i: (i, 0)),
        out_shape=jax.ShapeDtypeStruct((N, H), jnp.float32),
    )(x, W)


def _tc_scale(h, degP, n_acc):
    N, H = h.shape
    Dh = H // 2

    def body(h_ref, d0_ref, d1_ref, g_ref, dinv_ref):
        deg = d0_ref[0] + d1_ref[0] + 1.0
        dinv = lax.rsqrt(deg)
        dinv_ref[...] = dinv
        g = h_ref[...] * dinv
        g_ref[0] = g[:, :Dh]
        g_ref[1] = g[:, Dh:]

    return pl.pallas_call(
        body,
        grid=(N // _BR,),
        in_specs=[pl.BlockSpec((_BR, H), lambda i: (i, 0)),
                  pl.BlockSpec((1, _BR, 1), lambda i: (0, i, 0)),
                  pl.BlockSpec((1, _BR, 1), lambda i: (1, i, 0))],
        out_specs=[pl.BlockSpec((2, _BR, Dh), lambda i: (0, i, 0)),
                   pl.BlockSpec((_BR, 1), lambda i: (i, 0))],
        out_shape=[jax.ShapeDtypeStruct((2, n_acc, Dh), jnp.float32),
                   jax.ShapeDtypeStruct((N, 1), jnp.float32)],
    )(h, degP, degP)


def _tc_mid(sp1, dinv, b1, W2, n_acc):
    N = dinv.shape[0]
    Dh = sp1.shape[2]
    C = W2.shape[1]

    def body(s_ref, dinv_ref, b1_ref, w2_ref, g2_ref):
        s = jnp.concatenate([s_ref[0], s_ref[1]], axis=1)
        t = jnp.maximum(s * dinv_ref[...] + b1_ref[...], 0.0)
        g2_ref[...] = jnp.dot(t, w2_ref[...],
                              preferred_element_type=jnp.float32) * dinv_ref[...]

    return pl.pallas_call(
        body,
        grid=(N // _BR,),
        in_specs=[pl.BlockSpec((2, _BR, Dh), lambda i: (0, i, 0)),
                  pl.BlockSpec((_BR, 1), lambda i: (i, 0)),
                  pl.BlockSpec((1, 2 * Dh), lambda i: (0, 0)),
                  pl.BlockSpec((2 * Dh, C), lambda i: (0, 0))],
        out_specs=pl.BlockSpec((_BR, C), lambda i: (i, 0)),
        out_shape=jax.ShapeDtypeStruct((n_acc, C), jnp.float32),
    )(sp1, dinv, b1, W2)


def _tc_out(sp2, dinv, b2, C):
    N = dinv.shape[0]

    def body(s0_ref, s1_ref, dinv_ref, b2_ref, o_ref):
        s = s0_ref[0] + s1_ref[0]
        o_ref[...] = jax.nn.sigmoid(s * dinv_ref[...] + b2_ref[...])

    return pl.pallas_call(
        body,
        grid=(N // _BR,),
        in_specs=[pl.BlockSpec((1, _BR, C), lambda i: (0, i, 0)),
                  pl.BlockSpec((1, _BR, C), lambda i: (1, i, 0)),
                  pl.BlockSpec((_BR, 1), lambda i: (i, 0)),
                  pl.BlockSpec((1, C), lambda i: (0, 0))],
        out_specs=pl.BlockSpec((_BR, C), lambda i: (i, 0)),
        out_shape=jax.ShapeDtypeStruct((N, C), jnp.float32),
    )(sp2, sp2, dinv, b2)


def kernel(x, edge_index, W1, b1, W2, b2):
    N, F = x.shape
    H = W1.shape[1]
    C = W2.shape[1]
    E = edge_index.shape[1]

    src = edge_index[0].astype(jnp.int32)
    dst = edge_index[1].astype(jnp.int32)

    NW = _NC * _NS
    cpw = -(-E // (_CH * NW))
    cpw = -(-cpw // 16) * 16
    Epad = NW * cpw * _CH
    src2 = jnp.concatenate(
        [src, jnp.zeros((Epad - E,), jnp.int32)]).reshape(NW * cpw, _CH)
    dst2 = jnp.concatenate(
        [dst, jnp.full((Epad - E,), N, jnp.int32)]).reshape(NW * cpw, _CH)

    rpt = -(-(N + 1) // _NS)
    rpt = -(-rpt // 8) * 8
    zC = jnp.zeros((rpt, C), jnp.float32)
    z1 = jnp.zeros((rpt,), jnp.float32)

    n_acc = _NS * rpt
    h1 = _tc_matmul(x, W1)
    degP = _edge_deg(dst2, z1)
    degP = degP[:, :N].reshape(2, N, 1)
    g1, dinv = _tc_scale(h1, degP, n_acc)
    sp1 = _edge_segsum_colsplit(g1, src2, dst2)
    g2 = _tc_mid(sp1, dinv, b1.reshape(1, H), W2, n_acc)
    sp2 = _edge_segsum(g2, src2, dst2, zC)
    return _tc_out(sp2, dinv, b2.reshape(1, C), C)

# --- scband reference (transcript-rebuilt; emitter-appended) ---
"""Pipeline reference for scband-gcn-12910671692309 (READ-ONLY COPY).

The authoritative reference and input builder live on the scoring server;
editing this copy changes nothing except your own understanding.
"""

import jax, jax.numpy as jnp
import numpy as np

N_NODES = 10000
N_EDGES = 320000
NUM_FEATURES = 128
HIDDEN_DIM = 64
NUM_CLASSES = 16


def _gcn_conv(x, edge_index, W, b):
    # Faithful GCNConv: add self-loops, symmetric normalization, sum aggregation, bias.
    N = x.shape[0]
    loop = jnp.arange(N, dtype=edge_index.dtype)
    src = jnp.concatenate([edge_index[0], loop])
    dst = jnp.concatenate([edge_index[1], loop])
    deg = jnp.zeros((N,), dtype=x.dtype).at[dst].add(1.0)
    dinv = jnp.where(deg > 0, deg ** -0.5, 0.0)
    norm = dinv[src] * dinv[dst]
    h = x @ W
    msg = h[src] * norm[:, None]
    out = jnp.zeros((N, W.shape[1]), dtype=x.dtype).at[dst].add(msg)
    return out + b


def setup_inputs(seed: int = 0) -> dict:
    key = jax.random.key(seed)
    k_x, k_e, k_w1, k_b1, k_w2, k_b2 = jax.random.split(key, 6)
    x = jax.random.normal(k_x, (N_NODES, NUM_FEATURES), dtype=jnp.float32)
    edge_index = jax.random.randint(k_e, (2, N_EDGES), 0, N_NODES, dtype=jnp.int64)
    # Learned parameters (Glorot-style scaling, matching GCNConv defaults)
    W1 = jax.random.normal(k_w1, (NUM_FEATURES, HIDDEN_DIM), dtype=jnp.float32) * (1.0 / np.sqrt(NUM_FEATURES))
    b1 = jnp.zeros((HIDDEN_DIM,), dtype=jnp.float32)
    W2 = jax.random.normal(k_w2, (HIDDEN_DIM, NUM_CLASSES), dtype=jnp.float32) * (1.0 / np.sqrt(HIDDEN_DIM))
    b2 = jnp.zeros((NUM_CLASSES,), dtype=jnp.float32)
    return {"x": x, "edge_index": edge_index, "W1": W1, "b1": b1, "W2": W2, "b2": b2}


def reference(x, edge_index, W1, b1, W2, b2):
    h = _gcn_conv(x, edge_index, W1, b1)
    h = jax.nn.relu(h)
    # dropout p=0.5 is identity in eval mode (self.training == False)
    out = _gcn_conv(h, edge_index, W2, b2)
    return jax.nn.sigmoid(out)

if __name__ == "__main__":
    import jax
    _d = setup_inputs()
    print(jax.jit(kernel)(*tuple(_d.values())))

</pallas_src>

<mosaic_0001>
#map = affine_map<(d0, d1) -> (0, 0, 0)>
#map1 = affine_map<(d0, d1) -> (0, 0)>
module attributes {stable_mosaic.version = 14 : i64} {
  func.func @k(%arg0: i32, %arg1: i32, %arg2: memref<2x10112x32xf32, #tpu.memory_space<hbm>>, %arg3: memref<2560x128xi32, #tpu.memory_space<hbm>>, %arg4: memref<2560x128xi32, #tpu.memory_space<hbm>>, %arg5: memref<2x10112x32xf32, #tpu.memory_space<hbm>>, %arg6: memref<160x128xi32, #tpu.memory_space<vmem>>, %arg7: memref<160x128xi32, #tpu.memory_space<vmem>>, %arg8: memref<2x4x128x32xf32, #tpu.memory_space<vmem>>, %arg9: memref<10112x32xf32, #tpu.memory_space<vmem_shared>>, %arg10: memref<10112x32xf32, #tpu.memory_space<vmem_shared>>, %arg11: memref<2x!tpu.dma_semaphore, #tpu.memory_space<semaphore_mem>>, %arg12: memref<2x!tpu.dma_semaphore, #tpu.memory_space<semaphore_mem>>) attributes {dimension_semantics = [#tpu.dimension_semantics<core_parallel>, #tpu.dimension_semantics<subcore_parallel>], iteration_bounds = array<i64: 2, 16>, scalar_prefetch = 0 : i64, scratch_operands = 7 : i64, tpu.core_type = #tpu.core_type<sc_vector_subcore>, window_params = [{transform_indices = #map}, {transform_indices = #map1}, {transform_indices = #map1}, {transform_indices = #map}]} {
    %mul3A = arith.constant 160 : i32
    %mul3A_0 = arith.muli %arg1, %mul3A : i32
    "tpu.region"() ({
      %run_scoped3A = tpu.sem_alloc : memref<!tpu.dma_semaphore, #tpu.memory_space<semaphore_mem>>
      %dma_start3A_84 = arith.constant 0 : i32
      %dma_start3A_85 = tpu.memref_slice %arg3[%mul3A_0, %dma_start3A_84] : memref<2560x128xi32, #tpu.memory_space<hbm>> -> memref<160x128xi32, #tpu.memory_space<hbm>>
      %dma_start3A_86 = arith.constant 0 : i32
      %dma_start3A_87 = tpu.memref_slice %arg3[%mul3A_0, %dma_start3A_86] : memref<2560x128xi32, #tpu.memory_space<hbm>> -> memref<160x128xi32, #tpu.memory_space<hbm>>
      tpu.enqueue_dma source(%dma_start3A_87 : memref<160x128xi32, #tpu.memory_space<hbm>>) target(%arg6 : memref<160x128xi32, #tpu.memory_space<vmem>>) target_semaphore(%run_scoped3A : memref<!tpu.dma_semaphore, #tpu.memory_space<semaphore_mem>>)
      %dma_wait3A = arith.constant 0 : i32
      %dma_wait3A_88 = tpu.memref_slice %arg3[%mul3A_0, %dma_wait3A] : memref<2560x128xi32, #tpu.memory_space<hbm>> -> memref<160x128xi32, #tpu.memory_space<hbm>>
      %dma_wait3A_89 = arith.constant 0 : i32
      %dma_wait3A_90 = tpu.memref_slice %arg3[%mul3A_0, %dma_wait3A_89] : memref<2560x128xi32, #tpu.memory_space<hbm>> -> memref<160x128xi32, #tpu.memory_space<hbm>>
      tpu.wait_dma2 semaphore(%run_scoped3A : memref<!tpu.dma_semaphore, #tpu.memory_space<semaphore_mem>>) src(%dma_wait3A_90 : memref<160x128xi32, #tpu.memory_space<hbm>>) dst(%arg6 : memref<160x128xi32, #tpu.memory_space<vmem>>)
      tpu.yield
    }) : () -> ()
    %mul3A_1 = arith.constant 160 : i32
    %mul3A_2 = arith.muli %arg1, %mul3A_1 : i32
    "tpu.region"() ({
      %run_scoped3A = tpu.sem_alloc : memref<!tpu.dma_semaphore, #tpu.memory_space<semaphore_mem>>
      %dma_start3A_84 = arith.constant 0 : i32
      %dma_start3A_85 = tpu.memref_slice %arg4[%mul3A_2, %dma_start3A_84] : memref<2560x128xi32, #tpu.memory_space<hbm>> -> memref<160x128xi32, #tpu.memory_space<hbm>>
      %dma_start3A_86 = arith.constant 0 : i32
      %dma_start3A_87 = tpu.memref_slice %arg4[%mul3A_2, %dma_start3A_86] : memref<2560x128xi32, #tpu.memory_space<hbm>> -> memref<160x128xi32, #tpu.memory_space<hbm>>
      tpu.enqueue_dma source(%dma_start3A_87 : memref<160x128xi32, #tpu.memory_space<hbm>>) target(%arg7 : memref<160x128xi32, #tpu.memory_space<vmem>>) target_semaphore(%run_scoped3A : memref<!tpu.dma_semaphore, #tpu.memory_space<semaphore_mem>>)
      %dma_wait3A = arith.constant 0 : i32
      %dma_wait3A_88 = tpu.memref_slice %arg4[%mul3A_2, %dma_wait3A] : memref<2560x128xi32, #tpu.memory_space<hbm>> -> memref<160x128xi32, #tpu.memory_space<hbm>>
      %dma_wait3A_89 = arith.constant 0 : i32
      %dma_wait3A_90 = tpu.memref_slice %arg4[%mul3A_2, %dma_wait3A_89] : memref<2560x128xi32, #tpu.memory_space<hbm>> -> memref<160x128xi32, #tpu.memory_space<hbm>>
      tpu.wait_dma2 semaphore(%run_scoped3A : memref<!tpu.dma_semaphore, #tpu.memory_space<semaphore_mem>>) src(%dma_wait3A_90 : memref<160x128xi32, #tpu.memory_space<hbm>>) dst(%arg7 : memref<160x128xi32, #tpu.memory_space<vmem>>)
      tpu.yield
    }) : () -> ()
    %mul3A_3 = arith.constant 632 : i32
    %mul3A_4 = arith.muli %arg1, %mul3A_3 : i32
    %mul3A_5 = arith.constant 632 : i32
    %mul3A_6 = arith.muli %arg1, %mul3A_5 : i32
    "tpu.region"() ({
      %run_scoped3A = tpu.sem_alloc : memref<!tpu.dma_semaphore, #tpu.memory_space<semaphore_mem>>
      %dma_start3A_84 = arith.constant 0 : i32
      %dma_start3A_85 = tpu.memref_slice %arg9[%mul3A_6, %dma_start3A_84] : memref<10112x32xf32, #tpu.memory_space<vmem_shared>> -> memref<632x32xf32, #tpu.memory_space<vmem_shared>>
      %dma_start3A_86 = arith.constant 0 : i32
      %dma_start3A_87 = tpu.memref_slice %arg2[%arg0, %mul3A_4, %dma_start3A_86] : memref<2x10112x32xf32, #tpu.memory_space<hbm>> -> memref<1x632x32xf32, #tpu.memory_space<hbm>>
      %dma_start3A_88 = tpu.memref_squeeze %dma_start3A_87 : memref<1x632x32xf32, #tpu.memory_space<hbm>> -> memref<632x32xf32, #tpu.memory_space<hbm>>
      tpu.enqueue_dma source(%dma_start3A_88 : memref<632x32xf32, #tpu.memory_space<hbm>>) target(%dma_start3A_85 : memref<632x32xf32, #tpu.memory_space<vmem_shared>>) target_semaphore(%run_scoped3A : memref<!tpu.dma_semaphore, #tpu.memory_space<semaphore_mem>>)
      %dma_wait3A = arith.constant 0 : i32
      %dma_wait3A_89 = tpu.memref_slice %arg9[%mul3A_6, %dma_wait3A] : memref<10112x32xf32, #tpu.memory_space<vmem_shared>> -> memref<632x32xf32, #tpu.memory_space<vmem_shared>>
      %dma_wait3A_90 = arith.constant 0 : i32
      %dma_wait3A_91 = tpu.memref_slice %arg2[%arg0, %mul3A_4, %dma_wait3A_90] : memref<2x10112x32xf32, #tpu.memory_space<hbm>> -> memref<1x632x32xf32, #tpu.memory_space<hbm>>
      %dma_wait3A_92 = tpu.memref_squeeze %dma_wait3A_91 : memref<1x632x32xf32, #tpu.memory_space<hbm>> -> memref<632x32xf32, #tpu.memory_space<hbm>>
      tpu.wait_dma2 semaphore(%run_scoped3A : memref<!tpu.dma_semaphore, #tpu.memory_space<semaphore_mem>>) src(%dma_wait3A_92 : memref<632x32xf32, #tpu.memory_space<hbm>>) dst(%dma_wait3A_89 : memref<632x32xf32, #tpu.memory_space<vmem_shared>>)
      tpu.yield
    }) : () -> ()
    %mul3A_7 = arith.constant 632 : i32
    %mul3A_8 = arith.muli %arg1, %mul3A_7 : i32
    %mul3A_9 = arith.constant 632 : i32
    %mul3A_10 = arith.muli %arg1, %mul3A_9 : i32
    "tpu.region"() ({
      %run_scoped3A = tpu.sem_alloc : memref<!tpu.dma_semaphore, #tpu.memory_space<semaphore_mem>>
      %dma_start3A_84 = arith.constant 0 : i32
      %dma_start3A_85 = tpu.memref_slice %arg10[%mul3A_10, %dma_start3A_84] : memref<10112x32xf32, #tpu.memory_space<vmem_shared>> -> memref<632x32xf32, #tpu.memory_space<vmem_shared>>
      %dma_start3A_86 = arith.constant 0 : i32
      %dma_start3A_87 = tpu.memref_slice %arg2[%arg0, %mul3A_8, %dma_start3A_86] : memref<2x10112x32xf32, #tpu.memory_space<hbm>> -> memref<1x632x32xf32, #tpu.memory_space<hbm>>
      %dma_start3A_88 = tpu.memref_squeeze %dma_start3A_87 : memref<1x632x32xf32, #tpu.memory_space<hbm>> -> memref<632x32xf32, #tpu.memory_space<hbm>>
      tpu.enqueue_dma source(%dma_start3A_88 : memref<632x32xf32, #tpu.memory_space<hbm>>) target(%dma_start3A_85 : memref<632x32xf32, #tpu.memory_space<vmem_shared>>) target_semaphore(%run_scoped3A : memref<!tpu.dma_semaphore, #tpu.memory_space<semaphore_mem>>)
      %dma_wait3A = arith.constant 0 : i32
      %dma_wait3A_89 = tpu.memref_slice %arg10[%mul3A_10, %dma_wait3A] : memref<10112x32xf32, #tpu.memory_space<vmem_shared>> -> memref<632x32xf32, #tpu.memory_space<vmem_shared>>
      %dma_wait3A_90 = arith.constant 0 : i32
      %dma_wait3A_91 = tpu.memref_slice %arg2[%arg0, %mul3A_8, %dma_wait3A_90] : memref<2x10112x32xf32, #tpu.memory_space<hbm>> -> memref<1x632x32xf32, #tpu.memory_space<hbm>>
      %dma_wait3A_92 = tpu.memref_squeeze %dma_wait3A_91 : memref<1x632x32xf32, #tpu.memory_space<hbm>> -> memref<632x32xf32, #tpu.memory_space<hbm>>
      tpu.wait_dma2 semaphore(%run_scoped3A : memref<!tpu.dma_semaphore, #tpu.memory_space<semaphore_mem>>) src(%dma_wait3A_92 : memref<632x32xf32, #tpu.memory_space<hbm>>) dst(%dma_wait3A_89 : memref<632x32xf32, #tpu.memory_space<vmem_shared>>)
      tpu.yield
    }) : () -> ()
    %barrier3A = arith.constant 0 : index
    tpu.barrier barrier_id(%barrier3A)
    %dma_start3A = arith.constant 0 : i32
    %dma_start3A_11 = arith.constant 0 : i32
    %dma_start3A_12 = arith.constant 0 : i32
    %dma_start3A_13 = arith.constant 0 : i32
    %dma_start3A_14 = arith.constant 0 : i32
    %dma_start3A_15 = arith.constant 0 : i32
    %dma_start3A_16 = tpu.memref_slice %arg8[%dma_start3A_11, %dma_start3A_12, %dma_start3A_14, %dma_start3A_15] : memref<2x4x128x32xf32, #tpu.memory_space<vmem>> -> memref<1x1x128x32xf32, #tpu.memory_space<vmem>>
    %dma_start3A_17 = tpu.memref_squeeze %dma_start3A_16 : memref<1x1x128x32xf32, #tpu.memory_space<vmem>> -> memref<128x32xf32, #tpu.memory_space<vmem>>
    %dma_start3A_18 = arith.constant 0 : i32
    %dma_start3A_19 = tpu.memref_slice %arg6[%dma_start3A, %dma_start3A_18] : memref<160x128xi32, #tpu.memory_space<vmem>> -> memref<1x128xi32, #tpu.memory_space<vmem>>
    %dma_start3A_20 = tpu.memref_squeeze %dma_start3A_19 : memref<1x128xi32, #tpu.memory_space<vmem>> -> memref<128xi32, #tpu.memory_space<vmem>>
    %dma_start3A_21 = arith.constant 0 : i32
    %dma_start3A_22 = arith.constant 0 : i32
    %dma_start3A_23 = tpu.memref_slice %arg10[%dma_start3A_21, %dma_start3A_22] : memref<10112x32xf32, #tpu.memory_space<vmem_shared>> -> memref<10112x32xf32, #tpu.memory_space<vmem_shared>>
    %dma_start3A_24 = tpu.memref_slice %arg11[%dma_start3A_13] : memref<2x!tpu.dma_semaphore, #tpu.memory_space<semaphore_mem>> -> memref<1x!tpu.dma_semaphore, #tpu.memory_space<semaphore_mem>>
    %dma_start3A_25 = tpu.memref_squeeze %dma_start3A_24 : memref<1x!tpu.dma_semaphore, #tpu.memory_space<semaphore_mem>> -> memref<!tpu.dma_semaphore, #tpu.memory_space<semaphore_mem>>
    tpu.enqueue_indirect_dma source(%dma_start3A_23 : memref<10112x32xf32, #tpu.memory_space<vmem_shared>>) target(%dma_start3A_17 : memref<128x32xf32, #tpu.memory_space<vmem>>) offsets(%dma_start3A_20 : memref<128xi32, #tpu.memory_space<vmem>>) semaphore(%dma_start3A_25 : memref<!tpu.dma_semaphore, #tpu.memory_space<semaphore_mem>>)
    %dma_start3A_26 = arith.constant 1 : i32
    %dma_start3A_27 = arith.constant 0 : i32
    %dma_start3A_28 = arith.constant 1 : i32
    %dma_start3A_29 = arith.constant 0 : i32
    %dma_start3A_30 = arith.constant 0 : i32
    %dma_start3A_31 = arith.constant 0 : i32
    %dma_start3A_32 = tpu.memref_slice %arg8[%dma_start3A_27, %dma_start3A_28, %dma_start3A_30, %dma_start3A_31] : memref<2x4x128x32xf32, #tpu.memory_space<vmem>> -> memref<1x1x128x32xf32, #tpu.memory_space<vmem>>
    %dma_start3A_33 = tpu.memref_squeeze %dma_start3A_32 : memref<1x1x128x32xf32, #tpu.memory_space<vmem>> -> memref<128x32xf32, #tpu.memory_space<vmem>>
    %dma_start3A_34 = arith.constant 0 : i32
    %dma_start3A_35 = tpu.memref_slice %arg6[%dma_start3A_26, %dma_start3A_34] : memref<160x128xi32, #tpu.memory_space<vmem>> -> memref<1x128xi32, #tpu.memory_space<vmem>>
    %dma_start3A_36 = tpu.memref_squeeze %dma_start3A_35 : memref<1x128xi32, #tpu.memory_space<vmem>> -> memref<128xi32, #tpu.memory_space<vmem>>
    %dma_start3A_37 = arith.constant 0 : i32
    %dma_start3A_38 = arith.constant 0 : i32
    %dma_start3A_39 = tpu.memref_slice %arg10[%dma_start3A_37, %dma_start3A_38] : memref<10112x32xf32, #tpu.memory_space<vmem_shared>> -> memref<10112x32xf32, #tpu.memory_space<vmem_shared>>
    %dma_start3A_40 = tpu.memref_slice %arg11[%dma_start3A_29] : memref<2x!tpu.dma_semaphore, #tpu.memory_space<semaphore_mem>> -> memref<1x!tpu.dma_semaphore, #tpu.memory_space<semaphore_mem>>
    %dma_start3A_41 = tpu.memref_squeeze %dma_start3A_40 : memref<1x!tpu.dma_semaphore, #tpu.memory_space<semaphore_mem>> -> memref<!tpu.dma_semaphore, #tpu.memory_space<semaphore_mem>>
    tpu.enqueue_indirect_dma source(%dma_start3A_39 : memref<10112x32xf32, #tpu.memory_space<vmem_shared>>) target(%dma_start3A_33 : memref<128x32xf32, #tpu.memory_space<vmem>>) offsets(%dma_start3A_36 : memref<128xi32, #tpu.memory_space<vmem>>) semaphore(%dma_start3A_41 : memref<!tpu.dma_semaphore, #tpu.memory_space<semaphore_mem>>)
    %dma_start3A_42 = arith.constant 2 : i32
    %dma_start3A_43 = arith.constant 0 : i32
    %dma_start3A_44 = arith.constant 2 : i32
    %dma_start3A_45 = arith.constant 0 : i32
    %dma_start3A_46 = arith.constant 0 : i32
    %dma_start3A_47 = arith.constant 0 : i32
    %dma_start3A_48 = tpu.memref_slice %arg8[%dma_start3A_43, %dma_start3A_44, %dma_start3A_46, %dma_start3A_47] : memref<2x4x128x32xf32, #tpu.memory_space<vmem>> -> memref<1x1x128x32xf32, #tpu.memory_space<vmem>>
    %dma_start3A_49 = tpu.memref_squeeze %dma_start3A_48 : memref<1x1x128x32xf32, #tpu.memory_space<vmem>> -> memref<128x32xf32, #tpu.memory_space<vmem>>
    %dma_start3A_50 = arith.constant 0 : i32
    %dma_start3A_51 = tpu.memref_slice %arg6[%dma_start3A_42, %dma_start3A_50] : memref<160x128xi32, #tpu.memory_space<vmem>> -> memref<1x128xi32, #tpu.memory_space<vmem>>
    %dma_start3A_52 = tpu.memref_squeeze %dma_start3A_51 : memref<1x128xi32, #tpu.memory_space<vmem>> -> memref<128xi32, #tpu.memory_space<vmem>>
    %dma_start3A_53 = arith.constant 0 : i32
    %dma_start3A_54 = arith.constant 0 : i32
    %dma_start3A_55 = tpu.memref_slice %arg10[%dma_start3A_53, %dma_start3A_54] : memref<10112x32xf32, #tpu.memory_space<vmem_shared>> -> memref<10112x32xf32, #tpu.memory_space<vmem_shared>>
    %dma_start3A_56 = tpu.memref_slice %arg11[%dma_start3A_45] : memref<2x!tpu.dma_semaphore, #tpu.memory_space<semaphore_mem>> -> memref<1x!tpu.dma_semaphore, #tpu.memory_space<semaphore_mem>>
    %dma_start3A_57 = tpu.memref_squeeze %dma_start3A_56 : memref<1x!tpu.dma_semaphore, #tpu.memory_space<semaphore_mem>> -> memref<!tpu.dma_semaphore, #tpu.memory_space<semaphore_mem>>
    tpu.enqueue_indirect_dma source(%dma_start3A_55 : memref<10112x32xf32, #tpu.memory_space<vmem_shared>>) target(%dma_start3A_49 : memref<128x32xf32, #tpu.memory_space<vmem>>) offsets(%dma_start3A_52 : memref<128xi32, #tpu.memory_space<vmem>>) semaphore(%dma_start3A_57 : memref<!tpu.dma_semaphore, #tpu.memory_space<semaphore_mem>>)
    %dma_start3A_58 = arith.constant 3 : i32
    %dma_start3A_59 = arith.constant 0 : i32
    %dma_start3A_60 = arith.constant 3 : i32
    %dma_start3A_61 = arith.constant 0 : i32
    %dma_start3A_62 = arith.constant 0 : i32
    %dma_start3A_63 = arith.constant 0 : i32
    %dma_start3A_64 = tpu.memref_slice %arg8[%dma_start3A_59, %dma_start3A_60, %dma_start3A_62, %dma_start3A_63] : memref<2x4x128x32xf32, #tpu.memory_space<vmem>> -> memref<1x1x128x32xf32, #tpu.memory_space<vmem>>
    %dma_start3A_65 = tpu.memref_squeeze %dma_start3A_64 : memref<1x1x128x32xf32, #tpu.memory_space<vmem>> -> memref<128x32xf32, #tpu.memory_space<vmem>>
    %dma_start3A_66 = arith.constant 0 : i32
    %dma_start3A_67 = tpu.memref_slice %arg6[%dma_start3A_58, %dma_start3A_66] : memref<160x128xi32, #tpu.memory_space<vmem>> -> memref<1x128xi32, #tpu.memory_space<vmem>>
    %dma_start3A_68 = tpu.memref_squeeze %dma_start3A_67 : memref<1x128xi32, #tpu.memory_space<vmem>> -> memref<128xi32, #tpu.memory_space<vmem>>
    %dma_start3A_69 = arith.constant 0 : i32
    %dma_start3A_70 = arith.constant 0 : i32
    %dma_start3A_71 = tpu.memref_slice %arg10[%dma_start3A_69, %dma_start3A_70] : memref<10112x32xf32, #tpu.memory_space<vmem_shared>> -> memref<10112x32xf32, #tpu.memory_space<vmem_shared>>
    %dma_start3A_72 = tpu.memref_slice %arg11[%dma_start3A_61] : memref<2x!tpu.dma_semaphore, #tpu.memory_space<semaphore_mem>> -> memref<1x!tpu.dma_semaphore, #tpu.memory_space<semaphore_mem>>
    %dma_start3A_73 = tpu.memref_squeeze %dma_start3A_72 : memref<1x!tpu.dma_semaphore, #tpu.memory_space<semaphore_mem>> -> memref<!tpu.dma_semaphore, #tpu.memory_space<semaphore_mem>>
    tpu.enqueue_indirect_dma source(%dma_start3A_71 : memref<10112x32xf32, #tpu.memory_space<vmem_shared>>) target(%dma_start3A_65 : memref<128x32xf32, #tpu.memory_space<vmem>>) offsets(%dma_start3A_68 : memref<128xi32, #tpu.memory_space<vmem>>) semaphore(%dma_start3A_73 : memref<!tpu.dma_semaphore, #tpu.memory_space<semaphore_mem>>)
    %scan3A = arith.constant 0 : i32
    %scan3A_74 = arith.constant 0 : i32
    %scan3A_75 = arith.constant 20 : i32
    %scan3A_76 = arith.addi %scan3A_74, %scan3A_75 : i32
    %scan3A_77 = arith.constant 1 : i32
    scf.for %scan3A_84 = %scan3A_74 to %scan3A_76 step %scan3A_77  : i32 {
      %mul3A_85 = arith.constant 2 : i32
      %mul3A_86 = arith.muli %mul3A_85, %scan3A_84 : i32
      %mul3A_87 = arith.constant 2 : i32
      %mul3A_88 = arith.muli %mul3A_87, %scan3A_84 : i32
      %add3A = arith.constant 1 : i32
      %add3A_89 = arith.addi %mul3A_88, %add3A : i32
      %mul3A_90 = arith.constant 4 : i32
      %mul3A_91 = arith.muli %mul3A_86, %mul3A_90 : i32
      %add3A_92 = arith.constant 0 : i32
      %add3A_93 = arith.addi %mul3A_91, %add3A_92 : i32
      %dma_wait3A = arith.constant 0 : i32
      %dma_wait3A_94 = arith.constant 0 : i32
      %dma_wait3A_95 = arith.constant 0 : i32
      %dma_wait3A_96 = arith.constant 0 : i32
      %dma_wait3A_97 = arith.constant 0 : i32
      %dma_wait3A_98 = tpu.memref_slice %arg8[%dma_wait3A, %dma_wait3A_94, %dma_wait3A_96, %dma_wait3A_97] : memref<2x4x128x32xf32, #tpu.memory_space<vmem>> -> memref<1x1x128x32xf32, #tpu.memory_space<vmem>>
      %dma_wait3A_99 = tpu.memref_squeeze %dma_wait3A_98 : memref<1x1x128x32xf32, #tpu.memory_space<vmem>> -> memref<128x32xf32, #tpu.memory_space<vmem>>
      %dma_wait3A_100 = arith.constant 0 : i32
      %dma_wait3A_101 = tpu.memref_slice %arg6[%add3A_93, %dma_wait3A_100] : memref<160x128xi32, #tpu.memory_space<vmem>> -> memref<1x128xi32, #tpu.memory_space<vmem>>
      %dma_wait3A_102 = tpu.memref_squeeze %dma_wait3A_101 : memref<1x128xi32, #tpu.memory_space<vmem>> -> memref<128xi32, #tpu.memory_space<vmem>>
      %dma_wait3A_103 = arith.constant 0 : i32
      %dma_wait3A_104 = arith.constant 0 : i32
      %dma_wait3A_105 = tpu.memref_slice %arg10[%dma_wait3A_103, %dma_wait3A_104] : memref<10112x32xf32, #tpu.memory_space<vmem_shared>> -> memref<10112x32xf32, #tpu.memory_space<vmem_shared>>
      %dma_wait3A_106 = tpu.memref_slice %arg11[%dma_wait3A_95] : memref<2x!tpu.dma_semaphore, #tpu.memory_space<semaphore_mem>> -> memref<1x!tpu.dma_semaphore, #tpu.memory_space<semaphore_mem>>
      %dma_wait3A_107 = tpu.memref_squeeze %dma_wait3A_106 : memref<1x!tpu.dma_semaphore, #tpu.memory_space<semaphore_mem>> -> memref<!tpu.dma_semaphore, #tpu.memory_space<semaphore_mem>>
      tpu.wait_indirect_dma semaphore(%dma_wait3A_107 : memref<!tpu.dma_semaphore, #tpu.memory_space<semaphore_mem>>) src(%dma_wait3A_105 : memref<10112x32xf32, #tpu.memory_space<vmem_shared>>) dst(%dma_wait3A_99 : memref<128x32xf32, #tpu.memory_space<vmem>>)
      %mul3A_108 = arith.constant 4 : i32
      %mul3A_109 = arith.muli %mul3A_86, %mul3A_108 : i32
      %add3A_110 = arith.constant 1 : i32
      %add3A_111 = arith.addi %mul3A_109, %add3A_110 : i32
      %dma_wait3A_112 = arith.constant 0 : i32
      %dma_wait3A_113 = arith.constant 1 : i32
      %dma_wait3A_114 = arith.constant 0 : i32
      %dma_wait3A_115 = arith.constant 0 : i32
      %dma_wait3A_116 = arith.constant 0 : i32
      %dma_wait3A_117 = tpu.memref_slice %arg8[%dma_wait3A_112, %dma_wait3A_113, %dma_wait3A_115, %dma_wait3A_116] : memref<2x4x128x32xf32, #tpu.memory_space<vmem>> -> memref<1x1x128x32xf32, #tpu.memory_space<vmem>>
      %dma_wait3A_118 = tpu.memref_squeeze %dma_wait3A_117 : memref<1x1x128x32xf32, #tpu.memory_space<vmem>> -> memref<128x32xf32, #tpu.memory_space<vmem>>
      %dma_wait3A_119 = arith.constant 0 : i32
      %dma_wait3A_120 = tpu.memref_slice %arg6[%add3A_111, %dma_wait3A_119] : memref<160x128xi32, #tpu.memory_space<vmem>> -> memref<1x128xi32, #tpu.memory_space<vmem>>
      %dma_wait3A_121 = tpu.memref_squeeze %dma_wait3A_120 : memref<1x128xi32, #tpu.memory_space<vmem>> -> memref<128xi32, #tpu.memory_space<vmem>>
      %dma_wait3A_122 = arith.constant 0 : i32
      %dma_wait3A_123 = arith.constant 0 : i32
      %dma_wait3A_124 = tpu.memref_slice %arg10[%dma_wait3A_122, %dma_wait3A_123] : memref<10112x32xf32, #tpu.memory_space<vmem_shared>> -> memref<10112x32xf32, #tpu.memory_space<vmem_shared>>
      %dma_wait3A_125 = tpu.memref_slice %arg11[%dma_wait3A_114] : memref<2x!tpu.dma_semaphore, #tpu.memory_space<semaphore_mem>> -> memref<1x!tpu.dma_semaphore, #tpu.memory_space<semaphore_mem>>
      %dma_wait3A_126 = tpu.memref_squeeze %dma_wait3A_125 : memref<1x!tpu.dma_semaphore, #tpu.memory_space<semaphore_mem>> -> memref<!tpu.dma_semaphore, #tpu.memory_space<semaphore_mem>>
      tpu.wait_indirect_dma semaphore(%dma_wait3A_126 : memref<!tpu.dma_semaphore, #tpu.memory_space<semaphore_mem>>) src(%dma_wait3A_124 : memref<10112x32xf32, #tpu.memory_space<vmem_shared>>) dst(%dma_wait3A_118 : memref<128x32xf32, #tpu.memory_space<vmem>>)
      %mul3A_127 = arith.constant 4 : i32
      %mul3A_128 = arith.muli %mul3A_86, %mul3A_127 : i32
      %add3A_129 = arith.constant 2 : i32
      %add3A_130 = arith.addi %mul3A_128, %add3A_129 : i32
      %dma_wait3A_131 = arith.constant 0 : i32
      %dma_wait3A_132 = arith.constant 2 : i32
      %dma_wait3A_133 = arith.constant 0 : i32
      %dma_wait3A_134 = arith.constant 0 : i32
      %dma_wait3A_135 = arith.constant 0 : i32
      %dma_wait3A_136 = tpu.memref_slice %arg8[%dma_wait3A_131, %dma_wait3A_132, %dma_wait3A_134, %dma_wait3A_135] : memref<2x4x128x32xf32, #tpu.memory_space<vmem>> -> memref<1x1x128x32xf32, #tpu.memory_space<vmem>>
      %dma_wait3A_137 = tpu.memref_squeeze %dma_wait3A_136 : memref<1x1x128x32xf32, #tpu.memory_space<vmem>> -> memref<128x32xf32, #tpu.memory_space<vmem>>
      %dma_wait3A_138 = arith.constant 0 : i32
      %dma_wait3A_139 = tpu.memref_slice %arg6[%add3A_130, %dma_wait3A_138] : memref<160x128xi32, #tpu.memory_space<vmem>> -> memref<1x128xi32, #tpu.memory_space<vmem>>
      %dma_wait3A_140 = tpu.memref_squeeze %dma_wait3A_139 : memref<1x128xi32, #tpu.memory_space<vmem>> -> memref<128xi32, #tpu.memory_space<vmem>>
      %dma_wait3A_141 = arith.constant 0 : i32
      %dma_wait3A_142 = arith.constant 0 : i32
      %dma_wait3A_143 = tpu.memref_slice %arg10[%dma_wait3A_141, %dma_wait3A_142] : memref<10112x32xf32, #tpu.memory_space<vmem_shared>> -> memref<10112x32xf32, #tpu.memory_space<vmem_shared>>
      %dma_wait3A_144 = tpu.memref_slice %arg11[%dma_wait3A_133] : memref<2x!tpu.dma_semaphore, #tpu.memory_space<semaphore_mem>> -> memref<1x!tpu.dma_semaphore, #tpu.memory_space<semaphore_mem>>
      %dma_wait3A_145 = tpu.memref_squeeze %dma_wait3A_144 : memref<1x!tpu.dma_semaphore, #tpu.memory_space<semaphore_mem>> -> memref<!tpu.dma_semaphore, #tpu.memory_space<semaphore_mem>>
      tpu.wait_indirect_dma semaphore(%dma_wait3A_145 : memref<!tpu.dma_semaphore, #tpu.memory_space<semaphore_mem>>) src(%dma_wait3A_143 : memref<10112x32xf32, #tpu.memory_space<vmem_shared>>) dst(%dma_wait3A_137 : memref<128x32xf32, #tpu.memory_space<vmem>>)
      %mul3A_146 = arith.constant 4 : i32
      %mul3A_147 = arith.muli %mul3A_86, %mul3A_146 : i32
      %add3A_148 = arith.constant 3 : i32
      %add3A_149 = arith.addi %mul3A_147, %add3A_148 : i32
      %dma_wait3A_150 = arith.constant 0 : i32
      %dma_wait3A_151 = arith.constant 3 : i32
      %dma_wait3A_152 = arith.constant 0 : i32
      %dma_wait3A_153 = arith.constant 0 : i32
      %dma_wait3A_154 = arith.constant 0 : i32
      %dma_wait3A_155 = tpu.memref_slice %arg8[%dma_wait3A_150, %dma_wait3A_151, %dma_wait3A_153, %dma_wait3A_154] : memref<2x4x128x32xf32, #tpu.memory_space<vmem>> -> memref<1x1x128x32xf32, #tpu.memory_space<vmem>>
      %dma_wait3A_156 = tpu.memref_squeeze %dma_wait3A_155 : memref<1x1x128x32xf32, #tpu.memory_space<vmem>> -> memref<128x32xf32, #tpu.memory_space<vmem>>
      %dma_wait3A_157 = arith.constant 0 : i32
      %dma_wait3A_158 = tpu.memref_slice %arg6[%add3A_149, %dma_wait3A_157] : memref<160x128xi32, #tpu.memory_space<vmem>> -> memref<1x128xi32, #tpu.memory_space<vmem>>
      %dma_wait3A_159 = tpu.memref_squeeze %dma_wait3A_158 : memref<1x128xi32, #tpu.memory_space<vmem>> -> memref<128xi32, #tpu.memory_space<vmem>>
      %dma_wait3A_160 = arith.constant 0 : i32
      %dma_wait3A_161 = arith.constant 0 : i32
      %dma_wait3A_162 = tpu.memref_slice %arg10[%dma_wait3A_160, %dma_wait3A_161] : memref<10112x32xf32, #tpu.memory_space<vmem_shared>> -> memref<10112x32xf32, #tpu.memory_space<vmem_shared>>
      %dma_wait3A_163 = tpu.memref_slice %arg11[%dma_wait3A_152] : memref<2x!tpu.dma_semaphore, #tpu.memory_space<semaphore_mem>> -> memref<1x!tpu.dma_semaphore, #tpu.memory_space<semaphore_mem>>
      %dma_wait3A_164 = tpu.memref_squeeze %dma_wait3A_163 : memref<1x!tpu.dma_semaphore, #tpu.memory_space<semaphore_mem>> -> memref<!tpu.dma_semaphore, #tpu.memory_space<semaphore_mem>>
      tpu.wait_indirect_dma semaphore(%dma_wait3A_164 : memref<!tpu.dma_semaphore, #tpu.memory_space<semaphore_mem>>) src(%dma_wait3A_162 : memref<10112x32xf32, #tpu.memory_space<vmem_shared>>) dst(%dma_wait3A_156 : memref<128x32xf32, #tpu.memory_space<vmem>>)
      %mul3A_165 = arith.constant 4 : i32
      %mul3A_166 = arith.muli %add3A_89, %mul3A_165 : i32
      %add3A_167 = arith.constant 0 : i32
      %add3A_168 = arith.addi %mul3A_166, %add3A_167 : i32
      %dma_start3A_169 = arith.constant 1 : i32
      %dma_start3A_170 = arith.constant 0 : i32
      %dma_start3A_171 = arith.constant 1 : i32
      %dma_start3A_172 = arith.constant 0 : i32
      %dma_start3A_173 = arith.constant 0 : i32
      %dma_start3A_174 = tpu.memref_slice %arg8[%dma_start3A_169, %dma_start3A_170, %dma_start3A_172, %dma_start3A_173] : memref<2x4x128x32xf32, #tpu.memory_space<vmem>> -> memref<1x1x128x32xf32, #tpu.memory_space<vmem>>
      %dma_start3A_175 = tpu.memref_squeeze %dma_start3A_174 : memref<1x1x128x32xf32, #tpu.memory_space<vmem>> -> memref<128x32xf32, #tpu.memory_space<vmem>>
      %dma_start3A_176 = arith.constant 0 : i32
      %dma_start3A_177 = tpu.memref_slice %arg6[%add3A_168, %dma_start3A_176] : memref<160x128xi32, #tpu.memory_space<vmem>> -> memref<1x128xi32, #tpu.memory_space<vmem>>
      %dma_start3A_178 = tpu.memref_squeeze %dma_start3A_177 : memref<1x128xi32, #tpu.memory_space<vmem>> -> memref<128xi32, #tpu.memory_space<vmem>>
      %dma_start3A_179 = arith.constant 0 : i32
      %dma_start3A_180 = arith.constant 0 : i32
      %dma_start3A_181 = tpu.memref_slice %arg10[%dma_start3A_179, %dma_start3A_180] : memref<10112x32xf32, #tpu.memory_space<vmem_shared>> -> memref<10112x32xf32, #tpu.memory_space<vmem_shared>>
      %dma_start3A_182 = tpu.memref_slice %arg11[%dma_start3A_171] : memref<2x!tpu.dma_semaphore, #tpu.memory_space<semaphore_mem>> -> memref<1x!tpu.dma_semaphore, #tpu.memory_space<semaphore_mem>>
      %dma_start3A_183 = tpu.memref_squeeze %dma_start3A_182 : memref<1x!tpu.dma_semaphore, #tpu.memory_space<semaphore_mem>> -> memref<!tpu.dma_semaphore, #tpu.memory_space<semaphore_mem>>
      tpu.enqueue_indirect_dma source(%dma_start3A_181 : memref<10112x32xf32, #tpu.memory_space<vmem_shared>>) target(%dma_start3A_175 : memref<128x32xf32, #tpu.memory_space<vmem>>) offsets(%dma_start3A_178 : memref<128xi32, #tpu.memory_space<vmem>>) semaphore(%dma_start3A_183 : memref<!tpu.dma_semaphore, #tpu.memory_space<semaphore_mem>>)
      %mul3A_184 = arith.constant 4 : i32
      %mul3A_185 = arith.muli %add3A_89, %mul3A_184 : i32
      %add3A_186 = arith.constant 1 : i32
      %add3A_187 = arith.addi %mul3A_185, %add3A_186 : i32
      %dma_start3A_188 = arith.constant 1 : i32
      %dma_start3A_189 = arith.constant 1 : i32
      %dma_start3A_190 = arith.constant 1 : i32
      %dma_start3A_191 = arith.constant 0 : i32
      %dma_start3A_192 = arith.constant 0 : i32
      %dma_start3A_193 = tpu.memref_slice %arg8[%dma_start3A_188, %dma_start3A_189, %dma_start3A_191, %dma_start3A_192] : memref<2x4x128x32xf32, #tpu.memory_space<vmem>> -> memref<1x1x128x32xf32, #tpu.memory_space<vmem>>
      %dma_start3A_194 = tpu.memref_squeeze %dma_start3A_193 : memref<1x1x128x32xf32, #tpu.memory_space<vmem>> -> memref<128x32xf32, #tpu.memory_space<vmem>>
      %dma_start3A_195 = arith.constant 0 : i32
      %dma_start3A_196 = tpu.memref_slice %arg6[%add3A_187, %dma_start3A_195] : memref<160x128xi32, #tpu.memory_space<vmem>> -> memref<1x128xi32, #tpu.memory_space<vmem>>
      %dma_start3A_197 = tpu.memref_squeeze %dma_start3A_196 : memref<1x128xi32, #tpu.memory_space<vmem>> -> memref<128xi32, #tpu.memory_space<vmem>>
      %dma_start3A_198 = arith.constant 0 : i32
      %dma_start3A_199 = arith.constant 0 : i32
      %dma_start3A_200 = tpu.memref_slice %arg10[%dma_start3A_198, %dma_start3A_199] : memref<10112x32xf32, #tpu.memory_space<vmem_shared>> -> memref<10112x32xf32, #tpu.memory_space<vmem_shared>>
      %dma_start3A_201 = tpu.memref_slice %arg11[%dma_start3A_190] : memref<2x!tpu.dma_semaphore, #tpu.memory_space<semaphore_mem>> -> memref<1x!tpu.dma_semaphore, #tpu.memory_space<semaphore_mem>>
      %dma_start3A_202 = tpu.memref_squeeze %dma_start3A_201 : memref<1x!tpu.dma_semaphore, #tpu.memory_space<semaphore_mem>> -> memref<!tpu.dma_semaphore, #tpu.memory_space<semaphore_mem>>
      tpu.enqueue_indirect_dma source(%dma_start3A_200 : memref<10112x32xf32, #tpu.memory_space<vmem_shared>>) target(%dma_start3A_194 : memref<128x32xf32, #tpu.memory_space<vmem>>) offsets(%dma_start3A_197 : memref<128xi32, #tpu.memory_space<vmem>>) semaphore(%dma_start3A_202 : memref<!tpu.dma_semaphore, #tpu.memory_space<semaphore_mem>>)
      %mul3A_203 = arith.constant 4 : i32
      %mul3A_204 = arith.muli %add3A_89, %mul3A_203 : i32
      %add3A_205 = arith.constant 2 : i32
      %add3A_206 = arith.addi %mul3A_204, %add3A_205 : i32
      %dma_start3A_207 = arith.constant 1 : i32
      %dma_start3A_208 = arith.constant 2 : i32
      %dma_start3A_209 = arith.constant 1 : i32
      %dma_start3A_210 = arith.constant 0 : i32
      %dma_start3A_211 = arith.constant 0 : i32
      %dma_start3A_212 = tpu.memref_slice %arg8[%dma_start3A_207, %dma_start3A_208, %dma_start3A_210, %dma_start3A_211] : memref<2x4x128x32xf32, #tpu.memory_space<vmem>> -> memref<1x1x128x32xf32, #tpu.memory_space<vmem>>
      %dma_start3A_213 = tpu.memref_squeeze %dma_start3A_212 : memref<1x1x128x32xf32, #tpu.memory_space<vmem>> -> memref<128x32xf32, #tpu.memory_space<vmem>>
      %dma_start3A_214 = arith.constant 0 : i32
      %dma_start3A_215 = tpu.memref_slice %arg6[%add3A_206, %dma_start3A_214] : memref<160x128xi32, #tpu.memory_space<vmem>> -> memref<1x128xi32, #tpu.memory_space<vmem>>
      %dma_start3A_216 = tpu.memref_squeeze %dma_start3A_215 : memref<1x128xi32, #tpu.memory_space<vmem>> -> memref<128xi32, #tpu.memory_space<vmem>>
      %dma_start3A_217 = arith.constant 0 : i32
      %dma_start3A_218 = arith.constant 0 : i32
      %dma_start3A_219 = tpu.memref_slice %arg10[%dma_start3A_217, %dma_start3A_218] : memref<10112x32xf32, #tpu.memory_space<vmem_shared>> -> memref<10112x32xf32, #tpu.memory_space<vmem_shared>>
      %dma_start3A_220 = tpu.memref_slice %arg11[%dma_start3A_209] : memref<2x!tpu.dma_semaphore, #tpu.memory_space<semaphore_mem>> -> memref<1x!tpu.dma_semaphore, #tpu.memory_space<semaphore_mem>>
      %dma_start3A_221 = tpu.memref_squeeze %dma_start3A_220 : memref<1x!tpu.dma_semaphore, #tpu.memory_space<semaphore_mem>> -> memref<!tpu.dma_semaphore, #tpu.memory_space<semaphore_mem>>
      tpu.enqueue_indirect_dma source(%dma_start3A_219 : memref<10112x32xf32, #tpu.memory_space<vmem_shared>>) target(%dma_start3A_213 : memref<128x32xf32, #tpu.memory_space<vmem>>) offsets(%dma_start3A_216 : memref<128xi32, #tpu.memory_space<vmem>>) semaphore(%dma_start3A_221 : memref<!tpu.dma_semaphore, #tpu.memory_space<semaphore_mem>>)
      %mul3A_222 = arith.constant 4 : i32
      %mul3A_223 = arith.muli %add3A_89, %mul3A_222 : i32
      %add3A_224 = arith.constant 3 : i32
      %add3A_225 = arith.addi %mul3A_223, %add3A_224 : i32
      %dma_start3A_226 = arith.constant 1 : i32
      %dma_start3A_227 = arith.constant 3 : i32
      %dma_start3A_228 = arith.constant 1 : i32
      %dma_start3A_229 = arith.constant 0 : i32
      %dma_start3A_230 = arith.constant 0 : i32
      %dma_start3A_231 = tpu.memref_slice %arg8[%dma_start3A_226, %dma_start3A_227, %dma_start3A_229, %dma_start3A_230] : memref<2x4x128x32xf32, #tpu.memory_space<vmem>> -> memref<1x1x128x32xf32, #tpu.memory_space<vmem>>
      %dma_start3A_232 = tpu.memref_squeeze %dma_start3A_231 : memref<1x1x128x32xf32, #tpu.memory_space<vmem>> -> memref<128x32xf32, #tpu.memory_space<vmem>>
      %dma_start3A_233 = arith.constant 0 : i32
      %dma_start3A_234 = tpu.memref_slice %arg6[%add3A_225, %dma_start3A_233] : memref<160x128xi32, #tpu.memory_space<vmem>> -> memref<1x128xi32, #tpu.memory_space<vmem>>
      %dma_start3A_235 = tpu.memref_squeeze %dma_start3A_234 : memref<1x128xi32, #tpu.memory_space<vmem>> -> memref<128xi32, #tpu.memory_space<vmem>>
      %dma_start3A_236 = arith.constant 0 : i32
      %dma_start3A_237 = arith.constant 0 : i32
      %dma_start3A_238 = tpu.memref_slice %arg10[%dma_start3A_236, %dma_start3A_237] : memref<10112x32xf32, #tpu.memory_space<vmem_shared>> -> memref<10112x32xf32, #tpu.memory_space<vmem_shared>>
      %dma_start3A_239 = tpu.memref_slice %arg11[%dma_start3A_228] : memref<2x!tpu.dma_semaphore, #tpu.memory_space<semaphore_mem>> -> memref<1x!tpu.dma_semaphore, #tpu.memory_space<semaphore_mem>>
      %dma_start3A_240 = tpu.memref_squeeze %dma_start3A_239 : memref<1x!tpu.dma_semaphore, #tpu.memory_space<semaphore_mem>> -> memref<!tpu.dma_semaphore, #tpu.memory_space<semaphore_mem>>
      tpu.enqueue_indirect_dma source(%dma_start3A_238 : memref<10112x32xf32, #tpu.memory_space<vmem_shared>>) target(%dma_start3A_232 : memref<128x32xf32, #tpu.memory_space<vmem>>) offsets(%dma_start3A_235 : memref<128xi32, #tpu.memory_space<vmem>>) semaphore(%dma_start3A_240 : memref<!tpu.dma_semaphore, #tpu.memory_space<semaphore_mem>>)
      %mul3A_241 = arith.constant 4 : i32
      %mul3A_242 = arith.muli %mul3A_86, %mul3A_241 : i32
      %add3A_243 = arith.constant 0 : i32
      %add3A_244 = arith.addi %mul3A_242, %add3A_243 : i32
      %dma_start3A_245 = arith.constant 0 : i32
      %dma_start3A_246 = arith.constant 0 : i32
      %dma_start3A_247 = arith.constant 0 : i32
      %dma_start3A_248 = arith.constant 0 : i32
      %dma_start3A_249 = arith.constant 0 : i32
      %dma_start3A_250 = tpu.memref_slice %arg8[%dma_start3A_245, %dma_start3A_246, %dma_start3A_248, %dma_start3A_249] : memref<2x4x128x32xf32, #tpu.memory_space<vmem>> -> memref<1x1x128x32xf32, #tpu.memory_space<vmem>>
      %dma_start3A_251 = tpu.memref_squeeze %dma_start3A_250 : memref<1x1x128x32xf32, #tpu.memory_space<vmem>> -> memref<128x32xf32, #tpu.memory_space<vmem>>
      %dma_start3A_252 = arith.constant 0 : i32
      %dma_start3A_253 = tpu.memref_slice %arg7[%add3A_244, %dma_start3A_252] : memref<160x128xi32, #tpu.memory_space<vmem>> -> memref<1x128xi32, #tpu.memory_space<vmem>>
      %dma_start3A_254 = tpu.memref_squeeze %dma_start3A_253 : memref<1x128xi32, #tpu.memory_space<vmem>> -> memref<128xi32, #tpu.memory_space<vmem>>
      %dma_start3A_255 = arith.constant 0 : i32
      %dma_start3A_256 = arith.constant 0 : i32
      %dma_start3A_257 = tpu.memref_slice %arg9[%dma_start3A_255, %dma_start3A_256] : memref<10112x32xf32, #tpu.memory_space<vmem_shared>> -> memref<10112x32xf32, #tpu.memory_space<vmem_shared>>
      %dma_start3A_258 = tpu.memref_slice %arg12[%dma_start3A_247] : memref<2x!tpu.dma_semaphore, #tpu.memory_space<semaphore_mem>> -> memref<1x!tpu.dma_semaphore, #tpu.memory_space<semaphore_mem>>
      %dma_start3A_259 = tpu.memref_squeeze %dma_start3A_258 : memref<1x!tpu.dma_semaphore, #tpu.memory_space<semaphore_mem>> -> memref<!tpu.dma_semaphore, #tpu.memory_space<semaphore_mem>>
      tpu.enqueue_indirect_dma source(%dma_start3A_251 : memref<128x32xf32, #tpu.memory_space<vmem>>) target(%dma_start3A_257 : memref<10112x32xf32, #tpu.memory_space<vmem_shared>>) offsets(%dma_start3A_254 : memref<128xi32, #tpu.memory_space<vmem>>) semaphore(%dma_start3A_259 : memref<!tpu.dma_semaphore, #tpu.memory_space<semaphore_mem>>) {add = true}
      %mul3A_260 = arith.constant 4 : i32
      %mul3A_261 = arith.muli %mul3A_86, %mul3A_260 : i32
      %add3A_262 = arith.constant 1 : i32
      %add3A_263 = arith.addi %mul3A_261, %add3A_262 : i32
      %dma_start3A_264 = arith.constant 0 : i32
      %dma_start3A_265 = arith.constant 1 : i32
      %dma_start3A_266 = arith.constant 0 : i32
      %dma_start3A_267 = arith.constant 0 : i32
      %dma_start3A_268 = arith.constant 0 : i32
      %dma_start3A_269 = tpu.memref_slice %arg8[%dma_start3A_264, %dma_start3A_265, %dma_start3A_267, %dma_start3A_268] : memref<2x4x128x32xf32, #tpu.memory_space<vmem>> -> memref<1x1x128x32xf32, #tpu.memory_space<vmem>>
      %dma_start3A_270 = tpu.memref_squeeze %dma_start3A_269 : memref<1x1x128x32xf32, #tpu.memory_space<vmem>> -> memref<128x32xf32, #tpu.memory_space<vmem>>
      %dma_start3A_271 = arith.constant 0 : i32
      %dma_start3A_272 = tpu.memref_slice %arg7[%add3A_263, %dma_start3A_271] : memref<160x128xi32, #tpu.memory_space<vmem>> -> memref<1x128xi32, #tpu.memory_space<vmem>>
      %dma_start3A_273 = tpu.memref_squeeze %dma_start3A_272 : memref<1x128xi32, #tpu.memory_space<vmem>> -> memref<128xi32, #tpu.memory_space<vmem>>
      %dma_start3A_274 = arith.constant 0 : i32
      %dma_start3A_275 = arith.constant 0 : i32
      %dma_start3A_276 = tpu.memref_slice %arg9[%dma_start3A_274, %dma_start3A_275] : memref<10112x32xf32, #tpu.memory_space<vmem_shared>> -> memref<10112x32xf32, #tpu.memory_space<vmem_shared>>
      %dma_start3A_277 = tpu.memref_slice %arg12[%dma_start3A_266] : memref<2x!tpu.dma_semaphore, #tpu.memory_space<semaphore_mem>> -> memref<1x!tpu.dma_semaphore, #tpu.memory_space<semaphore_mem>>
      %dma_start3A_278 = tpu.memref_squeeze %dma_start3A_277 : memref<1x!tpu.dma_semaphore, #tpu.memory_space<semaphore_mem>> -> memref<!tpu.dma_semaphore, #tpu.memory_space<semaphore_mem>>
      tpu.enqueue_indirect_dma source(%dma_start3A_270 : memref<128x32xf32, #tpu.memory_space<vmem>>) target(%dma_start3A_276 : memref<10112x32xf32, #tpu.memory_space<vmem_shared>>) offsets(%dma_start3A_273 : memref<128xi32, #tpu.memory_space<vmem>>) semaphore(%dma_start3A_278 : memref<!tpu.dma_semaphore, #tpu.memory_space<semaphore_mem>>) {add = true}
      %mul3A_279 = arith.constant 4 : i32
      %mul3A_280 = arith.muli %mul3A_86, %mul3A_279 : i32
      %add3A_281 = arith.constant 2 : i32
      %add3A_282 = arith.addi %mul3A_280, %add3A_281 : i32
      %dma_start3A_283 = arith.constant 0 : i32
      %dma_start3A_284 = arith.constant 2 : i32
      %dma_start3A_285 = arith.constant 0 : i32
      %dma_start3A_286 = arith.constant 0 : i32
      %dma_start3A_287 = arith.constant 0 : i32
      %dma_start3A_288 = tpu.memref_slice %arg8[%dma_start3A_283, %dma_start3A_284, %dma_start3A_286, %dma_start3A_287] : memref<2x4x128x32xf32, #tpu.memory_space<vmem>> -> memref<1x1x128x32xf32, #tpu.memory_space<vmem>>
      %dma_start3A_289 = tpu.memref_squeeze %dma_start3A_288 : memref<1x1x128x32xf32, #tpu.memory_space<vmem>> -> memref<128x32xf32, #tpu.memory_space<vmem>>
      %dma_start3A_290 = arith.constant 0 : i32
      %dma_start3A_291 = tpu.memref_slice %arg7[%add3A_282, %dma_start3A_290] : memref<160x128xi32, #tpu.memory_space<vmem>> -> memref<1x128xi32, #tpu.memory_space<vmem>>
      %dma_start3A_292 = tpu.memref_squeeze %dma_start3A_291 : memref<1x128xi32, #tpu.memory_space<vmem>> -> memref<128xi32, #tpu.memory_space<vmem>>
      %dma_start3A_293 = arith.constant 0 : i32
      %dma_start3A_294 = arith.constant 0 : i32
      %dma_start3A_295 = tpu.memref_slice %arg9[%dma_start3A_293, %dma_start3A_294] : memref<10112x32xf32, #tpu.memory_space<vmem_shared>> -> memref<10112x32xf32, #tpu.memory_space<vmem_shared>>
      %dma_start3A_296 = tpu.memref_slice %arg12[%dma_start3A_285] : memref<2x!tpu.dma_semaphore, #tpu.memory_space<semaphore_mem>> -> memref<1x!tpu.dma_semaphore, #tpu.memory_space<semaphore_mem>>
      %dma_start3A_297 = tpu.memref_squeeze %dma_start3A_296 : memref<1x!tpu.dma_semaphore, #tpu.memory_space<semaphore_mem>> -> memref<!tpu.dma_semaphore, #tpu.memory_space<semaphore_mem>>
      tpu.enqueue_indirect_dma source(%dma_start3A_289 : memref<128x32xf32, #tpu.memory_space<vmem>>) target(%dma_start3A_295 : memref<10112x32xf32, #tpu.memory_space<vmem_shared>>) offsets(%dma_start3A_292 : memref<128xi32, #tpu.memory_space<vmem>>) semaphore(%dma_start3A_297 : memref<!tpu.dma_semaphore, #tpu.memory_space<semaphore_mem>>) {add = true}
      %mul3A_298 = arith.constant 4 : i32
      %mul3A_299 = arith.muli %mul3A_86, %mul3A_298 : i32
      %add3A_300 = arith.constant 3 : i32
      %add3A_301 = arith.addi %mul3A_299, %add3A_300 : i32
      %dma_start3A_302 = arith.constant 0 : i32
      %dma_start3A_303 = arith.constant 3 : i32
      %dma_start3A_304 = arith.constant 0 : i32
      %dma_start3A_305 = arith.constant 0 : i32
      %dma_start3A_306 = arith.constant 0 : i32
      %dma_start3A_307 = tpu.memref_slice %arg8[%dma_start3A_302, %dma_start3A_303, %dma_start3A_305, %dma_start3A_306] : memref<2x4x128x32xf32, #tpu.memory_space<vmem>> -> memref<1x1x128x32xf32, #tpu.memory_space<vmem>>
      %dma_start3A_308 = tpu.memref_squeeze %dma_start3A_307 : memref<1x1x128x32xf32, #tpu.memory_space<vmem>> -> memref<128x32xf32, #tpu.memory_space<vmem>>
      %dma_start3A_309 = arith.constant 0 : i32
      %dma_start3A_310 = tpu.memref_slice %arg7[%add3A_301, %dma_start3A_309] : memref<160x128xi32, #tpu.memory_space<vmem>> -> memref<1x128xi32, #tpu.memory_space<vmem>>
      %dma_start3A_311 = tpu.memref_squeeze %dma_start3A_310 : memref<1x128xi32, #tpu.memory_space<vmem>> -> memref<128xi32, #tpu.memory_space<vmem>>
      %dma_start3A_312 = arith.constant 0 : i32
      %dma_start3A_313 = arith.constant 0 : i32
      %dma_start3A_314 = tpu.memref_slice %arg9[%dma_start3A_312, %dma_start3A_313] : memref<10112x32xf32, #tpu.memory_space<vmem_shared>> -> memref<10112x32xf32, #tpu.memory_space<vmem_shared>>
      %dma_start3A_315 = tpu.memref_slice %arg12[%dma_start3A_304] : memref<2x!tpu.dma_semaphore, #tpu.memory_space<semaphore_mem>> -> memref<1x!tpu.dma_semaphore, #tpu.memory_space<semaphore_mem>>
      %dma_start3A_316 = tpu.memref_squeeze %dma_start3A_315 : memref<1x!tpu.dma_semaphore, #tpu.memory_space<semaphore_mem>> -> memref<!tpu.dma_semaphore, #tpu.memory_space<semaphore_mem>>
      tpu.enqueue_indirect_dma source(%dma_start3A_308 : memref<128x32xf32, #tpu.memory_space<vmem>>) target(%dma_start3A_314 : memref<10112x32xf32, #tpu.memory_space<vmem_shared>>) offsets(%dma_start3A_311 : memref<128xi32, #tpu.memory_space<vmem>>) semaphore(%dma_start3A_316 : memref<!tpu.dma_semaphore, #tpu.memory_space<semaphore_mem>>) {add = true}
      %mul3A_317 = arith.constant 4 : i32
      %mul3A_318 = arith.muli %mul3A_86, %mul3A_317 : i32
      %add3A_319 = arith.constant 0 : i32
      %add3A_320 = arith.addi %mul3A_318, %add3A_319 : i32
      %dma_wait3A_321 = arith.constant 0 : i32
      %dma_wait3A_322 = arith.constant 0 : i32
      %dma_wait3A_323 = arith.constant 0 : i32
      %dma_wait3A_324 = arith.constant 0 : i32
      %dma_wait3A_325 = arith.constant 0 : i32
      %dma_wait3A_326 = tpu.memref_slice %arg8[%dma_wait3A_321, %dma_wait3A_322, %dma_wait3A_324, %dma_wait3A_325] : memref<2x4x128x32xf32, #tpu.memory_space<vmem>> -> memref<1x1x128x32xf32, #tpu.memory_space<vmem>>
      %dma_wait3A_327 = tpu.memref_squeeze %dma_wait3A_326 : memref<1x1x128x32xf32, #tpu.memory_space<vmem>> -> memref<128x32xf32, #tpu.memory_space<vmem>>
      %dma_wait3A_328 = arith.constant 0 : i32
      %dma_wait3A_329 = tpu.memref_slice %arg7[%add3A_320, %dma_wait3A_328] : memref<160x128xi32, #tpu.memory_space<vmem>> -> memref<1x128xi32, #tpu.memory_space<vmem>>
      %dma_wait3A_330 = tpu.memref_squeeze %dma_wait3A_329 : memref<1x128xi32, #tpu.memory_space<vmem>> -> memref<128xi32, #tpu.memory_space<vmem>>
      %dma_wait3A_331 = arith.constant 0 : i32
      %dma_wait3A_332 = arith.constant 0 : i32
      %dma_wait3A_333 = tpu.memref_slice %arg9[%dma_wait3A_331, %dma_wait3A_332] : memref<10112x32xf32, #tpu.memory_space<vmem_shared>> -> memref<10112x32xf32, #tpu.memory_space<vmem_shared>>
      %dma_wait3A_334 = tpu.memref_slice %arg12[%dma_wait3A_323] : memref<2x!tpu.dma_semaphore, #tpu.memory_space<semaphore_mem>> -> memref<1x!tpu.dma_semaphore, #tpu.memory_space<semaphore_mem>>
      %dma_wait3A_335 = tpu.memref_squeeze %dma_wait3A_334 : memref<1x!tpu.dma_semaphore, #tpu.memory_space<semaphore_mem>> -> memref<!tpu.dma_semaphore, #tpu.memory_space<semaphore_mem>>
      tpu.wait_indirect_dma semaphore(%dma_wait3A_335 : memref<!tpu.dma_semaphore, #tpu.memory_space<semaphore_mem>>) src(%dma_wait3A_327 : memref<128x32xf32, #tpu.memory_space<vmem>>) dst(%dma_wait3A_333 : memref<10112x32xf32, #tpu.memory_space<vmem_shared>>)
      %mul3A_336 = arith.constant 4 : i32
      %mul3A_337 = arith.muli %mul3A_86, %mul3A_336 : i32
      %add3A_338 = arith.constant 1 : i32
      %add3A_339 = arith.addi %mul3A_337, %add3A_338 : i32
      %dma_wait3A_340 = arith.constant 0 : i32
      %dma_wait3A_341 = arith.constant 1 : i32
      %dma_wait3A_342 = arith.constant 0 : i32
      %dma_wait3A_343 = arith.constant 0 : i32
      %dma_wait3A_344 = arith.constant 0 : i32
      %dma_wait3A_345 = tpu.memref_slice %arg8[%dma_wait3A_340, %dma_wait3A_341, %dma_wait3A_343, %dma_wait3A_344] : memref<2x4x128x32xf32, #tpu.memory_space<vmem>> -> memref<1x1x128x32xf32, #tpu.memory_space<vmem>>
      %dma_wait3A_346 = tpu.memref_squeeze %dma_wait3A_345 : memref<1x1x128x32xf32, #tpu.memory_space<vmem>> -> memref<128x32xf32, #tpu.memory_space<vmem>>
      %dma_wait3A_347 = arith.constant 0 : i32
      %dma_wait3A_348 = tpu.memref_slice %arg7[%add3A_339, %dma_wait3A_347] : memref<160x128xi32, #tpu.memory_space<vmem>> -> memref<1x128xi32, #tpu.memory_space<vmem>>
      %dma_wait3A_349 = tpu.memref_squeeze %dma_wait3A_348 : memref<1x128xi32, #tpu.memory_space<vmem>> -> memref<128xi32, #tpu.memory_space<vmem>>
      %dma_wait3A_350 = arith.constant 0 : i32
      %dma_wait3A_351 = arith.constant 0 : i32
      %dma_wait3A_352 = tpu.memref_slice %arg9[%dma_wait3A_350, %dma_wait3A_351] : memref<10112x32xf32, #tpu.memory_space<vmem_shared>> -> memref<10112x32xf32, #tpu.memory_space<vmem_shared>>
      %dma_wait3A_353 = tpu.memref_slice %arg12[%dma_wait3A_342] : memref<2x!tpu.dma_semaphore, #tpu.memory_space<semaphore_mem>> -> memref<1x!tpu.dma_semaphore, #tpu.memory_space<semaphore_mem>>
      %dma_wait3A_354 = tpu.memref_squeeze %dma_wait3A_353 : memref<1x!tpu.dma_semaphore, #tpu.memory_space<semaphore_mem>> -> memref<!tpu.dma_semaphore, #tpu.memory_space<semaphore_mem>>
      tpu.wait_indirect_dma semaphore(%dma_wait3A_354 : memref<!tpu.dma_semaphore, #tpu.memory_space<semaphore_mem>>) src(%dma_wait3A_346 : memref<128x32xf32, #tpu.memory_space<vmem>>) dst(%dma_wait3A_352 : memref<10112x32xf32, #tpu.memory_space<vmem_shared>>)
      %mul3A_355 = arith.constant 4 : i32
      %mul3A_356 = arith.muli %mul3A_86, %mul3A_355 : i32
      %add3A_357 = arith.constant 2 : i32
      %add3A_358 = arith.addi %mul3A_356, %add3A_357 : i32
      %dma_wait3A_359 = arith.constant 0 : i32
      %dma_wait3A_360 = arith.constant 2 : i32
      %dma_wait3A_361 = arith.constant 0 : i32
      %dma_wait3A_362 = arith.constant 0 : i32
      %dma_wait3A_363 = arith.constant 0 : i32
      %dma_wait3A_364 = tpu.memref_slice %arg8[%dma_wait3A_359, %dma_wait3A_360, %dma_wait3A_362, %dma_wait3A_363] : memref<2x4x128x32xf32, #tpu.memory_space<vmem>> -> memref<1x1x128x32xf32, #tpu.memory_space<vmem>>
      %dma_wait3A_365 = tpu.memref_squeeze %dma_wait3A_364 : memref<1x1x128x32xf32, #tpu.memory_space<vmem>> -> memref<128x32xf32, #tpu.memory_space<vmem>>
      %dma_wait3A_366 = arith.constant 0 : i32
      %dma_wait3A_367 = tpu.memref_slice %arg7[%add3A_358, %dma_wait3A_366] : memref<160x128xi32, #tpu.memory_space<vmem>> -> memref<1x128xi32, #tpu.memory_space<vmem>>
      %dma_wait3A_368 = tpu.memref_squeeze %dma_wait3A_367 : memref<1x128xi32, #tpu.memory_space<vmem>> -> memref<128xi32, #tpu.memory_space<vmem>>
      %dma_wait3A_369 = arith.constant 0 : i32
      %dma_wait3A_370 = arith.constant 0 : i32
      %dma_wait3A_371 = tpu.memref_slice %arg9[%dma_wait3A_369, %dma_wait3A_370] : memref<10112x32xf32, #tpu.memory_space<vmem_shared>> -> memref<10112x32xf32, #tpu.memory_space<vmem_shared>>
      %dma_wait3A_372 = tpu.memref_slice %arg12[%dma_wait3A_361] : memref<2x!tpu.dma_semaphore, #tpu.memory_space<semaphore_mem>> -> memref<1x!tpu.dma_semaphore, #tpu.memory_space<semaphore_mem>>
      %dma_wait3A_373 = tpu.memref_squeeze %dma_wait3A_372 : memref<1x!tpu.dma_semaphore, #tpu.memory_space<semaphore_mem>> -> memref<!tpu.dma_semaphore, #tpu.memory_space<semaphore_mem>>
      tpu.wait_indirect_dma semaphore(%dma_wait3A_373 : memref<!tpu.dma_semaphore, #tpu.memory_space<semaphore_mem>>) src(%dma_wait3A_365 : memref<128x32xf32, #tpu.memory_space<vmem>>) dst(%dma_wait3A_371 : memref<10112x32xf32, #tpu.memory_space<vmem_shared>>)
      %mul3A_374 = arith.constant 4 : i32
      %mul3A_375 = arith.muli %mul3A_86, %mul3A_374 : i32
      %add3A_376 = arith.constant 3 : i32
      %add3A_377 = arith.addi %mul3A_375, %add3A_376 : i32
      %dma_wait3A_378 = arith.constant 0 : i32
      %dma_wait3A_379 = arith.constant 3 : i32
      %dma_wait3A_380 = arith.constant 0 : i32
      %dma_wait3A_381 = arith.constant 0 : i32
      %dma_wait3A_382 = arith.constant 0 : i32
      %dma_wait3A_383 = tpu.memref_slice %arg8[%dma_wait3A_378, %dma_wait3A_379, %dma_wait3A_381, %dma_wait3A_382] : memref<2x4x128x32xf32, #tpu.memory_space<vmem>> -> memref<1x1x128x32xf32, #tpu.memory_space<vmem>>
      %dma_wait3A_384 = tpu.memref_squeeze %dma_wait3A_383 : memref<1x1x128x32xf32, #tpu.memory_space<vmem>> -> memref<128x32xf32, #tpu.memory_space<vmem>>
      %dma_wait3A_385 = arith.constant 0 : i32
      %dma_wait3A_386 = tpu.memref_slice %arg7[%add3A_377, %dma_wait3A_385] : memref<160x128xi32, #tpu.memory_space<vmem>> -> memref<1x128xi32, #tpu.memory_space<vmem>>
      %dma_wait3A_387 = tpu.memref_squeeze %dma_wait3A_386 : memref<1x128xi32, #tpu.memory_space<vmem>> -> memref<128xi32, #tpu.memory_space<vmem>>
      %dma_wait3A_388 = arith.constant 0 : i32
      %dma_wait3A_389 = arith.constant 0 : i32
      %dma_wait3A_390 = tpu.memref_slice %arg9[%dma_wait3A_388, %dma_wait3A_389] : memref<10112x32xf32, #tpu.memory_space<vmem_shared>> -> memref<10112x32xf32, #tpu.memory_space<vmem_shared>>
      %dma_wait3A_391 = tpu.memref_slice %arg12[%dma_wait3A_380] : memref<2x!tpu.dma_semaphore, #tpu.memory_space<semaphore_mem>> -> memref<1x!tpu.dma_semaphore, #tpu.memory_space<semaphore_mem>>
      %dma_wait3A_392 = tpu.memref_squeeze %dma_wait3A_391 : memref<1x!tpu.dma_semaphore, #tpu.memory_space<semaphore_mem>> -> memref<!tpu.dma_semaphore, #tpu.memory_space<semaphore_mem>>
      tpu.wait_indirect_dma semaphore(%dma_wait3A_392 : memref<!tpu.dma_semaphore, #tpu.memory_space<semaphore_mem>>) src(%dma_wait3A_384 : memref<128x32xf32, #tpu.memory_space<vmem>>) dst(%dma_wait3A_390 : memref<10112x32xf32, #tpu.memory_space<vmem_shared>>)
      %mul3A_393 = arith.constant 4 : i32
      %mul3A_394 = arith.muli %add3A_89, %mul3A_393 : i32
      %add3A_395 = arith.constant 0 : i32
      %add3A_396 = arith.addi %mul3A_394, %add3A_395 : i32
      %dma_wait3A_397 = arith.constant 1 : i32
      %dma_wait3A_398 = arith.constant 0 : i32
      %dma_wait3A_399 = arith.constant 1 : i32
      %dma_wait3A_400 = arith.constant 0 : i32
      %dma_wait3A_401 = arith.constant 0 : i32
      %dma_wait3A_402 = tpu.memref_slice %arg8[%dma_wait3A_397, %dma_wait3A_398, %dma_wait3A_400, %dma_wait3A_401] : memref<2x4x128x32xf32, #tpu.memory_space<vmem>> -> memref<1x1x128x32xf32, #tpu.memory_space<vmem>>
      %dma_wait3A_403 = tpu.memref_squeeze %dma_wait3A_402 : memref<1x1x128x32xf32, #tpu.memory_space<vmem>> -> memref<128x32xf32, #tpu.memory_space<vmem>>
      %dma_wait3A_404 = arith.constant 0 : i32
      %dma_wait3A_405 = tpu.memref_slice %arg6[%add3A_396, %dma_wait3A_404] : memref<160x128xi32, #tpu.memory_space<vmem>> -> memref<1x128xi32, #tpu.memory_space<vmem>>
      %dma_wait3A_406 = tpu.memref_squeeze %dma_wait3A_405 : memref<1x128xi32, #tpu.memory_space<vmem>> -> memref<128xi32, #tpu.memory_space<vmem>>
      %dma_wait3A_407 = arith.constant 0 : i32
      %dma_wait3A_408 = arith.constant 0 : i32
      %dma_wait3A_409 = tpu.memref_slice %arg10[%dma_wait3A_407, %dma_wait3A_408] : memref<10112x32xf32, #tpu.memory_space<vmem_shared>> -> memref<10112x32xf32, #tpu.memory_space<vmem_shared>>
      %dma_wait3A_410 = tpu.memref_slice %arg11[%dma_wait3A_399] : memref<2x!tpu.dma_semaphore, #tpu.memory_space<semaphore_mem>> -> memref<1x!tpu.dma_semaphore, #tpu.memory_space<semaphore_mem>>
      %dma_wait3A_411 = tpu.memref_squeeze %dma_wait3A_410 : memref<1x!tpu.dma_semaphore, #tpu.memory_space<semaphore_mem>> -> memref<!tpu.dma_semaphore, #tpu.memory_space<semaphore_mem>>
      tpu.wait_indirect_dma semaphore(%dma_wait3A_411 : memref<!tpu.dma_semaphore, #tpu.memory_space<semaphore_mem>>) src(%dma_wait3A_409 : memref<10112x32xf32, #tpu.memory_space<vmem_shared>>) dst(%dma_wait3A_403 : memref<128x32xf32, #tpu.memory_space<vmem>>)
      %mul3A_412 = arith.constant 4 : i32
      %mul3A_413 = arith.muli %add3A_89, %mul3A_412 : i32
      %add3A_414 = arith.constant 1 : i32
      %add3A_415 = arith.addi %mul3A_413, %add3A_414 : i32
      %dma_wait3A_416 = arith.constant 1 : i32
      %dma_wait3A_417 = arith.constant 1 : i32
      %dma_wait3A_418 = arith.constant 1 : i32
      %dma_wait3A_419 = arith.constant 0 : i32
      %dma_wait3A_420 = arith.constant 0 : i32
      %dma_wait3A_421 = tpu.memref_slice %arg8[%dma_wait3A_416, %dma_wait3A_417, %dma_wait3A_419, %dma_wait3A_420] : memref<2x4x128x32xf32, #tpu.memory_space<vmem>> -> memref<1x1x128x32xf32, #tpu.memory_space<vmem>>
      %dma_wait3A_422 = tpu.memref_squeeze %dma_wait3A_421 : memref<1x1x128x32xf32, #tpu.memory_space<vmem>> -> memref<128x32xf32, #tpu.memory_space<vmem>>
      %dma_wait3A_423 = arith.constant 0 : i32
      %dma_wait3A_424 = tpu.memref_slice %arg6[%add3A_415, %dma_wait3A_423] : memref<160x128xi32, #tpu.memory_space<vmem>> -> memref<1x128xi32, #tpu.memory_space<vmem>>
      %dma_wait3A_425 = tpu.memref_squeeze %dma_wait3A_424 : memref<1x128xi32, #tpu.memory_space<vmem>> -> memref<128xi32, #tpu.memory_space<vmem>>
      %dma_wait3A_426 = arith.constant 0 : i32
      %dma_wait3A_427 = arith.constant 0 : i32
      %dma_wait3A_428 = tpu.memref_slice %arg10[%dma_wait3A_426, %dma_wait3A_427] : memref<10112x32xf32, #tpu.memory_space<vmem_shared>> -> memref<10112x32xf32, #tpu.memory_space<vmem_shared>>
      %dma_wait3A_429 = tpu.memref_slice %arg11[%dma_wait3A_418] : memref<2x!tpu.dma_semaphore, #tpu.memory_space<semaphore_mem>> -> memref<1x!tpu.dma_semaphore, #tpu.memory_space<semaphore_mem>>
      %dma_wait3A_430 = tpu.memref_squeeze %dma_wait3A_429 : memref<1x!tpu.dma_semaphore, #tpu.memory_space<semaphore_mem>> -> memref<!tpu.dma_semaphore, #tpu.memory_space<semaphore_mem>>
      tpu.wait_indirect_dma semaphore(%dma_wait3A_430 : memref<!tpu.dma_semaphore, #tpu.memory_space<semaphore_mem>>) src(%dma_wait3A_428 : memref<10112x32xf32, #tpu.memory_space<vmem_shared>>) dst(%dma_wait3A_422 : memref<128x32xf32, #tpu.memory_space<vmem>>)
      %mul3A_431 = arith.constant 4 : i32
      %mul3A_432 = arith.muli %add3A_89, %mul3A_431 : i32
      %add3A_433 = arith.constant 2 : i32
      %add3A_434 = arith.addi %mul3A_432, %add3A_433 : i32
      %dma_wait3A_435 = arith.constant 1 : i32
      %dma_wait3A_436 = arith.constant 2 : i32
      %dma_wait3A_437 = arith.constant 1 : i32
      %dma_wait3A_438 = arith.constant 0 : i32
      %dma_wait3A_439 = arith.constant 0 : i32
      %dma_wait3A_440 = tpu.memref_slice %arg8[%dma_wait3A_435, %dma_wait3A_436, %dma_wait3A_438, %dma_wait3A_439] : memref<2x4x128x32xf32, #tpu.memory_space<vmem>> -> memref<1x1x128x32xf32, #tpu.memory_space<vmem>>
      %dma_wait3A_441 = tpu.memref_squeeze %dma_wait3A_440 : memref<1x1x128x32xf32, #tpu.memory_space<vmem>> -> memref<128x32xf32, #tpu.memory_space<vmem>>
      %dma_wait3A_442 = arith.constant 0 : i32
      %dma_wait3A_443 = tpu.memref_slice %arg6[%add3A_434, %dma_wait3A_442] : memref<160x128xi32, #tpu.memory_space<vmem>> -> memref<1x128xi32, #tpu.memory_space<vmem>>
      %dma_wait3A_444 = tpu.memref_squeeze %dma_wait3A_443 : memref<1x128xi32, #tpu.memory_space<vmem>> -> memref<128xi32, #tpu.memory_space<vmem>>
      %dma_wait3A_445 = arith.constant 0 : i32
      %dma_wait3A_446 = arith.constant 0 : i32
      %dma_wait3A_447 = tpu.memref_slice %arg10[%dma_wait3A_445, %dma_wait3A_446] : memref<10112x32xf32, #tpu.memory_space<vmem_shared>> -> memref<10112x32xf32, #tpu.memory_space<vmem_shared>>
      %dma_wait3A_448 = tpu.memref_slice %arg11[%dma_wait3A_437] : memref<2x!tpu.dma_semaphore, #tpu.memory_space<semaphore_mem>> -> memref<1x!tpu.dma_semaphore, #tpu.memory_space<semaphore_mem>>
      %dma_wait3A_449 = tpu.memref_squeeze %dma_wait3A_448 : memref<1x!tpu.dma_semaphore, #tpu.memory_space<semaphore_mem>> -> memref<!tpu.dma_semaphore, #tpu.memory_space<semaphore_mem>>
      tpu.wait_indirect_dma semaphore(%dma_wait3A_449 : memref<!tpu.dma_semaphore, #tpu.memory_space<semaphore_mem>>) src(%dma_wait3A_447 : memref<10112x32xf32, #tpu.memory_space<vmem_shared>>) dst(%dma_wait3A_441 : memref<128x32xf32, #tpu.memory_space<vmem>>)
      %mul3A_450 = arith.constant 4 : i32
      %mul3A_451 = arith.muli %add3A_89, %mul3A_450 : i32
      %add3A_452 = arith.constant 3 : i32
      %add3A_453 = arith.addi %mul3A_451, %add3A_452 : i32
      %dma_wait3A_454 = arith.constant 1 : i32
      %dma_wait3A_455 = arith.constant 3 : i32
      %dma_wait3A_456 = arith.constant 1 : i32
      %dma_wait3A_457 = arith.constant 0 : i32
      %dma_wait3A_458 = arith.constant 0 : i32
      %dma_wait3A_459 = tpu.memref_slice %arg8[%dma_wait3A_454, %dma_wait3A_455, %dma_wait3A_457, %dma_wait3A_458] : memref<2x4x128x32xf32, #tpu.memory_space<vmem>> -> memref<1x1x128x32xf32, #tpu.memory_space<vmem>>
      %dma_wait3A_460 = tpu.memref_squeeze %dma_wait3A_459 : memref<1x1x128x32xf32, #tpu.memory_space<vmem>> -> memref<128x32xf32, #tpu.memory_space<vmem>>
      %dma_wait3A_461 = arith.constant 0 : i32
      %dma_wait3A_462 = tpu.memref_slice %arg6[%add3A_453, %dma_wait3A_461] : memref<160x128xi32, #tpu.memory_space<vmem>> -> memref<1x128xi32, #tpu.memory_space<vmem>>
      %dma_wait3A_463 = tpu.memref_squeeze %dma_wait3A_462 : memref<1x128xi32, #tpu.memory_space<vmem>> -> memref<128xi32, #tpu.memory_space<vmem>>
      %dma_wait3A_464 = arith.constant 0 : i32
      %dma_wait3A_465 = arith.constant 0 : i32
      %dma_wait3A_466 = tpu.memref_slice %arg10[%dma_wait3A_464, %dma_wait3A_465] : memref<10112x32xf32, #tpu.memory_space<vmem_shared>> -> memref<10112x32xf32, #tpu.memory_space<vmem_shared>>
      %dma_wait3A_467 = tpu.memref_slice %arg11[%dma_wait3A_456] : memref<2x!tpu.dma_semaphore, #tpu.memory_space<semaphore_mem>> -> memref<1x!tpu.dma_semaphore, #tpu.memory_space<semaphore_mem>>
      %dma_wait3A_468 = tpu.memref_squeeze %dma_wait3A_467 : memref<1x!tpu.dma_semaphore, #tpu.memory_space<semaphore_mem>> -> memref<!tpu.dma_semaphore, #tpu.memory_space<semaphore_mem>>
      tpu.wait_indirect_dma semaphore(%dma_wait3A_468 : memref<!tpu.dma_semaphore, #tpu.memory_space<semaphore_mem>>) src(%dma_wait3A_466 : memref<10112x32xf32, #tpu.memory_space<vmem_shared>>) dst(%dma_wait3A_460 : memref<128x32xf32, #tpu.memory_space<vmem>>)
      %add3A_469 = arith.constant 1 : i32
      %add3A_470 = arith.addi %add3A_89, %add3A_469 : i32
      %lt3A = arith.constant 40 : i32
      %lt3A_471 = arith.cmpi slt, %add3A_470, %lt3A : i32
      %convert_element_type3A = arith.extui %lt3A_471 : i1 to i32
      %cond3A = arith.constant 0 : i32
      %cond3A_472 = arith.cmpi ne, %convert_element_type3A, %cond3A : i32
      scf.if %cond3A_472 {
        %add3A_625 = arith.constant 1 : i32
        %add3A_626 = arith.addi %add3A_89, %add3A_625 : i32
        %mul3A_627 = arith.constant 4 : i32
        %mul3A_628 = arith.muli %add3A_626, %mul3A_627 : i32
        %add3A_629 = arith.constant 0 : i32
        %add3A_630 = arith.addi %mul3A_628, %add3A_629 : i32
        %dma_start3A_631 = arith.constant 0 : i32
        %dma_start3A_632 = arith.constant 0 : i32
        %dma_start3A_633 = arith.constant 0 : i32
        %dma_start3A_634 = arith.constant 0 : i32
        %dma_start3A_635 = arith.constant 0 : i32
        %dma_start3A_636 = tpu.memref_slice %arg8[%dma_start3A_631, %dma_start3A_632, %dma_start3A_634, %dma_start3A_635] : memref<2x4x128x32xf32, #tpu.memory_space<vmem>> -> memref<1x1x128x32xf32, #tpu.memory_space<vmem>>
        %dma_start3A_637 = tpu.memref_squeeze %dma_start3A_636 : memref<1x1x128x32xf32, #tpu.memory_space<vmem>> -> memref<128x32xf32, #tpu.memory_space<vmem>>
        %dma_start3A_638 = arith.constant 0 : i32
        %dma_start3A_639 = tpu.memref_slice %arg6[%add3A_630, %dma_start3A_638] : memref<160x128xi32, #tpu.memory_space<vmem>> -> memref<1x128xi32, #tpu.memory_space<vmem>>
        %dma_start3A_640 = tpu.memref_squeeze %dma_start3A_639 : memref<1x128xi32, #tpu.memory_space<vmem>> -> memref<128xi32, #tpu.memory_space<vmem>>
        %dma_start3A_641 = arith.constant 0 : i32
        %dma_start3A_642 = arith.constant 0 : i32
        %dma_start3A_643 = tpu.memref_slice %arg10[%dma_start3A_641, %dma_start3A_642] : memref<10112x32xf32, #tpu.memory_space<vmem_shared>> -> memref<10112x32xf32, #tpu.memory_space<vmem_shared>>
        %dma_start3A_644 = tpu.memref_slice %arg11[%dma_start3A_633] : memref<2x!tpu.dma_semaphore, #tpu.memory_space<semaphore_mem>> -> memref<1x!tpu.dma_semaphore, #tpu.memory_space<semaphore_mem>>
        %dma_start3A_645 = tpu.memref_squeeze %dma_start3A_644 : memref<1x!tpu.dma_semaphore, #tpu.memory_space<semaphore_mem>> -> memref<!tpu.dma_semaphore, #tpu.memory_space<semaphore_mem>>
        tpu.enqueue_indirect_dma source(%dma_start3A_643 : memref<10112x32xf32, #tpu.memory_space<vmem_shared>>) target(%dma_start3A_637 : memref<128x32xf32, #tpu.memory_space<vmem>>) offsets(%dma_start3A_640 : memref<128xi32, #tpu.memory_space<vmem>>) semaphore(%dma_start3A_645 : memref<!tpu.dma_semaphore, #tpu.memory_space<semaphore_mem>>)
        %mul3A_646 = arith.constant 4 : i32
        %mul3A_647 = arith.muli %add3A_626, %mul3A_646 : i32
        %add3A_648 = arith.constant 1 : i32
        %add3A_649 = arith.addi %mul3A_647, %add3A_648 : i32
        %dma_start3A_650 = arith.constant 0 : i32
        %dma_start3A_651 = arith.constant 1 : i32
        %dma_start3A_652 = arith.constant 0 : i32
        %dma_start3A_653 = arith.constant 0 : i32
        %dma_start3A_654 = arith.constant 0 : i32
        %dma_start3A_655 = tpu.memref_slice %arg8[%dma_start3A_650, %dma_start3A_651, %dma_start3A_653, %dma_start3A_654] : memref<2x4x128x32xf32, #tpu.memory_space<vmem>> -> memref<1x1x128x32xf32, #tpu.memory_space<vmem>>
        %dma_start3A_656 = tpu.memref_squeeze %dma_start3A_655 : memref<1x1x128x32xf32, #tpu.memory_space<vmem>> -> memref<128x32xf32, #tpu.memory_space<vmem>>
        %dma_start3A_657 = arith.constant 0 : i32
        %dma_start3A_658 = tpu.memref_slice %arg6[%add3A_649, %dma_start3A_657] : memref<160x128xi32, #tpu.memory_space<vmem>> -> memref<1x128xi32, #tpu.memory_space<vmem>>
        %dma_start3A_659 = tpu.memref_squeeze %dma_start3A_658 : memref<1x128xi32, #tpu.memory_space<vmem>> -> memref<128xi32, #tpu.memory_space<vmem>>
        %dma_start3A_660 = arith.constant 0 : i32
        %dma_start3A_661 = arith.constant 0 : i32
        %dma_start3A_662 = tpu.memref_slice %arg10[%dma_start3A_660, %dma_start3A_661] : memref<10112x32xf32, #tpu.memory_space<vmem_shared>> -> memref<10112x32xf32, #tpu.memory_space<vmem_shared>>
        %dma_start3A_663 = tpu.memref_slice %arg11[%dma_start3A_652] : memref<2x!tpu.dma_semaphore, #tpu.memory_space<semaphore_mem>> -> memref<1x!tpu.dma_semaphore, #tpu.memory_space<semaphore_mem>>
        %dma_start3A_664 = tpu.memref_squeeze %dma_start3A_663 : memref<1x!tpu.dma_semaphore, #tpu.memory_space<semaphore_mem>> -> memref<!tpu.dma_semaphore, #tpu.memory_space<semaphore_mem>>
        tpu.enqueue_indirect_dma source(%dma_start3A_662 : memref<10112x32xf32, #tpu.memory_space<vmem_shared>>) target(%dma_start3A_656 : memref<128x32xf32, #tpu.memory_space<vmem>>) offsets(%dma_start3A_659 : memref<128xi32, #tpu.memory_space<vmem>>) semaphore(%dma_start3A_664 : memref<!tpu.dma_semaphore, #tpu.memory_space<semaphore_mem>>)
        %mul3A_665 = arith.constant 4 : i32
        %mul3A_666 = arith.muli %add3A_626, %mul3A_665 : i32
        %add3A_667 = arith.constant 2 : i32
        %add3A_668 = arith.addi %mul3A_666, %add3A_667 : i32
        %dma_start3A_669 = arith.constant 0 : i32
        %dma_start3A_670 = arith.constant 2 : i32
        %dma_start3A_671 = arith.constant 0 : i32
        %dma_start3A_672 = arith.constant 0 : i32
        %dma_start3A_673 = arith.constant 0 : i32
        %dma_start3A_674 = tpu.memref_slice %arg8[%dma_start3A_669, %dma_start3A_670, %dma_start3A_672, %dma_start3A_673] : memref<2x4x128x32xf32, #tpu.memory_space<vmem>> -> memref<1x1x128x32xf32, #tpu.memory_space<vmem>>
        %dma_start3A_675 = tpu.memref_squeeze %dma_start3A_674 : memref<1x1x128x32xf32, #tpu.memory_space<vmem>> -> memref<128x32xf32, #tpu.memory_space<vmem>>
        %dma_start3A_676 = arith.constant 0 : i32
        %dma_start3A_677 = tpu.memref_slice %arg6[%add3A_668, %dma_start3A_676] : memref<160x128xi32, #tpu.memory_space<vmem>> -> memref<1x128xi32, #tpu.memory_space<vmem>>
        %dma_start3A_678 = tpu.memref_squeeze %dma_start3A_677 : memref<1x128xi32, #tpu.memory_space<vmem>> -> memref<128xi32, #tpu.memory_space<vmem>>
        %dma_start3A_679 = arith.constant 0 : i32
        %dma_start3A_680 = arith.constant 0 : i32
        %dma_start3A_681 = tpu.memref_slice %arg10[%dma_start3A_679, %dma_start3A_680] : memref<10112x32xf32, #tpu.memory_space<vmem_shared>> -> memref<10112x32xf32, #tpu.memory_space<vmem_shared>>
        %dma_start3A_682 = tpu.memref_slice %arg11[%dma_start3A_671] : memref<2x!tpu.dma_semaphore, #tpu.memory_space<semaphore_mem>> -> memref<1x!tpu.dma_semaphore, #tpu.memory_space<semaphore_mem>>
        %dma_start3A_683 = tpu.memref_squeeze %dma_start3A_682 : memref<1x!tpu.dma_semaphore, #tpu.memory_space<semaphore_mem>> -> memref<!tpu.dma_semaphore, #tpu.memory_space<semaphore_mem>>
        tpu.enqueue_indirect_dma source(%dma_start3A_681 : memref<10112x32xf32, #tpu.memory_space<vmem_shared>>) target(%dma_start3A_675 : memref<128x32xf32, #tpu.memory_space<vmem>>) offsets(%dma_start3A_678 : memref<128xi32, #tpu.memory_space<vmem>>) semaphore(%dma_start3A_683 : memref<!tpu.dma_semaphore, #tpu.memory_space<semaphore_mem>>)
        %mul3A_684 = arith.constant 4 : i32
        %mul3A_685 = arith.muli %add3A_626, %mul3A_684 : i32
        %add3A_686 = arith.constant 3 : i32
        %add3A_687 = arith.addi %mul3A_685, %add3A_686 : i32
        %dma_start3A_688 = arith.constant 0 : i32
        %dma_start3A_689 = arith.constant 3 : i32
        %dma_start3A_690 = arith.constant 0 : i32
        %dma_start3A_691 = arith.constant 0 : i32
        %dma_start3A_692 = arith.constant 0 : i32
        %dma_start3A_693 = tpu.memref_slice %arg8[%dma_start3A_688, %dma_start3A_689, %dma_start3A_691, %dma_start3A_692] : memref<2x4x128x32xf32, #tpu.memory_space<vmem>> -> memref<1x1x128x32xf32, #tpu.memory_space<vmem>>
        %dma_start3A_694 = tpu.memref_squeeze %dma_start3A_693 : memref<1x1x128x32xf32, #tpu.memory_space<vmem>> -> memref<128x32xf32, #tpu.memory_space<vmem>>
        %dma_start3A_695 = arith.constant 0 : i32
        %dma_start3A_696 = tpu.memref_slice %arg6[%add3A_687, %dma_start3A_695] : memref<160x128xi32, #tpu.memory_space<vmem>> -> memref<1x128xi32, #tpu.memory_space<vmem>>
        %dma_start3A_697 = tpu.memref_squeeze %dma_start3A_696 : memref<1x128xi32, #tpu.memory_space<vmem>> -> memref<128xi32, #tpu.memory_space<vmem>>
        %dma_start3A_698 = arith.constant 0 : i32
        %dma_start3A_699 = arith.constant 0 : i32
        %dma_start3A_700 = tpu.memref_slice %arg10[%dma_start3A_698, %dma_start3A_699] : memref<10112x32xf32, #tpu.memory_space<vmem_shared>> -> memref<10112x32xf32, #tpu.memory_space<vmem_shared>>
        %dma_start3A_701 = tpu.memref_slice %arg11[%dma_start3A_690] : memref<2x!tpu.dma_semaphore, #tpu.memory_space<semaphore_mem>> -> memref<1x!tpu.dma_semaphore, #tpu.memory_space<semaphore_mem>>
        %dma_start3A_702 = tpu.memref_squeeze %dma_start3A_701 : memref<1x!tpu.dma_semaphore, #tpu.memory_space<semaphore_mem>> -> memref<!tpu.dma_semaphore, #tpu.memory_space<semaphore_mem>>
        tpu.enqueue_indirect_dma source(%dma_start3A_700 : memref<10112x32xf32, #tpu.memory_space<vmem_shared>>) target(%dma_start3A_694 : memref<128x32xf32, #tpu.memory_space<vmem>>) offsets(%dma_start3A_697 : memref<128xi32, #tpu.memory_space<vmem>>) semaphore(%dma_start3A_702 : memref<!tpu.dma_semaphore, #tpu.memory_space<semaphore_mem>>)
      } else {
      }
      %mul3A_473 = arith.constant 4 : i32
      %mul3A_474 = arith.muli %add3A_89, %mul3A_473 : i32
      %add3A_475 = arith.constant 0 : i32
      %add3A_476 = arith.addi %mul3A_474, %add3A_475 : i32
      %dma_start3A_477 = arith.constant 1 : i32
      %dma_start3A_478 = arith.constant 0 : i32
      %dma_start3A_479 = arith.constant 1 : i32
      %dma_start3A_480 = arith.constant 0 : i32
      %dma_start3A_481 = arith.constant 0 : i32
      %dma_start3A_482 = tpu.memref_slice %arg8[%dma_start3A_477, %dma_start3A_478, %dma_start3A_480, %dma_start3A_481] : memref<2x4x128x32xf32, #tpu.memory_space<vmem>> -> memref<1x1x128x32xf32, #tpu.memory_space<vmem>>
      %dma_start3A_483 = tpu.memref_squeeze %dma_start3A_482 : memref<1x1x128x32xf32, #tpu.memory_space<vmem>> -> memref<128x32xf32, #tpu.memory_space<vmem>>
      %dma_start3A_484 = arith.constant 0 : i32
      %dma_start3A_485 = tpu.memref_slice %arg7[%add3A_476, %dma_start3A_484] : memref<160x128xi32, #tpu.memory_space<vmem>> -> memref<1x128xi32, #tpu.memory_space<vmem>>
      %dma_start3A_486 = tpu.memref_squeeze %dma_start3A_485 : memref<1x128xi32, #tpu.memory_space<vmem>> -> memref<128xi32, #tpu.memory_space<vmem>>
      %dma_start3A_487 = arith.constant 0 : i32
      %dma_start3A_488 = arith.constant 0 : i32
      %dma_start3A_489 = tpu.memref_slice %arg9[%dma_start3A_487, %dma_start3A_488] : memref<10112x32xf32, #tpu.memory_space<vmem_shared>> -> memref<10112x32xf32, #tpu.memory_space<vmem_shared>>
      %dma_start3A_490 = tpu.memref_slice %arg12[%dma_start3A_479] : memref<2x!tpu.dma_semaphore, #tpu.memory_space<semaphore_mem>> -> memref<1x!tpu.dma_semaphore, #tpu.memory_space<semaphore_mem>>
      %dma_start3A_491 = tpu.memref_squeeze %dma_start3A_490 : memref<1x!tpu.dma_semaphore, #tpu.memory_space<semaphore_mem>> -> memref<!tpu.dma_semaphore, #tpu.memory_space<semaphore_mem>>
      tpu.enqueue_indirect_dma source(%dma_start3A_483 : memref<128x32xf32, #tpu.memory_space<vmem>>) target(%dma_start3A_489 : memref<10112x32xf32, #tpu.memory_space<vmem_shared>>) offsets(%dma_start3A_486 : memref<128xi32, #tpu.memory_space<vmem>>) semaphore(%dma_start3A_491 : memref<!tpu.dma_semaphore, #tpu.memory_space<semaphore_mem>>) {add = true}
      %mul3A_492 = arith.constant 4 : i32
      %mul3A_493 = arith.muli %add3A_89, %mul3A_492 : i32
      %add3A_494 = arith.constant 1 : i32
      %add3A_495 = arith.addi %mul3A_493, %add3A_494 : i32
      %dma_start3A_496 = arith.constant 1 : i32
      %dma_start3A_497 = arith.constant 1 : i32
      %dma_start3A_498 = arith.constant 1 : i32
      %dma_start3A_499 = arith.constant 0 : i32
      %dma_start3A_500 = arith.constant 0 : i32
      %dma_start3A_501 = tpu.memref_slice %arg8[%dma_start3A_496, %dma_start3A_497, %dma_start3A_499, %dma_start3A_500] : memref<2x4x128x32xf32, #tpu.memory_space<vmem>> -> memref<1x1x128x32xf32, #tpu.memory_space<vmem>>
      %dma_start3A_502 = tpu.memref_squeeze %dma_start3A_501 : memref<1x1x128x32xf32, #tpu.memory_space<vmem>> -> memref<128x32xf32, #tpu.memory_space<vmem>>
      %dma_start3A_503 = arith.constant 0 : i32
      %dma_start3A_504 = tpu.memref_slice %arg7[%add3A_495, %dma_start3A_503] : memref<160x128xi32, #tpu.memory_space<vmem>> -> memref<1x128xi32, #tpu.memory_space<vmem>>
      %dma_start3A_505 = tpu.memref_squeeze %dma_start3A_504 : memref<1x128xi32, #tpu.memory_space<vmem>> -> memref<128xi32, #tpu.memory_space<vmem>>
      %dma_start3A_506 = arith.constant 0 : i32
      %dma_start3A_507 = arith.constant 0 : i32
      %dma_start3A_508 = tpu.memref_slice %arg9[%dma_start3A_506, %dma_start3A_507] : memref<10112x32xf32, #tpu.memory_space<vmem_shared>> -> memref<10112x32xf32, #tpu.memory_space<vmem_shared>>
      %dma_start3A_509 = tpu.memref_slice %arg12[%dma_start3A_498] : memref<2x!tpu.dma_semaphore, #tpu.memory_space<semaphore_mem>> -> memref<1x!tpu.dma_semaphore, #tpu.memory_space<semaphore_mem>>
      %dma_start3A_510 = tpu.memref_squeeze %dma_start3A_509 : memref<1x!tpu.dma_semaphore, #tpu.memory_space<semaphore_mem>> -> memref<!tpu.dma_semaphore, #tpu.memory_space<semaphore_mem>>
      tpu.enqueue_indirect_dma source(%dma_start3A_502 : memref<128x32xf32, #tpu.memory_space<vmem>>) target(%dma_start3A_508 : memref<10112x32xf32, #tpu.memory_space<vmem_shared>>) offsets(%dma_start3A_505 : memref<128xi32, #tpu.memory_space<vmem>>) semaphore(%dma_start3A_510 : memref<!tpu.dma_semaphore, #tpu.memory_space<semaphore_mem>>) {add = true}
      %mul3A_511 = arith.constant 4 : i32
      %mul3A_512 = arith.muli %add3A_89, %mul3A_511 : i32
      %add3A_513 = arith.constant 2 : i32
      %add3A_514 = arith.addi %mul3A_512, %add3A_513 : i32
      %dma_start3A_515 = arith.constant 1 : i32
      %dma_start3A_516 = arith.constant 2 : i32
      %dma_start3A_517 = arith.constant 1 : i32
      %dma_start3A_518 = arith.constant 0 : i32
      %dma_start3A_519 = arith.constant 0 : i32
      %dma_start3A_520 = tpu.memref_slice %arg8[%dma_start3A_515, %dma_start3A_516, %dma_start3A_518, %dma_start3A_519] : memref<2x4x128x32xf32, #tpu.memory_space<vmem>> -> memref<1x1x128x32xf32, #tpu.memory_space<vmem>>
      %dma_start3A_521 = tpu.memref_squeeze %dma_start3A_520 : memref<1x1x128x32xf32, #tpu.memory_space<vmem>> -> memref<128x32xf32, #tpu.memory_space<vmem>>
      %dma_start3A_522 = arith.constant 0 : i32
      %dma_start3A_523 = tpu.memref_slice %arg7[%add3A_514, %dma_start3A_522] : memref<160x128xi32, #tpu.memory_space<vmem>> -> memref<1x128xi32, #tpu.memory_space<vmem>>
      %dma_start3A_524 = tpu.memref_squeeze %dma_start3A_523 : memref<1x128xi32, #tpu.memory_space<vmem>> -> memref<128xi32, #tpu.memory_space<vmem>>
      %dma_start3A_525 = arith.constant 0 : i32
      %dma_start3A_526 = arith.constant 0 : i32
      %dma_start3A_527 = tpu.memref_slice %arg9[%dma_start3A_525, %dma_start3A_526] : memref<10112x32xf32, #tpu.memory_space<vmem_shared>> -> memref<10112x32xf32, #tpu.memory_space<vmem_shared>>
      %dma_start3A_528 = tpu.memref_slice %arg12[%dma_start3A_517] : memref<2x!tpu.dma_semaphore, #tpu.memory_space<semaphore_mem>> -> memref<1x!tpu.dma_semaphore, #tpu.memory_space<semaphore_mem>>
      %dma_start3A_529 = tpu.memref_squeeze %dma_start3A_528 : memref<1x!tpu.dma_semaphore, #tpu.memory_space<semaphore_mem>> -> memref<!tpu.dma_semaphore, #tpu.memory_space<semaphore_mem>>
      tpu.enqueue_indirect_dma source(%dma_start3A_521 : memref<128x32xf32, #tpu.memory_space<vmem>>) target(%dma_start3A_527 : memref<10112x32xf32, #tpu.memory_space<vmem_shared>>) offsets(%dma_start3A_524 : memref<128xi32, #tpu.memory_space<vmem>>) semaphore(%dma_start3A_529 : memref<!tpu.dma_semaphore, #tpu.memory_space<semaphore_mem>>) {add = true}
      %mul3A_530 = arith.constant 4 : i32
      %mul3A_531 = arith.muli %add3A_89, %mul3A_530 : i32
      %add3A_532 = arith.constant 3 : i32
      %add3A_533 = arith.addi %mul3A_531, %add3A_532 : i32
      %dma_start3A_534 = arith.constant 1 : i32
      %dma_start3A_535 = arith.constant 3 : i32
      %dma_start3A_536 = arith.constant 1 : i32
      %dma_start3A_537 = arith.constant 0 : i32
      %dma_start3A_538 = arith.constant 0 : i32
      %dma_start3A_539 = tpu.memref_slice %arg8[%dma_start3A_534, %dma_start3A_535, %dma_start3A_537, %dma_start3A_538] : memref<2x4x128x32xf32, #tpu.memory_space<vmem>> -> memref<1x1x128x32xf32, #tpu.memory_space<vmem>>
      %dma_start3A_540 = tpu.memref_squeeze %dma_start3A_539 : memref<1x1x128x32xf32, #tpu.memory_space<vmem>> -> memref<128x32xf32, #tpu.memory_space<vmem>>
      %dma_start3A_541 = arith.constant 0 : i32
      %dma_start3A_542 = tpu.memref_slice %arg7[%add3A_533, %dma_start3A_541] : memref<160x128xi32, #tpu.memory_space<vmem>> -> memref<1x128xi32, #tpu.memory_space<vmem>>
      %dma_start3A_543 = tpu.memref_squeeze %dma_start3A_542 : memref<1x128xi32, #tpu.memory_space<vmem>> -> memref<128xi32, #tpu.memory_space<vmem>>
      %dma_start3A_544 = arith.constant 0 : i32
      %dma_start3A_545 = arith.constant 0 : i32
      %dma_start3A_546 = tpu.memref_slice %arg9[%dma_start3A_544, %dma_start3A_545] : memref<10112x32xf32, #tpu.memory_space<vmem_shared>> -> memref<10112x32xf32, #tpu.memory_space<vmem_shared>>
      %dma_start3A_547 = tpu.memref_slice %arg12[%dma_start3A_536] : memref<2x!tpu.dma_semaphore, #tpu.memory_space<semaphore_mem>> -> memref<1x!tpu.dma_semaphore, #tpu.memory_space<semaphore_mem>>
      %dma_start3A_548 = tpu.memref_squeeze %dma_start3A_547 : memref<1x!tpu.dma_semaphore, #tpu.memory_space<semaphore_mem>> -> memref<!tpu.dma_semaphore, #tpu.memory_space<semaphore_mem>>
      tpu.enqueue_indirect_dma source(%dma_start3A_540 : memref<128x32xf32, #tpu.memory_space<vmem>>) target(%dma_start3A_546 : memref<10112x32xf32, #tpu.memory_space<vmem_shared>>) offsets(%dma_start3A_543 : memref<128xi32, #tpu.memory_space<vmem>>) semaphore(%dma_start3A_548 : memref<!tpu.dma_semaphore, #tpu.memory_space<semaphore_mem>>) {add = true}
      %mul3A_549 = arith.constant 4 : i32
      %mul3A_550 = arith.muli %add3A_89, %mul3A_549 : i32
      %add3A_551 = arith.constant 0 : i32
      %add3A_552 = arith.addi %mul3A_550, %add3A_551 : i32
      %dma_wait3A_553 = arith.constant 1 : i32
      %dma_wait3A_554 = arith.constant 0 : i32
      %dma_wait3A_555 = arith.constant 1 : i32
      %dma_wait3A_556 = arith.constant 0 : i32
      %dma_wait3A_557 = arith.constant 0 : i32
      %dma_wait3A_558 = tpu.memref_slice %arg8[%dma_wait3A_553, %dma_wait3A_554, %dma_wait3A_556, %dma_wait3A_557] : memref<2x4x128x32xf32, #tpu.memory_space<vmem>> -> memref<1x1x128x32xf32, #tpu.memory_space<vmem>>
      %dma_wait3A_559 = tpu.memref_squeeze %dma_wait3A_558 : memref<1x1x128x32xf32, #tpu.memory_space<vmem>> -> memref<128x32xf32, #tpu.memory_space<vmem>>
      %dma_wait3A_560 = arith.constant 0 : i32
      %dma_wait3A_561 = tpu.memref_slice %arg7[%add3A_552, %dma_wait3A_560] : memref<160x128xi32, #tpu.memory_space<vmem>> -> memref<1x128xi32, #tpu.memory_space<vmem>>
      %dma_wait3A_562 = tpu.memref_squeeze %dma_wait3A_561 : memref<1x128xi32, #tpu.memory_space<vmem>> -> memref<128xi32, #tpu.memory_space<vmem>>
      %dma_wait3A_563 = arith.constant 0 : i32
      %dma_wait3A_564 = arith.constant 0 : i32
      %dma_wait3A_565 = tpu.memref_slice %arg9[%dma_wait3A_563, %dma_wait3A_564] : memref<10112x32xf32, #tpu.memory_space<vmem_shared>> -> memref<10112x32xf32, #tpu.memory_space<vmem_shared>>
      %dma_wait3A_566 = tpu.memref_slice %arg12[%dma_wait3A_555] : memref<2x!tpu.dma_semaphore, #tpu.memory_space<semaphore_mem>> -> memref<1x!tpu.dma_semaphore, #tpu.memory_space<semaphore_mem>>
      %dma_wait3A_567 = tpu.memref_squeeze %dma_wait3A_566 : memref<1x!tpu.dma_semaphore, #tpu.memory_space<semaphore_mem>> -> memref<!tpu.dma_semaphore, #tpu.memory_space<semaphore_mem>>
      tpu.wait_indirect_dma semaphore(%dma_wait3A_567 : memref<!tpu.dma_semaphore, #tpu.memory_space<semaphore_mem>>) src(%dma_wait3A_559 : memref<128x32xf32, #tpu.memory_space<vmem>>) dst(%dma_wait3A_565 : memref<10112x32xf32, #tpu.memory_space<vmem_shared>>)
      %mul3A_568 = arith.constant 4 : i32
      %mul3A_569 = arith.muli %add3A_89, %mul3A_568 : i32
      %add3A_570 = arith.constant 1 : i32
      %add3A_571 = arith.addi %mul3A_569, %add3A_570 : i32
      %dma_wait3A_572 = arith.constant 1 : i32
      %dma_wait3A_573 = arith.constant 1 : i32
      %dma_wait3A_574 = arith.constant 1 : i32
      %dma_wait3A_575 = arith.constant 0 : i32
      %dma_wait3A_576 = arith.constant 0 : i32
      %dma_wait3A_577 = tpu.memref_slice %arg8[%dma_wait3A_572, %dma_wait3A_573, %dma_wait3A_575, %dma_wait3A_576] : memref<2x4x128x32xf32, #tpu.memory_space<vmem>> -> memref<1x1x128x32xf32, #tpu.memory_space<vmem>>
      %dma_wait3A_578 = tpu.memref_squeeze %dma_wait3A_577 : memref<1x1x128x32xf32, #tpu.memory_space<vmem>> -> memref<128x32xf32, #tpu.memory_space<vmem>>
      %dma_wait3A_579 = arith.constant 0 : i32
      %dma_wait3A_580 = tpu.memref_slice %arg7[%add3A_571, %dma_wait3A_579] : memref<160x128xi32, #tpu.memory_space<vmem>> -> memref<1x128xi32, #tpu.memory_space<vmem>>
      %dma_wait3A_581 = tpu.memref_squeeze %dma_wait3A_580 : memref<1x128xi32, #tpu.memory_space<vmem>> -> memref<128xi32, #tpu.memory_space<vmem>>
      %dma_wait3A_582 = arith.constant 0 : i32
      %dma_wait3A_583 = arith.constant 0 : i32
      %dma_wait3A_584 = tpu.memref_slice %arg9[%dma_wait3A_582, %dma_wait3A_583] : memref<10112x32xf32, #tpu.memory_space<vmem_shared>> -> memref<10112x32xf32, #tpu.memory_space<vmem_shared>>
      %dma_wait3A_585 = tpu.memref_slice %arg12[%dma_wait3A_574] : memref<2x!tpu.dma_semaphore, #tpu.memory_space<semaphore_mem>> -> memref<1x!tpu.dma_semaphore, #tpu.memory_space<semaphore_mem>>
      %dma_wait3A_586 = tpu.memref_squeeze %dma_wait3A_585 : memref<1x!tpu.dma_semaphore, #tpu.memory_space<semaphore_mem>> -> memref<!tpu.dma_semaphore, #tpu.memory_space<semaphore_mem>>
      tpu.wait_indirect_dma semaphore(%dma_wait3A_586 : memref<!tpu.dma_semaphore, #tpu.memory_space<semaphore_mem>>) src(%dma_wait3A_578 : memref<128x32xf32, #tpu.memory_space<vmem>>) dst(%dma_wait3A_584 : memref<10112x32xf32, #tpu.memory_space<vmem_shared>>)
      %mul3A_587 = arith.constant 4 : i32
      %mul3A_588 = arith.muli %add3A_89, %mul3A_587 : i32
      %add3A_589 = arith.constant 2 : i32
      %add3A_590 = arith.addi %mul3A_588, %add3A_589 : i32
      %dma_wait3A_591 = arith.constant 1 : i32
      %dma_wait3A_592 = arith.constant 2 : i32
      %dma_wait3A_593 = arith.constant 1 : i32
      %dma_wait3A_594 = arith.constant 0 : i32
      %dma_wait3A_595 = arith.constant 0 : i32
      %dma_wait3A_596 = tpu.memref_slice %arg8[%dma_wait3A_591, %dma_wait3A_592, %dma_wait3A_594, %dma_wait3A_595] : memref<2x4x128x32xf32, #tpu.memory_space<vmem>> -> memref<1x1x128x32xf32, #tpu.memory_space<vmem>>
      %dma_wait3A_597 = tpu.memref_squeeze %dma_wait3A_596 : memref<1x1x128x32xf32, #tpu.memory_space<vmem>> -> memref<128x32xf32, #tpu.memory_space<vmem>>
      %dma_wait3A_598 = arith.constant 0 : i32
      %dma_wait3A_599 = tpu.memref_slice %arg7[%add3A_590, %dma_wait3A_598] : memref<160x128xi32, #tpu.memory_space<vmem>> -> memref<1x128xi32, #tpu.memory_space<vmem>>
      %dma_wait3A_600 = tpu.memref_squeeze %dma_wait3A_599 : memref<1x128xi32, #tpu.memory_space<vmem>> -> memref<128xi32, #tpu.memory_space<vmem>>
      %dma_wait3A_601 = arith.constant 0 : i32
      %dma_wait3A_602 = arith.constant 0 : i32
      %dma_wait3A_603 = tpu.memref_slice %arg9[%dma_wait3A_601, %dma_wait3A_602] : memref<10112x32xf32, #tpu.memory_space<vmem_shared>> -> memref<10112x32xf32, #tpu.memory_space<vmem_shared>>
      %dma_wait3A_604 = tpu.memref_slice %arg12[%dma_wait3A_593] : memref<2x!tpu.dma_semaphore, #tpu.memory_space<semaphore_mem>> -> memref<1x!tpu.dma_semaphore, #tpu.memory_space<semaphore_mem>>
      %dma_wait3A_605 = tpu.memref_squeeze %dma_wait3A_604 : memref<1x!tpu.dma_semaphore, #tpu.memory_space<semaphore_mem>> -> memref<!tpu.dma_semaphore, #tpu.memory_space<semaphore_mem>>
      tpu.wait_indirect_dma semaphore(%dma_wait3A_605 : memref<!tpu.dma_semaphore, #tpu.memory_space<semaphore_mem>>) src(%dma_wait3A_597 : memref<128x32xf32, #tpu.memory_space<vmem>>) dst(%dma_wait3A_603 : memref<10112x32xf32, #tpu.memory_space<vmem_shared>>)
      %mul3A_606 = arith.constant 4 : i32
      %mul3A_607 = arith.muli %add3A_89, %mul3A_606 : i32
      %add3A_608 = arith.constant 3 : i32
      %add3A_609 = arith.addi %mul3A_607, %add3A_608 : i32
      %dma_wait3A_610 = arith.constant 1 : i32
      %dma_wait3A_611 = arith.constant 3 : i32
      %dma_wait3A_612 = arith.constant 1 : i32
      %dma_wait3A_613 = arith.constant 0 : i32
      %dma_wait3A_614 = arith.constant 0 : i32
      %dma_wait3A_615 = tpu.memref_slice %arg8[%dma_wait3A_610, %dma_wait3A_611, %dma_wait3A_613, %dma_wait3A_614] : memref<2x4x128x32xf32, #tpu.memory_space<vmem>> -> memref<1x1x128x32xf32, #tpu.memory_space<vmem>>
      %dma_wait3A_616 = tpu.memref_squeeze %dma_wait3A_615 : memref<1x1x128x32xf32, #tpu.memory_space<vmem>> -> memref<128x32xf32, #tpu.memory_space<vmem>>
      %dma_wait3A_617 = arith.constant 0 : i32
      %dma_wait3A_618 = tpu.memref_slice %arg7[%add3A_609, %dma_wait3A_617] : memref<160x128xi32, #tpu.memory_space<vmem>> -> memref<1x128xi32, #tpu.memory_space<vmem>>
      %dma_wait3A_619 = tpu.memref_squeeze %dma_wait3A_618 : memref<1x128xi32, #tpu.memory_space<vmem>> -> memref<128xi32, #tpu.memory_space<vmem>>
      %dma_wait3A_620 = arith.constant 0 : i32
      %dma_wait3A_621 = arith.constant 0 : i32
      %dma_wait3A_622 = tpu.memref_slice %arg9[%dma_wait3A_620, %dma_wait3A_621] : memref<10112x32xf32, #tpu.memory_space<vmem_shared>> -> memref<10112x32xf32, #tpu.memory_space<vmem_shared>>
      %dma_wait3A_623 = tpu.memref_slice %arg12[%dma_wait3A_612] : memref<2x!tpu.dma_semaphore, #tpu.memory_space<semaphore_mem>> -> memref<1x!tpu.dma_semaphore, #tpu.memory_space<semaphore_mem>>
      %dma_wait3A_624 = tpu.memref_squeeze %dma_wait3A_623 : memref<1x!tpu.dma_semaphore, #tpu.memory_space<semaphore_mem>> -> memref<!tpu.dma_semaphore, #tpu.memory_space<semaphore_mem>>
      tpu.wait_indirect_dma semaphore(%dma_wait3A_624 : memref<!tpu.dma_semaphore, #tpu.memory_space<semaphore_mem>>) src(%dma_wait3A_616 : memref<128x32xf32, #tpu.memory_space<vmem>>) dst(%dma_wait3A_622 : memref<10112x32xf32, #tpu.memory_space<vmem_shared>>)
    }
    %scan3A_78 = arith.constant 20 : i32
    %barrier3A_79 = arith.constant 0 : index
    tpu.barrier barrier_id(%barrier3A_79)
    %mul3A_80 = arith.constant 632 : i32
    %mul3A_81 = arith.muli %arg1, %mul3A_80 : i32
    %mul3A_82 = arith.constant 632 : i32
    %mul3A_83 = arith.muli %arg1, %mul3A_82 : i32
    "tpu.region"() ({
      %run_scoped3A = tpu.sem_alloc : memref<!tpu.dma_semaphore, #tpu.memory_space<semaphore_mem>>
      %dma_start3A_84 = arith.constant 0 : i32
      %dma_start3A_85 = tpu.memref_slice %arg5[%arg0, %mul3A_83, %dma_start3A_84] : memref<2x10112x32xf32, #tpu.memory_space<hbm>> -> memref<1x632x32xf32, #tpu.memory_space<hbm>>
      %dma_start3A_86 = tpu.memref_squeeze %dma_start3A_85 : memref<1x632x32xf32, #tpu.memory_space<hbm>> -> memref<632x32xf32, #tpu.memory_space<hbm>>
      %dma_start3A_87 = arith.constant 0 : i32
      %dma_start3A_88 = tpu.memref_slice %arg9[%mul3A_81, %dma_start3A_87] : memref<10112x32xf32, #tpu.memory_space<vmem_shared>> -> memref<632x32xf32, #tpu.memory_space<vmem_shared>>
      tpu.enqueue_dma source(%dma_start3A_88 : memref<632x32xf32, #tpu.memory_space<vmem_shared>>) target(%dma_start3A_86 : memref<632x32xf32, #tpu.memory_space<hbm>>) target_semaphore(%run_scoped3A : memref<!tpu.dma_semaphore, #tpu.memory_space<semaphore_mem>>)
      %dma_wait3A = arith.constant 0 : i32
      %dma_wait3A_89 = tpu.memref_slice %arg5[%arg0, %mul3A_83, %dma_wait3A] : memref<2x10112x32xf32, #tpu.memory_space<hbm>> -> memref<1x632x32xf32, #tpu.memory_space<hbm>>
      %dma_wait3A_90 = tpu.memref_squeeze %dma_wait3A_89 : memref<1x632x32xf32, #tpu.memory_space<hbm>> -> memref<632x32xf32, #tpu.memory_space<hbm>>
      %dma_wait3A_91 = arith.constant 0 : i32
      %dma_wait3A_92 = tpu.memref_slice %arg9[%mul3A_81, %dma_wait3A_91] : memref<10112x32xf32, #tpu.memory_space<vmem_shared>> -> memref<632x32xf32, #tpu.memory_space<vmem_shared>>
      tpu.wait_dma2 semaphore(%run_scoped3A : memref<!tpu.dma_semaphore, #tpu.memory_space<semaphore_mem>>) src(%dma_wait3A_92 : memref<632x32xf32, #tpu.memory_space<vmem_shared>>) dst(%dma_wait3A_90 : memref<632x32xf32, #tpu.memory_space<hbm>>)
      tpu.yield
    }) : () -> ()
    return
  }
}

#map = affine_map<(d0, d1) -> (0, 0)>
#map1 = affine_map<(d0, d1) -> (0)>
module attributes {stable_mosaic.version = 14 : i64} {
  func.func @k(%arg0: i32, %arg1: i32, %arg2: memref<2560x128xi32, #tpu.memory_space<hbm>>, %arg3: memref<632xf32, #tpu.memory_space<hbm>>, %arg4: memref<2x10112xf32, #tpu.memory_space<hbm>>, %arg5: memref<80x128xi32, #tpu.memory_space<vmem>>, %arg6: memref<128xf32, #tpu.memory_space<vmem>>, %arg7: memref<10112xf32, #tpu.memory_space<vmem_shared>>) attributes {dimension_semantics = [#tpu.dimension_semantics<core_parallel>, #tpu.dimension_semantics<subcore_parallel>], iteration_bounds = array<i64: 2, 16>, scalar_prefetch = 0 : i64, scratch_operands = 3 : i64, tpu.core_type = #tpu.core_type<sc_vector_subcore>, window_params = [{transform_indices = #map}, {transform_indices = #map1}, {transform_indices = #map}]} {
    %mul3A = arith.constant 2 : i32
    %mul3A_0 = arith.muli %arg1, %mul3A : i32
    %add3A = arith.addi %mul3A_0, %arg0 : i32
    %mul3A_1 = arith.constant 80 : i32
    %mul3A_2 = arith.muli %add3A, %mul3A_1 : i32
    "tpu.region"() ({
      %run_scoped3A = tpu.sem_alloc : memref<!tpu.dma_semaphore, #tpu.memory_space<semaphore_mem>>
      %dma_start3A = arith.constant 0 : i32
      %dma_start3A_61 = tpu.memref_slice %arg2[%mul3A_2, %dma_start3A] : memref<2560x128xi32, #tpu.memory_space<hbm>> -> memref<80x128xi32, #tpu.memory_space<hbm>>
      %dma_start3A_62 = arith.constant 0 : i32
      %dma_start3A_63 = tpu.memref_slice %arg2[%mul3A_2, %dma_start3A_62] : memref<2560x128xi32, #tpu.memory_space<hbm>> -> memref<80x128xi32, #tpu.memory_space<hbm>>
      tpu.enqueue_dma source(%dma_start3A_63 : memref<80x128xi32, #tpu.memory_space<hbm>>) target(%arg5 : memref<80x128xi32, #tpu.memory_space<vmem>>) target_semaphore(%run_scoped3A : memref<!tpu.dma_semaphore, #tpu.memory_space<semaphore_mem>>)
      %dma_wait3A = arith.constant 0 : i32
      %dma_wait3A_64 = tpu.memref_slice %arg2[%mul3A_2, %dma_wait3A] : memref<2560x128xi32, #tpu.memory_space<hbm>> -> memref<80x128xi32, #tpu.memory_space<hbm>>
      %dma_wait3A_65 = arith.constant 0 : i32
      %dma_wait3A_66 = tpu.memref_slice %arg2[%mul3A_2, %dma_wait3A_65] : memref<2560x128xi32, #tpu.memory_space<hbm>> -> memref<80x128xi32, #tpu.memory_space<hbm>>
      tpu.wait_dma2 semaphore(%run_scoped3A : memref<!tpu.dma_semaphore, #tpu.memory_space<semaphore_mem>>) src(%dma_wait3A_66 : memref<80x128xi32, #tpu.memory_space<hbm>>) dst(%arg5 : memref<80x128xi32, #tpu.memory_space<vmem>>)
      tpu.yield
    }) : () -> ()
    %broadcast_in_dim3A = arith.constant 1.000000e+00 : f32
    %broadcast_in_dim3A_3 = vector.broadcast %broadcast_in_dim3A : f32 to vector<16xf32>
    %swap3A = arith.constant 0 : index
    %swap3A_4 = tpu.vector_load %arg6[%swap3A] {strides = array<i32>} : memref<128xf32, #tpu.memory_space<vmem>>, vector<16xf32>,
    %swap3A_5 = vector.shape_cast %swap3A_4 : vector<16xf32> to vector<16xf32>
    %swap3A_6 = vector.shape_cast %broadcast_in_dim3A_3 : vector<16xf32> to vector<16xf32>
    tpu.vector_store %arg6[%swap3A], %swap3A_6 {strides = array<i32>} : memref<128xf32, #tpu.memory_space<vmem>>, vector<16xf32>,
    %broadcast_in_dim3A_7 = arith.constant 1.000000e+00 : f32
    %broadcast_in_dim3A_8 = vector.broadcast %broadcast_in_dim3A_7 : f32 to vector<16xf32>
    %swap3A_9 = arith.constant 16 : index
    %swap3A_10 = tpu.vector_load %arg6[%swap3A_9] {strides = array<i32>} : memref<128xf32, #tpu.memory_space<vmem>>, vector<16xf32>,
    %swap3A_11 = vector.shape_cast %swap3A_10 : vector<16xf32> to vector<16xf32>
    %swap3A_12 = vector.shape_cast %broadcast_in_dim3A_8 : vector<16xf32> to vector<16xf32>
    tpu.vector_store %arg6[%swap3A_9], %swap3A_12 {strides = array<i32>} : memref<128xf32, #tpu.memory_space<vmem>>, vector<16xf32>,
    %broadcast_in_dim3A_13 = arith.constant 1.000000e+00 : f32
    %broadcast_in_dim3A_14 = vector.broadcast %broadcast_in_dim3A_13 : f32 to vector<16xf32>
    %swap3A_15 = arith.constant 32 : index
    %swap3A_16 = tpu.vector_load %arg6[%swap3A_15] {strides = array<i32>} : memref<128xf32, #tpu.memory_space<vmem>>, vector<16xf32>,
    %swap3A_17 = vector.shape_cast %swap3A_16 : vector<16xf32> to vector<16xf32>
    %swap3A_18 = vector.shape_cast %broadcast_in_dim3A_14 : vector<16xf32> to vector<16xf32>
    tpu.vector_store %arg6[%swap3A_15], %swap3A_18 {strides = array<i32>} : memref<128xf32, #tpu.memory_space<vmem>>, vector<16xf32>,
    %broadcast_in_dim3A_19 = arith.constant 1.000000e+00 : f32
    %broadcast_in_dim3A_20 = vector.broadcast %broadcast_in_dim3A_19 : f32 to vector<16xf32>
    %swap3A_21 = arith.constant 48 : index
    %swap3A_22 = tpu.vector_load %arg6[%swap3A_21] {strides = array<i32>} : memref<128xf32, #tpu.memory_space<vmem>>, vector<16xf32>,
    %swap3A_23 = vector.shape_cast %swap3A_22 : vector<16xf32> to vector<16xf32>
    %swap3A_24 = vector.shape_cast %broadcast_in_dim3A_20 : vector<16xf32> to vector<16xf32>
    tpu.vector_store %arg6[%swap3A_21], %swap3A_24 {strides = array<i32>} : memref<128xf32, #tpu.memory_space<vmem>>, vector<16xf32>,
    %broadcast_in_dim3A_25 = arith.constant 1.000000e+00 : f32
    %broadcast_in_dim3A_26 = vector.broadcast %broadcast_in_dim3A_25 : f32 to vector<16xf32>
    %swap3A_27 = arith.constant 64 : index
    %swap3A_28 = tpu.vector_load %arg6[%swap3A_27] {strides = array<i32>} : memref<128xf32, #tpu.memory_space<vmem>>, vector<16xf32>,
    %swap3A_29 = vector.shape_cast %swap3A_28 : vector<16xf32> to vector<16xf32>
    %swap3A_30 = vector.shape_cast %broadcast_in_dim3A_26 : vector<16xf32> to vector<16xf32>
    tpu.vector_store %arg6[%swap3A_27], %swap3A_30 {strides = array<i32>} : memref<128xf32, #tpu.memory_space<vmem>>, vector<16xf32>,
    %broadcast_in_dim3A_31 = arith.constant 1.000000e+00 : f32
    %broadcast_in_dim3A_32 = vector.broadcast %broadcast_in_dim3A_31 : f32 to vector<16xf32>
    %swap3A_33 = arith.constant 80 : index
    %swap3A_34 = tpu.vector_load %arg6[%swap3A_33] {strides = array<i32>} : memref<128xf32, #tpu.memory_space<vmem>>, vector<16xf32>,
    %swap3A_35 = vector.shape_cast %swap3A_34 : vector<16xf32> to vector<16xf32>
    %swap3A_36 = vector.shape_cast %broadcast_in_dim3A_32 : vector<16xf32> to vector<16xf32>
    tpu.vector_store %arg6[%swap3A_33], %swap3A_36 {strides = array<i32>} : memref<128xf32, #tpu.memory_space<vmem>>, vector<16xf32>,
    %broadcast_in_dim3A_37 = arith.constant 1.000000e+00 : f32
    %broadcast_in_dim3A_38 = vector.broadcast %broadcast_in_dim3A_37 : f32 to vector<16xf32>
    %swap3A_39 = arith.constant 96 : index
    %swap3A_40 = tpu.vector_load %arg6[%swap3A_39] {strides = array<i32>} : memref<128xf32, #tpu.memory_space<vmem>>, vector<16xf32>,
    %swap3A_41 = vector.shape_cast %swap3A_40 : vector<16xf32> to vector<16xf32>
    %swap3A_42 = vector.shape_cast %broadcast_in_dim3A_38 : vector<16xf32> to vector<16xf32>
    tpu.vector_store %arg6[%swap3A_39], %swap3A_42 {strides = array<i32>} : memref<128xf32, #tpu.memory_space<vmem>>, vector<16xf32>,
    %broadcast_in_dim3A_43 = arith.constant 1.000000e+00 : f32
    %broadcast_in_dim3A_44 = vector.broadcast %broadcast_in_dim3A_43 : f32 to vector<16xf32>
    %swap3A_45 = arith.constant 112 : index
    %swap3A_46 = tpu.vector_load %arg6[%swap3A_45] {strides = array<i32>} : memref<128xf32, #tpu.memory_space<vmem>>, vector<16xf32>,
    %swap3A_47 = vector.shape_cast %swap3A_46 : vector<16xf32> to vector<16xf32>
    %swap3A_48 = vector.shape_cast %broadcast_in_dim3A_44 : vector<16xf32> to vector<16xf32>
    tpu.vector_store %arg6[%swap3A_45], %swap3A_48 {strides = array<i32>} : memref<128xf32, #tpu.memory_space<vmem>>, vector<16xf32>,
    %mul3A_49 = arith.constant 632 : i32
    %mul3A_50 = arith.muli %arg1, %mul3A_49 : i32
    "tpu.region"() ({
      %run_scoped3A = tpu.sem_alloc : memref<!tpu.dma_semaphore, #tpu.memory_space<semaphore_mem>>
      %dma_start3A = tpu.memref_slice %arg7[%mul3A_50] : memref<10112xf32, #tpu.memory_space<vmem_shared>> -> memref<632xf32, #tpu.memory_space<vmem_shared>>
      tpu.enqueue_dma source(%arg3 : memref<632xf32, #tpu.memory_space<hbm>>) target(%dma_start3A : memref<632xf32, #tpu.memory_space<vmem_shared>>) target_semaphore(%run_scoped3A : memref<!tpu.dma_semaphore, #tpu.memory_space<semaphore_mem>>)
      %dma_wait3A = tpu.memref_slice %arg7[%mul3A_50] : memref<10112xf32, #tpu.memory_space<vmem_shared>> -> memref<632xf32, #tpu.memory_space<vmem_shared>>
      tpu.wait_dma2 semaphore(%run_scoped3A : memref<!tpu.dma_semaphore, #tpu.memory_space<semaphore_mem>>) src(%arg3 : memref<632xf32, #tpu.memory_space<hbm>>) dst(%dma_wait3A : memref<632xf32, #tpu.memory_space<vmem_shared>>)
      tpu.yield
    }) : () -> ()
    %barrier3A = arith.constant 0 : index
    tpu.barrier barrier_id(%barrier3A)
    %scan3A = arith.constant 0 : i32
    %scan3A_51 = arith.constant 0 : i32
    %scan3A_52 = arith.constant 80 : i32
    %scan3A_53 = arith.addi %scan3A_51, %scan3A_52 : i32
    %scan3A_54 = arith.constant 1 : i32
    scf.for %scan3A_61 = %scan3A_51 to %scan3A_53 step %scan3A_54  : i32 {
      "tpu.region"() ({
        %run_scoped3A = tpu.sem_alloc : memref<!tpu.dma_semaphore, #tpu.memory_space<semaphore_mem>>
        %dma_start3A = arith.constant 0 : i32
        %dma_start3A_62 = tpu.memref_slice %arg5[%scan3A_61, %dma_start3A] : memref<80x128xi32, #tpu.memory_space<vmem>> -> memref<1x128xi32, #tpu.memory_space<vmem>>
        %dma_start3A_63 = tpu.memref_squeeze %dma_start3A_62 : memref<1x128xi32, #tpu.memory_space<vmem>> -> memref<128xi32, #tpu.memory_space<vmem>>
        %dma_start3A_64 = arith.constant 0 : i32
        %dma_start3A_65 = tpu.memref_slice %arg7[%dma_start3A_64] : memref<10112xf32, #tpu.memory_space<vmem_shared>> -> memref<10112xf32, #tpu.memory_space<vmem_shared>>
        tpu.enqueue_indirect_dma source(%arg6 : memref<128xf32, #tpu.memory_space<vmem>>) target(%dma_start3A_65 : memref<10112xf32, #tpu.memory_space<vmem_shared>>) offsets(%dma_start3A_63 : memref<128xi32, #tpu.memory_space<vmem>>) semaphore(%run_scoped3A : memref<!tpu.dma_semaphore, #tpu.memory_space<semaphore_mem>>) {add = true}
        %dma_wait3A = arith.constant 0 : i32
        %dma_wait3A_66 = tpu.memref_slice %arg5[%scan3A_61, %dma_wait3A] : memref<80x128xi32, #tpu.memory_space<vmem>> -> memref<1x128xi32, #tpu.memory_space<vmem>>
        %dma_wait3A_67 = tpu.memref_squeeze %dma_wait3A_66 : memref<1x128xi32, #tpu.memory_space<vmem>> -> memref<128xi32, #tpu.memory_space<vmem>>
        %dma_wait3A_68 = arith.constant 0 : i32
        %dma_wait3A_69 = tpu.memref_slice %arg7[%dma_wait3A_68] : memref<10112xf32, #tpu.memory_space<vmem_shared>> -> memref<10112xf32, #tpu.memory_space<vmem_shared>>
        tpu.wait_indirect_dma semaphore(%run_scoped3A : memref<!tpu.dma_semaphore, #tpu.memory_space<semaphore_mem>>) src(%arg6 : memref<128xf32, #tpu.memory_space<vmem>>) dst(%dma_wait3A_69 : memref<10112xf32, #tpu.memory_space<vmem_shared>>)
        tpu.yield
      }) : () -> ()
    }
    %scan3A_55 = arith.constant 80 : i32
    %barrier3A_56 = arith.constant 0 : index
    tpu.barrier barrier_id(%barrier3A_56)
    %mul3A_57 = arith.constant 632 : i32
    %mul3A_58 = arith.muli %arg1, %mul3A_57 : i32
    %mul3A_59 = arith.constant 632 : i32
    %mul3A_60 = arith.muli %arg1, %mul3A_59 : i32
    "tpu.region"() ({
      %run_scoped3A = tpu.sem_alloc : memref<!tpu.dma_semaphore, #tpu.memory_space<semaphore_mem>>
      %dma_start3A = tpu.memref_slice %arg4[%arg0, %mul3A_60] : memref<2x10112xf32, #tpu.memory_space<hbm>> -> memref<1x632xf32, #tpu.memory_space<hbm>>
      %dma_start3A_61 = tpu.memref_squeeze %dma_start3A : memref<1x632xf32, #tpu.memory_space<hbm>> -> memref<632xf32, #tpu.memory_space<hbm>>
      %dma_start3A_62 = tpu.memref_slice %arg7[%mul3A_58] : memref<10112xf32, #tpu.memory_space<vmem_shared>> -> memref<632xf32, #tpu.memory_space<vmem_shared>>
      tpu.enqueue_dma source(%dma_start3A_62 : memref<632xf32, #tpu.memory_space<vmem_shared>>) target(%dma_start3A_61 : memref<632xf32, #tpu.memory_space<hbm>>) target_semaphore(%run_scoped3A : memref<!tpu.dma_semaphore, #tpu.memory_space<semaphore_mem>>)
      %dma_wait3A = tpu.memref_slice %arg4[%arg0, %mul3A_60] : memref<2x10112xf32, #tpu.memory_space<hbm>> -> memref<1x632xf32, #tpu.memory_space<hbm>>
      %dma_wait3A_63 = tpu.memref_squeeze %dma_wait3A : memref<1x632xf32, #tpu.memory_space<hbm>> -> memref<632xf32, #tpu.memory_space<hbm>>
      %dma_wait3A_64 = tpu.memref_slice %arg7[%mul3A_58] : memref<10112xf32, #tpu.memory_space<vmem_shared>> -> memref<632xf32, #tpu.memory_space<vmem_shared>>
      tpu.wait_dma2 semaphore(%run_scoped3A : memref<!tpu.dma_semaphore, #tpu.memory_space<semaphore_mem>>) src(%dma_wait3A_64 : memref<632xf32, #tpu.memory_space<vmem_shared>>) dst(%dma_wait3A_63 : memref<632xf32, #tpu.memory_space<hbm>>)
      tpu.yield
    }) : () -> ()
    return
  }
}

#map = affine_map<(d0, d1) -> (0, 0)>
#map1 = affine_map<(d0, d1) -> (0, 0, 0)>
module attributes {stable_mosaic.version = 14 : i64} {
  func.func @k(%arg0: i32, %arg1: i32, %arg2: memref<10112x16xf32, #tpu.memory_space<hbm>>, %arg3: memref<2560x128xi32, #tpu.memory_space<hbm>>, %arg4: memref<2560x128xi32, #tpu.memory_space<hbm>>, %arg5: memref<632x16xf32, #tpu.memory_space<hbm>>, %arg6: memref<2x10112x16xf32, #tpu.memory_space<hbm>>, %arg7: memref<80x128xi32, #tpu.memory_space<vmem>>, %arg8: memref<80x128xi32, #tpu.memory_space<vmem>>, %arg9: memref<2x8x128x16xf32, #tpu.memory_space<vmem>>, %arg10: memref<10112x16xf32, #tpu.memory_space<vmem_shared>>, %arg11: memref<10112x16xf32, #tpu.memory_space<vmem_shared>>, %arg12: memref<2x!tpu.dma_semaphore, #tpu.memory_space<semaphore_mem>>, %arg13: memref<2x!tpu.dma_semaphore, #tpu.memory_space<semaphore_mem>>) attributes {dimension_semantics = [#tpu.dimension_semantics<core_parallel>, #tpu.dimension_semantics<subcore_parallel>], iteration_bounds = array<i64: 2, 16>, scalar_prefetch = 0 : i64, scratch_operands = 7 : i64, tpu.core_type = #tpu.core_type<sc_vector_subcore>, window_params = [{transform_indices = #map}, {transform_indices = #map}, {transform_indices = #map}, {transform_indices = #map}, {transform_indices = #map1}]} {
    %mul3A = arith.constant 2 : i32
    %mul3A_0 = arith.muli %arg1, %mul3A : i32
    %add3A = arith.addi %mul3A_0, %arg0 : i32
    %mul3A_1 = arith.constant 80 : i32
    %mul3A_2 = arith.muli %add3A, %mul3A_1 : i32
    "tpu.region"() ({
      %run_scoped3A = tpu.sem_alloc : memref<!tpu.dma_semaphore, #tpu.memory_space<semaphore_mem>>
      %dma_start3A_152 = arith.constant 0 : i32
      %dma_start3A_153 = tpu.memref_slice %arg3[%mul3A_2, %dma_start3A_152] : memref<2560x128xi32, #tpu.memory_space<hbm>> -> memref<80x128xi32, #tpu.memory_space<hbm>>
      %dma_start3A_154 = arith.constant 0 : i32
      %dma_start3A_155 = tpu.memref_slice %arg3[%mul3A_2, %dma_start3A_154] : memref<2560x128xi32, #tpu.memory_space<hbm>> -> memref<80x128xi32, #tpu.memory_space<hbm>>
      tpu.enqueue_dma source(%dma_start3A_155 : memref<80x128xi32, #tpu.memory_space<hbm>>) target(%arg7 : memref<80x128xi32, #tpu.memory_space<vmem>>) target_semaphore(%run_scoped3A : memref<!tpu.dma_semaphore, #tpu.memory_space<semaphore_mem>>)
      %dma_wait3A = arith.constant 0 : i32
      %dma_wait3A_156 = tpu.memref_slice %arg3[%mul3A_2, %dma_wait3A] : memref<2560x128xi32, #tpu.memory_space<hbm>> -> memref<80x128xi32, #tpu.memory_space<hbm>>
      %dma_wait3A_157 = arith.constant 0 : i32
      %dma_wait3A_158 = tpu.memref_slice %arg3[%mul3A_2, %dma_wait3A_157] : memref<2560x128xi32, #tpu.memory_space<hbm>> -> memref<80x128xi32, #tpu.memory_space<hbm>>
      tpu.wait_dma2 semaphore(%run_scoped3A : memref<!tpu.dma_semaphore, #tpu.memory_space<semaphore_mem>>) src(%dma_wait3A_158 : memref<80x128xi32, #tpu.memory_space<hbm>>) dst(%arg7 : memref<80x128xi32, #tpu.memory_space<vmem>>)
      tpu.yield
    }) : () -> ()
    %mul3A_3 = arith.constant 80 : i32
    %mul3A_4 = arith.muli %add3A, %mul3A_3 : i32
    "tpu.region"() ({
      %run_scoped3A = tpu.sem_alloc : memref<!tpu.dma_semaphore, #tpu.memory_space<semaphore_mem>>
      %dma_start3A_152 = arith.constant 0 : i32
      %dma_start3A_153 = tpu.memref_slice %arg4[%mul3A_4, %dma_start3A_152] : memref<2560x128xi32, #tpu.memory_space<hbm>> -> memref<80x128xi32, #tpu.memory_space<hbm>>
      %dma_start3A_154 = arith.constant 0 : i32
      %dma_start3A_155 = tpu.memref_slice %arg4[%mul3A_4, %dma_start3A_154] : memref<2560x128xi32, #tpu.memory_space<hbm>> -> memref<80x128xi32, #tpu.memory_space<hbm>>
      tpu.enqueue_dma source(%dma_start3A_155 : memref<80x128xi32, #tpu.memory_space<hbm>>) target(%arg8 : memref<80x128xi32, #tpu.memory_space<vmem>>) target_semaphore(%run_scoped3A : memref<!tpu.dma_semaphore, #tpu.memory_space<semaphore_mem>>)
      %dma_wait3A = arith.constant 0 : i32
      %dma_wait3A_156 = tpu.memref_slice %arg4[%mul3A_4, %dma_wait3A] : memref<2560x128xi32, #tpu.memory_space<hbm>> -> memref<80x128xi32, #tpu.memory_space<hbm>>
      %dma_wait3A_157 = arith.constant 0 : i32
      %dma_wait3A_158 = tpu.memref_slice %arg4[%mul3A_4, %dma_wait3A_157] : memref<2560x128xi32, #tpu.memory_space<hbm>> -> memref<80x128xi32, #tpu.memory_space<hbm>>
      tpu.wait_dma2 semaphore(%run_scoped3A : memref<!tpu.dma_semaphore, #tpu.memory_space<semaphore_mem>>) src(%dma_wait3A_158 : memref<80x128xi32, #tpu.memory_space<hbm>>) dst(%arg8 : memref<80x128xi32, #tpu.memory_space<vmem>>)
      tpu.yield
    }) : () -> ()
    %eq3A = arith.constant 0 : i32
    %eq3A_5 = arith.cmpi eq, %arg0, %eq3A : i32
    %convert_element_type3A = arith.extui %eq3A_5 : i1 to i32
    %cond3A = arith.constant 0 : i32
    %cond3A_6 = arith.cmpi ne, %convert_element_type3A, %cond3A : i32
    scf.if %cond3A_6 {
      %mul3A_152 = arith.constant 632 : i32
      %mul3A_153 = arith.muli %arg1, %mul3A_152 : i32
      %mul3A_154 = arith.constant 632 : i32
      %mul3A_155 = arith.muli %arg1, %mul3A_154 : i32
      "tpu.region"() ({
        %run_scoped3A = tpu.sem_alloc : memref<!tpu.dma_semaphore, #tpu.memory_space<semaphore_mem>>
        %dma_start3A_156 = arith.constant 0 : i32
        %dma_start3A_157 = tpu.memref_slice %arg10[%mul3A_155, %dma_start3A_156] : memref<10112x16xf32, #tpu.memory_space<vmem_shared>> -> memref<632x16xf32, #tpu.memory_space<vmem_shared>>
        %dma_start3A_158 = arith.constant 0 : i32
        %dma_start3A_159 = tpu.memref_slice %arg2[%mul3A_153, %dma_start3A_158] : memref<10112x16xf32, #tpu.memory_space<hbm>> -> memref<632x16xf32, #tpu.memory_space<hbm>>
        tpu.enqueue_dma source(%dma_start3A_159 : memref<632x16xf32, #tpu.memory_space<hbm>>) target(%dma_start3A_157 : memref<632x16xf32, #tpu.memory_space<vmem_shared>>) target_semaphore(%run_scoped3A : memref<!tpu.dma_semaphore, #tpu.memory_space<semaphore_mem>>)
        %dma_wait3A = arith.constant 0 : i32
        %dma_wait3A_160 = tpu.memref_slice %arg10[%mul3A_155, %dma_wait3A] : memref<10112x16xf32, #tpu.memory_space<vmem_shared>> -> memref<632x16xf32, #tpu.memory_space<vmem_shared>>
        %dma_wait3A_161 = arith.constant 0 : i32
        %dma_wait3A_162 = tpu.memref_slice %arg2[%mul3A_153, %dma_wait3A_161] : memref<10112x16xf32, #tpu.memory_space<hbm>> -> memref<632x16xf32, #tpu.memory_space<hbm>>
        tpu.wait_dma2 semaphore(%run_scoped3A : memref<!tpu.dma_semaphore, #tpu.memory_space<semaphore_mem>>) src(%dma_wait3A_162 : memref<632x16xf32, #tpu.memory_space<hbm>>) dst(%dma_wait3A_160 : memref<632x16xf32, #tpu.memory_space<vmem_shared>>)
        tpu.yield
      }) : () -> ()
    } else {
    }
    %ne3A = arith.constant 0 : i32
    %ne3A_7 = arith.cmpi ne, %arg0, %ne3A : i32
    %convert_element_type3A_8 = arith.extui %ne3A_7 : i1 to i32
    %cond3A_9 = arith.constant 0 : i32
    %cond3A_10 = arith.cmpi ne, %convert_element_type3A_8, %cond3A_9 : i32
    scf.if %cond3A_10 {
      %mul3A_152 = arith.constant 632 : i32
      %mul3A_153 = arith.muli %arg1, %mul3A_152 : i32
      "tpu.region"() ({
        %run_scoped3A = tpu.sem_alloc : memref<!tpu.dma_semaphore, #tpu.memory_space<semaphore_mem>>
        %dma_start3A_154 = arith.constant 0 : i32
        %dma_start3A_155 = tpu.memref_slice %arg10[%mul3A_153, %dma_start3A_154] : memref<10112x16xf32, #tpu.memory_space<vmem_shared>> -> memref<632x16xf32, #tpu.memory_space<vmem_shared>>
        tpu.enqueue_dma source(%arg5 : memref<632x16xf32, #tpu.memory_space<hbm>>) target(%dma_start3A_155 : memref<632x16xf32, #tpu.memory_space<vmem_shared>>) target_semaphore(%run_scoped3A : memref<!tpu.dma_semaphore, #tpu.memory_space<semaphore_mem>>)
        %dma_wait3A = arith.constant 0 : i32
        %dma_wait3A_156 = tpu.memref_slice %arg10[%mul3A_153, %dma_wait3A] : memref<10112x16xf32, #tpu.memory_space<vmem_shared>> -> memref<632x16xf32, #tpu.memory_space<vmem_shared>>
        tpu.wait_dma2 semaphore(%run_scoped3A : memref<!tpu.dma_semaphore, #tpu.memory_space<semaphore_mem>>) src(%arg5 : memref<632x16xf32, #tpu.memory_space<hbm>>) dst(%dma_wait3A_156 : memref<632x16xf32, #tpu.memory_space<vmem_shared>>)
        tpu.yield
      }) : () -> ()
    } else {
    }
    %mul3A_11 = arith.constant 632 : i32
    %mul3A_12 = arith.muli %arg1, %mul3A_11 : i32
    %mul3A_13 = arith.constant 632 : i32
    %mul3A_14 = arith.muli %arg1, %mul3A_13 : i32
    "tpu.region"() ({
      %run_scoped3A = tpu.sem_alloc : memref<!tpu.dma_semaphore, #tpu.memory_space<semaphore_mem>>
      %dma_start3A_152 = arith.constant 0 : i32
      %dma_start3A_153 = tpu.memref_slice %arg11[%mul3A_14, %dma_start3A_152] : memref<10112x16xf32, #tpu.memory_space<vmem_shared>> -> memref<632x16xf32, #tpu.memory_space<vmem_shared>>
      %dma_start3A_154 = arith.constant 0 : i32
      %dma_start3A_155 = tpu.memref_slice %arg2[%mul3A_12, %dma_start3A_154] : memref<10112x16xf32, #tpu.memory_space<hbm>> -> memref<632x16xf32, #tpu.memory_space<hbm>>
      tpu.enqueue_dma source(%dma_start3A_155 : memref<632x16xf32, #tpu.memory_space<hbm>>) target(%dma_start3A_153 : memref<632x16xf32, #tpu.memory_space<vmem_shared>>) target_semaphore(%run_scoped3A : memref<!tpu.dma_semaphore, #tpu.memory_space<semaphore_mem>>)
      %dma_wait3A = arith.constant 0 : i32
      %dma_wait3A_156 = tpu.memref_slice %arg11[%mul3A_14, %dma_wait3A] : memref<10112x16xf32, #tpu.memory_space<vmem_shared>> -> memref<632x16xf32, #tpu.memory_space<vmem_shared>>
      %dma_wait3A_157 = arith.constant 0 : i32
      %dma_wait3A_158 = tpu.memref_slice %arg2[%mul3A_12, %dma_wait3A_157] : memref<10112x16xf32, #tpu.memory_space<hbm>> -> memref<632x16xf32, #tpu.memory_space<hbm>>
      tpu.wait_dma2 semaphore(%run_scoped3A : memref<!tpu.dma_semaphore, #tpu.memory_space<semaphore_mem>>) src(%dma_wait3A_158 : memref<632x16xf32, #tpu.memory_space<hbm>>) dst(%dma_wait3A_156 : memref<632x16xf32, #tpu.memory_space<vmem_shared>>)
      tpu.yield
    }) : () -> ()
    %barrier3A = arith.constant 0 : index
    tpu.barrier barrier_id(%barrier3A)
    %dma_start3A = arith.constant 0 : i32
    %dma_start3A_15 = arith.constant 0 : i32
    %dma_start3A_16 = arith.constant 0 : i32
    %dma_start3A_17 = arith.constant 0 : i32
    %dma_start3A_18 = arith.constant 0 : i32
    %dma_start3A_19 = arith.constant 0 : i32
    %dma_start3A_20 = tpu.memref_slice %arg9[%dma_start3A_15, %dma_start3A_16, %dma_start3A_18, %dma_start3A_19] : memref<2x8x128x16xf32, #tpu.memory_space<vmem>> -> memref<1x1x128x16xf32, #tpu.memory_space<vmem>>
    %dma_start3A_21 = tpu.memref_squeeze %dma_start3A_20 : memref<1x1x128x16xf32, #tpu.memory_space<vmem>> -> memref<128x16xf32, #tpu.memory_space<vmem>>
    %dma_start3A_22 = arith.constant 0 : i32
    %dma_start3A_23 = tpu.memref_slice %arg7[%dma_start3A, %dma_start3A_22] : memref<80x128xi32, #tpu.memory_space<vmem>> -> memref<1x128xi32, #tpu.memory_space<vmem>>
    %dma_start3A_24 = tpu.memref_squeeze %dma_start3A_23 : memref<1x128xi32, #tpu.memory_space<vmem>> -> memref<128xi32, #tpu.memory_space<vmem>>
    %dma_start3A_25 = arith.constant 0 : i32
    %dma_start3A_26 = arith.constant 0 : i32
    %dma_start3A_27 = tpu.memref_slice %arg11[%dma_start3A_25, %dma_start3A_26] : memref<10112x16xf32, #tpu.memory_space<vmem_shared>> -> memref<10112x16xf32, #tpu.memory_space<vmem_shared>>
    %dma_start3A_28 = tpu.memref_slice %arg12[%dma_start3A_17] : memref<2x!tpu.dma_semaphore, #tpu.memory_space<semaphore_mem>> -> memref<1x!tpu.dma_semaphore, #tpu.memory_space<semaphore_mem>>
    %dma_start3A_29 = tpu.memref_squeeze %dma_start3A_28 : memref<1x!tpu.dma_semaphore, #tpu.memory_space<semaphore_mem>> -> memref<!tpu.dma_semaphore, #tpu.memory_space<semaphore_mem>>
    tpu.enqueue_indirect_dma source(%dma_start3A_27 : memref<10112x16xf32, #tpu.memory_space<vmem_shared>>) target(%dma_start3A_21 : memref<128x16xf32, #tpu.memory_space<vmem>>) offsets(%dma_start3A_24 : memref<128xi32, #tpu.memory_space<vmem>>) semaphore(%dma_start3A_29 : memref<!tpu.dma_semaphore, #tpu.memory_space<semaphore_mem>>)
    %dma_start3A_30 = arith.constant 1 : i32
    %dma_start3A_31 = arith.constant 0 : i32
    %dma_start3A_32 = arith.constant 1 : i32
    %dma_start3A_33 = arith.constant 0 : i32
    %dma_start3A_34 = arith.constant 0 : i32
    %dma_start3A_35 = arith.constant 0 : i32
    %dma_start3A_36 = tpu.memref_slice %arg9[%dma_start3A_31, %dma_start3A_32, %dma_start3A_34, %dma_start3A_35] : memref<2x8x128x16xf32, #tpu.memory_space<vmem>> -> memref<1x1x128x16xf32, #tpu.memory_space<vmem>>
    %dma_start3A_37 = tpu.memref_squeeze %dma_start3A_36 : memref<1x1x128x16xf32, #tpu.memory_space<vmem>> -> memref<128x16xf32, #tpu.memory_space<vmem>>
    %dma_start3A_38 = arith.constant 0 : i32
    %dma_start3A_39 = tpu.memref_slice %arg7[%dma_start3A_30, %dma_start3A_38] : memref<80x128xi32, #tpu.memory_space<vmem>> -> memref<1x128xi32, #tpu.memory_space<vmem>>
    %dma_start3A_40 = tpu.memref_squeeze %dma_start3A_39 : memref<1x128xi32, #tpu.memory_space<vmem>> -> memref<128xi32, #tpu.memory_space<vmem>>
    %dma_start3A_41 = arith.constant 0 : i32
    %dma_start3A_42 = arith.constant 0 : i32
    %dma_start3A_43 = tpu.memref_slice %arg11[%dma_start3A_41, %dma_start3A_42] : memref<10112x16xf32, #tpu.memory_space<vmem_shared>> -> memref<10112x16xf32, #tpu.memory_space<vmem_shared>>
    %dma_start3A_44 = tpu.memref_slice %arg12[%dma_start3A_33] : memref<2x!tpu.dma_semaphore, #tpu.memory_space<semaphore_mem>> -> memref<1x!tpu.dma_semaphore, #tpu.memory_space<semaphore_mem>>
    %dma_start3A_45 = tpu.memref_squeeze %dma_start3A_44 : memref<1x!tpu.dma_semaphore, #tpu.memory_space<semaphore_mem>> -> memref<!tpu.dma_semaphore, #tpu.memory_space<semaphore_mem>>
    tpu.enqueue_indirect_dma source(%dma_start3A_43 : memref<10112x16xf32, #tpu.memory_space<vmem_shared>>) target(%dma_start3A_37 : memref<128x16xf32, #tpu.memory_space<vmem>>) offsets(%dma_start3A_40 : memref<128xi32, #tpu.memory_space<vmem>>) semaphore(%dma_start3A_45 : memref<!tpu.dma_semaphore, #tpu.memory_space<semaphore_mem>>)
    %dma_start3A_46 = arith.constant 2 : i32
    %dma_start3A_47 = arith.constant 0 : i32
    %dma_start3A_48 = arith.constant 2 : i32
    %dma_start3A_49 = arith.constant 0 : i32
    %dma_start3A_50 = arith.constant 0 : i32
    %dma_start3A_51 = arith.constant 0 : i32
    %dma_start3A_52 = tpu.memref_slice %arg9[%dma_start3A_47, %dma_start3A_48, %dma_start3A_50, %dma_start3A_51] : memref<2x8x128x16xf32, #tpu.memory_space<vmem>> -> memref<1x1x128x16xf32, #tpu.memory_space<vmem>>
    %dma_start3A_53 = tpu.memref_squeeze %dma_start3A_52 : memref<1x1x128x16xf32, #tpu.memory_space<vmem>> -> memref<128x16xf32, #tpu.memory_space<vmem>>
    %dma_start3A_54 = arith.constant 0 : i32
    %dma_start3A_55 = tpu.memref_slice %arg7[%dma_start3A_46, %dma_start3A_54] : memref<80x128xi32, #tpu.memory_space<vmem>> -> memref<1x128xi32, #tpu.memory_space<vmem>>
    %dma_start3A_56 = tpu.memref_squeeze %dma_start3A_55 : memref<1x128xi32, #tpu.memory_space<vmem>> -> memref<128xi32, #tpu.memory_space<vmem>>
    %dma_start3A_57 = arith.constant 0 : i32
    %dma_start3A_58 = arith.constant 0 : i32
    %dma_start3A_59 = tpu.memref_slice %arg11[%dma_start3A_57, %dma_start3A_58] : memref<10112x16xf32, #tpu.memory_space<vmem_shared>> -> memref<10112x16xf32, #tpu.memory_space<vmem_shared>>
    %dma_start3A_60 = tpu.memref_slice %arg12[%dma_start3A_49] : memref<2x!tpu.dma_semaphore, #tpu.memory_space<semaphore_mem>> -> memref<1x!tpu.dma_semaphore, #tpu.memory_space<semaphore_mem>>
    %dma_start3A_61 = tpu.memref_squeeze %dma_start3A_60 : memref<1x!tpu.dma_semaphore, #tpu.memory_space<semaphore_mem>> -> memref<!tpu.dma_semaphore, #tpu.memory_space<semaphore_mem>>
    tpu.enqueue_indirect_dma source(%dma_start3A_59 : memref<10112x16xf32, #tpu.memory_space<vmem_shared>>) target(%dma_start3A_53 : memref<128x16xf32, #tpu.memory_space<vmem>>) offsets(%dma_start3A_56 : memref<128xi32, #tpu.memory_space<vmem>>) semaphore(%dma_start3A_61 : memref<!tpu.dma_semaphore, #tpu.memory_space<semaphore_mem>>)
    %dma_start3A_62 = arith.constant 3 : i32
    %dma_start3A_63 = arith.constant 0 : i32
    %dma_start3A_64 = arith.constant 3 : i32
    %dma_start3A_65 = arith.constant 0 : i32
    %dma_start3A_66 = arith.constant 0 : i32
    %dma_start3A_67 = arith.constant 0 : i32
    %dma_start3A_68 = tpu.memref_slice %arg9[%dma_start3A_63, %dma_start3A_64, %dma_start3A_66, %dma_start3A_67] : memref<2x8x128x16xf32, #tpu.memory_space<vmem>> -> memref<1x1x128x16xf32, #tpu.memory_space<vmem>>
    %dma_start3A_69 = tpu.memref_squeeze %dma_start3A_68 : memref<1x1x128x16xf32, #tpu.memory_space<vmem>> -> memref<128x16xf32, #tpu.memory_space<vmem>>
    %dma_start3A_70 = arith.constant 0 : i32
    %dma_start3A_71 = tpu.memref_slice %arg7[%dma_start3A_62, %dma_start3A_70] : memref<80x128xi32, #tpu.memory_space<vmem>> -> memref<1x128xi32, #tpu.memory_space<vmem>>
    %dma_start3A_72 = tpu.memref_squeeze %dma_start3A_71 : memref<1x128xi32, #tpu.memory_space<vmem>> -> memref<128xi32, #tpu.memory_space<vmem>>
    %dma_start3A_73 = arith.constant 0 : i32
    %dma_start3A_74 = arith.constant 0 : i32
    %dma_start3A_75 = tpu.memref_slice %arg11[%dma_start3A_73, %dma_start3A_74] : memref<10112x16xf32, #tpu.memory_space<vmem_shared>> -> memref<10112x16xf32, #tpu.memory_space<vmem_shared>>
    %dma_start3A_76 = tpu.memref_slice %arg12[%dma_start3A_65] : memref<2x!tpu.dma_semaphore, #tpu.memory_space<semaphore_mem>> -> memref<1x!tpu.dma_semaphore, #tpu.memory_space<semaphore_mem>>
    %dma_start3A_77 = tpu.memref_squeeze %dma_start3A_76 : memref<1x!tpu.dma_semaphore, #tpu.memory_space<semaphore_mem>> -> memref<!tpu.dma_semaphore, #tpu.memory_space<semaphore_mem>>
    tpu.enqueue_indirect_dma source(%dma_start3A_75 : memref<10112x16xf32, #tpu.memory_space<vmem_shared>>) target(%dma_start3A_69 : memref<128x16xf32, #tpu.memory_space<vmem>>) offsets(%dma_start3A_72 : memref<128xi32, #tpu.memory_space<vmem>>) semaphore(%dma_start3A_77 : memref<!tpu.dma_semaphore, #tpu.memory_space<semaphore_mem>>)
    %dma_start3A_78 = arith.constant 4 : i32
    %dma_start3A_79 = arith.constant 0 : i32
    %dma_start3A_80 = arith.constant 4 : i32
    %dma_start3A_81 = arith.constant 0 : i32
    %dma_start3A_82 = arith.constant 0 : i32
    %dma_start3A_83 = arith.constant 0 : i32
    %dma_start3A_84 = tpu.memref_slice %arg9[%dma_start3A_79, %dma_start3A_80, %dma_start3A_82, %dma_start3A_83] : memref<2x8x128x16xf32, #tpu.memory_space<vmem>> -> memref<1x1x128x16xf32, #tpu.memory_space<vmem>>
    %dma_start3A_85 = tpu.memref_squeeze %dma_start3A_84 : memref<1x1x128x16xf32, #tpu.memory_space<vmem>> -> memref<128x16xf32, #tpu.memory_space<vmem>>
    %dma_start3A_86 = arith.constant 0 : i32
    %dma_start3A_87 = tpu.memref_slice %arg7[%dma_start3A_78, %dma_start3A_86] : memref<80x128xi32, #tpu.memory_space<vmem>> -> memref<1x128xi32, #tpu.memory_space<vmem>>
    %dma_start3A_88 = tpu.memref_squeeze %dma_start3A_87 : memref<1x128xi32, #tpu.memory_space<vmem>> -> memref<128xi32, #tpu.memory_space<vmem>>
    %dma_start3A_89 = arith.constant 0 : i32
    %dma_start3A_90 = arith.constant 0 : i32
    %dma_start3A_91 = tpu.memref_slice %arg11[%dma_start3A_89, %dma_start3A_90] : memref<10112x16xf32, #tpu.memory_space<vmem_shared>> -> memref<10112x16xf32, #tpu.memory_space<vmem_shared>>
    %dma_start3A_92 = tpu.memref_slice %arg12[%dma_start3A_81] : memref<2x!tpu.dma_semaphore, #tpu.memory_space<semaphore_mem>> -> memref<1x!tpu.dma_semaphore, #tpu.memory_space<semaphore_mem>>
    %dma_start3A_93 = tpu.memref_squeeze %dma_start3A_92 : memref<1x!tpu.dma_semaphore, #tpu.memory_space<semaphore_mem>> -> memref<!tpu.dma_semaphore, #tpu.memory_space<semaphore_mem>>
    tpu.enqueue_indirect_dma source(%dma_start3A_91 : memref<10112x16xf32, #tpu.memory_space<vmem_shared>>) target(%dma_start3A_85 : memref<128x16xf32, #tpu.memory_space<vmem>>) offsets(%dma_start3A_88 : memref<128xi32, #tpu.memory_space<vmem>>) semaphore(%dma_start3A_93 : memref<!tpu.dma_semaphore, #tpu.memory_space<semaphore_mem>>)
    %dma_start3A_94 = arith.constant 5 : i32
    %dma_start3A_95 = arith.constant 0 : i32
    %dma_start3A_96 = arith.constant 5 : i32
    %dma_start3A_97 = arith.constant 0 : i32
    %dma_start3A_98 = arith.constant 0 : i32
    %dma_start3A_99 = arith.constant 0 : i32
    %dma_start3A_100 = tpu.memref_slice %arg9[%dma_start3A_95, %dma_start3A_96, %dma_start3A_98, %dma_start3A_99] : memref<2x8x128x16xf32, #tpu.memory_space<vmem>> -> memref<1x1x128x16xf32, #tpu.memory_space<vmem>>
    %dma_start3A_101 = tpu.memref_squeeze %dma_start3A_100 : memref<1x1x128x16xf32, #tpu.memory_space<vmem>> -> memref<128x16xf32, #tpu.memory_space<vmem>>
    %dma_start3A_102 = arith.constant 0 : i32
    %dma_start3A_103 = tpu.memref_slice %arg7[%dma_start3A_94, %dma_start3A_102] : memref<80x128xi32, #tpu.memory_space<vmem>> -> memref<1x128xi32, #tpu.memory_space<vmem>>
    %dma_start3A_104 = tpu.memref_squeeze %dma_start3A_103 : memref<1x128xi32, #tpu.memory_space<vmem>> -> memref<128xi32, #tpu.memory_space<vmem>>
    %dma_start3A_105 = arith.constant 0 : i32
    %dma_start3A_106 = arith.constant 0 : i32
    %dma_start3A_107 = tpu.memref_slice %arg11[%dma_start3A_105, %dma_start3A_106] : memref<10112x16xf32, #tpu.memory_space<vmem_shared>> -> memref<10112x16xf32, #tpu.memory_space<vmem_shared>>
    %dma_start3A_108 = tpu.memref_slice %arg12[%dma_start3A_97] : memref<2x!tpu.dma_semaphore, #tpu.memory_space<semaphore_mem>> -> memref<1x!tpu.dma_semaphore, #tpu.memory_space<semaphore_mem>>
    %dma_start3A_109 = tpu.memref_squeeze %dma_start3A_108 : memref<1x!tpu.dma_semaphore, #tpu.memory_space<semaphore_mem>> -> memref<!tpu.dma_semaphore, #tpu.memory_space<semaphore_mem>>
    tpu.enqueue_indirect_dma source(%dma_start3A_107 : memref<10112x16xf32, #tpu.memory_space<vmem_shared>>) target(%dma_start3A_101 : memref<128x16xf32, #tpu.memory_space<vmem>>) offsets(%dma_start3A_104 : memref<128xi32, #tpu.memory_space<vmem>>) semaphore(%dma_start3A_109 : memref<!tpu.dma_semaphore, #tpu.memory_space<semaphore_mem>>)
    %dma_start3A_110 = arith.constant 6 : i32
    %dma_start3A_111 = arith.constant 0 : i32
    %dma_start3A_112 = arith.constant 6 : i32
    %dma_start3A_113 = arith.constant 0 : i32
    %dma_start3A_114 = arith.constant 0 : i32
    %dma_start3A_115 = arith.constant 0 : i32
    %dma_start3A_116 = tpu.memref_slice %arg9[%dma_start3A_111, %dma_start3A_112, %dma_start3A_114, %dma_start3A_115] : memref<2x8x128x16xf32, #tpu.memory_space<vmem>> -> memref<1x1x128x16xf32, #tpu.memory_space<vmem>>
    %dma_start3A_117 = tpu.memref_squeeze %dma_start3A_116 : memref<1x1x128x16xf32, #tpu.memory_space<vmem>> -> memref<128x16xf32, #tpu.memory_space<vmem>>
    %dma_start3A_118 = arith.constant 0 : i32
    %dma_start3A_119 = tpu.memref_slice %arg7[%dma_start3A_110, %dma_start3A_118] : memref<80x128xi32, #tpu.memory_space<vmem>> -> memref<1x128xi32, #tpu.memory_space<vmem>>
    %dma_start3A_120 = tpu.memref_squeeze %dma_start3A_119 : memref<1x128xi32, #tpu.memory_space<vmem>> -> memref<128xi32, #tpu.memory_space<vmem>>
    %dma_start3A_121 = arith.constant 0 : i32
    %dma_start3A_122 = arith.constant 0 : i32
    %dma_start3A_123 = tpu.memref_slice %arg11[%dma_start3A_121, %dma_start3A_122] : memref<10112x16xf32, #tpu.memory_space<vmem_shared>> -> memref<10112x16xf32, #tpu.memory_space<vmem_shared>>
    %dma_start3A_124 = tpu.memref_slice %arg12[%dma_start3A_113] : memref<2x!tpu.dma_semaphore, #tpu.memory_space<semaphore_mem>> -> memref<1x!tpu.dma_semaphore, #tpu.memory_space<semaphore_mem>>
    %dma_start3A_125 = tpu.memref_squeeze %dma_start3A_124 : memref<1x!tpu.dma_semaphore, #tpu.memory_space<semaphore_mem>> -> memref<!tpu.dma_semaphore, #tpu.memory_space<semaphore_mem>>
    tpu.enqueue_indirect_dma source(%dma_start3A_123 : memref<10112x16xf32, #tpu.memory_space<vmem_shared>>) target(%dma_start3A_117 : memref<128x16xf32, #tpu.memory_space<vmem>>) offsets(%dma_start3A_120 : memref<128xi32, #tpu.memory_space<vmem>>) semaphore(%dma_start3A_125 : memref<!tpu.dma_semaphore, #tpu.memory_space<semaphore_mem>>)
    %dma_start3A_126 = arith.constant 7 : i32
    %dma_start3A_127 = arith.constant 0 : i32
    %dma_start3A_128 = arith.constant 7 : i32
    %dma_start3A_129 = arith.constant 0 : i32
    %dma_start3A_130 = arith.constant 0 : i32
    %dma_start3A_131 = arith.constant 0 : i32
    %dma_start3A_132 = tpu.memref_slice %arg9[%dma_start3A_127, %dma_start3A_128, %dma_start3A_130, %dma_start3A_131] : memref<2x8x128x16xf32, #tpu.memory_space<vmem>> -> memref<1x1x128x16xf32, #tpu.memory_space<vmem>>
    %dma_start3A_133 = tpu.memref_squeeze %dma_start3A_132 : memref<1x1x128x16xf32, #tpu.memory_space<vmem>> -> memref<128x16xf32, #tpu.memory_space<vmem>>
    %dma_start3A_134 = arith.constant 0 : i32
    %dma_start3A_135 = tpu.memref_slice %arg7[%dma_start3A_126, %dma_start3A_134] : memref<80x128xi32, #tpu.memory_space<vmem>> -> memref<1x128xi32, #tpu.memory_space<vmem>>
    %dma_start3A_136 = tpu.memref_squeeze %dma_start3A_135 : memref<1x128xi32, #tpu.memory_space<vmem>> -> memref<128xi32, #tpu.memory_space<vmem>>
    %dma_start3A_137 = arith.constant 0 : i32
    %dma_start3A_138 = arith.constant 0 : i32
    %dma_start3A_139 = tpu.memref_slice %arg11[%dma_start3A_137, %dma_start3A_138] : memref<10112x16xf32, #tpu.memory_space<vmem_shared>> -> memref<10112x16xf32, #tpu.memory_space<vmem_shared>>
    %dma_start3A_140 = tpu.memref_slice %arg12[%dma_start3A_129] : memref<2x!tpu.dma_semaphore, #tpu.memory_space<semaphore_mem>> -> memref<1x!tpu.dma_semaphore, #tpu.memory_space<semaphore_mem>>
    %dma_start3A_141 = tpu.memref_squeeze %dma_start3A_140 : memref<1x!tpu.dma_semaphore, #tpu.memory_space<semaphore_mem>> -> memref<!tpu.dma_semaphore, #tpu.memory_space<semaphore_mem>>
    tpu.enqueue_indirect_dma source(%dma_start3A_139 : memref<10112x16xf32, #tpu.memory_space<vmem_shared>>) target(%dma_start3A_133 : memref<128x16xf32, #tpu.memory_space<vmem>>) offsets(%dma_start3A_136 : memref<128xi32, #tpu.memory_space<vmem>>) semaphore(%dma_start3A_141 : memref<!tpu.dma_semaphore, #tpu.memory_space<semaphore_mem>>)
    %scan3A = arith.constant 0 : i32
    %scan3A_142 = arith.constant 0 : i32
    %scan3A_143 = arith.constant 5 : i32
    %scan3A_144 = arith.addi %scan3A_142, %scan3A_143 : i32
    %scan3A_145 = arith.constant 1 : i32
    scf.for %scan3A_152 = %scan3A_142 to %scan3A_144 step %scan3A_145  : i32 {
      %mul3A_153 = arith.constant 2 : i32
      %mul3A_154 = arith.muli %mul3A_153, %scan3A_152 : i32
      %mul3A_155 = arith.constant 2 : i32
      %mul3A_156 = arith.muli %mul3A_155, %scan3A_152 : i32
      %add3A_157 = arith.constant 1 : i32
      %add3A_158 = arith.addi %mul3A_156, %add3A_157 : i32
      %mul3A_159 = arith.constant 8 : i32
      %mul3A_160 = arith.muli %mul3A_154, %mul3A_159 : i32
      %add3A_161 = arith.constant 0 : i32
      %add3A_162 = arith.addi %mul3A_160, %add3A_161 : i32
      %dma_wait3A = arith.constant 0 : i32
      %dma_wait3A_163 = arith.constant 0 : i32
      %dma_wait3A_164 = arith.constant 0 : i32
      %dma_wait3A_165 = arith.constant 0 : i32
      %dma_wait3A_166 = arith.constant 0 : i32
      %dma_wait3A_167 = tpu.memref_slice %arg9[%dma_wait3A, %dma_wait3A_163, %dma_wait3A_165, %dma_wait3A_166] : memref<2x8x128x16xf32, #tpu.memory_space<vmem>> -> memref<1x1x128x16xf32, #tpu.memory_space<vmem>>
      %dma_wait3A_168 = tpu.memref_squeeze %dma_wait3A_167 : memref<1x1x128x16xf32, #tpu.memory_space<vmem>> -> memref<128x16xf32, #tpu.memory_space<vmem>>
      %dma_wait3A_169 = arith.constant 0 : i32
      %dma_wait3A_170 = tpu.memref_slice %arg7[%add3A_162, %dma_wait3A_169] : memref<80x128xi32, #tpu.memory_space<vmem>> -> memref<1x128xi32, #tpu.memory_space<vmem>>
      %dma_wait3A_171 = tpu.memref_squeeze %dma_wait3A_170 : memref<1x128xi32, #tpu.memory_space<vmem>> -> memref<128xi32, #tpu.memory_space<vmem>>
      %dma_wait3A_172 = arith.constant 0 : i32
      %dma_wait3A_173 = arith.constant 0 : i32
      %dma_wait3A_174 = tpu.memref_slice %arg11[%dma_wait3A_172, %dma_wait3A_173] : memref<10112x16xf32, #tpu.memory_space<vmem_shared>> -> memref<10112x16xf32, #tpu.memory_space<vmem_shared>>
      %dma_wait3A_175 = tpu.memref_slice %arg12[%dma_wait3A_164] : memref<2x!tpu.dma_semaphore, #tpu.memory_space<semaphore_mem>> -> memref<1x!tpu.dma_semaphore, #tpu.memory_space<semaphore_mem>>
      %dma_wait3A_176 = tpu.memref_squeeze %dma_wait3A_175 : memref<1x!tpu.dma_semaphore, #tpu.memory_space<semaphore_mem>> -> memref<!tpu.dma_semaphore, #tpu.memory_space<semaphore_mem>>
      tpu.wait_indirect_dma semaphore(%dma_wait3A_176 : memref<!tpu.dma_semaphore, #tpu.memory_space<semaphore_mem>>) src(%dma_wait3A_174 : memref<10112x16xf32, #tpu.memory_space<vmem_shared>>) dst(%dma_wait3A_168 : memref<128x16xf32, #tpu.memory_space<vmem>>)
      %mul3A_177 = arith.constant 8 : i32
      %mul3A_178 = arith.muli %mul3A_154, %mul3A_177 : i32
      %add3A_179 = arith.constant 1 : i32
      %add3A_180 = arith.addi %mul3A_178, %add3A_179 : i32
      %dma_wait3A_181 = arith.constant 0 : i32
      %dma_wait3A_182 = arith.constant 1 : i32
      %dma_wait3A_183 = arith.constant 0 : i32
      %dma_wait3A_184 = arith.constant 0 : i32
      %dma_wait3A_185 = arith.constant 0 : i32
      %dma_wait3A_186 = tpu.memref_slice %arg9[%dma_wait3A_181, %dma_wait3A_182, %dma_wait3A_184, %dma_wait3A_185] : memref<2x8x128x16xf32, #tpu.memory_space<vmem>> -> memref<1x1x128x16xf32, #tpu.memory_space<vmem>>
      %dma_wait3A_187 = tpu.memref_squeeze %dma_wait3A_186 : memref<1x1x128x16xf32, #tpu.memory_space<vmem>> -> memref<128x16xf32, #tpu.memory_space<vmem>>
      %dma_wait3A_188 = arith.constant 0 : i32
      %dma_wait3A_189 = tpu.memref_slice %arg7[%add3A_180, %dma_wait3A_188] : memref<80x128xi32, #tpu.memory_space<vmem>> -> memref<1x128xi32, #tpu.memory_space<vmem>>
      %dma_wait3A_190 = tpu.memref_squeeze %dma_wait3A_189 : memref<1x128xi32, #tpu.memory_space<vmem>> -> memref<128xi32, #tpu.memory_space<vmem>>
      %dma_wait3A_191 = arith.constant 0 : i32
      %dma_wait3A_192 = arith.constant 0 : i32
      %dma_wait3A_193 = tpu.memref_slice %arg11[%dma_wait3A_191, %dma_wait3A_192] : memref<10112x16xf32, #tpu.memory_space<vmem_shared>> -> memref<10112x16xf32, #tpu.memory_space<vmem_shared>>
      %dma_wait3A_194 = tpu.memref_slice %arg12[%dma_wait3A_183] : memref<2x!tpu.dma_semaphore, #tpu.memory_space<semaphore_mem>> -> memref<1x!tpu.dma_semaphore, #tpu.memory_space<semaphore_mem>>
      %dma_wait3A_195 = tpu.memref_squeeze %dma_wait3A_194 : memref<1x!tpu.dma_semaphore, #tpu.memory_space<semaphore_mem>> -> memref<!tpu.dma_semaphore, #tpu.memory_space<semaphore_mem>>
      tpu.wait_indirect_dma semaphore(%dma_wait3A_195 : memref<!tpu.dma_semaphore, #tpu.memory_space<semaphore_mem>>) src(%dma_wait3A_193 : memref<10112x16xf32, #tpu.memory_space<vmem_shared>>) dst(%dma_wait3A_187 : memref<128x16xf32, #tpu.memory_space<vmem>>)
      %mul3A_196 = arith.constant 8 : i32
      %mul3A_197 = arith.muli %mul3A_154, %mul3A_196 : i32
      %add3A_198 = arith.constant 2 : i32
      %add3A_199 = arith.addi %mul3A_197, %add3A_198 : i32
      %dma_wait3A_200 = arith.constant 0 : i32
      %dma_wait3A_201 = arith.constant 2 : i32
      %dma_wait3A_202 = arith.constant 0 : i32
      %dma_wait3A_203 = arith.constant 0 : i32
      %dma_wait3A_204 = arith.constant 0 : i32
      %dma_wait3A_205 = tpu.memref_slice %arg9[%dma_wait3A_200, %dma_wait3A_201, %dma_wait3A_203, %dma_wait3A_204] : memref<2x8x128x16xf32, #tpu.memory_space<vmem>> -> memref<1x1x128x16xf32, #tpu.memory_space<vmem>>
      %dma_wait3A_206 = tpu.memref_squeeze %dma_wait3A_205 : memref<1x1x128x16xf32, #tpu.memory_space<vmem>> -> memref<128x16xf32, #tpu.memory_space<vmem>>
      %dma_wait3A_207 = arith.constant 0 : i32
      %dma_wait3A_208 = tpu.memref_slice %arg7[%add3A_199, %dma_wait3A_207] : memref<80x128xi32, #tpu.memory_space<vmem>> -> memref<1x128xi32, #tpu.memory_space<vmem>>
      %dma_wait3A_209 = tpu.memref_squeeze %dma_wait3A_208 : memref<1x128xi32, #tpu.memory_space<vmem>> -> memref<128xi32, #tpu.memory_space<vmem>>
      %dma_wait3A_210 = arith.constant 0 : i32
      %dma_wait3A_211 = arith.constant 0 : i32
      %dma_wait3A_212 = tpu.memref_slice %arg11[%dma_wait3A_210, %dma_wait3A_211] : memref<10112x16xf32, #tpu.memory_space<vmem_shared>> -> memref<10112x16xf32, #tpu.memory_space<vmem_shared>>
      %dma_wait3A_213 = tpu.memref_slice %arg12[%dma_wait3A_202] : memref<2x!tpu.dma_semaphore, #tpu.memory_space<semaphore_mem>> -> memref<1x!tpu.dma_semaphore, #tpu.memory_space<semaphore_mem>>
      %dma_wait3A_214 = tpu.memref_squeeze %dma_wait3A_213 : memref<1x!tpu.dma_semaphore, #tpu.memory_space<semaphore_mem>> -> memref<!tpu.dma_semaphore, #tpu.memory_space<semaphore_mem>>
      tpu.wait_indirect_dma semaphore(%dma_wait3A_214 : memref<!tpu.dma_semaphore, #tpu.memory_space<semaphore_mem>>) src(%dma_wait3A_212 : memref<10112x16xf32, #tpu.memory_space<vmem_shared>>) dst(%dma_wait3A_206 : memref<128x16xf32, #tpu.memory_space<vmem>>)
      %mul3A_215 = arith.constant 8 : i32
      %mul3A_216 = arith.muli %mul3A_154, %mul3A_215 : i32
      %add3A_217 = arith.constant 3 : i32
      %add3A_218 = arith.addi %mul3A_216, %add3A_217 : i32
      %dma_wait3A_219 = arith.constant 0 : i32
      %dma_wait3A_220 = arith.constant 3 : i32
      %dma_wait3A_221 = arith.constant 0 : i32
      %dma_wait3A_222 = arith.constant 0 : i32
      %dma_wait3A_223 = arith.constant 0 : i32
      %dma_wait3A_224 = tpu.memref_slice %arg9[%dma_wait3A_219, %dma_wait3A_220, %dma_wait3A_222, %dma_wait3A_223] : memref<2x8x128x16xf32, #tpu.memory_space<vmem>> -> memref<1x1x128x16xf32, #tpu.memory_space<vmem>>
      %dma_wait3A_225 = tpu.memref_squeeze %dma_wait3A_224 : memref<1x1x128x16xf32, #tpu.memory_space<vmem>> -> memref<128x16xf32, #tpu.memory_space<vmem>>
      %dma_wait3A_226 = arith.constant 0 : i32
      %dma_wait3A_227 = tpu.memref_slice %arg7[%add3A_218, %dma_wait3A_226] : memref<80x128xi32, #tpu.memory_space<vmem>> -> memref<1x128xi32, #tpu.memory_space<vmem>>
      %dma_wait3A_228 = tpu.memref_squeeze %dma_wait3A_227 : memref<1x128xi32, #tpu.memory_space<vmem>> -> memref<128xi32, #tpu.memory_space<vmem>>
      %dma_wait3A_229 = arith.constant 0 : i32
      %dma_wait3A_230 = arith.constant 0 : i32
      %dma_wait3A_231 = tpu.memref_slice %arg11[%dma_wait3A_229, %dma_wait3A_230] : memref<10112x16xf32, #tpu.memory_space<vmem_shared>> -> memref<10112x16xf32, #tpu.memory_space<vmem_shared>>
      %dma_wait3A_232 = tpu.memref_slice %arg12[%dma_wait3A_221] : memref<2x!tpu.dma_semaphore, #tpu.memory_space<semaphore_mem>> -> memref<1x!tpu.dma_semaphore, #tpu.memory_space<semaphore_mem>>
      %dma_wait3A_233 = tpu.memref_squeeze %dma_wait3A_232 : memref<1x!tpu.dma_semaphore, #tpu.memory_space<semaphore_mem>> -> memref<!tpu.dma_semaphore, #tpu.memory_space<semaphore_mem>>
      tpu.wait_indirect_dma semaphore(%dma_wait3A_233 : memref<!tpu.dma_semaphore, #tpu.memory_space<semaphore_mem>>) src(%dma_wait3A_231 : memref<10112x16xf32, #tpu.memory_space<vmem_shared>>) dst(%dma_wait3A_225 : memref<128x16xf32, #tpu.memory_space<vmem>>)
      %mul3A_234 = arith.constant 8 : i32
      %mul3A_235 = arith.muli %mul3A_154, %mul3A_234 : i32
      %add3A_236 = arith.constant 4 : i32
      %add3A_237 = arith.addi %mul3A_235, %add3A_236 : i32
      %dma_wait3A_238 = arith.constant 0 : i32
      %dma_wait3A_239 = arith.constant 4 : i32
      %dma_wait3A_240 = arith.constant 0 : i32
      %dma_wait3A_241 = arith.constant 0 : i32
      %dma_wait3A_242 = arith.constant 0 : i32
      %dma_wait3A_243 = tpu.memref_slice %arg9[%dma_wait3A_238, %dma_wait3A_239, %dma_wait3A_241, %dma_wait3A_242] : memref<2x8x128x16xf32, #tpu.memory_space<vmem>> -> memref<1x1x128x16xf32, #tpu.memory_space<vmem>>
      %dma_wait3A_244 = tpu.memref_squeeze %dma_wait3A_243 : memref<1x1x128x16xf32, #tpu.memory_space<vmem>> -> memref<128x16xf32, #tpu.memory_space<vmem>>
      %dma_wait3A_245 = arith.constant 0 : i32
      %dma_wait3A_246 = tpu.memref_slice %arg7[%add3A_237, %dma_wait3A_245] : memref<80x128xi32, #tpu.memory_space<vmem>> -> memref<1x128xi32, #tpu.memory_space<vmem>>
      %dma_wait3A_247 = tpu.memref_squeeze %dma_wait3A_246 : memref<1x128xi32, #tpu.memory_space<vmem>> -> memref<128xi32, #tpu.memory_space<vmem>>
      %dma_wait3A_248 = arith.constant 0 : i32
      %dma_wait3A_249 = arith.constant 0 : i32
      %dma_wait3A_250 = tpu.memref_slice %arg11[%dma_wait3A_248, %dma_wait3A_249] : memref<10112x16xf32, #tpu.memory_space<vmem_shared>> -> memref<10112x16xf32, #tpu.memory_space<vmem_shared>>
      %dma_wait3A_251 = tpu.memref_slice %arg12[%dma_wait3A_240] : memref<2x!tpu.dma_semaphore, #tpu.memory_space<semaphore_mem>> -> memref<1x!tpu.dma_semaphore, #tpu.memory_space<semaphore_mem>>
      %dma_wait3A_252 = tpu.memref_squeeze %dma_wait3A_251 : memref<1x!tpu.dma_semaphore, #tpu.memory_space<semaphore_mem>> -> memref<!tpu.dma_semaphore, #tpu.memory_space<semaphore_mem>>
      tpu.wait_indirect_dma semaphore(%dma_wait3A_252 : memref<!tpu.dma_semaphore, #tpu.memory_space<semaphore_mem>>) src(%dma_wait3A_250 : memref<10112x16xf32, #tpu.memory_space<vmem_shared>>) dst(%dma_wait3A_244 : memref<128x16xf32, #tpu.memory_space<vmem>>)
      %mul3A_253 = arith.constant 8 : i32
      %mul3A_254 = arith.muli %mul3A_154, %mul3A_253 : i32
      %add3A_255 = arith.constant 5 : i32
      %add3A_256 = arith.addi %mul3A_254, %add3A_255 : i32
      %dma_wait3A_257 = arith.constant 0 : i32
      %dma_wait3A_258 = arith.constant 5 : i32
      %dma_wait3A_259 = arith.constant 0 : i32
      %dma_wait3A_260 = arith.constant 0 : i32
      %dma_wait3A_261 = arith.constant 0 : i32
      %dma_wait3A_262 = tpu.memref_slice %arg9[%dma_wait3A_257, %dma_wait3A_258, %dma_wait3A_260, %dma_wait3A_261] : memref<2x8x128x16xf32, #tpu.memory_space<vmem>> -> memref<1x1x128x16xf32, #tpu.memory_space<vmem>>
      %dma_wait3A_263 = tpu.memref_squeeze %dma_wait3A_262 : memref<1x1x128x16xf32, #tpu.memory_space<vmem>> -> memref<128x16xf32, #tpu.memory_space<vmem>>
      %dma_wait3A_264 = arith.constant 0 : i32
      %dma_wait3A_265 = tpu.memref_slice %arg7[%add3A_256, %dma_wait3A_264] : memref<80x128xi32, #tpu.memory_space<vmem>> -> memref<1x128xi32, #tpu.memory_space<vmem>>
      %dma_wait3A_266 = tpu.memref_squeeze %dma_wait3A_265 : memref<1x128xi32, #tpu.memory_space<vmem>> -> memref<128xi32, #tpu.memory_space<vmem>>
      %dma_wait3A_267 = arith.constant 0 : i32
      %dma_wait3A_268 = arith.constant 0 : i32
      %dma_wait3A_269 = tpu.memref_slice %arg11[%dma_wait3A_267, %dma_wait3A_268] : memref<10112x16xf32, #tpu.memory_space<vmem_shared>> -> memref<10112x16xf32, #tpu.memory_space<vmem_shared>>
      %dma_wait3A_270 = tpu.memref_slice %arg12[%dma_wait3A_259] : memref<2x!tpu.dma_semaphore, #tpu.memory_space<semaphore_mem>> -> memref<1x!tpu.dma_semaphore, #tpu.memory_space<semaphore_mem>>
      %dma_wait3A_271 = tpu.memref_squeeze %dma_wait3A_270 : memref<1x!tpu.dma_semaphore, #tpu.memory_space<semaphore_mem>> -> memref<!tpu.dma_semaphore, #tpu.memory_space<semaphore_mem>>
      tpu.wait_indirect_dma semaphore(%dma_wait3A_271 : memref<!tpu.dma_semaphore, #tpu.memory_space<semaphore_mem>>) src(%dma_wait3A_269 : memref<10112x16xf32, #tpu.memory_space<vmem_shared>>) dst(%dma_wait3A_263 : memref<128x16xf32, #tpu.memory_space<vmem>>)
      %mul3A_272 = arith.constant 8 : i32
      %mul3A_273 = arith.muli %mul3A_154, %mul3A_272 : i32
      %add3A_274 = arith.constant 6 : i32
      %add3A_275 = arith.addi %mul3A_273, %add3A_274 : i32
      %dma_wait3A_276 = arith.constant 0 : i32
      %dma_wait3A_277 = arith.constant 6 : i32
      %dma_wait3A_278 = arith.constant 0 : i32
      %dma_wait3A_279 = arith.constant 0 : i32
      %dma_wait3A_280 = arith.constant 0 : i32
      %dma_wait3A_281 = tpu.memref_slice %arg9[%dma_wait3A_276, %dma_wait3A_277, %dma_wait3A_279, %dma_wait3A_280] : memref<2x8x128x16xf32, #tpu.memory_space<vmem>> -> memref<1x1x128x16xf32, #tpu.memory_space<vmem>>
      %dma_wait3A_282 = tpu.memref_squeeze %dma_wait3A_281 : memref<1x1x128x16xf32, #tpu.memory_space<vmem>> -> memref<128x16xf32, #tpu.memory_space<vmem>>
      %dma_wait3A_283 = arith.constant 0 : i32
      %dma_wait3A_284 = tpu.memref_slice %arg7[%add3A_275, %dma_wait3A_283] : memref<80x128xi32, #tpu.memory_space<vmem>> -> memref<1x128xi32, #tpu.memory_space<vmem>>
      %dma_wait3A_285 = tpu.memref_squeeze %dma_wait3A_284 : memref<1x128xi32, #tpu.memory_space<vmem>> -> memref<128xi32, #tpu.memory_space<vmem>>
      %dma_wait3A_286 = arith.constant 0 : i32
      %dma_wait3A_287 = arith.constant 0 : i32
      %dma_wait3A_288 = tpu.memref_slice %arg11[%dma_wait3A_286, %dma_wait3A_287] : memref<10112x16xf32, #tpu.memory_space<vmem_shared>> -> memref<10112x16xf32, #tpu.memory_space<vmem_shared>>
      %dma_wait3A_289 = tpu.memref_slice %arg12[%dma_wait3A_278] : memref<2x!tpu.dma_semaphore, #tpu.memory_space<semaphore_mem>> -> memref<1x!tpu.dma_semaphore, #tpu.memory_space<semaphore_mem>>
      %dma_wait3A_290 = tpu.memref_squeeze %dma_wait3A_289 : memref<1x!tpu.dma_semaphore, #tpu.memory_space<semaphore_mem>> -> memref<!tpu.dma_semaphore, #tpu.memory_space<semaphore_mem>>
      tpu.wait_indirect_dma semaphore(%dma_wait3A_290 : memref<!tpu.dma_semaphore, #tpu.memory_space<semaphore_mem>>) src(%dma_wait3A_288 : memref<10112x16xf32, #tpu.memory_space<vmem_shared>>) dst(%dma_wait3A_282 : memref<128x16xf32, #tpu.memory_space<vmem>>)
      %mul3A_291 = arith.constant 8 : i32
      %mul3A_292 = arith.muli %mul3A_154, %mul3A_291 : i32
      %add3A_293 = arith.constant 7 : i32
      %add3A_294 = arith.addi %mul3A_292, %add3A_293 : i32
      %dma_wait3A_295 = arith.constant 0 : i32
      %dma_wait3A_296 = arith.constant 7 : i32
      %dma_wait3A_297 = arith.constant 0 : i32
      %dma_wait3A_298 = arith.constant 0 : i32
      %dma_wait3A_299 = arith.constant 0 : i32
      %dma_wait3A_300 = tpu.memref_slice %arg9[%dma_wait3A_295, %dma_wait3A_296, %dma_wait3A_298, %dma_wait3A_299] : memref<2x8x128x16xf32, #tpu.memory_space<vmem>> -> memref<1x1x128x16xf32, #tpu.memory_space<vmem>>
      %dma_wait3A_301 = tpu.memref_squeeze %dma_wait3A_300 : memref<1x1x128x16xf32, #tpu.memory_space<vmem>> -> memref<128x16xf32, #tpu.memory_space<vmem>>
      %dma_wait3A_302 = arith.constant 0 : i32
      %dma_wait3A_303 = tpu.memref_slice %arg7[%add3A_294, %dma_wait3A_302] : memref<80x128xi32, #tpu.memory_space<vmem>> -> memref<1x128xi32, #tpu.memory_space<vmem>>
      %dma_wait3A_304 = tpu.memref_squeeze %dma_wait3A_303 : memref<1x128xi32, #tpu.memory_space<vmem>> -> memref<128xi32, #tpu.memory_space<vmem>>
      %dma_wait3A_305 = arith.constant 0 : i32
      %dma_wait3A_306 = arith.constant 0 : i32
      %dma_wait3A_307 = tpu.memref_slice %arg11[%dma_wait3A_305, %dma_wait3A_306] : memref<10112x16xf32, #tpu.memory_space<vmem_shared>> -> memref<10112x16xf32, #tpu.memory_space<vmem_shared>>
      %dma_wait3A_308 = tpu.memref_slice %arg12[%dma_wait3A_297] : memref<2x!tpu.dma_semaphore, #tpu.memory_space<semaphore_mem>> -> memref<1x!tpu.dma_semaphore, #tpu.memory_space<semaphore_mem>>
      %dma_wait3A_309 = tpu.memref_squeeze %dma_wait3A_308 : memref<1x!tpu.dma_semaphore, #tpu.memory_space<semaphore_mem>> -> memref<!tpu.dma_semaphore, #tpu.memory_space<semaphore_mem>>
      tpu.wait_indirect_dma semaphore(%dma_wait3A_309 : memref<!tpu.dma_semaphore, #tpu.memory_space<semaphore_mem>>) src(%dma_wait3A_307 : memref<10112x16xf32, #tpu.memory_space<vmem_shared>>) dst(%dma_wait3A_301 : memref<128x16xf32, #tpu.memory_space<vmem>>)
      %mul3A_310 = arith.constant 8 : i32
      %mul3A_311 = arith.muli %add3A_158, %mul3A_310 : i32
      %add3A_312 = arith.constant 0 : i32
      %add3A_313 = arith.addi %mul3A_311, %add3A_312 : i32
      %dma_start3A_314 = arith.constant 1 : i32
      %dma_start3A_315 = arith.constant 0 : i32
      %dma_start3A_316 = arith.constant 1 : i32
      %dma_start3A_317 = arith.constant 0 : i32
      %dma_start3A_318 = arith.constant 0 : i32
      %dma_start3A_319 = tpu.memref_slice %arg9[%dma_start3A_314, %dma_start3A_315, %dma_start3A_317, %dma_start3A_318] : memref<2x8x128x16xf32, #tpu.memory_space<vmem>> -> memref<1x1x128x16xf32, #tpu.memory_space<vmem>>
      %dma_start3A_320 = tpu.memref_squeeze %dma_start3A_319 : memref<1x1x128x16xf32, #tpu.memory_space<vmem>> -> memref<128x16xf32, #tpu.memory_space<vmem>>
      %dma_start3A_321 = arith.constant 0 : i32
      %dma_start3A_322 = tpu.memref_slice %arg7[%add3A_313, %dma_start3A_321] : memref<80x128xi32, #tpu.memory_space<vmem>> -> memref<1x128xi32, #tpu.memory_space<vmem>>
      %dma_start3A_323 = tpu.memref_squeeze %dma_start3A_322 : memref<1x128xi32, #tpu.memory_space<vmem>> -> memref<128xi32, #tpu.memory_space<vmem>>
      %dma_start3A_324 = arith.constant 0 : i32
      %dma_start3A_325 = arith.constant 0 : i32
      %dma_start3A_326 = tpu.memref_slice %arg11[%dma_start3A_324, %dma_start3A_325] : memref<10112x16xf32, #tpu.memory_space<vmem_shared>> -> memref<10112x16xf32, #tpu.memory_space<vmem_shared>>
      %dma_start3A_327 = tpu.memref_slice %arg12[%dma_start3A_316] : memref<2x!tpu.dma_semaphore, #tpu.memory_space<semaphore_mem>> -> memref<1x!tpu.dma_semaphore, #tpu.memory_space<semaphore_mem>>
      %dma_start3A_328 = tpu.memref_squeeze %dma_start3A_327 : memref<1x!tpu.dma_semaphore, #tpu.memory_space<semaphore_mem>> -> memref<!tpu.dma_semaphore, #tpu.memory_space<semaphore_mem>>
      tpu.enqueue_indirect_dma source(%dma_start3A_326 : memref<10112x16xf32, #tpu.memory_space<vmem_shared>>) target(%dma_start3A_320 : memref<128x16xf32, #tpu.memory_space<vmem>>) offsets(%dma_start3A_323 : memref<128xi32, #tpu.memory_space<vmem>>) semaphore(%dma_start3A_328 : memref<!tpu.dma_semaphore, #tpu.memory_space<semaphore_mem>>)
      %mul3A_329 = arith.constant 8 : i32
      %mul3A_330 = arith.muli %add3A_158, %mul3A_329 : i32
      %add3A_331 = arith.constant 1 : i32
      %add3A_332 = arith.addi %mul3A_330, %add3A_331 : i32
      %dma_start3A_333 = arith.constant 1 : i32
      %dma_start3A_334 = arith.constant 1 : i32
      %dma_start3A_335 = arith.constant 1 : i32
      %dma_start3A_336 = arith.constant 0 : i32
      %dma_start3A_337 = arith.constant 0 : i32
      %dma_start3A_338 = tpu.memref_slice %arg9[%dma_start3A_333, %dma_start3A_334, %dma_start3A_336, %dma_start3A_337] : memref<2x8x128x16xf32, #tpu.memory_space<vmem>> -> memref<1x1x128x16xf32, #tpu.memory_space<vmem>>
      %dma_start3A_339 = tpu.memref_squeeze %dma_start3A_338 : memref<1x1x128x16xf32, #tpu.memory_space<vmem>> -> memref<128x16xf32, #tpu.memory_space<vmem>>
      %dma_start3A_340 = arith.constant 0 : i32
      %dma_start3A_341 = tpu.memref_slice %arg7[%add3A_332, %dma_start3A_340] : memref<80x128xi32, #tpu.memory_space<vmem>> -> memref<1x128xi32, #tpu.memory_space<vmem>>
      %dma_start3A_342 = tpu.memref_squeeze %dma_start3A_341 : memref<1x128xi32, #tpu.memory_space<vmem>> -> memref<128xi32, #tpu.memory_space<vmem>>
      %dma_start3A_343 = arith.constant 0 : i32
      %dma_start3A_344 = arith.constant 0 : i32
      %dma_start3A_345 = tpu.memref_slice %arg11[%dma_start3A_343, %dma_start3A_344] : memref<10112x16xf32, #tpu.memory_space<vmem_shared>> -> memref<10112x16xf32, #tpu.memory_space<vmem_shared>>
      %dma_start3A_346 = tpu.memref_slice %arg12[%dma_start3A_335] : memref<2x!tpu.dma_semaphore, #tpu.memory_space<semaphore_mem>> -> memref<1x!tpu.dma_semaphore, #tpu.memory_space<semaphore_mem>>
      %dma_start3A_347 = tpu.memref_squeeze %dma_start3A_346 : memref<1x!tpu.dma_semaphore, #tpu.memory_space<semaphore_mem>> -> memref<!tpu.dma_semaphore, #tpu.memory_space<semaphore_mem>>
      tpu.enqueue_indirect_dma source(%dma_start3A_345 : memref<10112x16xf32, #tpu.memory_space<vmem_shared>>) target(%dma_start3A_339 : memref<128x16xf32, #tpu.memory_space<vmem>>) offsets(%dma_start3A_342 : memref<128xi32, #tpu.memory_space<vmem>>) semaphore(%dma_start3A_347 : memref<!tpu.dma_semaphore, #tpu.memory_space<semaphore_mem>>)
      %mul3A_348 = arith.constant 8 : i32
      %mul3A_349 = arith.muli %add3A_158, %mul3A_348 : i32
      %add3A_350 = arith.constant 2 : i32
      %add3A_351 = arith.addi %mul3A_349, %add3A_350 : i32
      %dma_start3A_352 = arith.constant 1 : i32
      %dma_start3A_353 = arith.constant 2 : i32
      %dma_start3A_354 = arith.constant 1 : i32
      %dma_start3A_355 = arith.constant 0 : i32
      %dma_start3A_356 = arith.constant 0 : i32
      %dma_start3A_357 = tpu.memref_slice %arg9[%dma_start3A_352, %dma_start3A_353, %dma_start3A_355, %dma_start3A_356] : memref<2x8x128x16xf32, #tpu.memory_space<vmem>> -> memref<1x1x128x16xf32, #tpu.memory_space<vmem>>
      %dma_start3A_358 = tpu.memref_squeeze %dma_start3A_357 : memref<1x1x128x16xf32, #tpu.memory_space<vmem>> -> memref<128x16xf32, #tpu.memory_space<vmem>>
      %dma_start3A_359 = arith.constant 0 : i32
      %dma_start3A_360 = tpu.memref_slice %arg7[%add3A_351, %dma_start3A_359] : memref<80x128xi32, #tpu.memory_space<vmem>> -> memref<1x128xi32, #tpu.memory_space<vmem>>
      %dma_start3A_361 = tpu.memref_squeeze %dma_start3A_360 : memref<1x128xi32, #tpu.memory_space<vmem>> -> memref<128xi32, #tpu.memory_space<vmem>>
      %dma_start3A_362 = arith.constant 0 : i32
      %dma_start3A_363 = arith.constant 0 : i32
      %dma_start3A_364 = tpu.memref_slice %arg11[%dma_start3A_362, %dma_start3A_363] : memref<10112x16xf32, #tpu.memory_space<vmem_shared>> -> memref<10112x16xf32, #tpu.memory_space<vmem_shared>>
      %dma_start3A_365 = tpu.memref_slice %arg12[%dma_start3A_354] : memref<2x!tpu.dma_semaphore, #tpu.memory_space<semaphore_mem>> -> memref<1x!tpu.dma_semaphore, #tpu.memory_space<semaphore_mem>>
      %dma_start3A_366 = tpu.memref_squeeze %dma_start3A_365 : memref<1x!tpu.dma_semaphore, #tpu.memory_space<semaphore_mem>> -> memref<!tpu.dma_semaphore, #tpu.memory_space<semaphore_mem>>
      tpu.enqueue_indirect_dma source(%dma_start3A_364 : memref<10112x16xf32, #tpu.memory_space<vmem_shared>>) target(%dma_start3A_358 : memref<128x16xf32, #tpu.memory_space<vmem>>) offsets(%dma_start3A_361 : memref<128xi32, #tpu.memory_space<vmem>>) semaphore(%dma_start3A_366 : memref<!tpu.dma_semaphore, #tpu.memory_space<semaphore_mem>>)
      %mul3A_367 = arith.constant 8 : i32
      %mul3A_368 = arith.muli %add3A_158, %mul3A_367 : i32
      %add3A_369 = arith.constant 3 : i32
      %add3A_370 = arith.addi %mul3A_368, %add3A_369 : i32
      %dma_start3A_371 = arith.constant 1 : i32
      %dma_start3A_372 = arith.constant 3 : i32
      %dma_start3A_373 = arith.constant 1 : i32
      %dma_start3A_374 = arith.constant 0 : i32
      %dma_start3A_375 = arith.constant 0 : i32
      %dma_start3A_376 = tpu.memref_slice %arg9[%dma_start3A_371, %dma_start3A_372, %dma_start3A_374, %dma_start3A_375] : memref<2x8x128x16xf32, #tpu.memory_space<vmem>> -> memref<1x1x128x16xf32, #tpu.memory_space<vmem>>
      %dma_start3A_377 = tpu.memref_squeeze %dma_start3A_376 : memref<1x1x128x16xf32, #tpu.memory_space<vmem>> -> memref<128x16xf32, #tpu.memory_space<vmem>>
      %dma_start3A_378 = arith.constant 0 : i32
      %dma_start3A_379 = tpu.memref_slice %arg7[%add3A_370, %dma_start3A_378] : memref<80x128xi32, #tpu.memory_space<vmem>> -> memref<1x128xi32, #tpu.memory_space<vmem>>
      %dma_start3A_380 = tpu.memref_squeeze %dma_start3A_379 : memref<1x128xi32, #tpu.memory_space<vmem>> -> memref<128xi32, #tpu.memory_space<vmem>>
      %dma_start3A_381 = arith.constant 0 : i32
      %dma_start3A_382 = arith.constant 0 : i32
      %dma_start3A_383 = tpu.memref_slice %arg11[%dma_start3A_381, %dma_start3A_382] : memref<10112x16xf32, #tpu.memory_space<vmem_shared>> -> memref<10112x16xf32, #tpu.memory_space<vmem_shared>>
      %dma_start3A_384 = tpu.memref_slice %arg12[%dma_start3A_373] : memref<2x!tpu.dma_semaphore, #tpu.memory_space<semaphore_mem>> -> memref<1x!tpu.dma_semaphore, #tpu.memory_space<semaphore_mem>>
      %dma_start3A_385 = tpu.memref_squeeze %dma_start3A_384 : memref<1x!tpu.dma_semaphore, #tpu.memory_space<semaphore_mem>> -> memref<!tpu.dma_semaphore, #tpu.memory_space<semaphore_mem>>
      tpu.enqueue_indirect_dma source(%dma_start3A_383 : memref<10112x16xf32, #tpu.memory_space<vmem_shared>>) target(%dma_start3A_377 : memref<128x16xf32, #tpu.memory_space<vmem>>) offsets(%dma_start3A_380 : memref<128xi32, #tpu.memory_space<vmem>>) semaphore(%dma_start3A_385 : memref<!tpu.dma_semaphore, #tpu.memory_space<semaphore_mem>>)
      %mul3A_386 = arith.constant 8 : i32
      %mul3A_387 = arith.muli %add3A_158, %mul3A_386 : i32
      %add3A_388 = arith.constant 4 : i32
      %add3A_389 = arith.addi %mul3A_387, %add3A_388 : i32
      %dma_start3A_390 = arith.constant 1 : i32
      %dma_start3A_391 = arith.constant 4 : i32
      %dma_start3A_392 = arith.constant 1 : i32
      %dma_start3A_393 = arith.constant 0 : i32
      %dma_start3A_394 = arith.constant 0 : i32
      %dma_start3A_395 = tpu.memref_slice %arg9[%dma_start3A_390, %dma_start3A_391, %dma_start3A_393, %dma_start3A_394] : memref<2x8x128x16xf32, #tpu.memory_space<vmem>> -> memref<1x1x128x16xf32, #tpu.memory_space<vmem>>
      %dma_start3A_396 = tpu.memref_squeeze %dma_start3A_395 : memref<1x1x128x16xf32, #tpu.memory_space<vmem>> -> memref<128x16xf32, #tpu.memory_space<vmem>>
      %dma_start3A_397 = arith.constant 0 : i32
      %dma_start3A_398 = tpu.memref_slice %arg7[%add3A_389, %dma_start3A_397] : memref<80x128xi32, #tpu.memory_space<vmem>> -> memref<1x128xi32, #tpu.memory_space<vmem>>
      %dma_start3A_399 = tpu.memref_squeeze %dma_start3A_398 : memref<1x128xi32, #tpu.memory_space<vmem>> -> memref<128xi32, #tpu.memory_space<vmem>>
      %dma_start3A_400 = arith.constant 0 : i32
      %dma_start3A_401 = arith.constant 0 : i32
      %dma_start3A_402 = tpu.memref_slice %arg11[%dma_start3A_400, %dma_start3A_401] : memref<10112x16xf32, #tpu.memory_space<vmem_shared>> -> memref<10112x16xf32, #tpu.memory_space<vmem_shared>>
      %dma_start3A_403 = tpu.memref_slice %arg12[%dma_start3A_392] : memref<2x!tpu.dma_semaphore, #tpu.memory_space<semaphore_mem>> -> memref<1x!tpu.dma_semaphore, #tpu.memory_space<semaphore_mem>>
      %dma_start3A_404 = tpu.memref_squeeze %dma_start3A_403 : memref<1x!tpu.dma_semaphore, #tpu.memory_space<semaphore_mem>> -> memref<!tpu.dma_semaphore, #tpu.memory_space<semaphore_mem>>
      tpu.enqueue_indirect_dma source(%dma_start3A_402 : memref<10112x16xf32, #tpu.memory_space<vmem_shared>>) target(%dma_start3A_396 : memref<128x16xf32, #tpu.memory_space<vmem>>) offsets(%dma_start3A_399 : memref<128xi32, #tpu.memory_space<vmem>>) semaphore(%dma_start3A_404 : memref<!tpu.dma_semaphore, #tpu.memory_space<semaphore_mem>>)
      %mul3A_405 = arith.constant 8 : i32
      %mul3A_406 = arith.muli %add3A_158, %mul3A_405 : i32
      %add3A_407 = arith.constant 5 : i32
      %add3A_408 = arith.addi %mul3A_406, %add3A_407 : i32
      %dma_start3A_409 = arith.constant 1 : i32
      %dma_start3A_410 = arith.constant 5 : i32
      %dma_start3A_411 = arith.constant 1 : i32
      %dma_start3A_412 = arith.constant 0 : i32
      %dma_start3A_413 = arith.constant 0 : i32
      %dma_start3A_414 = tpu.memref_slice %arg9[%dma_start3A_409, %dma_start3A_410, %dma_start3A_412, %dma_start3A_413] : memref<2x8x128x16xf32, #tpu.memory_space<vmem>> -> memref<1x1x128x16xf32, #tpu.memory_space<vmem>>
      %dma_start3A_415 = tpu.memref_squeeze %dma_start3A_414 : memref<1x1x128x16xf32, #tpu.memory_space<vmem>> -> memref<128x16xf32, #tpu.memory_space<vmem>>
      %dma_start3A_416 = arith.constant 0 : i32
      %dma_start3A_417 = tpu.memref_slice %arg7[%add3A_408, %dma_start3A_416] : memref<80x128xi32, #tpu.memory_space<vmem>> -> memref<1x128xi32, #tpu.memory_space<vmem>>
      %dma_start3A_418 = tpu.memref_squeeze %dma_start3A_417 : memref<1x128xi32, #tpu.memory_space<vmem>> -> memref<128xi32, #tpu.memory_space<vmem>>
      %dma_start3A_419 = arith.constant 0 : i32
      %dma_start3A_420 = arith.constant 0 : i32
      %dma_start3A_421 = tpu.memref_slice %arg11[%dma_start3A_419, %dma_start3A_420] : memref<10112x16xf32, #tpu.memory_space<vmem_shared>> -> memref<10112x16xf32, #tpu.memory_space<vmem_shared>>
      %dma_start3A_422 = tpu.memref_slice %arg12[%dma_start3A_411] : memref<2x!tpu.dma_semaphore, #tpu.memory_space<semaphore_mem>> -> memref<1x!tpu.dma_semaphore, #tpu.memory_space<semaphore_mem>>
      %dma_start3A_423 = tpu.memref_squeeze %dma_start3A_422 : memref<1x!tpu.dma_semaphore, #tpu.memory_space<semaphore_mem>> -> memref<!tpu.dma_semaphore, #tpu.memory_space<semaphore_mem>>
      tpu.enqueue_indirect_dma source(%dma_start3A_421 : memref<10112x16xf32, #tpu.memory_space<vmem_shared>>) target(%dma_start3A_415 : memref<128x16xf32, #tpu.memory_space<vmem>>) offsets(%dma_start3A_418 : memref<128xi32, #tpu.memory_space<vmem>>) semaphore(%dma_start3A_423 : memref<!tpu.dma_semaphore, #tpu.memory_space<semaphore_mem>>)
      %mul3A_424 = arith.constant 8 : i32
      %mul3A_425 = arith.muli %add3A_158, %mul3A_424 : i32
      %add3A_426 = arith.constant 6 : i32
      %add3A_427 = arith.addi %mul3A_425, %add3A_426 : i32
      %dma_start3A_428 = arith.constant 1 : i32
      %dma_start3A_429 = arith.constant 6 : i32
      %dma_start3A_430 = arith.constant 1 : i32
      %dma_start3A_431 = arith.constant 0 : i32
      %dma_start3A_432 = arith.constant 0 : i32
      %dma_start3A_433 = tpu.memref_slice %arg9[%dma_start3A_428, %dma_start3A_429, %dma_start3A_431, %dma_start3A_432] : memref<2x8x128x16xf32, #tpu.memory_space<vmem>> -> memref<1x1x128x16xf32, #tpu.memory_space<vmem>>
      %dma_start3A_434 = tpu.memref_squeeze %dma_start3A_433 : memref<1x1x128x16xf32, #tpu.memory_space<vmem>> -> memref<128x16xf32, #tpu.memory_space<vmem>>
      %dma_start3A_435 = arith.constant 0 : i32
      %dma_start3A_436 = tpu.memref_slice %arg7[%add3A_427, %dma_start3A_435] : memref<80x128xi32, #tpu.memory_space<vmem>> -> memref<1x128xi32, #tpu.memory_space<vmem>>
      %dma_start3A_437 = tpu.memref_squeeze %dma_start3A_436 : memref<1x128xi32, #tpu.memory_space<vmem>> -> memref<128xi32, #tpu.memory_space<vmem>>
      %dma_start3A_438 = arith.constant 0 : i32
      %dma_start3A_439 = arith.constant 0 : i32
      %dma_start3A_440 = tpu.memref_slice %arg11[%dma_start3A_438, %dma_start3A_439] : memref<10112x16xf32, #tpu.memory_space<vmem_shared>> -> memref<10112x16xf32, #tpu.memory_space<vmem_shared>>
      %dma_start3A_441 = tpu.memref_slice %arg12[%dma_start3A_430] : memref<2x!tpu.dma_semaphore, #tpu.memory_space<semaphore_mem>> -> memref<1x!tpu.dma_semaphore, #tpu.memory_space<semaphore_mem>>
      %dma_start3A_442 = tpu.memref_squeeze %dma_start3A_441 : memref<1x!tpu.dma_semaphore, #tpu.memory_space<semaphore_mem>> -> memref<!tpu.dma_semaphore, #tpu.memory_space<semaphore_mem>>
      tpu.enqueue_indirect_dma source(%dma_start3A_440 : memref<10112x16xf32, #tpu.memory_space<vmem_shared>>) target(%dma_start3A_434 : memref<128x16xf32, #tpu.memory_space<vmem>>) offsets(%dma_start3A_437 : memref<128xi32, #tpu.memory_space<vmem>>) semaphore(%dma_start3A_442 : memref<!tpu.dma_semaphore, #tpu.memory_space<semaphore_mem>>)
      %mul3A_443 = arith.constant 8 : i32
      %mul3A_444 = arith.muli %add3A_158, %mul3A_443 : i32
      %add3A_445 = arith.constant 7 : i32
      %add3A_446 = arith.addi %mul3A_444, %add3A_445 : i32
      %dma_start3A_447 = arith.constant 1 : i32
      %dma_start3A_448 = arith.constant 7 : i32
      %dma_start3A_449 = arith.constant 1 : i32
      %dma_start3A_450 = arith.constant 0 : i32
      %dma_start3A_451 = arith.constant 0 : i32
      %dma_start3A_452 = tpu.memref_slice %arg9[%dma_start3A_447, %dma_start3A_448, %dma_start3A_450, %dma_start3A_451] : memref<2x8x128x16xf32, #tpu.memory_space<vmem>> -> memref<1x1x128x16xf32, #tpu.memory_space<vmem>>
      %dma_start3A_453 = tpu.memref_squeeze %dma_start3A_452 : memref<1x1x128x16xf32, #tpu.memory_space<vmem>> -> memref<128x16xf32, #tpu.memory_space<vmem>>
      %dma_start3A_454 = arith.constant 0 : i32
      %dma_start3A_455 = tpu.memref_slice %arg7[%add3A_446, %dma_start3A_454] : memref<80x128xi32, #tpu.memory_space<vmem>> -> memref<1x128xi32, #tpu.memory_space<vmem>>
      %dma_start3A_456 = tpu.memref_squeeze %dma_start3A_455 : memref<1x128xi32, #tpu.memory_space<vmem>> -> memref<128xi32, #tpu.memory_space<vmem>>
      %dma_start3A_457 = arith.constant 0 : i32
      %dma_start3A_458 = arith.constant 0 : i32
      %dma_start3A_459 = tpu.memref_slice %arg11[%dma_start3A_457, %dma_start3A_458] : memref<10112x16xf32, #tpu.memory_space<vmem_shared>> -> memref<10112x16xf32, #tpu.memory_space<vmem_shared>>
      %dma_start3A_460 = tpu.memref_slice %arg12[%dma_start3A_449] : memref<2x!tpu.dma_semaphore, #tpu.memory_space<semaphore_mem>> -> memref<1x!tpu.dma_semaphore, #tpu.memory_space<semaphore_mem>>
      %dma_start3A_461 = tpu.memref_squeeze %dma_start3A_460 : memref<1x!tpu.dma_semaphore, #tpu.memory_space<semaphore_mem>> -> memref<!tpu.dma_semaphore, #tpu.memory_space<semaphore_mem>>
      tpu.enqueue_indirect_dma source(%dma_start3A_459 : memref<10112x16xf32, #tpu.memory_space<vmem_shared>>) target(%dma_start3A_453 : memref<128x16xf32, #tpu.memory_space<vmem>>) offsets(%dma_start3A_456 : memref<128xi32, #tpu.memory_space<vmem>>) semaphore(%dma_start3A_461 : memref<!tpu.dma_semaphore, #tpu.memory_space<semaphore_mem>>)
      %mul3A_462 = arith.constant 8 : i32
      %mul3A_463 = arith.muli %mul3A_154, %mul3A_462 : i32
      %add3A_464 = arith.constant 0 : i32
      %add3A_465 = arith.addi %mul3A_463, %add3A_464 : i32
      %dma_start3A_466 = arith.constant 0 : i32
      %dma_start3A_467 = arith.constant 0 : i32
      %dma_start3A_468 = arith.constant 0 : i32
      %dma_start3A_469 = arith.constant 0 : i32
      %dma_start3A_470 = arith.constant 0 : i32
      %dma_start3A_471 = tpu.memref_slice %arg9[%dma_start3A_466, %dma_start3A_467, %dma_start3A_469, %dma_start3A_470] : memref<2x8x128x16xf32, #tpu.memory_space<vmem>> -> memref<1x1x128x16xf32, #tpu.memory_space<vmem>>
      %dma_start3A_472 = tpu.memref_squeeze %dma_start3A_471 : memref<1x1x128x16xf32, #tpu.memory_space<vmem>> -> memref<128x16xf32, #tpu.memory_space<vmem>>
      %dma_start3A_473 = arith.constant 0 : i32
      %dma_start3A_474 = tpu.memref_slice %arg8[%add3A_465, %dma_start3A_473] : memref<80x128xi32, #tpu.memory_space<vmem>> -> memref<1x128xi32, #tpu.memory_space<vmem>>
      %dma_start3A_475 = tpu.memref_squeeze %dma_start3A_474 : memref<1x128xi32, #tpu.memory_space<vmem>> -> memref<128xi32, #tpu.memory_space<vmem>>
      %dma_start3A_476 = arith.constant 0 : i32
      %dma_start3A_477 = arith.constant 0 : i32
      %dma_start3A_478 = tpu.memref_slice %arg10[%dma_start3A_476, %dma_start3A_477] : memref<10112x16xf32, #tpu.memory_space<vmem_shared>> -> memref<10112x16xf32, #tpu.memory_space<vmem_shared>>
      %dma_start3A_479 = tpu.memref_slice %arg13[%dma_start3A_468] : memref<2x!tpu.dma_semaphore, #tpu.memory_space<semaphore_mem>> -> memref<1x!tpu.dma_semaphore, #tpu.memory_space<semaphore_mem>>
      %dma_start3A_480 = tpu.memref_squeeze %dma_start3A_479 : memref<1x!tpu.dma_semaphore, #tpu.memory_space<semaphore_mem>> -> memref<!tpu.dma_semaphore, #tpu.memory_space<semaphore_mem>>
      tpu.enqueue_indirect_dma source(%dma_start3A_472 : memref<128x16xf32, #tpu.memory_space<vmem>>) target(%dma_start3A_478 : memref<10112x16xf32, #tpu.memory_space<vmem_shared>>) offsets(%dma_start3A_475 : memref<128xi32, #tpu.memory_space<vmem>>) semaphore(%dma_start3A_480 : memref<!tpu.dma_semaphore, #tpu.memory_space<semaphore_mem>>) {add = true}
      %mul3A_481 = arith.constant 8 : i32
      %mul3A_482 = arith.muli %mul3A_154, %mul3A_481 : i32
      %add3A_483 = arith.constant 1 : i32
      %add3A_484 = arith.addi %mul3A_482, %add3A_483 : i32
      %dma_start3A_485 = arith.constant 0 : i32
      %dma_start3A_486 = arith.constant 1 : i32
      %dma_start3A_487 = arith.constant 0 : i32
      %dma_start3A_488 = arith.constant 0 : i32
      %dma_start3A_489 = arith.constant 0 : i32
      %dma_start3A_490 = tpu.memref_slice %arg9[%dma_start3A_485, %dma_start3A_486, %dma_start3A_488, %dma_start3A_489] : memref<2x8x128x16xf32, #tpu.memory_space<vmem>> -> memref<1x1x128x16xf32, #tpu.memory_space<vmem>>
      %dma_start3A_491 = tpu.memref_squeeze %dma_start3A_490 : memref<1x1x128x16xf32, #tpu.memory_space<vmem>> -> memref<128x16xf32, #tpu.memory_space<vmem>>
      %dma_start3A_492 = arith.constant 0 : i32
      %dma_start3A_493 = tpu.memref_slice %arg8[%add3A_484, %dma_start3A_492] : memref<80x128xi32, #tpu.memory_space<vmem>> -> memref<1x128xi32, #tpu.memory_space<vmem>>
      %dma_start3A_494 = tpu.memref_squeeze %dma_start3A_493 : memref<1x128xi32, #tpu.memory_space<vmem>> -> memref<128xi32, #tpu.memory_space<vmem>>
      %dma_start3A_495 = arith.constant 0 : i32
      %dma_start3A_496 = arith.constant 0 : i32
      %dma_start3A_497 = tpu.memref_slice %arg10[%dma_start3A_495, %dma_start3A_496] : memref<10112x16xf32, #tpu.memory_space<vmem_shared>> -> memref<10112x16xf32, #tpu.memory_space<vmem_shared>>
      %dma_start3A_498 = tpu.memref_slice %arg13[%dma_start3A_487] : memref<2x!tpu.dma_semaphore, #tpu.memory_space<semaphore_mem>> -> memref<1x!tpu.dma_semaphore, #tpu.memory_space<semaphore_mem>>
      %dma_start3A_499 = tpu.memref_squeeze %dma_start3A_498 : memref<1x!tpu.dma_semaphore, #tpu.memory_space<semaphore_mem>> -> memref<!tpu.dma_semaphore, #tpu.memory_space<semaphore_mem>>
      tpu.enqueue_indirect_dma source(%dma_start3A_491 : memref<128x16xf32, #tpu.memory_space<vmem>>) target(%dma_start3A_497 : memref<10112x16xf32, #tpu.memory_space<vmem_shared>>) offsets(%dma_start3A_494 : memref<128xi32, #tpu.memory_space<vmem>>) semaphore(%dma_start3A_499 : memref<!tpu.dma_semaphore, #tpu.memory_space<semaphore_mem>>) {add = true}
      %mul3A_500 = arith.constant 8 : i32
      %mul3A_501 = arith.muli %mul3A_154, %mul3A_500 : i32
      %add3A_502 = arith.constant 2 : i32
      %add3A_503 = arith.addi %mul3A_501, %add3A_502 : i32
      %dma_start3A_504 = arith.constant 0 : i32
      %dma_start3A_505 = arith.constant 2 : i32
      %dma_start3A_506 = arith.constant 0 : i32
      %dma_start3A_507 = arith.constant 0 : i32
      %dma_start3A_508 = arith.constant 0 : i32
      %dma_start3A_509 = tpu.memref_slice %arg9[%dma_start3A_504, %dma_start3A_505, %dma_start3A_507, %dma_start3A_508] : memref<2x8x128x16xf32, #tpu.memory_space<vmem>> -> memref<1x1x128x16xf32, #tpu.memory_space<vmem>>
      %dma_start3A_510 = tpu.memref_squeeze %dma_start3A_509 : memref<1x1x128x16xf32, #tpu.memory_space<vmem>> -> memref<128x16xf32, #tpu.memory_space<vmem>>
      %dma_start3A_511 = arith.constant 0 : i32
      %dma_start3A_512 = tpu.memref_slice %arg8[%add3A_503, %dma_start3A_511] : memref<80x128xi32, #tpu.memory_space<vmem>> -> memref<1x128xi32, #tpu.memory_space<vmem>>
      %dma_start3A_513 = tpu.memref_squeeze %dma_start3A_512 : memref<1x128xi32, #tpu.memory_space<vmem>> -> memref<128xi32, #tpu.memory_space<vmem>>
      %dma_start3A_514 = arith.constant 0 : i32
      %dma_start3A_515 = arith.constant 0 : i32
      %dma_start3A_516 = tpu.memref_slice %arg10[%dma_start3A_514, %dma_start3A_515] : memref<10112x16xf32, #tpu.memory_space<vmem_shared>> -> memref<10112x16xf32, #tpu.memory_space<vmem_shared>>
      %dma_start3A_517 = tpu.memref_slice %arg13[%dma_start3A_506] : memref<2x!tpu.dma_semaphore, #tpu.memory_space<semaphore_mem>> -> memref<1x!tpu.dma_semaphore, #tpu.memory_space<semaphore_mem>>
      %dma_start3A_518 = tpu.memref_squeeze %dma_start3A_517 : memref<1x!tpu.dma_semaphore, #tpu.memory_space<semaphore_mem>> -> memref<!tpu.dma_semaphore, #tpu.memory_space<semaphore_mem>>
      tpu.enqueue_indirect_dma source(%dma_start3A_510 : memref<128x16xf32, #tpu.memory_space<vmem>>) target(%dma_start3A_516 : memref<10112x16xf32, #tpu.memory_space<vmem_shared>>) offsets(%dma_start3A_513 : memref<128xi32, #tpu.memory_space<vmem>>) semaphore(%dma_start3A_518 : memref<!tpu.dma_semaphore, #tpu.memory_space<semaphore_mem>>) {add = true}
      %mul3A_519 = arith.constant 8 : i32
      %mul3A_520 = arith.muli %mul3A_154, %mul3A_519 : i32
      %add3A_521 = arith.constant 3 : i32
      %add3A_522 = arith.addi %mul3A_520, %add3A_521 : i32
      %dma_start3A_523 = arith.constant 0 : i32
      %dma_start3A_524 = arith.constant 3 : i32
      %dma_start3A_525 = arith.constant 0 : i32
      %dma_start3A_526 = arith.constant 0 : i32
      %dma_start3A_527 = arith.constant 0 : i32
      %dma_start3A_528 = tpu.memref_slice %arg9[%dma_start3A_523, %dma_start3A_524, %dma_start3A_526, %dma_start3A_527] : memref<2x8x128x16xf32, #tpu.memory_space<vmem>> -> memref<1x1x128x16xf32, #tpu.memory_space<vmem>>
      %dma_start3A_529 = tpu.memref_squeeze %dma_start3A_528 : memref<1x1x128x16xf32, #tpu.memory_space<vmem>> -> memref<128x16xf32, #tpu.memory_space<vmem>>
      %dma_start3A_530 = arith.constant 0 : i32
      %dma_start3A_531 = tpu.memref_slice %arg8[%add3A_522, %dma_start3A_530] : memref<80x128xi32, #tpu.memory_space<vmem>> -> memref<1x128xi32, #tpu.memory_space<vmem>>
      %dma_start3A_532 = tpu.memref_squeeze %dma_start3A_531 : memref<1x128xi32, #tpu.memory_space<vmem>> -> memref<128xi32, #tpu.memory_space<vmem>>
      %dma_start3A_533 = arith.constant 0 : i32
      %dma_start3A_534 = arith.constant 0 : i32
      %dma_start3A_535 = tpu.memref_slice %arg10[%dma_start3A_533, %dma_start3A_534] : memref<10112x16xf32, #tpu.memory_space<vmem_shared>> -> memref<10112x16xf32, #tpu.memory_space<vmem_shared>>
      %dma_start3A_536 = tpu.memref_slice %arg13[%dma_start3A_525] : memref<2x!tpu.dma_semaphore, #tpu.memory_space<semaphore_mem>> -> memref<1x!tpu.dma_semaphore, #tpu.memory_space<semaphore_mem>>
      %dma_start3A_537 = tpu.memref_squeeze %dma_start3A_536 : memref<1x!tpu.dma_semaphore, #tpu.memory_space<semaphore_mem>> -> memref<!tpu.dma_semaphore, #tpu.memory_space<semaphore_mem>>
      tpu.enqueue_indirect_dma source(%dma_start3A_529 : memref<128x16xf32, #tpu.memory_space<vmem>>) target(%dma_start3A_535 : memref<10112x16xf32, #tpu.memory_space<vmem_shared>>) offsets(%dma_start3A_532 : memref<128xi32, #tpu.memory_space<vmem>>) semaphore(%dma_start3A_537 : memref<!tpu.dma_semaphore, #tpu.memory_space<semaphore_mem>>) {add = true}
      %mul3A_538 = arith.constant 8 : i32
      %mul3A_539 = arith.muli %mul3A_154, %mul3A_538 : i32
      %add3A_540 = arith.constant 4 : i32
      %add3A_541 = arith.addi %mul3A_539, %add3A_540 : i32
      %dma_start3A_542 = arith.constant 0 : i32
      %dma_start3A_543 = arith.constant 4 : i32
      %dma_start3A_544 = arith.constant 0 : i32
      %dma_start3A_545 = arith.constant 0 : i32
      %dma_start3A_546 = arith.constant 0 : i32
      %dma_start3A_547 = tpu.memref_slice %arg9[%dma_start3A_542, %dma_start3A_543, %dma_start3A_545, %dma_start3A_546] : memref<2x8x128x16xf32, #tpu.memory_space<vmem>> -> memref<1x1x128x16xf32, #tpu.memory_space<vmem>>
      %dma_start3A_548 = tpu.memref_squeeze %dma_start3A_547 : memref<1x1x128x16xf32, #tpu.memory_space<vmem>> -> memref<128x16xf32, #tpu.memory_space<vmem>>
      %dma_start3A_549 = arith.constant 0 : i32
      %dma_start3A_550 = tpu.memref_slice %arg8[%add3A_541, %dma_start3A_549] : memref<80x128xi32, #tpu.memory_space<vmem>> -> memref<1x128xi32, #tpu.memory_space<vmem>>
      %dma_start3A_551 = tpu.memref_squeeze %dma_start3A_550 : memref<1x128xi32, #tpu.memory_space<vmem>> -> memref<128xi32, #tpu.memory_space<vmem>>
      %dma_start3A_552 = arith.constant 0 : i32
      %dma_start3A_553 = arith.constant 0 : i32
      %dma_start3A_554 = tpu.memref_slice %arg10[%dma_start3A_552, %dma_start3A_553] : memref<10112x16xf32, #tpu.memory_space<vmem_shared>> -> memref<10112x16xf32, #tpu.memory_space<vmem_shared>>
      %dma_start3A_555 = tpu.memref_slice %arg13[%dma_start3A_544] : memref<2x!tpu.dma_semaphore, #tpu.memory_space<semaphore_mem>> -> memref<1x!tpu.dma_semaphore, #tpu.memory_space<semaphore_mem>>
      %dma_start3A_556 = tpu.memref_squeeze %dma_start3A_555 : memref<1x!tpu.dma_semaphore, #tpu.memory_space<semaphore_mem>> -> memref<!tpu.dma_semaphore, #tpu.memory_space<semaphore_mem>>
      tpu.enqueue_indirect_dma source(%dma_start3A_548 : memref<128x16xf32, #tpu.memory_space<vmem>>) target(%dma_start3A_554 : memref<10112x16xf32, #tpu.memory_space<vmem_shared>>) offsets(%dma_start3A_551 : memref<128xi32, #tpu.memory_space<vmem>>) semaphore(%dma_start3A_556 : memref<!tpu.dma_semaphore, #tpu.memory_space<semaphore_mem>>) {add = true}
      %mul3A_557 = arith.constant 8 : i32
      %mul3A_558 = arith.muli %mul3A_154, %mul3A_557 : i32
      %add3A_559 = arith.constant 5 : i32
      %add3A_560 = arith.addi %mul3A_558, %add3A_559 : i32
      %dma_start3A_561 = arith.constant 0 : i32
      %dma_start3A_562 = arith.constant 5 : i32
      %dma_start3A_563 = arith.constant 0 : i32
      %dma_start3A_564 = arith.constant 0 : i32
      %dma_start3A_565 = arith.constant 0 : i32
      %dma_start3A_566 = tpu.memref_slice %arg9[%dma_start3A_561, %dma_start3A_562, %dma_start3A_564, %dma_start3A_565] : memref<2x8x128x16xf32, #tpu.memory_space<vmem>> -> memref<1x1x128x16xf32, #tpu.memory_space<vmem>>
      %dma_start3A_567 = tpu.memref_squeeze %dma_start3A_566 : memref<1x1x128x16xf32, #tpu.memory_space<vmem>> -> memref<128x16xf32, #tpu.memory_space<vmem>>
      %dma_start3A_568 = arith.constant 0 : i32
      %dma_start3A_569 = tpu.memref_slice %arg8[%add3A_560, %dma_start3A_568] : memref<80x128xi32, #tpu.memory_space<vmem>> -> memref<1x128xi32, #tpu.memory_space<vmem>>
      %dma_start3A_570 = tpu.memref_squeeze %dma_start3A_569 : memref<1x128xi32, #tpu.memory_space<vmem>> -> memref<128xi32, #tpu.memory_space<vmem>>
      %dma_start3A_571 = arith.constant 0 : i32
      %dma_start3A_572 = arith.constant 0 : i32
      %dma_start3A_573 = tpu.memref_slice %arg10[%dma_start3A_571, %dma_start3A_572] : memref<10112x16xf32, #tpu.memory_space<vmem_shared>> -> memref<10112x16xf32, #tpu.memory_space<vmem_shared>>
      %dma_start3A_574 = tpu.memref_slice %arg13[%dma_start3A_563] : memref<2x!tpu.dma_semaphore, #tpu.memory_space<semaphore_mem>> -> memref<1x!tpu.dma_semaphore, #tpu.memory_space<semaphore_mem>>
      %dma_start3A_575 = tpu.memref_squeeze %dma_start3A_574 : memref<1x!tpu.dma_semaphore, #tpu.memory_space<semaphore_mem>> -> memref<!tpu.dma_semaphore, #tpu.memory_space<semaphore_mem>>
      tpu.enqueue_indirect_dma source(%dma_start3A_567 : memref<128x16xf32, #tpu.memory_space<vmem>>) target(%dma_start3A_573 : memref<10112x16xf32, #tpu.memory_space<vmem_shared>>) offsets(%dma_start3A_570 : memref<128xi32, #tpu.memory_space<vmem>>) semaphore(%dma_start3A_575 : memref<!tpu.dma_semaphore, #tpu.memory_space<semaphore_mem>>) {add = true}
      %mul3A_576 = arith.constant 8 : i32
      %mul3A_577 = arith.muli %mul3A_154, %mul3A_576 : i32
      %add3A_578 = arith.constant 6 : i32
      %add3A_579 = arith.addi %mul3A_577, %add3A_578 : i32
      %dma_start3A_580 = arith.constant 0 : i32
      %dma_start3A_581 = arith.constant 6 : i32
      %dma_start3A_582 = arith.constant 0 : i32
      %dma_start3A_583 = arith.constant 0 : i32
      %dma_start3A_584 = arith.constant 0 : i32
      %dma_start3A_585 = tpu.memref_slice %arg9[%dma_start3A_580, %dma_start3A_581, %dma_start3A_583, %dma_start3A_584] : memref<2x8x128x16xf32, #tpu.memory_space<vmem>> -> memref<1x1x128x16xf32, #tpu.memory_space<vmem>>
      %dma_start3A_586 = tpu.memref_squeeze %dma_start3A_585 : memref<1x1x128x16xf32, #tpu.memory_space<vmem>> -> memref<128x16xf32, #tpu.memory_space<vmem>>
      %dma_start3A_587 = arith.constant 0 : i32
      %dma_start3A_588 = tpu.memref_slice %arg8[%add3A_579, %dma_start3A_587] : memref<80x128xi32, #tpu.memory_space<vmem>> -> memref<1x128xi32, #tpu.memory_space<vmem>>
      %dma_start3A_589 = tpu.memref_squeeze %dma_start3A_588 : memref<1x128xi32, #tpu.memory_space<vmem>> -> memref<128xi32, #tpu.memory_space<vmem>>
      %dma_start3A_590 = arith.constant 0 : i32
      %dma_start3A_591 = arith.constant 0 : i32
      %dma_start3A_592 = tpu.memref_slice %arg10[%dma_start3A_590, %dma_start3A_591] : memref<10112x16xf32, #tpu.memory_space<vmem_shared>> -> memref<10112x16xf32, #tpu.memory_space<vmem_shared>>
      %dma_start3A_593 = tpu.memref_slice %arg13[%dma_start3A_582] : memref<2x!tpu.dma_semaphore, #tpu.memory_space<semaphore_mem>> -> memref<1x!tpu.dma_semaphore, #tpu.memory_space<semaphore_mem>>
      %dma_start3A_594 = tpu.memref_squeeze %dma_start3A_593 : memref<1x!tpu.dma_semaphore, #tpu.memory_space<semaphore_mem>> -> memref<!tpu.dma_semaphore, #tpu.memory_space<semaphore_mem>>
      tpu.enqueue_indirect_dma source(%dma_start3A_586 : memref<128x16xf32, #tpu.memory_space<vmem>>) target(%dma_start3A_592 : memref<10112x16xf32, #tpu.memory_space<vmem_shared>>) offsets(%dma_start3A_589 : memref<128xi32, #tpu.memory_space<vmem>>) semaphore(%dma_start3A_594 : memref<!tpu.dma_semaphore, #tpu.memory_space<semaphore_mem>>) {add = true}
      %mul3A_595 = arith.constant 8 : i32
      %mul3A_596 = arith.muli %mul3A_154, %mul3A_595 : i32
      %add3A_597 = arith.constant 7 : i32
      %add3A_598 = arith.addi %mul3A_596, %add3A_597 : i32
      %dma_start3A_599 = arith.constant 0 : i32
      %dma_start3A_600 = arith.constant 7 : i32
      %dma_start3A_601 = arith.constant 0 : i32
      %dma_start3A_602 = arith.constant 0 : i32
      %dma_start3A_603 = arith.constant 0 : i32
      %dma_start3A_604 = tpu.memref_slice %arg9[%dma_start3A_599, %dma_start3A_600, %dma_start3A_602, %dma_start3A_603] : memref<2x8x128x16xf32, #tpu.memory_space<vmem>> -> memref<1x1x128x16xf32, #tpu.memory_space<vmem>>
      %dma_start3A_605 = tpu.memref_squeeze %dma_start3A_604 : memref<1x1x128x16xf32, #tpu.memory_space<vmem>> -> memref<128x16xf32, #tpu.memory_space<vmem>>
      %dma_start3A_606 = arith.constant 0 : i32
      %dma_start3A_607 = tpu.memref_slice %arg8[%add3A_598, %dma_start3A_606] : memref<80x128xi32, #tpu.memory_space<vmem>> -> memref<1x128xi32, #tpu.memory_space<vmem>>
      %dma_start3A_608 = tpu.memref_squeeze %dma_start3A_607 : memref<1x128xi32, #tpu.memory_space<vmem>> -> memref<128xi32, #tpu.memory_space<vmem>>
      %dma_start3A_609 = arith.constant 0 : i32
      %dma_start3A_610 = arith.constant 0 : i32
      %dma_start3A_611 = tpu.memref_slice %arg10[%dma_start3A_609, %dma_start3A_610] : memref<10112x16xf32, #tpu.memory_space<vmem_shared>> -> memref<10112x16xf32, #tpu.memory_space<vmem_shared>>
      %dma_start3A_612 = tpu.memref_slice %arg13[%dma_start3A_601] : memref<2x!tpu.dma_semaphore, #tpu.memory_space<semaphore_mem>> -> memref<1x!tpu.dma_semaphore, #tpu.memory_space<semaphore_mem>>
      %dma_start3A_613 = tpu.memref_squeeze %dma_start3A_612 : memref<1x!tpu.dma_semaphore, #tpu.memory_space<semaphore_mem>> -> memref<!tpu.dma_semaphore, #tpu.memory_space<semaphore_mem>>
      tpu.enqueue_indirect_dma source(%dma_start3A_605 : memref<128x16xf32, #tpu.memory_space<vmem>>) target(%dma_start3A_611 : memref<10112x16xf32, #tpu.memory_space<vmem_shared>>) offsets(%dma_start3A_608 : memref<128xi32, #tpu.memory_space<vmem>>) semaphore(%dma_start3A_613 : memref<!tpu.dma_semaphore, #tpu.memory_space<semaphore_mem>>) {add = true}
      %mul3A_614 = arith.constant 8 : i32
      %mul3A_615 = arith.muli %mul3A_154, %mul3A_614 : i32
      %add3A_616 = arith.constant 0 : i32
      %add3A_617 = arith.addi %mul3A_615, %add3A_616 : i32
      %dma_wait3A_618 = arith.constant 0 : i32
      %dma_wait3A_619 = arith.constant 0 : i32
      %dma_wait3A_620 = arith.constant 0 : i32
      %dma_wait3A_621 = arith.constant 0 : i32
      %dma_wait3A_622 = arith.constant 0 : i32
      %dma_wait3A_623 = tpu.memref_slice %arg9[%dma_wait3A_618, %dma_wait3A_619, %dma_wait3A_621, %dma_wait3A_622] : memref<2x8x128x16xf32, #tpu.memory_space<vmem>> -> memref<1x1x128x16xf32, #tpu.memory_space<vmem>>
      %dma_wait3A_624 = tpu.memref_squeeze %dma_wait3A_623 : memref<1x1x128x16xf32, #tpu.memory_space<vmem>> -> memref<128x16xf32, #tpu.memory_space<vmem>>
      %dma_wait3A_625 = arith.constant 0 : i32
      %dma_wait3A_626 = tpu.memref_slice %arg8[%add3A_617, %dma_wait3A_625] : memref<80x128xi32, #tpu.memory_space<vmem>> -> memref<1x128xi32, #tpu.memory_space<vmem>>
      %dma_wait3A_627 = tpu.memref_squeeze %dma_wait3A_626 : memref<1x128xi32, #tpu.memory_space<vmem>> -> memref<128xi32, #tpu.memory_space<vmem>>
      %dma_wait3A_628 = arith.constant 0 : i32
      %dma_wait3A_629 = arith.constant 0 : i32
      %dma_wait3A_630 = tpu.memref_slice %arg10[%dma_wait3A_628, %dma_wait3A_629] : memref<10112x16xf32, #tpu.memory_space<vmem_shared>> -> memref<10112x16xf32, #tpu.memory_space<vmem_shared>>
      %dma_wait3A_631 = tpu.memref_slice %arg13[%dma_wait3A_620] : memref<2x!tpu.dma_semaphore, #tpu.memory_space<semaphore_mem>> -> memref<1x!tpu.dma_semaphore, #tpu.memory_space<semaphore_mem>>
      %dma_wait3A_632 = tpu.memref_squeeze %dma_wait3A_631 : memref<1x!tpu.dma_semaphore, #tpu.memory_space<semaphore_mem>> -> memref<!tpu.dma_semaphore, #tpu.memory_space<semaphore_mem>>
      tpu.wait_indirect_dma semaphore(%dma_wait3A_632 : memref<!tpu.dma_semaphore, #tpu.memory_space<semaphore_mem>>) src(%dma_wait3A_624 : memref<128x16xf32, #tpu.memory_space<vmem>>) dst(%dma_wait3A_630 : memref<10112x16xf32, #tpu.memory_space<vmem_shared>>)
      %mul3A_633 = arith.constant 8 : i32
      %mul3A_634 = arith.muli %mul3A_154, %mul3A_633 : i32
      %add3A_635 = arith.constant 1 : i32
      %add3A_636 = arith.addi %mul3A_634, %add3A_635 : i32
      %dma_wait3A_637 = arith.constant 0 : i32
      %dma_wait3A_638 = arith.constant 1 : i32
      %dma_wait3A_639 = arith.constant 0 : i32
      %dma_wait3A_640 = arith.constant 0 : i32
      %dma_wait3A_641 = arith.constant 0 : i32
      %dma_wait3A_642 = tpu.memref_slice %arg9[%dma_wait3A_637, %dma_wait3A_638, %dma_wait3A_640, %dma_wait3A_641] : memref<2x8x128x16xf32, #tpu.memory_space<vmem>> -> memref<1x1x128x16xf32, #tpu.memory_space<vmem>>
      %dma_wait3A_643 = tpu.memref_squeeze %dma_wait3A_642 : memref<1x1x128x16xf32, #tpu.memory_space<vmem>> -> memref<128x16xf32, #tpu.memory_space<vmem>>
      %dma_wait3A_644 = arith.constant 0 : i32
      %dma_wait3A_645 = tpu.memref_slice %arg8[%add3A_636, %dma_wait3A_644] : memref<80x128xi32, #tpu.memory_space<vmem>> -> memref<1x128xi32, #tpu.memory_space<vmem>>
      %dma_wait3A_646 = tpu.memref_squeeze %dma_wait3A_645 : memref<1x128xi32, #tpu.memory_space<vmem>> -> memref<128xi32, #tpu.memory_space<vmem>>
      %dma_wait3A_647 = arith.constant 0 : i32
      %dma_wait3A_648 = arith.constant 0 : i32
      %dma_wait3A_649 = tpu.memref_slice %arg10[%dma_wait3A_647, %dma_wait3A_648] : memref<10112x16xf32, #tpu.memory_space<vmem_shared>> -> memref<10112x16xf32, #tpu.memory_space<vmem_shared>>
      %dma_wait3A_650 = tpu.memref_slice %arg13[%dma_wait3A_639] : memref<2x!tpu.dma_semaphore, #tpu.memory_space<semaphore_mem>> -> memref<1x!tpu.dma_semaphore, #tpu.memory_space<semaphore_mem>>
      %dma_wait3A_651 = tpu.memref_squeeze %dma_wait3A_650 : memref<1x!tpu.dma_semaphore, #tpu.memory_space<semaphore_mem>> -> memref<!tpu.dma_semaphore, #tpu.memory_space<semaphore_mem>>
      tpu.wait_indirect_dma semaphore(%dma_wait3A_651 : memref<!tpu.dma_semaphore, #tpu.memory_space<semaphore_mem>>) src(%dma_wait3A_643 : memref<128x16xf32, #tpu.memory_space<vmem>>) dst(%dma_wait3A_649 : memref<10112x16xf32, #tpu.memory_space<vmem_shared>>)
      %mul3A_652 = arith.constant 8 : i32
      %mul3A_653 = arith.muli %mul3A_154, %mul3A_652 : i32
      %add3A_654 = arith.constant 2 : i32
      %add3A_655 = arith.addi %mul3A_653, %add3A_654 : i32
      %dma_wait3A_656 = arith.constant 0 : i32
      %dma_wait3A_657 = arith.constant 2 : i32
      %dma_wait3A_658 = arith.constant 0 : i32
      %dma_wait3A_659 = arith.constant 0 : i32
      %dma_wait3A_660 = arith.constant 0 : i32
      %dma_wait3A_661 = tpu.memref_slice %arg9[%dma_wait3A_656, %dma_wait3A_657, %dma_wait3A_659, %dma_wait3A_660] : memref<2x8x128x16xf32, #tpu.memory_space<vmem>> -> memref<1x1x128x16xf32, #tpu.memory_space<vmem>>
      %dma_wait3A_662 = tpu.memref_squeeze %dma_wait3A_661 : memref<1x1x128x16xf32, #tpu.memory_space<vmem>> -> memref<128x16xf32, #tpu.memory_space<vmem>>
      %dma_wait3A_663 = arith.constant 0 : i32
      %dma_wait3A_664 = tpu.memref_slice %arg8[%add3A_655, %dma_wait3A_663] : memref<80x128xi32, #tpu.memory_space<vmem>> -> memref<1x128xi32, #tpu.memory_space<vmem>>
      %dma_wait3A_665 = tpu.memref_squeeze %dma_wait3A_664 : memref<1x128xi32, #tpu.memory_space<vmem>> -> memref<128xi32, #tpu.memory_space<vmem>>
      %dma_wait3A_666 = arith.constant 0 : i32
      %dma_wait3A_667 = arith.constant 0 : i32
      %dma_wait3A_668 = tpu.memref_slice %arg10[%dma_wait3A_666, %dma_wait3A_667] : memref<10112x16xf32, #tpu.memory_space<vmem_shared>> -> memref<10112x16xf32, #tpu.memory_space<vmem_shared>>
      %dma_wait3A_669 = tpu.memref_slice %arg13[%dma_wait3A_658] : memref<2x!tpu.dma_semaphore, #tpu.memory_space<semaphore_mem>> -> memref<1x!tpu.dma_semaphore, #tpu.memory_space<semaphore_mem>>
      %dma_wait3A_670 = tpu.memref_squeeze %dma_wait3A_669 : memref<1x!tpu.dma_semaphore, #tpu.memory_space<semaphore_mem>> -> memref<!tpu.dma_semaphore, #tpu.memory_space<semaphore_mem>>
      tpu.wait_indirect_dma semaphore(%dma_wait3A_670 : memref<!tpu.dma_semaphore, #tpu.memory_space<semaphore_mem>>) src(%dma_wait3A_662 : memref<128x16xf32, #tpu.memory_space<vmem>>) dst(%dma_wait3A_668 : memref<10112x16xf32, #tpu.memory_space<vmem_shared>>)
      %mul3A_671 = arith.constant 8 : i32
      %mul3A_672 = arith.muli %mul3A_154, %mul3A_671 : i32
      %add3A_673 = arith.constant 3 : i32
      %add3A_674 = arith.addi %mul3A_672, %add3A_673 : i32
      %dma_wait3A_675 = arith.constant 0 : i32
      %dma_wait3A_676 = arith.constant 3 : i32
      %dma_wait3A_677 = arith.constant 0 : i32
      %dma_wait3A_678 = arith.constant 0 : i32
      %dma_wait3A_679 = arith.constant 0 : i32
      %dma_wait3A_680 = tpu.memref_slice %arg9[%dma_wait3A_675, %dma_wait3A_676, %dma_wait3A_678, %dma_wait3A_679] : memref<2x8x128x16xf32, #tpu.memory_space<vmem>> -> memref<1x1x128x16xf32, #tpu.memory_space<vmem>>
      %dma_wait3A_681 = tpu.memref_squeeze %dma_wait3A_680 : memref<1x1x128x16xf32, #tpu.memory_space<vmem>> -> memref<128x16xf32, #tpu.memory_space<vmem>>
      %dma_wait3A_682 = arith.constant 0 : i32
      %dma_wait3A_683 = tpu.memref_slice %arg8[%add3A_674, %dma_wait3A_682] : memref<80x128xi32, #tpu.memory_space<vmem>> -> memref<1x128xi32, #tpu.memory_space<vmem>>
      %dma_wait3A_684 = tpu.memref_squeeze %dma_wait3A_683 : memref<1x128xi32, #tpu.memory_space<vmem>> -> memref<128xi32, #tpu.memory_space<vmem>>
      %dma_wait3A_685 = arith.constant 0 : i32
      %dma_wait3A_686 = arith.constant 0 : i32
      %dma_wait3A_687 = tpu.memref_slice %arg10[%dma_wait3A_685, %dma_wait3A_686] : memref<10112x16xf32, #tpu.memory_space<vmem_shared>> -> memref<10112x16xf32, #tpu.memory_space<vmem_shared>>
      %dma_wait3A_688 = tpu.memref_slice %arg13[%dma_wait3A_677] : memref<2x!tpu.dma_semaphore, #tpu.memory_space<semaphore_mem>> -> memref<1x!tpu.dma_semaphore, #tpu.memory_space<semaphore_mem>>
      %dma_wait3A_689 = tpu.memref_squeeze %dma_wait3A_688 : memref<1x!tpu.dma_semaphore, #tpu.memory_space<semaphore_mem>> -> memref<!tpu.dma_semaphore, #tpu.memory_space<semaphore_mem>>
      tpu.wait_indirect_dma semaphore(%dma_wait3A_689 : memref<!tpu.dma_semaphore, #tpu.memory_space<semaphore_mem>>) src(%dma_wait3A_681 : memref<128x16xf32, #tpu.memory_space<vmem>>) dst(%dma_wait3A_687 : memref<10112x16xf32, #tpu.memory_space<vmem_shared>>)
      %mul3A_690 = arith.constant 8 : i32
      %mul3A_691 = arith.muli %mul3A_154, %mul3A_690 : i32
      %add3A_692 = arith.constant 4 : i32
      %add3A_693 = arith.addi %mul3A_691, %add3A_692 : i32
      %dma_wait3A_694 = arith.constant 0 : i32
      %dma_wait3A_695 = arith.constant 4 : i32
      %dma_wait3A_696 = arith.constant 0 : i32
      %dma_wait3A_697 = arith.constant 0 : i32
      %dma_wait3A_698 = arith.constant 0 : i32
      %dma_wait3A_699 = tpu.memref_slice %arg9[%dma_wait3A_694, %dma_wait3A_695, %dma_wait3A_697, %dma_wait3A_698] : memref<2x8x128x16xf32, #tpu.memory_space<vmem>> -> memref<1x1x128x16xf32, #tpu.memory_space<vmem>>
      %dma_wait3A_700 = tpu.memref_squeeze %dma_wait3A_699 : memref<1x1x128x16xf32, #tpu.memory_space<vmem>> -> memref<128x16xf32, #tpu.memory_space<vmem>>
      %dma_wait3A_701 = arith.constant 0 : i32
      %dma_wait3A_702 = tpu.memref_slice %arg8[%add3A_693, %dma_wait3A_701] : memref<80x128xi32, #tpu.memory_space<vmem>> -> memref<1x128xi32, #tpu.memory_space<vmem>>
      %dma_wait3A_703 = tpu.memref_squeeze %dma_wait3A_702 : memref<1x128xi32, #tpu.memory_space<vmem>> -> memref<128xi32, #tpu.memory_space<vmem>>
      %dma_wait3A_704 = arith.constant 0 : i32
      %dma_wait3A_705 = arith.constant 0 : i32
      %dma_wait3A_706 = tpu.memref_slice %arg10[%dma_wait3A_704, %dma_wait3A_705] : memref<10112x16xf32, #tpu.memory_space<vmem_shared>> -> memref<10112x16xf32, #tpu.memory_space<vmem_shared>>
      %dma_wait3A_707 = tpu.memref_slice %arg13[%dma_wait3A_696] : memref<2x!tpu.dma_semaphore, #tpu.memory_space<semaphore_mem>> -> memref<1x!tpu.dma_semaphore, #tpu.memory_space<semaphore_mem>>
      %dma_wait3A_708 = tpu.memref_squeeze %dma_wait3A_707 : memref<1x!tpu.dma_semaphore, #tpu.memory_space<semaphore_mem>> -> memref<!tpu.dma_semaphore, #tpu.memory_space<semaphore_mem>>
      tpu.wait_indirect_dma semaphore(%dma_wait3A_708 : memref<!tpu.dma_semaphore, #tpu.memory_space<semaphore_mem>>) src(%dma_wait3A_700 : memref<128x16xf32, #tpu.memory_space<vmem>>) dst(%dma_wait3A_706 : memref<10112x16xf32, #tpu.memory_space<vmem_shared>>)
      %mul3A_709 = arith.constant 8 : i32
      %mul3A_710 = arith.muli %mul3A_154, %mul3A_709 : i32
      %add3A_711 = arith.constant 5 : i32
      %add3A_712 = arith.addi %mul3A_710, %add3A_711 : i32
      %dma_wait3A_713 = arith.constant 0 : i32
      %dma_wait3A_714 = arith.constant 5 : i32
      %dma_wait3A_715 = arith.constant 0 : i32
      %dma_wait3A_716 = arith.constant 0 : i32
      %dma_wait3A_717 = arith.constant 0 : i32
      %dma_wait3A_718 = tpu.memref_slice %arg9[%dma_wait3A_713, %dma_wait3A_714, %dma_wait3A_716, %dma_wait3A_717] : memref<2x8x128x16xf32, #tpu.memory_space<vmem>> -> memref<1x1x128x16xf32, #tpu.memory_space<vmem>>
      %dma_wait3A_719 = tpu.memref_squeeze %dma_wait3A_718 : memref<1x1x128x16xf32, #tpu.memory_space<vmem>> -> memref<128x16xf32, #tpu.memory_space<vmem>>
      %dma_wait3A_720 = arith.constant 0 : i32
      %dma_wait3A_721 = tpu.memref_slice %arg8[%add3A_712, %dma_wait3A_720] : memref<80x128xi32, #tpu.memory_space<vmem>> -> memref<1x128xi32, #tpu.memory_space<vmem>>
      %dma_wait3A_722 = tpu.memref_squeeze %dma_wait3A_721 : memref<1x128xi32, #tpu.memory_space<vmem>> -> memref<128xi32, #tpu.memory_space<vmem>>
      %dma_wait3A_723 = arith.constant 0 : i32
      %dma_wait3A_724 = arith.constant 0 : i32
      %dma_wait3A_725 = tpu.memref_slice %arg10[%dma_wait3A_723, %dma_wait3A_724] : memref<10112x16xf32, #tpu.memory_space<vmem_shared>> -> memref<10112x16xf32, #tpu.memory_space<vmem_shared>>
      %dma_wait3A_726 = tpu.memref_slice %arg13[%dma_wait3A_715] : memref<2x!tpu.dma_semaphore, #tpu.memory_space<semaphore_mem>> -> memref<1x!tpu.dma_semaphore, #tpu.memory_space<semaphore_mem>>
      %dma_wait3A_727 = tpu.memref_squeeze %dma_wait3A_726 : memref<1x!tpu.dma_semaphore, #tpu.memory_space<semaphore_mem>> -> memref<!tpu.dma_semaphore, #tpu.memory_space<semaphore_mem>>
      tpu.wait_indirect_dma semaphore(%dma_wait3A_727 : memref<!tpu.dma_semaphore, #tpu.memory_space<semaphore_mem>>) src(%dma_wait3A_719 : memref<128x16xf32, #tpu.memory_space<vmem>>) dst(%dma_wait3A_725 : memref<10112x16xf32, #tpu.memory_space<vmem_shared>>)
      %mul3A_728 = arith.constant 8 : i32
      %mul3A_729 = arith.muli %mul3A_154, %mul3A_728 : i32
      %add3A_730 = arith.constant 6 : i32
      %add3A_731 = arith.addi %mul3A_729, %add3A_730 : i32
      %dma_wait3A_732 = arith.constant 0 : i32
      %dma_wait3A_733 = arith.constant 6 : i32
      %dma_wait3A_734 = arith.constant 0 : i32
      %dma_wait3A_735 = arith.constant 0 : i32
      %dma_wait3A_736 = arith.constant 0 : i32
      %dma_wait3A_737 = tpu.memref_slice %arg9[%dma_wait3A_732, %dma_wait3A_733, %dma_wait3A_735, %dma_wait3A_736] : memref<2x8x128x16xf32, #tpu.memory_space<vmem>> -> memref<1x1x128x16xf32, #tpu.memory_space<vmem>>
      %dma_wait3A_738 = tpu.memref_squeeze %dma_wait3A_737 : memref<1x1x128x16xf32, #tpu.memory_space<vmem>> -> memref<128x16xf32, #tpu.memory_space<vmem>>
      %dma_wait3A_739 = arith.constant 0 : i32
      %dma_wait3A_740 = tpu.memref_slice %arg8[%add3A_731, %dma_wait3A_739] : memref<80x128xi32, #tpu.memory_space<vmem>> -> memref<1x128xi32, #tpu.memory_space<vmem>>
      %dma_wait3A_741 = tpu.memref_squeeze %dma_wait3A_740 : memref<1x128xi32, #tpu.memory_space<vmem>> -> memref<128xi32, #tpu.memory_space<vmem>>
      %dma_wait3A_742 = arith.constant 0 : i32
      %dma_wait3A_743 = arith.constant 0 : i32
      %dma_wait3A_744 = tpu.memref_slice %arg10[%dma_wait3A_742, %dma_wait3A_743] : memref<10112x16xf32, #tpu.memory_space<vmem_shared>> -> memref<10112x16xf32, #tpu.memory_space<vmem_shared>>
      %dma_wait3A_745 = tpu.memref_slice %arg13[%dma_wait3A_734] : memref<2x!tpu.dma_semaphore, #tpu.memory_space<semaphore_mem>> -> memref<1x!tpu.dma_semaphore, #tpu.memory_space<semaphore_mem>>
      %dma_wait3A_746 = tpu.memref_squeeze %dma_wait3A_745 : memref<1x!tpu.dma_semaphore, #tpu.memory_space<semaphore_mem>> -> memref<!tpu.dma_semaphore, #tpu.memory_space<semaphore_mem>>
      tpu.wait_indirect_dma semaphore(%dma_wait3A_746 : memref<!tpu.dma_semaphore, #tpu.memory_space<semaphore_mem>>) src(%dma_wait3A_738 : memref<128x16xf32, #tpu.memory_space<vmem>>) dst(%dma_wait3A_744 : memref<10112x16xf32, #tpu.memory_space<vmem_shared>>)
      %mul3A_747 = arith.constant 8 : i32
      %mul3A_748 = arith.muli %mul3A_154, %mul3A_747 : i32
      %add3A_749 = arith.constant 7 : i32
      %add3A_750 = arith.addi %mul3A_748, %add3A_749 : i32
      %dma_wait3A_751 = arith.constant 0 : i32
      %dma_wait3A_752 = arith.constant 7 : i32
      %dma_wait3A_753 = arith.constant 0 : i32
      %dma_wait3A_754 = arith.constant 0 : i32
      %dma_wait3A_755 = arith.constant 0 : i32
      %dma_wait3A_756 = tpu.memref_slice %arg9[%dma_wait3A_751, %dma_wait3A_752, %dma_wait3A_754, %dma_wait3A_755] : memref<2x8x128x16xf32, #tpu.memory_space<vmem>> -> memref<1x1x128x16xf32, #tpu.memory_space<vmem>>
      %dma_wait3A_757 = tpu.memref_squeeze %dma_wait3A_756 : memref<1x1x128x16xf32, #tpu.memory_space<vmem>> -> memref<128x16xf32, #tpu.memory_space<vmem>>
      %dma_wait3A_758 = arith.constant 0 : i32
      %dma_wait3A_759 = tpu.memref_slice %arg8[%add3A_750, %dma_wait3A_758] : memref<80x128xi32, #tpu.memory_space<vmem>> -> memref<1x128xi32, #tpu.memory_space<vmem>>
      %dma_wait3A_760 = tpu.memref_squeeze %dma_wait3A_759 : memref<1x128xi32, #tpu.memory_space<vmem>> -> memref<128xi32, #tpu.memory_space<vmem>>
      %dma_wait3A_761 = arith.constant 0 : i32
      %dma_wait3A_762 = arith.constant 0 : i32
      %dma_wait3A_763 = tpu.memref_slice %arg10[%dma_wait3A_761, %dma_wait3A_762] : memref<10112x16xf32, #tpu.memory_space<vmem_shared>> -> memref<10112x16xf32, #tpu.memory_space<vmem_shared>>
      %dma_wait3A_764 = tpu.memref_slice %arg13[%dma_wait3A_753] : memref<2x!tpu.dma_semaphore, #tpu.memory_space<semaphore_mem>> -> memref<1x!tpu.dma_semaphore, #tpu.memory_space<semaphore_mem>>
      %dma_wait3A_765 = tpu.memref_squeeze %dma_wait3A_764 : memref<1x!tpu.dma_semaphore, #tpu.memory_space<semaphore_mem>> -> memref<!tpu.dma_semaphore, #tpu.memory_space<semaphore_mem>>
      tpu.wait_indirect_dma semaphore(%dma_wait3A_765 : memref<!tpu.dma_semaphore, #tpu.memory_space<semaphore_mem>>) src(%dma_wait3A_757 : memref<128x16xf32, #tpu.memory_space<vmem>>) dst(%dma_wait3A_763 : memref<10112x16xf32, #tpu.memory_space<vmem_shared>>)
      %mul3A_766 = arith.constant 8 : i32
      %mul3A_767 = arith.muli %add3A_158, %mul3A_766 : i32
      %add3A_768 = arith.constant 0 : i32
      %add3A_769 = arith.addi %mul3A_767, %add3A_768 : i32
      %dma_wait3A_770 = arith.constant 1 : i32
      %dma_wait3A_771 = arith.constant 0 : i32
      %dma_wait3A_772 = arith.constant 1 : i32
      %dma_wait3A_773 = arith.constant 0 : i32
      %dma_wait3A_774 = arith.constant 0 : i32
      %dma_wait3A_775 = tpu.memref_slice %arg9[%dma_wait3A_770, %dma_wait3A_771, %dma_wait3A_773, %dma_wait3A_774] : memref<2x8x128x16xf32, #tpu.memory_space<vmem>> -> memref<1x1x128x16xf32, #tpu.memory_space<vmem>>
      %dma_wait3A_776 = tpu.memref_squeeze %dma_wait3A_775 : memref<1x1x128x16xf32, #tpu.memory_space<vmem>> -> memref<128x16xf32, #tpu.memory_space<vmem>>
      %dma_wait3A_777 = arith.constant 0 : i32
      %dma_wait3A_778 = tpu.memref_slice %arg7[%add3A_769, %dma_wait3A_777] : memref<80x128xi32, #tpu.memory_space<vmem>> -> memref<1x128xi32, #tpu.memory_space<vmem>>
      %dma_wait3A_779 = tpu.memref_squeeze %dma_wait3A_778 : memref<1x128xi32, #tpu.memory_space<vmem>> -> memref<128xi32, #tpu.memory_space<vmem>>
      %dma_wait3A_780 = arith.constant 0 : i32
      %dma_wait3A_781 = arith.constant 0 : i32
      %dma_wait3A_782 = tpu.memref_slice %arg11[%dma_wait3A_780, %dma_wait3A_781] : memref<10112x16xf32, #tpu.memory_space<vmem_shared>> -> memref<10112x16xf32, #tpu.memory_space<vmem_shared>>
      %dma_wait3A_783 = tpu.memref_slice %arg12[%dma_wait3A_772] : memref<2x!tpu.dma_semaphore, #tpu.memory_space<semaphore_mem>> -> memref<1x!tpu.dma_semaphore, #tpu.memory_space<semaphore_mem>>
      %dma_wait3A_784 = tpu.memref_squeeze %dma_wait3A_783 : memref<1x!tpu.dma_semaphore, #tpu.memory_space<semaphore_mem>> -> memref<!tpu.dma_semaphore, #tpu.memory_space<semaphore_mem>>
      tpu.wait_indirect_dma semaphore(%dma_wait3A_784 : memref<!tpu.dma_semaphore, #tpu.memory_space<semaphore_mem>>) src(%dma_wait3A_782 : memref<10112x16xf32, #tpu.memory_space<vmem_shared>>) dst(%dma_wait3A_776 : memref<128x16xf32, #tpu.memory_space<vmem>>)
      %mul3A_785 = arith.constant 8 : i32
      %mul3A_786 = arith.muli %add3A_158, %mul3A_785 : i32
      %add3A_787 = arith.constant 1 : i32
      %add3A_788 = arith.addi %mul3A_786, %add3A_787 : i32
      %dma_wait3A_789 = arith.constant 1 : i32
      %dma_wait3A_790 = arith.constant 1 : i32
      %dma_wait3A_791 = arith.constant 1 : i32
      %dma_wait3A_792 = arith.constant 0 : i32
      %dma_wait3A_793 = arith.constant 0 : i32
      %dma_wait3A_794 = tpu.memref_slice %arg9[%dma_wait3A_789, %dma_wait3A_790, %dma_wait3A_792, %dma_wait3A_793] : memref<2x8x128x16xf32, #tpu.memory_space<vmem>> -> memref<1x1x128x16xf32, #tpu.memory_space<vmem>>
      %dma_wait3A_795 = tpu.memref_squeeze %dma_wait3A_794 : memref<1x1x128x16xf32, #tpu.memory_space<vmem>> -> memref<128x16xf32, #tpu.memory_space<vmem>>
      %dma_wait3A_796 = arith.constant 0 : i32
      %dma_wait3A_797 = tpu.memref_slice %arg7[%add3A_788, %dma_wait3A_796] : memref<80x128xi32, #tpu.memory_space<vmem>> -> memref<1x128xi32, #tpu.memory_space<vmem>>
      %dma_wait3A_798 = tpu.memref_squeeze %dma_wait3A_797 : memref<1x128xi32, #tpu.memory_space<vmem>> -> memref<128xi32, #tpu.memory_space<vmem>>
      %dma_wait3A_799 = arith.constant 0 : i32
      %dma_wait3A_800 = arith.constant 0 : i32
      %dma_wait3A_801 = tpu.memref_slice %arg11[%dma_wait3A_799, %dma_wait3A_800] : memref<10112x16xf32, #tpu.memory_space<vmem_shared>> -> memref<10112x16xf32, #tpu.memory_space<vmem_shared>>
      %dma_wait3A_802 = tpu.memref_slice %arg12[%dma_wait3A_791] : memref<2x!tpu.dma_semaphore, #tpu.memory_space<semaphore_mem>> -> memref<1x!tpu.dma_semaphore, #tpu.memory_space<semaphore_mem>>
      %dma_wait3A_803 = tpu.memref_squeeze %dma_wait3A_802 : memref<1x!tpu.dma_semaphore, #tpu.memory_space<semaphore_mem>> -> memref<!tpu.dma_semaphore, #tpu.memory_space<semaphore_mem>>
      tpu.wait_indirect_dma semaphore(%dma_wait3A_803 : memref<!tpu.dma_semaphore, #tpu.memory_space<semaphore_mem>>) src(%dma_wait3A_801 : memref<10112x16xf32, #tpu.memory_space<vmem_shared>>) dst(%dma_wait3A_795 : memref<128x16xf32, #tpu.memory_space<vmem>>)
      %mul3A_804 = arith.constant 8 : i32
      %mul3A_805 = arith.muli %add3A_158, %mul3A_804 : i32
      %add3A_806 = arith.constant 2 : i32
      %add3A_807 = arith.addi %mul3A_805, %add3A_806 : i32
      %dma_wait3A_808 = arith.constant 1 : i32
      %dma_wait3A_809 = arith.constant 2 : i32
      %dma_wait3A_810 = arith.constant 1 : i32
      %dma_wait3A_811 = arith.constant 0 : i32
      %dma_wait3A_812 = arith.constant 0 : i32
      %dma_wait3A_813 = tpu.memref_slice %arg9[%dma_wait3A_808, %dma_wait3A_809, %dma_wait3A_811, %dma_wait3A_812] : memref<2x8x128x16xf32, #tpu.memory_space<vmem>> -> memref<1x1x128x16xf32, #tpu.memory_space<vmem>>
      %dma_wait3A_814 = tpu.memref_squeeze %dma_wait3A_813 : memref<1x1x128x16xf32, #tpu.memory_space<vmem>> -> memref<128x16xf32, #tpu.memory_space<vmem>>
      %dma_wait3A_815 = arith.constant 0 : i32
      %dma_wait3A_816 = tpu.memref_slice %arg7[%add3A_807, %dma_wait3A_815] : memref<80x128xi32, #tpu.memory_space<vmem>> -> memref<1x128xi32, #tpu.memory_space<vmem>>
      %dma_wait3A_817 = tpu.memref_squeeze %dma_wait3A_816 : memref<1x128xi32, #tpu.memory_space<vmem>> -> memref<128xi32, #tpu.memory_space<vmem>>
      %dma_wait3A_818 = arith.constant 0 : i32
      %dma_wait3A_819 = arith.constant 0 : i32
      %dma_wait3A_820 = tpu.memref_slice %arg11[%dma_wait3A_818, %dma_wait3A_819] : memref<10112x16xf32, #tpu.memory_space<vmem_shared>> -> memref<10112x16xf32, #tpu.memory_space<vmem_shared>>
      %dma_wait3A_821 = tpu.memref_slice %arg12[%dma_wait3A_810] : memref<2x!tpu.dma_semaphore, #tpu.memory_space<semaphore_mem>> -> memref<1x!tpu.dma_semaphore, #tpu.memory_space<semaphore_mem>>
      %dma_wait3A_822 = tpu.memref_squeeze %dma_wait3A_821 : memref<1x!tpu.dma_semaphore, #tpu.memory_space<semaphore_mem>> -> memref<!tpu.dma_semaphore, #tpu.memory_space<semaphore_mem>>
      tpu.wait_indirect_dma semaphore(%dma_wait3A_822 : memref<!tpu.dma_semaphore, #tpu.memory_space<semaphore_mem>>) src(%dma_wait3A_820 : memref<10112x16xf32, #tpu.memory_space<vmem_shared>>) dst(%dma_wait3A_814 : memref<128x16xf32, #tpu.memory_space<vmem>>)
      %mul3A_823 = arith.constant 8 : i32
      %mul3A_824 = arith.muli %add3A_158, %mul3A_823 : i32
      %add3A_825 = arith.constant 3 : i32
      %add3A_826 = arith.addi %mul3A_824, %add3A_825 : i32
      %dma_wait3A_827 = arith.constant 1 : i32
      %dma_wait3A_828 = arith.constant 3 : i32
      %dma_wait3A_829 = arith.constant 1 : i32
      %dma_wait3A_830 = arith.constant 0 : i32
      %dma_wait3A_831 = arith.constant 0 : i32
      %dma_wait3A_832 = tpu.memref_slice %arg9[%dma_wait3A_827, %dma_wait3A_828, %dma_wait3A_830, %dma_wait3A_831] : memref<2x8x128x16xf32, #tpu.memory_space<vmem>> -> memref<1x1x128x16xf32, #tpu.memory_space<vmem>>
      %dma_wait3A_833 = tpu.memref_squeeze %dma_wait3A_832 : memref<1x1x128x16xf32, #tpu.memory_space<vmem>> -> memref<128x16xf32, #tpu.memory_space<vmem>>
      %dma_wait3A_834 = arith.constant 0 : i32
      %dma_wait3A_835 = tpu.memref_slice %arg7[%add3A_826, %dma_wait3A_834] : memref<80x128xi32, #tpu.memory_space<vmem>> -> memref<1x128xi32, #tpu.memory_space<vmem>>
      %dma_wait3A_836 = tpu.memref_squeeze %dma_wait3A_835 : memref<1x128xi32, #tpu.memory_space<vmem>> -> memref<128xi32, #tpu.memory_space<vmem>>
      %dma_wait3A_837 = arith.constant 0 : i32
      %dma_wait3A_838 = arith.constant 0 : i32
      %dma_wait3A_839 = tpu.memref_slice %arg11[%dma_wait3A_837, %dma_wait3A_838] : memref<10112x16xf32, #tpu.memory_space<vmem_shared>> -> memref<10112x16xf32, #tpu.memory_space<vmem_shared>>
      %dma_wait3A_840 = tpu.memref_slice %arg12[%dma_wait3A_829] : memref<2x!tpu.dma_semaphore, #tpu.memory_space<semaphore_mem>> -> memref<1x!tpu.dma_semaphore, #tpu.memory_space<semaphore_mem>>
      %dma_wait3A_841 = tpu.memref_squeeze %dma_wait3A_840 : memref<1x!tpu.dma_semaphore, #tpu.memory_space<semaphore_mem>> -> memref<!tpu.dma_semaphore, #tpu.memory_space<semaphore_mem>>
      tpu.wait_indirect_dma semaphore(%dma_wait3A_841 : memref<!tpu.dma_semaphore, #tpu.memory_space<semaphore_mem>>) src(%dma_wait3A_839 : memref<10112x16xf32, #tpu.memory_space<vmem_shared>>) dst(%dma_wait3A_833 : memref<128x16xf32, #tpu.memory_space<vmem>>)
      %mul3A_842 = arith.constant 8 : i32
      %mul3A_843 = arith.muli %add3A_158, %mul3A_842 : i32
      %add3A_844 = arith.constant 4 : i32
      %add3A_845 = arith.addi %mul3A_843, %add3A_844 : i32
      %dma_wait3A_846 = arith.constant 1 : i32
      %dma_wait3A_847 = arith.constant 4 : i32
      %dma_wait3A_848 = arith.constant 1 : i32
      %dma_wait3A_849 = arith.constant 0 : i32
      %dma_wait3A_850 = arith.constant 0 : i32
      %dma_wait3A_851 = tpu.memref_slice %arg9[%dma_wait3A_846, %dma_wait3A_847, %dma_wait3A_849, %dma_wait3A_850] : memref<2x8x128x16xf32, #tpu.memory_space<vmem>> -> memref<1x1x128x16xf32, #tpu.memory_space<vmem>>
      %dma_wait3A_852 = tpu.memref_squeeze %dma_wait3A_851 : memref<1x1x128x16xf32, #tpu.memory_space<vmem>> -> memref<128x16xf32, #tpu.memory_space<vmem>>
      %dma_wait3A_853 = arith.constant 0 : i32
      %dma_wait3A_854 = tpu.memref_slice %arg7[%add3A_845, %dma_wait3A_853] : memref<80x128xi32, #tpu.memory_space<vmem>> -> memref<1x128xi32, #tpu.memory_space<vmem>>
      %dma_wait3A_855 = tpu.memref_squeeze %dma_wait3A_854 : memref<1x128xi32, #tpu.memory_space<vmem>> -> memref<128xi32, #tpu.memory_space<vmem>>
      %dma_wait3A_856 = arith.constant 0 : i32
      %dma_wait3A_857 = arith.constant 0 : i32
      %dma_wait3A_858 = tpu.memref_slice %arg11[%dma_wait3A_856, %dma_wait3A_857] : memref<10112x16xf32, #tpu.memory_space<vmem_shared>> -> memref<10112x16xf32, #tpu.memory_space<vmem_shared>>
      %dma_wait3A_859 = tpu.memref_slice %arg12[%dma_wait3A_848] : memref<2x!tpu.dma_semaphore, #tpu.memory_space<semaphore_mem>> -> memref<1x!tpu.dma_semaphore, #tpu.memory_space<semaphore_mem>>
      %dma_wait3A_860 = tpu.memref_squeeze %dma_wait3A_859 : memref<1x!tpu.dma_semaphore, #tpu.memory_space<semaphore_mem>> -> memref<!tpu.dma_semaphore, #tpu.memory_space<semaphore_mem>>
      tpu.wait_indirect_dma semaphore(%dma_wait3A_860 : memref<!tpu.dma_semaphore, #tpu.memory_space<semaphore_mem>>) src(%dma_wait3A_858 : memref<10112x16xf32, #tpu.memory_space<vmem_shared>>) dst(%dma_wait3A_852 : memref<128x16xf32, #tpu.memory_space<vmem>>)
      %mul3A_861 = arith.constant 8 : i32
      %mul3A_862 = arith.muli %add3A_158, %mul3A_861 : i32
      %add3A_863 = arith.constant 5 : i32
      %add3A_864 = arith.addi %mul3A_862, %add3A_863 : i32
      %dma_wait3A_865 = arith.constant 1 : i32
      %dma_wait3A_866 = arith.constant 5 : i32
      %dma_wait3A_867 = arith.constant 1 : i32
      %dma_wait3A_868 = arith.constant 0 : i32
      %dma_wait3A_869 = arith.constant 0 : i32
      %dma_wait3A_870 = tpu.memref_slice %arg9[%dma_wait3A_865, %dma_wait3A_866, %dma_wait3A_868, %dma_wait3A_869] : memref<2x8x128x16xf32, #tpu.memory_space<vmem>> -> memref<1x1x128x16xf32, #tpu.memory_space<vmem>>
      %dma_wait3A_871 = tpu.memref_squeeze %dma_wait3A_870 : memref<1x1x128x16xf32, #tpu.memory_space<vmem>> -> memref<128x16xf32, #tpu.memory_space<vmem>>
      %dma_wait3A_872 = arith.constant 0 : i32
      %dma_wait3A_873 = tpu.memref_slice %arg7[%add3A_864, %dma_wait3A_872] : memref<80x128xi32, #tpu.memory_space<vmem>> -> memref<1x128xi32, #tpu.memory_space<vmem>>
      %dma_wait3A_874 = tpu.memref_squeeze %dma_wait3A_873 : memref<1x128xi32, #tpu.memory_space<vmem>> -> memref<128xi32, #tpu.memory_space<vmem>>
      %dma_wait3A_875 = arith.constant 0 : i32
      %dma_wait3A_876 = arith.constant 0 : i32
      %dma_wait3A_877 = tpu.memref_slice %arg11[%dma_wait3A_875, %dma_wait3A_876] : memref<10112x16xf32, #tpu.memory_space<vmem_shared>> -> memref<10112x16xf32, #tpu.memory_space<vmem_shared>>
      %dma_wait3A_878 = tpu.memref_slice %arg12[%dma_wait3A_867] : memref<2x!tpu.dma_semaphore, #tpu.memory_space<semaphore_mem>> -> memref<1x!tpu.dma_semaphore, #tpu.memory_space<semaphore_mem>>
      %dma_wait3A_879 = tpu.memref_squeeze %dma_wait3A_878 : memref<1x!tpu.dma_semaphore, #tpu.memory_space<semaphore_mem>> -> memref<!tpu.dma_semaphore, #tpu.memory_space<semaphore_mem>>
      tpu.wait_indirect_dma semaphore(%dma_wait3A_879 : memref<!tpu.dma_semaphore, #tpu.memory_space<semaphore_mem>>) src(%dma_wait3A_877 : memref<10112x16xf32, #tpu.memory_space<vmem_shared>>) dst(%dma_wait3A_871 : memref<128x16xf32, #tpu.memory_space<vmem>>)
      %mul3A_880 = arith.constant 8 : i32
      %mul3A_881 = arith.muli %add3A_158, %mul3A_880 : i32
      %add3A_882 = arith.constant 6 : i32
      %add3A_883 = arith.addi %mul3A_881, %add3A_882 : i32
      %dma_wait3A_884 = arith.constant 1 : i32
      %dma_wait3A_885 = arith.constant 6 : i32
      %dma_wait3A_886 = arith.constant 1 : i32
      %dma_wait3A_887 = arith.constant 0 : i32
      %dma_wait3A_888 = arith.constant 0 : i32
      %dma_wait3A_889 = tpu.memref_slice %arg9[%dma_wait3A_884, %dma_wait3A_885, %dma_wait3A_887, %dma_wait3A_888] : memref<2x8x128x16xf32, #tpu.memory_space<vmem>> -> memref<1x1x128x16xf32, #tpu.memory_space<vmem>>
      %dma_wait3A_890 = tpu.memref_squeeze %dma_wait3A_889 : memref<1x1x128x16xf32, #tpu.memory_space<vmem>> -> memref<128x16xf32, #tpu.memory_space<vmem>>
      %dma_wait3A_891 = arith.constant 0 : i32
      %dma_wait3A_892 = tpu.memref_slice %arg7[%add3A_883, %dma_wait3A_891] : memref<80x128xi32, #tpu.memory_space<vmem>> -> memref<1x128xi32, #tpu.memory_space<vmem>>
      %dma_wait3A_893 = tpu.memref_squeeze %dma_wait3A_892 : memref<1x128xi32, #tpu.memory_space<vmem>> -> memref<128xi32, #tpu.memory_space<vmem>>
      %dma_wait3A_894 = arith.constant 0 : i32
      %dma_wait3A_895 = arith.constant 0 : i32
      %dma_wait3A_896 = tpu.memref_slice %arg11[%dma_wait3A_894, %dma_wait3A_895] : memref<10112x16xf32, #tpu.memory_space<vmem_shared>> -> memref<10112x16xf32, #tpu.memory_space<vmem_shared>>
      %dma_wait3A_897 = tpu.memref_slice %arg12[%dma_wait3A_886] : memref<2x!tpu.dma_semaphore, #tpu.memory_space<semaphore_mem>> -> memref<1x!tpu.dma_semaphore, #tpu.memory_space<semaphore_mem>>
      %dma_wait3A_898 = tpu.memref_squeeze %dma_wait3A_897 : memref<1x!tpu.dma_semaphore, #tpu.memory_space<semaphore_mem>> -> memref<!tpu.dma_semaphore, #tpu.memory_space<semaphore_mem>>
      tpu.wait_indirect_dma semaphore(%dma_wait3A_898 : memref<!tpu.dma_semaphore, #tpu.memory_space<semaphore_mem>>) src(%dma_wait3A_896 : memref<10112x16xf32, #tpu.memory_space<vmem_shared>>) dst(%dma_wait3A_890 : memref<128x16xf32, #tpu.memory_space<vmem>>)
      %mul3A_899 = arith.constant 8 : i32
      %mul3A_900 = arith.muli %add3A_158, %mul3A_899 : i32
      %add3A_901 = arith.constant 7 : i32
      %add3A_902 = arith.addi %mul3A_900, %add3A_901 : i32
      %dma_wait3A_903 = arith.constant 1 : i32
      %dma_wait3A_904 = arith.constant 7 : i32
      %dma_wait3A_905 = arith.constant 1 : i32
      %dma_wait3A_906 = arith.constant 0 : i32
      %dma_wait3A_907 = arith.constant 0 : i32
      %dma_wait3A_908 = tpu.memref_slice %arg9[%dma_wait3A_903, %dma_wait3A_904, %dma_wait3A_906, %dma_wait3A_907] : memref<2x8x128x16xf32, #tpu.memory_space<vmem>> -> memref<1x1x128x16xf32, #tpu.memory_space<vmem>>
      %dma_wait3A_909 = tpu.memref_squeeze %dma_wait3A_908 : memref<1x1x128x16xf32, #tpu.memory_space<vmem>> -> memref<128x16xf32, #tpu.memory_space<vmem>>
      %dma_wait3A_910 = arith.constant 0 : i32
      %dma_wait3A_911 = tpu.memref_slice %arg7[%add3A_902, %dma_wait3A_910] : memref<80x128xi32, #tpu.memory_space<vmem>> -> memref<1x128xi32, #tpu.memory_space<vmem>>
      %dma_wait3A_912 = tpu.memref_squeeze %dma_wait3A_911 : memref<1x128xi32, #tpu.memory_space<vmem>> -> memref<128xi32, #tpu.memory_space<vmem>>
      %dma_wait3A_913 = arith.constant 0 : i32
      %dma_wait3A_914 = arith.constant 0 : i32
      %dma_wait3A_915 = tpu.memref_slice %arg11[%dma_wait3A_913, %dma_wait3A_914] : memref<10112x16xf32, #tpu.memory_space<vmem_shared>> -> memref<10112x16xf32, #tpu.memory_space<vmem_shared>>
      %dma_wait3A_916 = tpu.memref_slice %arg12[%dma_wait3A_905] : memref<2x!tpu.dma_semaphore, #tpu.memory_space<semaphore_mem>> -> memref<1x!tpu.dma_semaphore, #tpu.memory_space<semaphore_mem>>
      %dma_wait3A_917 = tpu.memref_squeeze %dma_wait3A_916 : memref<1x!tpu.dma_semaphore, #tpu.memory_space<semaphore_mem>> -> memref<!tpu.dma_semaphore, #tpu.memory_space<semaphore_mem>>
      tpu.wait_indirect_dma semaphore(%dma_wait3A_917 : memref<!tpu.dma_semaphore, #tpu.memory_space<semaphore_mem>>) src(%dma_wait3A_915 : memref<10112x16xf32, #tpu.memory_space<vmem_shared>>) dst(%dma_wait3A_909 : memref<128x16xf32, #tpu.memory_space<vmem>>)
      %add3A_918 = arith.constant 1 : i32
      %add3A_919 = arith.addi %add3A_158, %add3A_918 : i32
      %lt3A = arith.constant 10 : i32
      %lt3A_920 = arith.cmpi slt, %add3A_919, %lt3A : i32
      %convert_element_type3A_921 = arith.extui %lt3A_920 : i1 to i32
      %cond3A_922 = arith.constant 0 : i32
      %cond3A_923 = arith.cmpi ne, %convert_element_type3A_921, %cond3A_922 : i32
      scf.if %cond3A_923 {
        %add3A_1228 = arith.constant 1 : i32
        %add3A_1229 = arith.addi %add3A_158, %add3A_1228 : i32
        %mul3A_1230 = arith.constant 8 : i32
        %mul3A_1231 = arith.muli %add3A_1229, %mul3A_1230 : i32
        %add3A_1232 = arith.constant 0 : i32
        %add3A_1233 = arith.addi %mul3A_1231, %add3A_1232 : i32
        %dma_start3A_1234 = arith.constant 0 : i32
        %dma_start3A_1235 = arith.constant 0 : i32
        %dma_start3A_1236 = arith.constant 0 : i32
        %dma_start3A_1237 = arith.constant 0 : i32
        %dma_start3A_1238 = arith.constant 0 : i32
        %dma_start3A_1239 = tpu.memref_slice %arg9[%dma_start3A_1234, %dma_start3A_1235, %dma_start3A_1237, %dma_start3A_1238] : memref<2x8x128x16xf32, #tpu.memory_space<vmem>> -> memref<1x1x128x16xf32, #tpu.memory_space<vmem>>
        %dma_start3A_1240 = tpu.memref_squeeze %dma_start3A_1239 : memref<1x1x128x16xf32, #tpu.memory_space<vmem>> -> memref<128x16xf32, #tpu.memory_space<vmem>>
        %dma_start3A_1241 = arith.constant 0 : i32
        %dma_start3A_1242 = tpu.memref_slice %arg7[%add3A_1233, %dma_start3A_1241] : memref<80x128xi32, #tpu.memory_space<vmem>> -> memref<1x128xi32, #tpu.memory_space<vmem>>
        %dma_start3A_1243 = tpu.memref_squeeze %dma_start3A_1242 : memref<1x128xi32, #tpu.memory_space<vmem>> -> memref<128xi32, #tpu.memory_space<vmem>>
        %dma_start3A_1244 = arith.constant 0 : i32
        %dma_start3A_1245 = arith.constant 0 : i32
        %dma_start3A_1246 = tpu.memref_slice %arg11[%dma_start3A_1244, %dma_start3A_1245] : memref<10112x16xf32, #tpu.memory_space<vmem_shared>> -> memref<10112x16xf32, #tpu.memory_space<vmem_shared>>
        %dma_start3A_1247 = tpu.memref_slice %arg12[%dma_start3A_1236] : memref<2x!tpu.dma_semaphore, #tpu.memory_space<semaphore_mem>> -> memref<1x!tpu.dma_semaphore, #tpu.memory_space<semaphore_mem>>
        %dma_start3A_1248 = tpu.memref_squeeze %dma_start3A_1247 : memref<1x!tpu.dma_semaphore, #tpu.memory_space<semaphore_mem>> -> memref<!tpu.dma_semaphore, #tpu.memory_space<semaphore_mem>>
        tpu.enqueue_indirect_dma source(%dma_start3A_1246 : memref<10112x16xf32, #tpu.memory_space<vmem_shared>>) target(%dma_start3A_1240 : memref<128x16xf32, #tpu.memory_space<vmem>>) offsets(%dma_start3A_1243 : memref<128xi32, #tpu.memory_space<vmem>>) semaphore(%dma_start3A_1248 : memref<!tpu.dma_semaphore, #tpu.memory_space<semaphore_mem>>)
        %mul3A_1249 = arith.constant 8 : i32
        %mul3A_1250 = arith.muli %add3A_1229, %mul3A_1249 : i32
        %add3A_1251 = arith.constant 1 : i32
        %add3A_1252 = arith.addi %mul3A_1250, %add3A_1251 : i32
        %dma_start3A_1253 = arith.constant 0 : i32
        %dma_start3A_1254 = arith.constant 1 : i32
        %dma_start3A_1255 = arith.constant 0 : i32
        %dma_start3A_1256 = arith.constant 0 : i32
        %dma_start3A_1257 = arith.constant 0 : i32
        %dma_start3A_1258 = tpu.memref_slice %arg9[%dma_start3A_1253, %dma_start3A_1254, %dma_start3A_1256, %dma_start3A_1257] : memref<2x8x128x16xf32, #tpu.memory_space<vmem>> -> memref<1x1x128x16xf32, #tpu.memory_space<vmem>>
        %dma_start3A_1259 = tpu.memref_squeeze %dma_start3A_1258 : memref<1x1x128x16xf32, #tpu.memory_space<vmem>> -> memref<128x16xf32, #tpu.memory_space<vmem>>
        %dma_start3A_1260 = arith.constant 0 : i32
        %dma_start3A_1261 = tpu.memref_slice %arg7[%add3A_1252, %dma_start3A_1260] : memref<80x128xi32, #tpu.memory_space<vmem>> -> memref<1x128xi32, #tpu.memory_space<vmem>>
        %dma_start3A_1262 = tpu.memref_squeeze %dma_start3A_1261 : memref<1x128xi32, #tpu.memory_space<vmem>> -> memref<128xi32, #tpu.memory_space<vmem>>
        %dma_start3A_1263 = arith.constant 0 : i32
        %dma_start3A_1264 = arith.constant 0 : i32
        %dma_start3A_1265 = tpu.memref_slice %arg11[%dma_start3A_1263, %dma_start3A_1264] : memref<10112x16xf32, #tpu.memory_space<vmem_shared>> -> memref<10112x16xf32, #tpu.memory_space<vmem_shared>>
        %dma_start3A_1266 = tpu.memref_slice %arg12[%dma_start3A_1255] : memref<2x!tpu.dma_semaphore, #tpu.memory_space<semaphore_mem>> -> memref<1x!tpu.dma_semaphore, #tpu.memory_space<semaphore_mem>>
        %dma_start3A_1267 = tpu.memref_squeeze %dma_start3A_1266 : memref<1x!tpu.dma_semaphore, #tpu.memory_space<semaphore_mem>> -> memref<!tpu.dma_semaphore, #tpu.memory_space<semaphore_mem>>
        tpu.enqueue_indirect_dma source(%dma_start3A_1265 : memref<10112x16xf32, #tpu.memory_space<vmem_shared>>) target(%dma_start3A_1259 : memref<128x16xf32, #tpu.memory_space<vmem>>) offsets(%dma_start3A_1262 : memref<128xi32, #tpu.memory_space<vmem>>) semaphore(%dma_start3A_1267 : memref<!tpu.dma_semaphore, #tpu.memory_space<semaphore_mem>>)
        %mul3A_1268 = arith.constant 8 : i32
        %mul3A_1269 = arith.muli %add3A_1229, %mul3A_1268 : i32
        %add3A_1270 = arith.constant 2 : i32
        %add3A_1271 = arith.addi %mul3A_1269, %add3A_1270 : i32
        %dma_start3A_1272 = arith.constant 0 : i32
        %dma_start3A_1273 = arith.constant 2 : i32
        %dma_start3A_1274 = arith.constant 0 : i32
        %dma_start3A_1275 = arith.constant 0 : i32
        %dma_start3A_1276 = arith.constant 0 : i32
        %dma_start3A_1277 = tpu.memref_slice %arg9[%dma_start3A_1272, %dma_start3A_1273, %dma_start3A_1275, %dma_start3A_1276] : memref<2x8x128x16xf32, #tpu.memory_space<vmem>> -> memref<1x1x128x16xf32, #tpu.memory_space<vmem>>
        %dma_start3A_1278 = tpu.memref_squeeze %dma_start3A_1277 : memref<1x1x128x16xf32, #tpu.memory_space<vmem>> -> memref<128x16xf32, #tpu.memory_space<vmem>>
        %dma_start3A_1279 = arith.constant 0 : i32
        %dma_start3A_1280 = tpu.memref_slice %arg7[%add3A_1271, %dma_start3A_1279] : memref<80x128xi32, #tpu.memory_space<vmem>> -> memref<1x128xi32, #tpu.memory_space<vmem>>
        %dma_start3A_1281 = tpu.memref_squeeze %dma_start3A_1280 : memref<1x128xi32, #tpu.memory_space<vmem>> -> memref<128xi32, #tpu.memory_space<vmem>>
        %dma_start3A_1282 = arith.constant 0 : i32
        %dma_start3A_1283 = arith.constant 0 : i32
        %dma_start3A_1284 = tpu.memref_slice %arg11[%dma_start3A_1282, %dma_start3A_1283] : memref<10112x16xf32, #tpu.memory_space<vmem_shared>> -> memref<10112x16xf32, #tpu.memory_space<vmem_shared>>
        %dma_start3A_1285 = tpu.memref_slice %arg12[%dma_start3A_1274] : memref<2x!tpu.dma_semaphore, #tpu.memory_space<semaphore_mem>> -> memref<1x!tpu.dma_semaphore, #tpu.memory_space<semaphore_mem>>
        %dma_start3A_1286 = tpu.memref_squeeze %dma_start3A_1285 : memref<1x!tpu.dma_semaphore, #tpu.memory_space<semaphore_mem>> -> memref<!tpu.dma_semaphore, #tpu.memory_space<semaphore_mem>>
        tpu.enqueue_indirect_dma source(%dma_start3A_1284 : memref<10112x16xf32, #tpu.memory_space<vmem_shared>>) target(%dma_start3A_1278 : memref<128x16xf32, #tpu.memory_space<vmem>>) offsets(%dma_start3A_1281 : memref<128xi32, #tpu.memory_space<vmem>>) semaphore(%dma_start3A_1286 : memref<!tpu.dma_semaphore, #tpu.memory_space<semaphore_mem>>)
        %mul3A_1287 = arith.constant 8 : i32
        %mul3A_1288 = arith.muli %add3A_1229, %mul3A_1287 : i32
        %add3A_1289 = arith.constant 3 : i32
        %add3A_1290 = arith.addi %mul3A_1288, %add3A_1289 : i32
        %dma_start3A_1291 = arith.constant 0 : i32
        %dma_start3A_1292 = arith.constant 3 : i32
        %dma_start3A_1293 = arith.constant 0 : i32
        %dma_start3A_1294 = arith.constant 0 : i32
        %dma_start3A_1295 = arith.constant 0 : i32
        %dma_start3A_1296 = tpu.memref_slice %arg9[%dma_start3A_1291, %dma_start3A_1292, %dma_start3A_1294, %dma_start3A_1295] : memref<2x8x128x16xf32, #tpu.memory_space<vmem>> -> memref<1x1x128x16xf32, #tpu.memory_space<vmem>>
        %dma_start3A_1297 = tpu.memref_squeeze %dma_start3A_1296 : memref<1x1x128x16xf32, #tpu.memory_space<vmem>> -> memref<128x16xf32, #tpu.memory_space<vmem>>
        %dma_start3A_1298 = arith.constant 0 : i32
        %dma_start3A_1299 = tpu.memref_slice %arg7[%add3A_1290, %dma_start3A_1298] : memref<80x128xi32, #tpu.memory_space<vmem>> -> memref<1x128xi32, #tpu.memory_space<vmem>>
        %dma_start3A_1300 = tpu.memref_squeeze %dma_start3A_1299 : memref<1x128xi32, #tpu.memory_space<vmem>> -> memref<128xi32, #tpu.memory_space<vmem>>
        %dma_start3A_1301 = arith.constant 0 : i32
        %dma_start3A_1302 = arith.constant 0 : i32
        %dma_start3A_1303 = tpu.memref_slice %arg11[%dma_start3A_1301, %dma_start3A_1302] : memref<10112x16xf32, #tpu.memory_space<vmem_shared>> -> memref<10112x16xf32, #tpu.memory_space<vmem_shared>>
        %dma_start3A_1304 = tpu.memref_slice %arg12[%dma_start3A_1293] : memref<2x!tpu.dma_semaphore, #tpu.memory_space<semaphore_mem>> -> memref<1x!tpu.dma_semaphore, #tpu.memory_space<semaphore_mem>>
        %dma_start3A_1305 = tpu.memref_squeeze %dma_start3A_1304 : memref<1x!tpu.dma_semaphore, #tpu.memory_space<semaphore_mem>> -> memref<!tpu.dma_semaphore, #tpu.memory_space<semaphore_mem>>
        tpu.enqueue_indirect_dma source(%dma_start3A_1303 : memref<10112x16xf32, #tpu.memory_space<vmem_shared>>) target(%dma_start3A_1297 : memref<128x16xf32, #tpu.memory_space<vmem>>) offsets(%dma_start3A_1300 : memref<128xi32, #tpu.memory_space<vmem>>) semaphore(%dma_start3A_1305 : memref<!tpu.dma_semaphore, #tpu.memory_space<semaphore_mem>>)
        %mul3A_1306 = arith.constant 8 : i32
        %mul3A_1307 = arith.muli %add3A_1229, %mul3A_1306 : i32
        %add3A_1308 = arith.constant 4 : i32
        %add3A_1309 = arith.addi %mul3A_1307, %add3A_1308 : i32
        %dma_start3A_1310 = arith.constant 0 : i32
        %dma_start3A_1311 = arith.constant 4 : i32
        %dma_start3A_1312 = arith.constant 0 : i32
        %dma_start3A_1313 = arith.constant 0 : i32
        %dma_start3A_1314 = arith.constant 0 : i32
        %dma_start3A_1315 = tpu.memref_slice %arg9[%dma_start3A_1310, %dma_start3A_1311, %dma_start3A_1313, %dma_start3A_1314] : memref<2x8x128x16xf32, #tpu.memory_space<vmem>> -> memref<1x1x128x16xf32, #tpu.memory_space<vmem>>
        %dma_start3A_1316 = tpu.memref_squeeze %dma_start3A_1315 : memref<1x1x128x16xf32, #tpu.memory_space<vmem>> -> memref<128x16xf32, #tpu.memory_space<vmem>>
        %dma_start3A_1317 = arith.constant 0 : i32
        %dma_start3A_1318 = tpu.memref_slice %arg7[%add3A_1309, %dma_start3A_1317] : memref<80x128xi32, #tpu.memory_space<vmem>> -> memref<1x128xi32, #tpu.memory_space<vmem>>
        %dma_start3A_1319 = tpu.memref_squeeze %dma_start3A_1318 : memref<1x128xi32, #tpu.memory_space<vmem>> -> memref<128xi32, #tpu.memory_space<vmem>>
        %dma_start3A_1320 = arith.constant 0 : i32
        %dma_start3A_1321 = arith.constant 0 : i32
        %dma_start3A_1322 = tpu.memref_slice %arg11[%dma_start3A_1320, %dma_start3A_1321] : memref<10112x16xf32, #tpu.memory_space<vmem_shared>> -> memref<10112x16xf32, #tpu.memory_space<vmem_shared>>
        %dma_start3A_1323 = tpu.memref_slice %arg12[%dma_start3A_1312] : memref<2x!tpu.dma_semaphore, #tpu.memory_space<semaphore_mem>> -> memref<1x!tpu.dma_semaphore, #tpu.memory_space<semaphore_mem>>
        %dma_start3A_1324 = tpu.memref_squeeze %dma_start3A_1323 : memref<1x!tpu.dma_semaphore, #tpu.memory_space<semaphore_mem>> -> memref<!tpu.dma_semaphore, #tpu.memory_space<semaphore_mem>>
        tpu.enqueue_indirect_dma source(%dma_start3A_1322 : memref<10112x16xf32, #tpu.memory_space<vmem_shared>>) target(%dma_start3A_1316 : memref<128x16xf32, #tpu.memory_space<vmem>>) offsets(%dma_start3A_1319 : memref<128xi32, #tpu.memory_space<vmem>>) semaphore(%dma_start3A_1324 : memref<!tpu.dma_semaphore, #tpu.memory_space<semaphore_mem>>)
        %mul3A_1325 = arith.constant 8 : i32
        %mul3A_1326 = arith.muli %add3A_1229, %mul3A_1325 : i32
        %add3A_1327 = arith.constant 5 : i32
        %add3A_1328 = arith.addi %mul3A_1326, %add3A_1327 : i32
        %dma_start3A_1329 = arith.constant 0 : i32
        %dma_start3A_1330 = arith.constant 5 : i32
        %dma_start3A_1331 = arith.constant 0 : i32
        %dma_start3A_1332 = arith.constant 0 : i32
        %dma_start3A_1333 = arith.constant 0 : i32
        %dma_start3A_1334 = tpu.memref_slice %arg9[%dma_start3A_1329, %dma_start3A_1330, %dma_start3A_1332, %dma_start3A_1333] : memref<2x8x128x16xf32, #tpu.memory_space<vmem>> -> memref<1x1x128x16xf32, #tpu.memory_space<vmem>>
        %dma_start3A_1335 = tpu.memref_squeeze %dma_start3A_1334 : memref<1x1x128x16xf32, #tpu.memory_space<vmem>> -> memref<128x16xf32, #tpu.memory_space<vmem>>
        %dma_start3A_1336 = arith.constant 0 : i32
        %dma_start3A_1337 = tpu.memref_slice %arg7[%add3A_1328, %dma_start3A_1336] : memref<80x128xi32, #tpu.memory_space<vmem>> -> memref<1x128xi32, #tpu.memory_space<vmem>>
        %dma_start3A_1338 = tpu.memref_squeeze %dma_start3A_1337 : memref<1x128xi32, #tpu.memory_space<vmem>> -> memref<128xi32, #tpu.memory_space<vmem>>
        %dma_start3A_1339 = arith.constant 0 : i32
        %dma_start3A_1340 = arith.constant 0 : i32
        %dma_start3A_1341 = tpu.memref_slice %arg11[%dma_start3A_1339, %dma_start3A_1340] : memref<10112x16xf32, #tpu.memory_space<vmem_shared>> -> memref<10112x16xf32, #tpu.memory_space<vmem_shared>>
        %dma_start3A_1342 = tpu.memref_slice %arg12[%dma_start3A_1331] : memref<2x!tpu.dma_semaphore, #tpu.memory_space<semaphore_mem>> -> memref<1x!tpu.dma_semaphore, #tpu.memory_space<semaphore_mem>>
        %dma_start3A_1343 = tpu.memref_squeeze %dma_start3A_1342 : memref<1x!tpu.dma_semaphore, #tpu.memory_space<semaphore_mem>> -> memref<!tpu.dma_semaphore, #tpu.memory_space<semaphore_mem>>
        tpu.enqueue_indirect_dma source(%dma_start3A_1341 : memref<10112x16xf32, #tpu.memory_space<vmem_shared>>) target(%dma_start3A_1335 : memref<128x16xf32, #tpu.memory_space<vmem>>) offsets(%dma_start3A_1338 : memref<128xi32, #tpu.memory_space<vmem>>) semaphore(%dma_start3A_1343 : memref<!tpu.dma_semaphore, #tpu.memory_space<semaphore_mem>>)
        %mul3A_1344 = arith.constant 8 : i32
        %mul3A_1345 = arith.muli %add3A_1229, %mul3A_1344 : i32
        %add3A_1346 = arith.constant 6 : i32
        %add3A_1347 = arith.addi %mul3A_1345, %add3A_1346 : i32
        %dma_start3A_1348 = arith.constant 0 : i32
        %dma_start3A_1349 = arith.constant 6 : i32
        %dma_start3A_1350 = arith.constant 0 : i32
        %dma_start3A_1351 = arith.constant 0 : i32
        %dma_start3A_1352 = arith.constant 0 : i32
        %dma_start3A_1353 = tpu.memref_slice %arg9[%dma_start3A_1348, %dma_start3A_1349, %dma_start3A_1351, %dma_start3A_1352] : memref<2x8x128x16xf32, #tpu.memory_space<vmem>> -> memref<1x1x128x16xf32, #tpu.memory_space<vmem>>
        %dma_start3A_1354 = tpu.memref_squeeze %dma_start3A_1353 : memref<1x1x128x16xf32, #tpu.memory_space<vmem>> -> memref<128x16xf32, #tpu.memory_space<vmem>>
        %dma_start3A_1355 = arith.constant 0 : i32
        %dma_start3A_1356 = tpu.memref_slice %arg7[%add3A_1347, %dma_start3A_1355] : memref<80x128xi32, #tpu.memory_space<vmem>> -> memref<1x128xi32, #tpu.memory_space<vmem>>
        %dma_start3A_1357 = tpu.memref_squeeze %dma_start3A_1356 : memref<1x128xi32, #tpu.memory_space<vmem>> -> memref<128xi32, #tpu.memory_space<vmem>>
        %dma_start3A_1358 = arith.constant 0 : i32
        %dma_start3A_1359 = arith.constant 0 : i32
        %dma_start3A_1360 = tpu.memref_slice %arg11[%dma_start3A_1358, %dma_start3A_1359] : memref<10112x16xf32, #tpu.memory_space<vmem_shared>> -> memref<10112x16xf32, #tpu.memory_space<vmem_shared>>
        %dma_start3A_1361 = tpu.memref_slice %arg12[%dma_start3A_1350] : memref<2x!tpu.dma_semaphore, #tpu.memory_space<semaphore_mem>> -> memref<1x!tpu.dma_semaphore, #tpu.memory_space<semaphore_mem>>
        %dma_start3A_1362 = tpu.memref_squeeze %dma_start3A_1361 : memref<1x!tpu.dma_semaphore, #tpu.memory_space<semaphore_mem>> -> memref<!tpu.dma_semaphore, #tpu.memory_space<semaphore_mem>>
        tpu.enqueue_indirect_dma source(%dma_start3A_1360 : memref<10112x16xf32, #tpu.memory_space<vmem_shared>>) target(%dma_start3A_1354 : memref<128x16xf32, #tpu.memory_space<vmem>>) offsets(%dma_start3A_1357 : memref<128xi32, #tpu.memory_space<vmem>>) semaphore(%dma_start3A_1362 : memref<!tpu.dma_semaphore, #tpu.memory_space<semaphore_mem>>)
        %mul3A_1363 = arith.constant 8 : i32
        %mul3A_1364 = arith.muli %add3A_1229, %mul3A_1363 : i32
        %add3A_1365 = arith.constant 7 : i32
        %add3A_1366 = arith.addi %mul3A_1364, %add3A_1365 : i32
        %dma_start3A_1367 = arith.constant 0 : i32
        %dma_start3A_1368 = arith.constant 7 : i32
        %dma_start3A_1369 = arith.constant 0 : i32
        %dma_start3A_1370 = arith.constant 0 : i32
        %dma_start3A_1371 = arith.constant 0 : i32
        %dma_start3A_1372 = tpu.memref_slice %arg9[%dma_start3A_1367, %dma_start3A_1368, %dma_start3A_1370, %dma_start3A_1371] : memref<2x8x128x16xf32, #tpu.memory_space<vmem>> -> memref<1x1x128x16xf32, #tpu.memory_space<vmem>>
        %dma_start3A_1373 = tpu.memref_squeeze %dma_start3A_1372 : memref<1x1x128x16xf32, #tpu.memory_space<vmem>> -> memref<128x16xf32, #tpu.memory_space<vmem>>
        %dma_start3A_1374 = arith.constant 0 : i32
        %dma_start3A_1375 = tpu.memref_slice %arg7[%add3A_1366, %dma_start3A_1374] : memref<80x128xi32, #tpu.memory_space<vmem>> -> memref<1x128xi32, #tpu.memory_space<vmem>>
        %dma_start3A_1376 = tpu.memref_squeeze %dma_start3A_1375 : memref<1x128xi32, #tpu.memory_space<vmem>> -> memref<128xi32, #tpu.memory_space<vmem>>
        %dma_start3A_1377 = arith.constant 0 : i32
        %dma_start3A_1378 = arith.constant 0 : i32
        %dma_start3A_1379 = tpu.memref_slice %arg11[%dma_start3A_1377, %dma_start3A_1378] : memref<10112x16xf32, #tpu.memory_space<vmem_shared>> -> memref<10112x16xf32, #tpu.memory_space<vmem_shared>>
        %dma_start3A_1380 = tpu.memref_slice %arg12[%dma_start3A_1369] : memref<2x!tpu.dma_semaphore, #tpu.memory_space<semaphore_mem>> -> memref<1x!tpu.dma_semaphore, #tpu.memory_space<semaphore_mem>>
        %dma_start3A_1381 = tpu.memref_squeeze %dma_start3A_1380 : memref<1x!tpu.dma_semaphore, #tpu.memory_space<semaphore_mem>> -> memref<!tpu.dma_semaphore, #tpu.memory_space<semaphore_mem>>
        tpu.enqueue_indirect_dma source(%dma_start3A_1379 : memref<10112x16xf32, #tpu.memory_space<vmem_shared>>) target(%dma_start3A_1373 : memref<128x16xf32, #tpu.memory_space<vmem>>) offsets(%dma_start3A_1376 : memref<128xi32, #tpu.memory_space<vmem>>) semaphore(%dma_start3A_1381 : memref<!tpu.dma_semaphore, #tpu.memory_space<semaphore_mem>>)
      } else {
      }
      %mul3A_924 = arith.constant 8 : i32
      %mul3A_925 = arith.muli %add3A_158, %mul3A_924 : i32
      %add3A_926 = arith.constant 0 : i32
      %add3A_927 = arith.addi %mul3A_925, %add3A_926 : i32
      %dma_start3A_928 = arith.constant 1 : i32
      %dma_start3A_929 = arith.constant 0 : i32
      %dma_start3A_930 = arith.constant 1 : i32
      %dma_start3A_931 = arith.constant 0 : i32
      %dma_start3A_932 = arith.constant 0 : i32
      %dma_start3A_933 = tpu.memref_slice %arg9[%dma_start3A_928, %dma_start3A_929, %dma_start3A_931, %dma_start3A_932] : memref<2x8x128x16xf32, #tpu.memory_space<vmem>> -> memref<1x1x128x16xf32, #tpu.memory_space<vmem>>
      %dma_start3A_934 = tpu.memref_squeeze %dma_start3A_933 : memref<1x1x128x16xf32, #tpu.memory_space<vmem>> -> memref<128x16xf32, #tpu.memory_space<vmem>>
      %dma_start3A_935 = arith.constant 0 : i32
      %dma_start3A_936 = tpu.memref_slice %arg8[%add3A_927, %dma_start3A_935] : memref<80x128xi32, #tpu.memory_space<vmem>> -> memref<1x128xi32, #tpu.memory_space<vmem>>
      %dma_start3A_937 = tpu.memref_squeeze %dma_start3A_936 : memref<1x128xi32, #tpu.memory_space<vmem>> -> memref<128xi32, #tpu.memory_space<vmem>>
      %dma_start3A_938 = arith.constant 0 : i32
      %dma_start3A_939 = arith.constant 0 : i32
      %dma_start3A_940 = tpu.memref_slice %arg10[%dma_start3A_938, %dma_start3A_939] : memref<10112x16xf32, #tpu.memory_space<vmem_shared>> -> memref<10112x16xf32, #tpu.memory_space<vmem_shared>>
      %dma_start3A_941 = tpu.memref_slice %arg13[%dma_start3A_930] : memref<2x!tpu.dma_semaphore, #tpu.memory_space<semaphore_mem>> -> memref<1x!tpu.dma_semaphore, #tpu.memory_space<semaphore_mem>>
      %dma_start3A_942 = tpu.memref_squeeze %dma_start3A_941 : memref<1x!tpu.dma_semaphore, #tpu.memory_space<semaphore_mem>> -> memref<!tpu.dma_semaphore, #tpu.memory_space<semaphore_mem>>
      tpu.enqueue_indirect_dma source(%dma_start3A_934 : memref<128x16xf32, #tpu.memory_space<vmem>>) target(%dma_start3A_940 : memref<10112x16xf32, #tpu.memory_space<vmem_shared>>) offsets(%dma_start3A_937 : memref<128xi32, #tpu.memory_space<vmem>>) semaphore(%dma_start3A_942 : memref<!tpu.dma_semaphore, #tpu.memory_space<semaphore_mem>>) {add = true}
      %mul3A_943 = arith.constant 8 : i32
      %mul3A_944 = arith.muli %add3A_158, %mul3A_943 : i32
      %add3A_945 = arith.constant 1 : i32
      %add3A_946 = arith.addi %mul3A_944, %add3A_945 : i32
      %dma_start3A_947 = arith.constant 1 : i32
      %dma_start3A_948 = arith.constant 1 : i32
      %dma_start3A_949 = arith.constant 1 : i32
      %dma_start3A_950 = arith.constant 0 : i32
      %dma_start3A_951 = arith.constant 0 : i32
      %dma_start3A_952 = tpu.memref_slice %arg9[%dma_start3A_947, %dma_start3A_948, %dma_start3A_950, %dma_start3A_951] : memref<2x8x128x16xf32, #tpu.memory_space<vmem>> -> memref<1x1x128x16xf32, #tpu.memory_space<vmem>>
      %dma_start3A_953 = tpu.memref_squeeze %dma_start3A_952 : memref<1x1x128x16xf32, #tpu.memory_space<vmem>> -> memref<128x16xf32, #tpu.memory_space<vmem>>
      %dma_start3A_954 = arith.constant 0 : i32
      %dma_start3A_955 = tpu.memref_slice %arg8[%add3A_946, %dma_start3A_954] : memref<80x128xi32, #tpu.memory_space<vmem>> -> memref<1x128xi32, #tpu.memory_space<vmem>>
      %dma_start3A_956 = tpu.memref_squeeze %dma_start3A_955 : memref<1x128xi32, #tpu.memory_space<vmem>> -> memref<128xi32, #tpu.memory_space<vmem>>
      %dma_start3A_957 = arith.constant 0 : i32
      %dma_start3A_958 = arith.constant 0 : i32
      %dma_start3A_959 = tpu.memref_slice %arg10[%dma_start3A_957, %dma_start3A_958] : memref<10112x16xf32, #tpu.memory_space<vmem_shared>> -> memref<10112x16xf32, #tpu.memory_space<vmem_shared>>
      %dma_start3A_960 = tpu.memref_slice %arg13[%dma_start3A_949] : memref<2x!tpu.dma_semaphore, #tpu.memory_space<semaphore_mem>> -> memref<1x!tpu.dma_semaphore, #tpu.memory_space<semaphore_mem>>
      %dma_start3A_961 = tpu.memref_squeeze %dma_start3A_960 : memref<1x!tpu.dma_semaphore, #tpu.memory_space<semaphore_mem>> -> memref<!tpu.dma_semaphore, #tpu.memory_space<semaphore_mem>>
      tpu.enqueue_indirect_dma source(%dma_start3A_953 : memref<128x16xf32, #tpu.memory_space<vmem>>) target(%dma_start3A_959 : memref<10112x16xf32, #tpu.memory_space<vmem_shared>>) offsets(%dma_start3A_956 : memref<128xi32, #tpu.memory_space<vmem>>) semaphore(%dma_start3A_961 : memref<!tpu.dma_semaphore, #tpu.memory_space<semaphore_mem>>) {add = true}
      %mul3A_962 = arith.constant 8 : i32
      %mul3A_963 = arith.muli %add3A_158, %mul3A_962 : i32
      %add3A_964 = arith.constant 2 : i32
      %add3A_965 = arith.addi %mul3A_963, %add3A_964 : i32
      %dma_start3A_966 = arith.constant 1 : i32
      %dma_start3A_967 = arith.constant 2 : i32
      %dma_start3A_968 = arith.constant 1 : i32
      %dma_start3A_969 = arith.constant 0 : i32
      %dma_start3A_970 = arith.constant 0 : i32
      %dma_start3A_971 = tpu.memref_slice %arg9[%dma_start3A_966, %dma_start3A_967, %dma_start3A_969, %dma_start3A_970] : memref<2x8x128x16xf32, #tpu.memory_space<vmem>> -> memref<1x1x128x16xf32, #tpu.memory_space<vmem>>
      %dma_start3A_972 = tpu.memref_squeeze %dma_start3A_971 : memref<1x1x128x16xf32, #tpu.memory_space<vmem>> -> memref<128x16xf32, #tpu.memory_space<vmem>>
      %dma_start3A_973 = arith.constant 0 : i32
      %dma_start3A_974 = tpu.memref_slice %arg8[%add3A_965, %dma_start3A_973] : memref<80x128xi32, #tpu.memory_space<vmem>> -> memref<1x128xi32, #tpu.memory_space<vmem>>
      %dma_start3A_975 = tpu.memref_squeeze %dma_start3A_974 : memref<1x128xi32, #tpu.memory_space<vmem>> -> memref<128xi32, #tpu.memory_space<vmem>>
      %dma_start3A_976 = arith.constant 0 : i32
      %dma_start3A_977 = arith.constant 0 : i32
      %dma_start3A_978 = tpu.memref_slice %arg10[%dma_start3A_976, %dma_start3A_977] : memref<10112x16xf32, #tpu.memory_space<vmem_shared>> -> memref<10112x16xf32, #tpu.memory_space<vmem_shared>>
      %dma_start3A_979 = tpu.memref_slice %arg13[%dma_start3A_968] : memref<2x!tpu.dma_semaphore, #tpu.memory_space<semaphore_mem>> -> memref<1x!tpu.dma_semaphore, #tpu.memory_space<semaphore_mem>>
      %dma_start3A_980 = tpu.memref_squeeze %dma_start3A_979 : memref<1x!tpu.dma_semaphore, #tpu.memory_space<semaphore_mem>> -> memref<!tpu.dma_semaphore, #tpu.memory_space<semaphore_mem>>
      tpu.enqueue_indirect_dma source(%dma_start3A_972 : memref<128x16xf32, #tpu.memory_space<vmem>>) target(%dma_start3A_978 : memref<10112x16xf32, #tpu.memory_space<vmem_shared>>) offsets(%dma_start3A_975 : memref<128xi32, #tpu.memory_space<vmem>>) semaphore(%dma_start3A_980 : memref<!tpu.dma_semaphore, #tpu.memory_space<semaphore_mem>>) {add = true}
      %mul3A_981 = arith.constant 8 : i32
      %mul3A_982 = arith.muli %add3A_158, %mul3A_981 : i32
      %add3A_983 = arith.constant 3 : i32
      %add3A_984 = arith.addi %mul3A_982, %add3A_983 : i32
      %dma_start3A_985 = arith.constant 1 : i32
      %dma_start3A_986 = arith.constant 3 : i32
      %dma_start3A_987 = arith.constant 1 : i32
      %dma_start3A_988 = arith.constant 0 : i32
      %dma_start3A_989 = arith.constant 0 : i32
      %dma_start3A_990 = tpu.memref_slice %arg9[%dma_start3A_985, %dma_start3A_986, %dma_start3A_988, %dma_start3A_989] : memref<2x8x128x16xf32, #tpu.memory_space<vmem>> -> memref<1x1x128x16xf32, #tpu.memory_space<vmem>>
      %dma_start3A_991 = tpu.memref_squeeze %dma_start3A_990 : memref<1x1x128x16xf32, #tpu.memory_space<vmem>> -> memref<128x16xf32, #tpu.memory_space<vmem>>
      %dma_start3A_992 = arith.constant 0 : i32
      %dma_start3A_993 = tpu.memref_slice %arg8[%add3A_984, %dma_start3A_992] : memref<80x128xi32, #tpu.memory_space<vmem>> -> memref<1x128xi32, #tpu.memory_space<vmem>>
      %dma_start3A_994 = tpu.memref_squeeze %dma_start3A_993 : memref<1x128xi32, #tpu.memory_space<vmem>> -> memref<128xi32, #tpu.memory_space<vmem>>
      %dma_start3A_995 = arith.constant 0 : i32
      %dma_start3A_996 = arith.constant 0 : i32
      %dma_start3A_997 = tpu.memref_slice %arg10[%dma_start3A_995, %dma_start3A_996] : memref<10112x16xf32, #tpu.memory_space<vmem_shared>> -> memref<10112x16xf32, #tpu.memory_space<vmem_shared>>
      %dma_start3A_998 = tpu.memref_slice %arg13[%dma_start3A_987] : memref<2x!tpu.dma_semaphore, #tpu.memory_space<semaphore_mem>> -> memref<1x!tpu.dma_semaphore, #tpu.memory_space<semaphore_mem>>
      %dma_start3A_999 = tpu.memref_squeeze %dma_start3A_998 : memref<1x!tpu.dma_semaphore, #tpu.memory_space<semaphore_mem>> -> memref<!tpu.dma_semaphore, #tpu.memory_space<semaphore_mem>>
      tpu.enqueue_indirect_dma source(%dma_start3A_991 : memref<128x16xf32, #tpu.memory_space<vmem>>) target(%dma_start3A_997 : memref<10112x16xf32, #tpu.memory_space<vmem_shared>>) offsets(%dma_start3A_994 : memref<128xi32, #tpu.memory_space<vmem>>) semaphore(%dma_start3A_999 : memref<!tpu.dma_semaphore, #tpu.memory_space<semaphore_mem>>) {add = true}
      %mul3A_1000 = arith.constant 8 : i32
      %mul3A_1001 = arith.muli %add3A_158, %mul3A_1000 : i32
      %add3A_1002 = arith.constant 4 : i32
      %add3A_1003 = arith.addi %mul3A_1001, %add3A_1002 : i32
      %dma_start3A_1004 = arith.constant 1 : i32
      %dma_start3A_1005 = arith.constant 4 : i32
      %dma_start3A_1006 = arith.constant 1 : i32
      %dma_start3A_1007 = arith.constant 0 : i32
      %dma_start3A_1008 = arith.constant 0 : i32
      %dma_start3A_1009 = tpu.memref_slice %arg9[%dma_start3A_1004, %dma_start3A_1005, %dma_start3A_1007, %dma_start3A_1008] : memref<2x8x128x16xf32, #tpu.memory_space<vmem>> -> memref<1x1x128x16xf32, #tpu.memory_space<vmem>>
      %dma_start3A_1010 = tpu.memref_squeeze %dma_start3A_1009 : memref<1x1x128x16xf32, #tpu.memory_space<vmem>> -> memref<128x16xf32, #tpu.memory_space<vmem>>
      %dma_start3A_1011 = arith.constant 0 : i32
      %dma_start3A_1012 = tpu.memref_slice %arg8[%add3A_1003, %dma_start3A_1011] : memref<80x128xi32, #tpu.memory_space<vmem>> -> memref<1x128xi32, #tpu.memory_space<vmem>>
      %dma_start3A_1013 = tpu.memref_squeeze %dma_start3A_1012 : memref<1x128xi32, #tpu.memory_space<vmem>> -> memref<128xi32, #tpu.memory_space<vmem>>
      %dma_start3A_1014 = arith.constant 0 : i32
      %dma_start3A_1015 = arith.constant 0 : i32
      %dma_start3A_1016 = tpu.memref_slice %arg10[%dma_start3A_1014, %dma_start3A_1015] : memref<10112x16xf32, #tpu.memory_space<vmem_shared>> -> memref<10112x16xf32, #tpu.memory_space<vmem_shared>>
      %dma_start3A_1017 = tpu.memref_slice %arg13[%dma_start3A_1006] : memref<2x!tpu.dma_semaphore, #tpu.memory_space<semaphore_mem>> -> memref<1x!tpu.dma_semaphore, #tpu.memory_space<semaphore_mem>>
      %dma_start3A_1018 = tpu.memref_squeeze %dma_start3A_1017 : memref<1x!tpu.dma_semaphore, #tpu.memory_space<semaphore_mem>> -> memref<!tpu.dma_semaphore, #tpu.memory_space<semaphore_mem>>
      tpu.enqueue_indirect_dma source(%dma_start3A_1010 : memref<128x16xf32, #tpu.memory_space<vmem>>) target(%dma_start3A_1016 : memref<10112x16xf32, #tpu.memory_space<vmem_shared>>) offsets(%dma_start3A_1013 : memref<128xi32, #tpu.memory_space<vmem>>) semaphore(%dma_start3A_1018 : memref<!tpu.dma_semaphore, #tpu.memory_space<semaphore_mem>>) {add = true}
      %mul3A_1019 = arith.constant 8 : i32
      %mul3A_1020 = arith.muli %add3A_158, %mul3A_1019 : i32
      %add3A_1021 = arith.constant 5 : i32
      %add3A_1022 = arith.addi %mul3A_1020, %add3A_1021 : i32
      %dma_start3A_1023 = arith.constant 1 : i32
      %dma_start3A_1024 = arith.constant 5 : i32
      %dma_start3A_1025 = arith.constant 1 : i32
      %dma_start3A_1026 = arith.constant 0 : i32
      %dma_start3A_1027 = arith.constant 0 : i32
      %dma_start3A_1028 = tpu.memref_slice %arg9[%dma_start3A_1023, %dma_start3A_1024, %dma_start3A_1026, %dma_start3A_1027] : memref<2x8x128x16xf32, #tpu.memory_space<vmem>> -> memref<1x1x128x16xf32, #tpu.memory_space<vmem>>
      %dma_start3A_1029 = tpu.memref_squeeze %dma_start3A_1028 : memref<1x1x128x16xf32, #tpu.memory_space<vmem>> -> memref<128x16xf32, #tpu.memory_space<vmem>>
      %dma_start3A_1030 = arith.constant 0 : i32
      %dma_start3A_1031 = tpu.memref_slice %arg8[%add3A_1022, %dma_start3A_1030] : memref<80x128xi32, #tpu.memory_space<vmem>> -> memref<1x128xi32, #tpu.memory_space<vmem>>
      %dma_start3A_1032 = tpu.memref_squeeze %dma_start3A_1031 : memref<1x128xi32, #tpu.memory_space<vmem>> -> memref<128xi32, #tpu.memory_space<vmem>>
      %dma_start3A_1033 = arith.constant 0 : i32
      %dma_start3A_1034 = arith.constant 0 : i32
      %dma_start3A_1035 = tpu.memref_slice %arg10[%dma_start3A_1033, %dma_start3A_1034] : memref<10112x16xf32, #tpu.memory_space<vmem_shared>> -> memref<10112x16xf32, #tpu.memory_space<vmem_shared>>
      %dma_start3A_1036 = tpu.memref_slice %arg13[%dma_start3A_1025] : memref<2x!tpu.dma_semaphore, #tpu.memory_space<semaphore_mem>> -> memref<1x!tpu.dma_semaphore, #tpu.memory_space<semaphore_mem>>
      %dma_start3A_1037 = tpu.memref_squeeze %dma_start3A_1036 : memref<1x!tpu.dma_semaphore, #tpu.memory_space<semaphore_mem>> -> memref<!tpu.dma_semaphore, #tpu.memory_space<semaphore_mem>>
      tpu.enqueue_indirect_dma source(%dma_start3A_1029 : memref<128x16xf32, #tpu.memory_space<vmem>>) target(%dma_start3A_1035 : memref<10112x16xf32, #tpu.memory_space<vmem_shared>>) offsets(%dma_start3A_1032 : memref<128xi32, #tpu.memory_space<vmem>>) semaphore(%dma_start3A_1037 : memref<!tpu.dma_semaphore, #tpu.memory_space<semaphore_mem>>) {add = true}
      %mul3A_1038 = arith.constant 8 : i32
      %mul3A_1039 = arith.muli %add3A_158, %mul3A_1038 : i32
      %add3A_1040 = arith.constant 6 : i32
      %add3A_1041 = arith.addi %mul3A_1039, %add3A_1040 : i32
      %dma_start3A_1042 = arith.constant 1 : i32
      %dma_start3A_1043 = arith.constant 6 : i32
      %dma_start3A_1044 = arith.constant 1 : i32
      %dma_start3A_1045 = arith.constant 0 : i32
      %dma_start3A_1046 = arith.constant 0 : i32
      %dma_start3A_1047 = tpu.memref_slice %arg9[%dma_start3A_1042, %dma_start3A_1043, %dma_start3A_1045, %dma_start3A_1046] : memref<2x8x128x16xf32, #tpu.memory_space<vmem>> -> memref<1x1x128x16xf32, #tpu.memory_space<vmem>>
      %dma_start3A_1048 = tpu.memref_squeeze %dma_start3A_1047 : memref<1x1x128x16xf32, #tpu.memory_space<vmem>> -> memref<128x16xf32, #tpu.memory_space<vmem>>
      %dma_start3A_1049 = arith.constant 0 : i32
      %dma_start3A_1050 = tpu.memref_slice %arg8[%add3A_1041, %dma_start3A_1049] : memref<80x128xi32, #tpu.memory_space<vmem>> -> memref<1x128xi32, #tpu.memory_space<vmem>>
      %dma_start3A_1051 = tpu.memref_squeeze %dma_start3A_1050 : memref<1x128xi32, #tpu.memory_space<vmem>> -> memref<128xi32, #tpu.memory_space<vmem>>
      %dma_start3A_1052 = arith.constant 0 : i32
      %dma_start3A_1053 = arith.constant 0 : i32
      %dma_start3A_1054 = tpu.memref_slice %arg10[%dma_start3A_1052, %dma_start3A_1053] : memref<10112x16xf32, #tpu.memory_space<vmem_shared>> -> memref<10112x16xf32, #tpu.memory_space<vmem_shared>>
      %dma_start3A_1055 = tpu.memref_slice %arg13[%dma_start3A_1044] : memref<2x!tpu.dma_semaphore, #tpu.memory_space<semaphore_mem>> -> memref<1x!tpu.dma_semaphore, #tpu.memory_space<semaphore_mem>>
      %dma_start3A_1056 = tpu.memref_squeeze %dma_start3A_1055 : memref<1x!tpu.dma_semaphore, #tpu.memory_space<semaphore_mem>> -> memref<!tpu.dma_semaphore, #tpu.memory_space<semaphore_mem>>
      tpu.enqueue_indirect_dma source(%dma_start3A_1048 : memref<128x16xf32, #tpu.memory_space<vmem>>) target(%dma_start3A_1054 : memref<10112x16xf32, #tpu.memory_space<vmem_shared>>) offsets(%dma_start3A_1051 : memref<128xi32, #tpu.memory_space<vmem>>) semaphore(%dma_start3A_1056 : memref<!tpu.dma_semaphore, #tpu.memory_space<semaphore_mem>>) {add = true}
      %mul3A_1057 = arith.constant 8 : i32
      %mul3A_1058 = arith.muli %add3A_158, %mul3A_1057 : i32
      %add3A_1059 = arith.constant 7 : i32
      %add3A_1060 = arith.addi %mul3A_1058, %add3A_1059 : i32
      %dma_start3A_1061 = arith.constant 1 : i32
      %dma_start3A_1062 = arith.constant 7 : i32
      %dma_start3A_1063 = arith.constant 1 : i32
      %dma_start3A_1064 = arith.constant 0 : i32
      %dma_start3A_1065 = arith.constant 0 : i32
      %dma_start3A_1066 = tpu.memref_slice %arg9[%dma_start3A_1061, %dma_start3A_1062, %dma_start3A_1064, %dma_start3A_1065] : memref<2x8x128x16xf32, #tpu.memory_space<vmem>> -> memref<1x1x128x16xf32, #tpu.memory_space<vmem>>
      %dma_start3A_1067 = tpu.memref_squeeze %dma_start3A_1066 : memref<1x1x128x16xf32, #tpu.memory_space<vmem>> -> memref<128x16xf32, #tpu.memory_space<vmem>>
      %dma_start3A_1068 = arith.constant 0 : i32
      %dma_start3A_1069 = tpu.memref_slice %arg8[%add3A_1060, %dma_start3A_1068] : memref<80x128xi32, #tpu.memory_space<vmem>> -> memref<1x128xi32, #tpu.memory_space<vmem>>
      %dma_start3A_1070 = tpu.memref_squeeze %dma_start3A_1069 : memref<1x128xi32, #tpu.memory_space<vmem>> -> memref<128xi32, #tpu.memory_space<vmem>>
      %dma_start3A_1071 = arith.constant 0 : i32
      %dma_start3A_1072 = arith.constant 0 : i32
      %dma_start3A_1073 = tpu.memref_slice %arg10[%dma_start3A_1071, %dma_start3A_1072] : memref<10112x16xf32, #tpu.memory_space<vmem_shared>> -> memref<10112x16xf32, #tpu.memory_space<vmem_shared>>
      %dma_start3A_1074 = tpu.memref_slice %arg13[%dma_start3A_1063] : memref<2x!tpu.dma_semaphore, #tpu.memory_space<semaphore_mem>> -> memref<1x!tpu.dma_semaphore, #tpu.memory_space<semaphore_mem>>
      %dma_start3A_1075 = tpu.memref_squeeze %dma_start3A_1074 : memref<1x!tpu.dma_semaphore, #tpu.memory_space<semaphore_mem>> -> memref<!tpu.dma_semaphore, #tpu.memory_space<semaphore_mem>>
      tpu.enqueue_indirect_dma source(%dma_start3A_1067 : memref<128x16xf32, #tpu.memory_space<vmem>>) target(%dma_start3A_1073 : memref<10112x16xf32, #tpu.memory_space<vmem_shared>>) offsets(%dma_start3A_1070 : memref<128xi32, #tpu.memory_space<vmem>>) semaphore(%dma_start3A_1075 : memref<!tpu.dma_semaphore, #tpu.memory_space<semaphore_mem>>) {add = true}
      %mul3A_1076 = arith.constant 8 : i32
      %mul3A_1077 = arith.muli %add3A_158, %mul3A_1076 : i32
      %add3A_1078 = arith.constant 0 : i32
      %add3A_1079 = arith.addi %mul3A_1077, %add3A_1078 : i32
      %dma_wait3A_1080 = arith.constant 1 : i32
      %dma_wait3A_1081 = arith.constant 0 : i32
      %dma_wait3A_1082 = arith.constant 1 : i32
      %dma_wait3A_1083 = arith.constant 0 : i32
      %dma_wait3A_1084 = arith.constant 0 : i32
      %dma_wait3A_1085 = tpu.memref_slice %arg9[%dma_wait3A_1080, %dma_wait3A_1081, %dma_wait3A_1083, %dma_wait3A_1084] : memref<2x8x128x16xf32, #tpu.memory_space<vmem>> -> memref<1x1x128x16xf32, #tpu.memory_space<vmem>>
      %dma_wait3A_1086 = tpu.memref_squeeze %dma_wait3A_1085 : memref<1x1x128x16xf32, #tpu.memory_space<vmem>> -> memref<128x16xf32, #tpu.memory_space<vmem>>
      %dma_wait3A_1087 = arith.constant 0 : i32
      %dma_wait3A_1088 = tpu.memref_slice %arg8[%add3A_1079, %dma_wait3A_1087] : memref<80x128xi32, #tpu.memory_space<vmem>> -> memref<1x128xi32, #tpu.memory_space<vmem>>
      %dma_wait3A_1089 = tpu.memref_squeeze %dma_wait3A_1088 : memref<1x128xi32, #tpu.memory_space<vmem>> -> memref<128xi32, #tpu.memory_space<vmem>>
      %dma_wait3A_1090 = arith.constant 0 : i32
      %dma_wait3A_1091 = arith.constant 0 : i32
      %dma_wait3A_1092 = tpu.memref_slice %arg10[%dma_wait3A_1090, %dma_wait3A_1091] : memref<10112x16xf32, #tpu.memory_space<vmem_shared>> -> memref<10112x16xf32, #tpu.memory_space<vmem_shared>>
      %dma_wait3A_1093 = tpu.memref_slice %arg13[%dma_wait3A_1082] : memref<2x!tpu.dma_semaphore, #tpu.memory_space<semaphore_mem>> -> memref<1x!tpu.dma_semaphore, #tpu.memory_space<semaphore_mem>>
      %dma_wait3A_1094 = tpu.memref_squeeze %dma_wait3A_1093 : memref<1x!tpu.dma_semaphore, #tpu.memory_space<semaphore_mem>> -> memref<!tpu.dma_semaphore, #tpu.memory_space<semaphore_mem>>
      tpu.wait_indirect_dma semaphore(%dma_wait3A_1094 : memref<!tpu.dma_semaphore, #tpu.memory_space<semaphore_mem>>) src(%dma_wait3A_1086 : memref<128x16xf32, #tpu.memory_space<vmem>>) dst(%dma_wait3A_1092 : memref<10112x16xf32, #tpu.memory_space<vmem_shared>>)
      %mul3A_1095 = arith.constant 8 : i32
      %mul3A_1096 = arith.muli %add3A_158, %mul3A_1095 : i32
      %add3A_1097 = arith.constant 1 : i32
      %add3A_1098 = arith.addi %mul3A_1096, %add3A_1097 : i32
      %dma_wait3A_1099 = arith.constant 1 : i32
      %dma_wait3A_1100 = arith.constant 1 : i32
      %dma_wait3A_1101 = arith.constant 1 : i32
      %dma_wait3A_1102 = arith.constant 0 : i32
      %dma_wait3A_1103 = arith.constant 0 : i32
      %dma_wait3A_1104 = tpu.memref_slice %arg9[%dma_wait3A_1099, %dma_wait3A_1100, %dma_wait3A_1102, %dma_wait3A_1103] : memref<2x8x128x16xf32, #tpu.memory_space<vmem>> -> memref<1x1x128x16xf32, #tpu.memory_space<vmem>>
      %dma_wait3A_1105 = tpu.memref_squeeze %dma_wait3A_1104 : memref<1x1x128x16xf32, #tpu.memory_space<vmem>> -> memref<128x16xf32, #tpu.memory_space<vmem>>
      %dma_wait3A_1106 = arith.constant 0 : i32
      %dma_wait3A_1107 = tpu.memref_slice %arg8[%add3A_1098, %dma_wait3A_1106] : memref<80x128xi32, #tpu.memory_space<vmem>> -> memref<1x128xi32, #tpu.memory_space<vmem>>
      %dma_wait3A_1108 = tpu.memref_squeeze %dma_wait3A_1107 : memref<1x128xi32, #tpu.memory_space<vmem>> -> memref<128xi32, #tpu.memory_space<vmem>>
      %dma_wait3A_1109 = arith.constant 0 : i32
      %dma_wait3A_1110 = arith.constant 0 : i32
      %dma_wait3A_1111 = tpu.memref_slice %arg10[%dma_wait3A_1109, %dma_wait3A_1110] : memref<10112x16xf32, #tpu.memory_space<vmem_shared>> -> memref<10112x16xf32, #tpu.memory_space<vmem_shared>>
      %dma_wait3A_1112 = tpu.memref_slice %arg13[%dma_wait3A_1101] : memref<2x!tpu.dma_semaphore, #tpu.memory_space<semaphore_mem>> -> memref<1x!tpu.dma_semaphore, #tpu.memory_space<semaphore_mem>>
      %dma_wait3A_1113 = tpu.memref_squeeze %dma_wait3A_1112 : memref<1x!tpu.dma_semaphore, #tpu.memory_space<semaphore_mem>> -> memref<!tpu.dma_semaphore, #tpu.memory_space<semaphore_mem>>
      tpu.wait_indirect_dma semaphore(%dma_wait3A_1113 : memref<!tpu.dma_semaphore, #tpu.memory_space<semaphore_mem>>) src(%dma_wait3A_1105 : memref<128x16xf32, #tpu.memory_space<vmem>>) dst(%dma_wait3A_1111 : memref<10112x16xf32, #tpu.memory_space<vmem_shared>>)
      %mul3A_1114 = arith.constant 8 : i32
      %mul3A_1115 = arith.muli %add3A_158, %mul3A_1114 : i32
      %add3A_1116 = arith.constant 2 : i32
      %add3A_1117 = arith.addi %mul3A_1115, %add3A_1116 : i32
      %dma_wait3A_1118 = arith.constant 1 : i32
      %dma_wait3A_1119 = arith.constant 2 : i32
      %dma_wait3A_1120 = arith.constant 1 : i32
      %dma_wait3A_1121 = arith.constant 0 : i32
      %dma_wait3A_1122 = arith.constant 0 : i32
      %dma_wait3A_1123 = tpu.memref_slice %arg9[%dma_wait3A_1118, %dma_wait3A_1119, %dma_wait3A_1121, %dma_wait3A_1122] : memref<2x8x128x16xf32, #tpu.memory_space<vmem>> -> memref<1x1x128x16xf32, #tpu.memory_space<vmem>>
      %dma_wait3A_1124 = tpu.memref_squeeze %dma_wait3A_1123 : memref<1x1x128x16xf32, #tpu.memory_space<vmem>> -> memref<128x16xf32, #tpu.memory_space<vmem>>
      %dma_wait3A_1125 = arith.constant 0 : i32
      %dma_wait3A_1126 = tpu.memref_slice %arg8[%add3A_1117, %dma_wait3A_1125] : memref<80x128xi32, #tpu.memory_space<vmem>> -> memref<1x128xi32, #tpu.memory_space<vmem>>
      %dma_wait3A_1127 = tpu.memref_squeeze %dma_wait3A_1126 : memref<1x128xi32, #tpu.memory_space<vmem>> -> memref<128xi32, #tpu.memory_space<vmem>>
      %dma_wait3A_1128 = arith.constant 0 : i32
      %dma_wait3A_1129 = arith.constant 0 : i32
      %dma_wait3A_1130 = tpu.memref_slice %arg10[%dma_wait3A_1128, %dma_wait3A_1129] : memref<10112x16xf32, #tpu.memory_space<vmem_shared>> -> memref<10112x16xf32, #tpu.memory_space<vmem_shared>>
      %dma_wait3A_1131 = tpu.memref_slice %arg13[%dma_wait3A_1120] : memref<2x!tpu.dma_semaphore, #tpu.memory_space<semaphore_mem>> -> memref<1x!tpu.dma_semaphore, #tpu.memory_space<semaphore_mem>>
      %dma_wait3A_1132 = tpu.memref_squeeze %dma_wait3A_1131 : memref<1x!tpu.dma_semaphore, #tpu.memory_space<semaphore_mem>> -> memref<!tpu.dma_semaphore, #tpu.memory_space<semaphore_mem>>
      tpu.wait_indirect_dma semaphore(%dma_wait3A_1132 : memref<!tpu.dma_semaphore, #tpu.memory_space<semaphore_mem>>) src(%dma_wait3A_1124 : memref<128x16xf32, #tpu.memory_space<vmem>>) dst(%dma_wait3A_1130 : memref<10112x16xf32, #tpu.memory_space<vmem_shared>>)
      %mul3A_1133 = arith.constant 8 : i32
      %mul3A_1134 = arith.muli %add3A_158, %mul3A_1133 : i32
      %add3A_1135 = arith.constant 3 : i32
      %add3A_1136 = arith.addi %mul3A_1134, %add3A_1135 : i32
      %dma_wait3A_1137 = arith.constant 1 : i32
      %dma_wait3A_1138 = arith.constant 3 : i32
      %dma_wait3A_1139 = arith.constant 1 : i32
      %dma_wait3A_1140 = arith.constant 0 : i32
      %dma_wait3A_1141 = arith.constant 0 : i32
      %dma_wait3A_1142 = tpu.memref_slice %arg9[%dma_wait3A_1137, %dma_wait3A_1138, %dma_wait3A_1140, %dma_wait3A_1141] : memref<2x8x128x16xf32, #tpu.memory_space<vmem>> -> memref<1x1x128x16xf32, #tpu.memory_space<vmem>>
      %dma_wait3A_1143 = tpu.memref_squeeze %dma_wait3A_1142 : memref<1x1x128x16xf32, #tpu.memory_space<vmem>> -> memref<128x16xf32, #tpu.memory_space<vmem>>
      %dma_wait3A_1144 = arith.constant 0 : i32
      %dma_wait3A_1145 = tpu.memref_slice %arg8[%add3A_1136, %dma_wait3A_1144] : memref<80x128xi32, #tpu.memory_space<vmem>> -> memref<1x128xi32, #tpu.memory_space<vmem>>
      %dma_wait3A_1146 = tpu.memref_squeeze %dma_wait3A_1145 : memref<1x128xi32, #tpu.memory_space<vmem>> -> memref<128xi32, #tpu.memory_space<vmem>>
      %dma_wait3A_1147 = arith.constant 0 : i32
      %dma_wait3A_1148 = arith.constant 0 : i32
      %dma_wait3A_1149 = tpu.memref_slice %arg10[%dma_wait3A_1147, %dma_wait3A_1148] : memref<10112x16xf32, #tpu.memory_space<vmem_shared>> -> memref<10112x16xf32, #tpu.memory_space<vmem_shared>>
      %dma_wait3A_1150 = tpu.memref_slice %arg13[%dma_wait3A_1139] : memref<2x!tpu.dma_semaphore, #tpu.memory_space<semaphore_mem>> -> memref<1x!tpu.dma_semaphore, #tpu.memory_space<semaphore_mem>>
      %dma_wait3A_1151 = tpu.memref_squeeze %dma_wait3A_1150 : memref<1x!tpu.dma_semaphore, #tpu.memory_space<semaphore_mem>> -> memref<!tpu.dma_semaphore, #tpu.memory_space<semaphore_mem>>
      tpu.wait_indirect_dma semaphore(%dma_wait3A_1151 : memref<!tpu.dma_semaphore, #tpu.memory_space<semaphore_mem>>) src(%dma_wait3A_1143 : memref<128x16xf32, #tpu.memory_space<vmem>>) dst(%dma_wait3A_1149 : memref<10112x16xf32, #tpu.memory_space<vmem_shared>>)
      %mul3A_1152 = arith.constant 8 : i32
      %mul3A_1153 = arith.muli %add3A_158, %mul3A_1152 : i32
      %add3A_1154 = arith.constant 4 : i32
      %add3A_1155 = arith.addi %mul3A_1153, %add3A_1154 : i32
      %dma_wait3A_1156 = arith.constant 1 : i32
      %dma_wait3A_1157 = arith.constant 4 : i32
      %dma_wait3A_1158 = arith.constant 1 : i32
      %dma_wait3A_1159 = arith.constant 0 : i32
      %dma_wait3A_1160 = arith.constant 0 : i32
      %dma_wait3A_1161 = tpu.memref_slice %arg9[%dma_wait3A_1156, %dma_wait3A_1157, %dma_wait3A_1159, %dma_wait3A_1160] : memref<2x8x128x16xf32, #tpu.memory_space<vmem>> -> memref<1x1x128x16xf32, #tpu.memory_space<vmem>>
      %dma_wait3A_1162 = tpu.memref_squeeze %dma_wait3A_1161 : memref<1x1x128x16xf32, #tpu.memory_space<vmem>> -> memref<128x16xf32, #tpu.memory_space<vmem>>
      %dma_wait3A_1163 = arith.constant 0 : i32
      %dma_wait3A_1164 = tpu.memref_slice %arg8[%add3A_1155, %dma_wait3A_1163] : memref<80x128xi32, #tpu.memory_space<vmem>> -> memref<1x128xi32, #tpu.memory_space<vmem>>
      %dma_wait3A_1165 = tpu.memref_squeeze %dma_wait3A_1164 : memref<1x128xi32, #tpu.memory_space<vmem>> -> memref<128xi32, #tpu.memory_space<vmem>>
      %dma_wait3A_1166 = arith.constant 0 : i32
      %dma_wait3A_1167 = arith.constant 0 : i32
      %dma_wait3A_1168 = tpu.memref_slice %arg10[%dma_wait3A_1166, %dma_wait3A_1167] : memref<10112x16xf32, #tpu.memory_space<vmem_shared>> -> memref<10112x16xf32, #tpu.memory_space<vmem_shared>>
      %dma_wait3A_1169 = tpu.memref_slice %arg13[%dma_wait3A_1158] : memref<2x!tpu.dma_semaphore, #tpu.memory_space<semaphore_mem>> -> memref<1x!tpu.dma_semaphore, #tpu.memory_space<semaphore_mem>>
      %dma_wait3A_1170 = tpu.memref_squeeze %dma_wait3A_1169 : memref<1x!tpu.dma_semaphore, #tpu.memory_space<semaphore_mem>> -> memref<!tpu.dma_semaphore, #tpu.memory_space<semaphore_mem>>
      tpu.wait_indirect_dma semaphore(%dma_wait3A_1170 : memref<!tpu.dma_semaphore, #tpu.memory_space<semaphore_mem>>) src(%dma_wait3A_1162 : memref<128x16xf32, #tpu.memory_space<vmem>>) dst(%dma_wait3A_1168 : memref<10112x16xf32, #tpu.memory_space<vmem_shared>>)
      %mul3A_1171 = arith.constant 8 : i32
      %mul3A_1172 = arith.muli %add3A_158, %mul3A_1171 : i32
      %add3A_1173 = arith.constant 5 : i32
      %add3A_1174 = arith.addi %mul3A_1172, %add3A_1173 : i32
      %dma_wait3A_1175 = arith.constant 1 : i32
      %dma_wait3A_1176 = arith.constant 5 : i32
      %dma_wait3A_1177 = arith.constant 1 : i32
      %dma_wait3A_1178 = arith.constant 0 : i32
      %dma_wait3A_1179 = arith.constant 0 : i32
      %dma_wait3A_1180 = tpu.memref_slice %arg9[%dma_wait3A_1175, %dma_wait3A_1176, %dma_wait3A_1178, %dma_wait3A_1179] : memref<2x8x128x16xf32, #tpu.memory_space<vmem>> -> memref<1x1x128x16xf32, #tpu.memory_space<vmem>>
      %dma_wait3A_1181 = tpu.memref_squeeze %dma_wait3A_1180 : memref<1x1x128x16xf32, #tpu.memory_space<vmem>> -> memref<128x16xf32, #tpu.memory_space<vmem>>
      %dma_wait3A_1182 = arith.constant 0 : i32
      %dma_wait3A_1183 = tpu.memref_slice %arg8[%add3A_1174, %dma_wait3A_1182] : memref<80x128xi32, #tpu.memory_space<vmem>> -> memref<1x128xi32, #tpu.memory_space<vmem>>
      %dma_wait3A_1184 = tpu.memref_squeeze %dma_wait3A_1183 : memref<1x128xi32, #tpu.memory_space<vmem>> -> memref<128xi32, #tpu.memory_space<vmem>>
      %dma_wait3A_1185 = arith.constant 0 : i32
      %dma_wait3A_1186 = arith.constant 0 : i32
      %dma_wait3A_1187 = tpu.memref_slice %arg10[%dma_wait3A_1185, %dma_wait3A_1186] : memref<10112x16xf32, #tpu.memory_space<vmem_shared>> -> memref<10112x16xf32, #tpu.memory_space<vmem_shared>>
      %dma_wait3A_1188 = tpu.memref_slice %arg13[%dma_wait3A_1177] : memref<2x!tpu.dma_semaphore, #tpu.memory_space<semaphore_mem>> -> memref<1x!tpu.dma_semaphore, #tpu.memory_space<semaphore_mem>>
      %dma_wait3A_1189 = tpu.memref_squeeze %dma_wait3A_1188 : memref<1x!tpu.dma_semaphore, #tpu.memory_space<semaphore_mem>> -> memref<!tpu.dma_semaphore, #tpu.memory_space<semaphore_mem>>
      tpu.wait_indirect_dma semaphore(%dma_wait3A_1189 : memref<!tpu.dma_semaphore, #tpu.memory_space<semaphore_mem>>) src(%dma_wait3A_1181 : memref<128x16xf32, #tpu.memory_space<vmem>>) dst(%dma_wait3A_1187 : memref<10112x16xf32, #tpu.memory_space<vmem_shared>>)
      %mul3A_1190 = arith.constant 8 : i32
      %mul3A_1191 = arith.muli %add3A_158, %mul3A_1190 : i32
      %add3A_1192 = arith.constant 6 : i32
      %add3A_1193 = arith.addi %mul3A_1191, %add3A_1192 : i32
      %dma_wait3A_1194 = arith.constant 1 : i32
      %dma_wait3A_1195 = arith.constant 6 : i32
      %dma_wait3A_1196 = arith.constant 1 : i32
      %dma_wait3A_1197 = arith.constant 0 : i32
      %dma_wait3A_1198 = arith.constant 0 : i32
      %dma_wait3A_1199 = tpu.memref_slice %arg9[%dma_wait3A_1194, %dma_wait3A_1195, %dma_wait3A_1197, %dma_wait3A_1198] : memref<2x8x128x16xf32, #tpu.memory_space<vmem>> -> memref<1x1x128x16xf32, #tpu.memory_space<vmem>>
      %dma_wait3A_1200 = tpu.memref_squeeze %dma_wait3A_1199 : memref<1x1x128x16xf32, #tpu.memory_space<vmem>> -> memref<128x16xf32, #tpu.memory_space<vmem>>
      %dma_wait3A_1201 = arith.constant 0 : i32
      %dma_wait3A_1202 = tpu.memref_slice %arg8[%add3A_1193, %dma_wait3A_1201] : memref<80x128xi32, #tpu.memory_space<vmem>> -> memref<1x128xi32, #tpu.memory_space<vmem>>
      %dma_wait3A_1203 = tpu.memref_squeeze %dma_wait3A_1202 : memref<1x128xi32, #tpu.memory_space<vmem>> -> memref<128xi32, #tpu.memory_space<vmem>>
      %dma_wait3A_1204 = arith.constant 0 : i32
      %dma_wait3A_1205 = arith.constant 0 : i32
      %dma_wait3A_1206 = tpu.memref_slice %arg10[%dma_wait3A_1204, %dma_wait3A_1205] : memref<10112x16xf32, #tpu.memory_space<vmem_shared>> -> memref<10112x16xf32, #tpu.memory_space<vmem_shared>>
      %dma_wait3A_1207 = tpu.memref_slice %arg13[%dma_wait3A_1196] : memref<2x!tpu.dma_semaphore, #tpu.memory_space<semaphore_mem>> -> memref<1x!tpu.dma_semaphore, #tpu.memory_space<semaphore_mem>>
      %dma_wait3A_1208 = tpu.memref_squeeze %dma_wait3A_1207 : memref<1x!tpu.dma_semaphore, #tpu.memory_space<semaphore_mem>> -> memref<!tpu.dma_semaphore, #tpu.memory_space<semaphore_mem>>
      tpu.wait_indirect_dma semaphore(%dma_wait3A_1208 : memref<!tpu.dma_semaphore, #tpu.memory_space<semaphore_mem>>) src(%dma_wait3A_1200 : memref<128x16xf32, #tpu.memory_space<vmem>>) dst(%dma_wait3A_1206 : memref<10112x16xf32, #tpu.memory_space<vmem_shared>>)
      %mul3A_1209 = arith.constant 8 : i32
      %mul3A_1210 = arith.muli %add3A_158, %mul3A_1209 : i32
      %add3A_1211 = arith.constant 7 : i32
      %add3A_1212 = arith.addi %mul3A_1210, %add3A_1211 : i32
      %dma_wait3A_1213 = arith.constant 1 : i32
      %dma_wait3A_1214 = arith.constant 7 : i32
      %dma_wait3A_1215 = arith.constant 1 : i32
      %dma_wait3A_1216 = arith.constant 0 : i32
      %dma_wait3A_1217 = arith.constant 0 : i32
      %dma_wait3A_1218 = tpu.memref_slice %arg9[%dma_wait3A_1213, %dma_wait3A_1214, %dma_wait3A_1216, %dma_wait3A_1217] : memref<2x8x128x16xf32, #tpu.memory_space<vmem>> -> memref<1x1x128x16xf32, #tpu.memory_space<vmem>>
      %dma_wait3A_1219 = tpu.memref_squeeze %dma_wait3A_1218 : memref<1x1x128x16xf32, #tpu.memory_space<vmem>> -> memref<128x16xf32, #tpu.memory_space<vmem>>
      %dma_wait3A_1220 = arith.constant 0 : i32
      %dma_wait3A_1221 = tpu.memref_slice %arg8[%add3A_1212, %dma_wait3A_1220] : memref<80x128xi32, #tpu.memory_space<vmem>> -> memref<1x128xi32, #tpu.memory_space<vmem>>
      %dma_wait3A_1222 = tpu.memref_squeeze %dma_wait3A_1221 : memref<1x128xi32, #tpu.memory_space<vmem>> -> memref<128xi32, #tpu.memory_space<vmem>>
      %dma_wait3A_1223 = arith.constant 0 : i32
      %dma_wait3A_1224 = arith.constant 0 : i32
      %dma_wait3A_1225 = tpu.memref_slice %arg10[%dma_wait3A_1223, %dma_wait3A_1224] : memref<10112x16xf32, #tpu.memory_space<vmem_shared>> -> memref<10112x16xf32, #tpu.memory_space<vmem_shared>>
      %dma_wait3A_1226 = tpu.memref_slice %arg13[%dma_wait3A_1215] : memref<2x!tpu.dma_semaphore, #tpu.memory_space<semaphore_mem>> -> memref<1x!tpu.dma_semaphore, #tpu.memory_space<semaphore_mem>>
      %dma_wait3A_1227 = tpu.memref_squeeze %dma_wait3A_1226 : memref<1x!tpu.dma_semaphore, #tpu.memory_space<semaphore_mem>> -> memref<!tpu.dma_semaphore, #tpu.memory_space<semaphore_mem>>
      tpu.wait_indirect_dma semaphore(%dma_wait3A_1227 : memref<!tpu.dma_semaphore, #tpu.memory_space<semaphore_mem>>) src(%dma_wait3A_1219 : memref<128x16xf32, #tpu.memory_space<vmem>>) dst(%dma_wait3A_1225 : memref<10112x16xf32, #tpu.memory_space<vmem_shared>>)
    }
    %scan3A_146 = arith.constant 5 : i32
    %barrier3A_147 = arith.constant 0 : index
    tpu.barrier barrier_id(%barrier3A_147)
    %mul3A_148 = arith.constant 632 : i32
    %mul3A_149 = arith.muli %arg1, %mul3A_148 : i32
    %mul3A_150 = arith.constant 632 : i32
    %mul3A_151 = arith.muli %arg1, %mul3A_150 : i32
    "tpu.region"() ({
      %run_scoped3A = tpu.sem_alloc : memref<!tpu.dma_semaphore, #tpu.memory_space<semaphore_mem>>
      %dma_start3A_152 = arith.constant 0 : i32
      %dma_start3A_153 = tpu.memref_slice %arg6[%arg0, %mul3A_151, %dma_start3A_152] : memref<2x10112x16xf32, #tpu.memory_space<hbm>> -> memref<1x632x16xf32, #tpu.memory_space<hbm>>
      %dma_start3A_154 = tpu.memref_squeeze %dma_start3A_153 : memref<1x632x16xf32, #tpu.memory_space<hbm>> -> memref<632x16xf32, #tpu.memory_space<hbm>>
      %dma_start3A_155 = arith.constant 0 : i32
      %dma_start3A_156 = tpu.memref_slice %arg10[%mul3A_149, %dma_start3A_155] : memref<10112x16xf32, #tpu.memory_space<vmem_shared>> -> memref<632x16xf32, #tpu.memory_space<vmem_shared>>
      tpu.enqueue_dma source(%dma_start3A_156 : memref<632x16xf32, #tpu.memory_space<vmem_shared>>) target(%dma_start3A_154 : memref<632x16xf32, #tpu.memory_space<hbm>>) target_semaphore(%run_scoped3A : memref<!tpu.dma_semaphore, #tpu.memory_space<semaphore_mem>>)
      %dma_wait3A = arith.constant 0 : i32
      %dma_wait3A_157 = tpu.memref_slice %arg6[%arg0, %mul3A_151, %dma_wait3A] : memref<2x10112x16xf32, #tpu.memory_space<hbm>> -> memref<1x632x16xf32, #tpu.memory_space<hbm>>
      %dma_wait3A_158 = tpu.memref_squeeze %dma_wait3A_157 : memref<1x632x16xf32, #tpu.memory_space<hbm>> -> memref<632x16xf32, #tpu.memory_space<hbm>>
      %dma_wait3A_159 = arith.constant 0 : i32
      %dma_wait3A_160 = tpu.memref_slice %arg10[%mul3A_149, %dma_wait3A_159] : memref<10112x16xf32, #tpu.memory_space<vmem_shared>> -> memref<632x16xf32, #tpu.memory_space<vmem_shared>>
      tpu.wait_dma2 semaphore(%run_scoped3A : memref<!tpu.dma_semaphore, #tpu.memory_space<semaphore_mem>>) src(%dma_wait3A_160 : memref<632x16xf32, #tpu.memory_space<vmem_shared>>) dst(%dma_wait3A_158 : memref<632x16xf32, #tpu.memory_space<hbm>>)
      tpu.yield
    }) : () -> ()
    return
  }
}

module attributes {stable_mosaic.version = 14 : i64} {
  func.func @body(%arg0: i32, %arg1: memref<2000x128xf32, #tpu.memory_space<vmem>>, %arg2: memref<128x64xf32, #tpu.memory_space<vmem>>, %arg3: memref<2000x64xf32, #tpu.memory_space<vmem>>) attributes {dimension_semantics = [#tpu.dimension_semantics<arbitrary>], iteration_bounds = array<i64: 5>, scalar_prefetch = 0 : i64, scratch_operands = 0 : i64, tpu.core_type = #tpu.core_type<tc>, window_params = [{transform_indices = @transform_0, window_bounds = array<i64: 2000, 128>}, {pipeline_mode = #tpu.pipeline_mode<synchronous>, transform_indices = @transform_1, window_bounds = array<i64: 128, 64>}, {transform_indices = @transform_2, window_bounds = array<i64: 2000, 64>}]} {
    %get3A = arith.constant 0 : index
    %get3A_0 = arith.constant 0 : index
    %get3A_1 = vector.load %arg1[%get3A, %get3A_0] : memref<2000x128xf32, #tpu.memory_space<vmem>>, vector<2000x128xf32>
    %get3A_2 = arith.constant 0 : index
    %get3A_3 = arith.constant 0 : index
    %get3A_4 = vector.load %arg2[%get3A_2, %get3A_3] : memref<128x64xf32, #tpu.memory_space<vmem>>, vector<128x64xf32>
    %dot_general3A = arith.constant dense<0.000000e+00> : vector<2000x64xf32>
    %dot_general3A_5 = tpu.matmul %get3A_1, %get3A_4, %dot_general3A {dimension_numbers = #tpu.dot_dimension_numbers<[1], [0], [0], [1], [0, 0, 1, 1], [], []>, transpose_lhs_hint = false} : vector<2000x128xf32>, vector<128x64xf32>, vector<2000x64xf32> -> vector<2000x64xf32>
    %swap3A = arith.constant 0 : index
    %swap3A_6 = arith.constant 0 : index
    %swap3A_7 = vector.load %arg3[%swap3A, %swap3A_6] : memref<2000x64xf32, #tpu.memory_space<vmem>>, vector<2000x64xf32>
    tpu.vector_store %arg3[%swap3A, %swap3A_6], %dot_general3A_5 {strides = array<i32>} : memref<2000x64xf32, #tpu.memory_space<vmem>>, vector<2000x64xf32>,
    return
  }
  func.func @transform_0(%arg0: i32) -> (i32, i32) {
    %c0_i32 = arith.constant 0 : i32
    %c0_i32_0 = arith.constant 0 : i32
    return %arg0, %c0_i32 : i32, i32
  }
  func.func @transform_1(%arg0: i32) -> (i32, i32) {
    %c0_i32 = arith.constant 0 : i32
    %c0_i32_0 = arith.constant 0 : i32
    %c0_i32_1 = arith.constant 0 : i32
    return %c0_i32, %c0_i32_0 : i32, i32
  }
  func.func @transform_2(%arg0: i32) -> (i32, i32) {
    %c0_i32 = arith.constant 0 : i32
    %c0_i32_0 = arith.constant 0 : i32
    return %arg0, %c0_i32 : i32, i32
  }
}

module attributes {stable_mosaic.version = 14 : i64} {
  func.func @body(%arg0: i32, %arg1: memref<2000x64xf32, #tpu.memory_space<vmem>>, %arg2: memref<1x2000x1xf32, #tpu.memory_space<vmem>>, %arg3: memref<1x2000x1xf32, #tpu.memory_space<vmem>>, %arg4: memref<2x2000x32xf32, #tpu.memory_space<vmem>>, %arg5: memref<2000x1xf32, #tpu.memory_space<vmem>>) attributes {dimension_semantics = [#tpu.dimension_semantics<arbitrary>], iteration_bounds = array<i64: 5>, scalar_prefetch = 0 : i64, scratch_operands = 0 : i64, tpu.core_type = #tpu.core_type<tc>, window_params = [{transform_indices = @transform_0, window_bounds = array<i64: 2000, 64>}, {transform_indices = @transform_1, window_bounds = array<i64: 1, 2000, 1>}, {transform_indices = @transform_2, window_bounds = array<i64: 1, 2000, 1>}, {transform_indices = @transform_3, window_bounds = array<i64: 2, 2000, 32>}, {transform_indices = @transform_4, window_bounds = array<i64: 2000, 1>}]} {
    %get3A = arith.constant 0 : index
    %get3A_0 = arith.constant 0 : index
    %get3A_1 = arith.constant 0 : index
    %get3A_2 = vector.load %arg2[%get3A, %get3A_0, %get3A_1] : memref<1x2000x1xf32, #tpu.memory_space<vmem>>, vector<1x2000x1xf32>
    %get3A_3 = vector.shape_cast %get3A_2 : vector<1x2000x1xf32> to vector<2000x1xf32>
    %get3A_4 = arith.constant 0 : index
    %get3A_5 = arith.constant 0 : index
    %get3A_6 = arith.constant 0 : index
    %get3A_7 = vector.load %arg3[%get3A_4, %get3A_5, %get3A_6] : memref<1x2000x1xf32, #tpu.memory_space<vmem>>, vector<1x2000x1xf32>
    %get3A_8 = vector.shape_cast %get3A_7 : vector<1x2000x1xf32> to vector<2000x1xf32>
    %add3A = arith.addf %get3A_3, %get3A_8 : vector<2000x1xf32>
    %add3A_9 = arith.constant 1.000000e+00 : f32
    %add3A_10 = vector.broadcast %add3A_9 : f32 to vector<2000x1xf32>
    %add3A_11 = arith.addf %add3A, %add3A_10 : vector<2000x1xf32>
    %rsqrt3A = math.rsqrt %add3A_11 : vector<2000x1xf32>
    %swap3A = arith.constant 0 : index
    %swap3A_12 = arith.constant 0 : index
    %swap3A_13 = vector.load %arg5[%swap3A, %swap3A_12] : memref<2000x1xf32, #tpu.memory_space<vmem>>, vector<2000x1xf32>
    tpu.vector_store %arg5[%swap3A, %swap3A_12], %rsqrt3A {strides = array<i32>} : memref<2000x1xf32, #tpu.memory_space<vmem>>, vector<2000x1xf32>,
    %get3A_14 = arith.constant 0 : index
    %get3A_15 = arith.constant 0 : index
    %get3A_16 = vector.load %arg1[%get3A_14, %get3A_15] : memref<2000x64xf32, #tpu.memory_space<vmem>>, vector<2000x64xf32>
    %mul3A = vector.broadcast %rsqrt3A : vector<2000x1xf32> to vector<2000x64xf32>
    %mul3A_17 = arith.mulf %get3A_16, %mul3A : vector<2000x64xf32>
    %slice3A = vector.extract_strided_slice %mul3A_17 {offsets = [0, 0], sizes = [2000, 32], strides = [1, 1]} : vector<2000x64xf32> to vector<2000x32xf32>
    %swap3A_18 = arith.constant 0 : index
    %swap3A_19 = arith.constant 0 : index
    %swap3A_20 = arith.constant 0 : index
    %swap3A_21 = vector.load %arg4[%swap3A_18, %swap3A_19, %swap3A_20] : memref<2x2000x32xf32, #tpu.memory_space<vmem>>, vector<1x2000x32xf32>
    %swap3A_22 = vector.shape_cast %swap3A_21 : vector<1x2000x32xf32> to vector<2000x32xf32>
    %swap3A_23 = vector.shape_cast %slice3A : vector<2000x32xf32> to vector<1x2000x32xf32>
    tpu.vector_store %arg4[%swap3A_18, %swap3A_19, %swap3A_20], %swap3A_23 {strides = array<i32>} : memref<2x2000x32xf32, #tpu.memory_space<vmem>>, vector<1x2000x32xf32>,
    %slice3A_24 = vector.extract_strided_slice %mul3A_17 {offsets = [0, 32], sizes = [2000, 32], strides = [1, 1]} : vector<2000x64xf32> to vector<2000x32xf32>
    %swap3A_25 = arith.constant 1 : index
    %swap3A_26 = arith.constant 0 : index
    %swap3A_27 = arith.constant 0 : index
    %swap3A_28 = vector.load %arg4[%swap3A_25, %swap3A_26, %swap3A_27] : memref<2x2000x32xf32, #tpu.memory_space<vmem>>, vector<1x2000x32xf32>
    %swap3A_29 = vector.shape_cast %swap3A_28 : vector<1x2000x32xf32> to vector<2000x32xf32>
    %swap3A_30 = vector.shape_cast %slice3A_24 : vector<2000x32xf32> to vector<1x2000x32xf32>
    tpu.vector_store %arg4[%swap3A_25, %swap3A_26, %swap3A_27], %swap3A_30 {strides = array<i32>} : memref<2x2000x32xf32, #tpu.memory_space<vmem>>, vector<1x2000x32xf32>,
    return
  }
  func.func @transform_0(%arg0: i32) -> (i32, i32) {
    %c0_i32 = arith.constant 0 : i32
    %c0_i32_0 = arith.constant 0 : i32
    return %arg0, %c0_i32 : i32, i32
  }
  func.func @transform_1(%arg0: i32) -> (i32, i32, i32) {
    %c0_i32 = arith.constant 0 : i32
    %c0_i32_0 = arith.constant 0 : i32
    %c0_i32_1 = arith.constant 0 : i32
    return %c0_i32, %arg0, %c0_i32_0 : i32, i32, i32
  }
  func.func @transform_2(%arg0: i32) -> (i32, i32, i32) {
    %c1_i32 = arith.constant 1 : i32
    %c0_i32 = arith.constant 0 : i32
    %c0_i32_0 = arith.constant 0 : i32
    return %c1_i32, %arg0, %c0_i32 : i32, i32, i32
  }
  func.func @transform_3(%arg0: i32) -> (i32, i32, i32) {
    %c0_i32 = arith.constant 0 : i32
    %c0_i32_0 = arith.constant 0 : i32
    %c0_i32_1 = arith.constant 0 : i32
    return %c0_i32, %arg0, %c0_i32_0 : i32, i32, i32
  }
  func.func @transform_4(%arg0: i32) -> (i32, i32) {
    %c0_i32 = arith.constant 0 : i32
    %c0_i32_0 = arith.constant 0 : i32
    return %arg0, %c0_i32 : i32, i32
  }
}

module attributes {stable_mosaic.version = 14 : i64} {
  func.func @body(%arg0: i32, %arg1: memref<2x2000x32xf32, #tpu.memory_space<vmem>>, %arg2: memref<2000x1xf32, #tpu.memory_space<vmem>>, %arg3: memref<1x64xf32, #tpu.memory_space<vmem>>, %arg4: memref<64x16xf32, #tpu.memory_space<vmem>>, %arg5: memref<2000x16xf32, #tpu.memory_space<vmem>>) attributes {dimension_semantics = [#tpu.dimension_semantics<arbitrary>], iteration_bounds = array<i64: 5>, scalar_prefetch = 0 : i64, scratch_operands = 0 : i64, tpu.core_type = #tpu.core_type<tc>, window_params = [{transform_indices = @transform_0, window_bounds = array<i64: 2, 2000, 32>}, {transform_indices = @transform_1, window_bounds = array<i64: 2000, 1>}, {pipeline_mode = #tpu.pipeline_mode<synchronous>, transform_indices = @transform_2, window_bounds = array<i64: 1, 64>}, {pipeline_mode = #tpu.pipeline_mode<synchronous>, transform_indices = @transform_3, window_bounds = array<i64: 64, 16>}, {transform_indices = @transform_4, window_bounds = array<i64: 2000, 16>}]} {
    %get3A = arith.constant 0 : index
    %get3A_0 = arith.constant 0 : index
    %get3A_1 = arith.constant 0 : index
    %get3A_2 = vector.load %arg1[%get3A, %get3A_0, %get3A_1] : memref<2x2000x32xf32, #tpu.memory_space<vmem>>, vector<1x2000x32xf32>
    %get3A_3 = vector.shape_cast %get3A_2 : vector<1x2000x32xf32> to vector<2000x32xf32>
    %get3A_4 = arith.constant 1 : index
    %get3A_5 = arith.constant 0 : index
    %get3A_6 = arith.constant 0 : index
    %get3A_7 = vector.load %arg1[%get3A_4, %get3A_5, %get3A_6] : memref<2x2000x32xf32, #tpu.memory_space<vmem>>, vector<1x2000x32xf32>
    %get3A_8 = vector.shape_cast %get3A_7 : vector<1x2000x32xf32> to vector<2000x32xf32>
    %concatenate3A = tpu.concatenate %get3A_3, %get3A_8 in 1 : vector<2000x32xf32>, vector<2000x32xf32> -> vector<2000x64xf32>
    %get3A_9 = arith.constant 0 : index
    %get3A_10 = arith.constant 0 : index
    %get3A_11 = vector.load %arg2[%get3A_9, %get3A_10] : memref<2000x1xf32, #tpu.memory_space<vmem>>, vector<2000x1xf32>
    %mul3A = vector.broadcast %get3A_11 : vector<2000x1xf32> to vector<2000x64xf32>
    %mul3A_12 = arith.mulf %concatenate3A, %mul3A : vector<2000x64xf32>
    %get3A_13 = arith.constant 0 : index
    %get3A_14 = arith.constant 0 : index
    %get3A_15 = vector.load %arg3[%get3A_13, %get3A_14] : memref<1x64xf32, #tpu.memory_space<vmem>>, vector<1x64xf32>
    %add3A = vector.broadcast %get3A_15 : vector<1x64xf32> to vector<2000x64xf32>
    %add3A_16 = arith.addf %mul3A_12, %add3A : vector<2000x64xf32>
    %max3A = arith.constant 0.000000e+00 : f32
    %max3A_17 = vector.broadcast %max3A : f32 to vector<2000x64xf32>
    %max3A_18 = arith.maximumf %add3A_16, %max3A_17 : vector<2000x64xf32>
    %get3A_19 = arith.constant 0 : index
    %get3A_20 = arith.constant 0 : index
    %get3A_21 = vector.load %arg4[%get3A_19, %get3A_20] : memref<64x16xf32, #tpu.memory_space<vmem>>, vector<64x16xf32>
    %dot_general3A = arith.constant dense<0.000000e+00> : vector<2000x16xf32>
    %dot_general3A_22 = tpu.matmul %max3A_18, %get3A_21, %dot_general3A {dimension_numbers = #tpu.dot_dimension_numbers<[1], [0], [0], [1], [0, 0, 1, 1], [], []>, transpose_lhs_hint = false} : vector<2000x64xf32>, vector<64x16xf32>, vector<2000x16xf32> -> vector<2000x16xf32>
    %get3A_23 = arith.constant 0 : index
    %get3A_24 = arith.constant 0 : index
    %get3A_25 = vector.load %arg2[%get3A_23, %get3A_24] : memref<2000x1xf32, #tpu.memory_space<vmem>>, vector<2000x1xf32>
    %mul3A_26 = vector.broadcast %get3A_25 : vector<2000x1xf32> to vector<2000x16xf32>
    %mul3A_27 = arith.mulf %dot_general3A_22, %mul3A_26 : vector<2000x16xf32>
    %swap3A = arith.constant 0 : index
    %swap3A_28 = arith.constant 0 : index
    %swap3A_29 = vector.load %arg5[%swap3A, %swap3A_28] : memref<2000x16xf32, #tpu.memory_space<vmem>>, vector<2000x16xf32>
    tpu.vector_store %arg5[%swap3A, %swap3A_28], %mul3A_27 {strides = array<i32>} : memref<2000x16xf32, #tpu.memory_space<vmem>>, vector<2000x16xf32>,
    return
  }
  func.func @transform_0(%arg0: i32) -> (i32, i32, i32) {
    %c0_i32 = arith.constant 0 : i32
    %c0_i32_0 = arith.constant 0 : i32
    %c0_i32_1 = arith.constant 0 : i32
    return %c0_i32, %arg0, %c0_i32_0 : i32, i32, i32
  }
  func.func @transform_1(%arg0: i32) -> (i32, i32) {
    %c0_i32 = arith.constant 0 : i32
    %c0_i32_0 = arith.constant 0 : i32
    return %arg0, %c0_i32 : i32, i32
  }
  func.func @transform_2(%arg0: i32) -> (i32, i32) {
    %c0_i32 = arith.constant 0 : i32
    %c0_i32_0 = arith.constant 0 : i32
    %c0_i32_1 = arith.constant 0 : i32
    return %c0_i32, %c0_i32_0 : i32, i32
  }
  func.func @transform_3(%arg0: i32) -> (i32, i32) {
    %c0_i32 = arith.constant 0 : i32
    %c0_i32_0 = arith.constant 0 : i32
    %c0_i32_1 = arith.constant 0 : i32
    return %c0_i32, %c0_i32_0 : i32, i32
  }
  func.func @transform_4(%arg0: i32) -> (i32, i32) {
    %c0_i32 = arith.constant 0 : i32
    %c0_i32_0 = arith.constant 0 : i32
    return %arg0, %c0_i32 : i32, i32
  }
}

module attributes {stable_mosaic.version = 14 : i64} {
  func.func @body(%arg0: i32, %arg1: memref<1x2000x16xf32, #tpu.memory_space<vmem>>, %arg2: memref<1x2000x16xf32, #tpu.memory_space<vmem>>, %arg3: memref<2000x1xf32, #tpu.memory_space<vmem>>, %arg4: memref<1x16xf32, #tpu.memory_space<vmem>>, %arg5: memref<2000x16xf32, #tpu.memory_space<vmem>>) attributes {dimension_semantics = [#tpu.dimension_semantics<arbitrary>], iteration_bounds = array<i64: 5>, scalar_prefetch = 0 : i64, scratch_operands = 0 : i64, tpu.core_type = #tpu.core_type<tc>, window_params = [{transform_indices = @transform_0, window_bounds = array<i64: 1, 2000, 16>}, {transform_indices = @transform_1, window_bounds = array<i64: 1, 2000, 16>}, {transform_indices = @transform_2, window_bounds = array<i64: 2000, 1>}, {pipeline_mode = #tpu.pipeline_mode<synchronous>, transform_indices = @transform_3, window_bounds = array<i64: 1, 16>}, {transform_indices = @transform_4, window_bounds = array<i64: 2000, 16>}]} {
    %get3A = arith.constant 0 : index
    %get3A_0 = arith.constant 0 : index
    %get3A_1 = arith.constant 0 : index
    %get3A_2 = vector.load %arg1[%get3A, %get3A_0, %get3A_1] : memref<1x2000x16xf32, #tpu.memory_space<vmem>>, vector<1x2000x16xf32>
    %get3A_3 = vector.shape_cast %get3A_2 : vector<1x2000x16xf32> to vector<2000x16xf32>
    %get3A_4 = arith.constant 0 : index
    %get3A_5 = arith.constant 0 : index
    %get3A_6 = arith.constant 0 : index
    %get3A_7 = vector.load %arg2[%get3A_4, %get3A_5, %get3A_6] : memref<1x2000x16xf32, #tpu.memory_space<vmem>>, vector<1x2000x16xf32>
    %get3A_8 = vector.shape_cast %get3A_7 : vector<1x2000x16xf32> to vector<2000x16xf32>
    %add3A = arith.addf %get3A_3, %get3A_8 : vector<2000x16xf32>
    %get3A_9 = arith.constant 0 : index
    %get3A_10 = arith.constant 0 : index
    %get3A_11 = vector.load %arg3[%get3A_9, %get3A_10] : memref<2000x1xf32, #tpu.memory_space<vmem>>, vector<2000x1xf32>
    %mul3A = vector.broadcast %get3A_11 : vector<2000x1xf32> to vector<2000x16xf32>
    %mul3A_12 = arith.mulf %add3A, %mul3A : vector<2000x16xf32>
    %get3A_13 = arith.constant 0 : index
    %get3A_14 = arith.constant 0 : index
    %get3A_15 = vector.load %arg4[%get3A_13, %get3A_14] : memref<1x16xf32, #tpu.memory_space<vmem>>, vector<1x16xf32>
    %add3A_16 = vector.broadcast %get3A_15 : vector<1x16xf32> to vector<2000x16xf32>
    %add3A_17 = arith.addf %mul3A_12, %add3A_16 : vector<2000x16xf32>
    %logistic3A = arith.negf %add3A_17 : vector<2000x16xf32>
    %logistic3A_18 = math.exp %logistic3A : vector<2000x16xf32>
    %logistic3A_19 = arith.constant 1.000000e+00 : f32
    %logistic3A_20 = vector.broadcast %logistic3A_19 : f32 to vector<2000x16xf32>
    %logistic3A_21 = arith.addf %logistic3A_20, %logistic3A_18 : vector<2000x16xf32>
    %logistic3A_22 = arith.divf %logistic3A_20, %logistic3A_21 : vector<2000x16xf32>
    %swap3A = arith.constant 0 : index
    %swap3A_23 = arith.constant 0 : index
    %swap3A_24 = vector.load %arg5[%swap3A, %swap3A_23] : memref<2000x16xf32, #tpu.memory_space<vmem>>, vector<2000x16xf32>
    tpu.vector_store %arg5[%swap3A, %swap3A_23], %logistic3A_22 {strides = array<i32>} : memref<2000x16xf32, #tpu.memory_space<vmem>>, vector<2000x16xf32>,
    return
  }
  func.func @transform_0(%arg0: i32) -> (i32, i32, i32) {
    %c0_i32 = arith.constant 0 : i32
    %c0_i32_0 = arith.constant 0 : i32
    %c0_i32_1 = arith.constant 0 : i32
    return %c0_i32, %arg0, %c0_i32_0 : i32, i32, i32
  }
  func.func @transform_1(%arg0: i32) -> (i32, i32, i32) {
    %c1_i32 = arith.constant 1 : i32
    %c0_i32 = arith.constant 0 : i32
    %c0_i32_0 = arith.constant 0 : i32
    return %c1_i32, %arg0, %c0_i32 : i32, i32, i32
  }
  func.func @transform_2(%arg0: i32) -> (i32, i32) {
    %c0_i32 = arith.constant 0 : i32
    %c0_i32_0 = arith.constant 0 : i32
    return %arg0, %c0_i32 : i32, i32
  }
  func.func @transform_3(%arg0: i32) -> (i32, i32) {
    %c0_i32 = arith.constant 0 : i32
    %c0_i32_0 = arith.constant 0 : i32
    %c0_i32_1 = arith.constant 0 : i32
    return %c0_i32, %c0_i32_0 : i32, i32
  }
  func.func @transform_4(%arg0: i32) -> (i32, i32) {
    %c0_i32 = arith.constant 0 : i32
    %c0_i32_0 = arith.constant 0 : i32
    return %arg0, %c0_i32 : i32, i32
  }
}

</mosaic_0001>

<sc_bundles>
// kernel: kernel.12.cloned.1.call-start
scs
__scs_entry_jumppad:
0x0: {  	(pc) =	sbr.rel $0x88, $3  }
0x1: {  	(tag) =	ssettag $0x0;
	lr =	simm.s32 $0x1  }
0x2: {  	[smem:$0x3F9B] =	sst lr;
	_ =	strace $0xD0000000  }
0x3: {  	_ = 	snop  }
0x4: {  	_ = 	snop  }
0x5: {  	_ = 	snop  }
0x6: {  	_ = 	snop  }
0x7: {  	_ = 	snop  }
__scs_overlays_trampoline_lowered:
0x8: {  	[smem:$0x3FAA] =	sst s0  }
0x9: {  	[smem:$0x3FAB] =	sst s1  }
0xa: {  	[smem:$0x3FAC] =	sst s2  }
0xb: {  	[smem:$0x3FAD] =	sst s3  }
0xc: {  	[smem:$0x3FAE] =	sst s4  }
0xd: {  	[smem:$0x3FAF] =	sst s5  }
0xe: {  	[smem:$0x3FB0] =	sst s6  }
0xf: {  	[smem:$0x3FB1] =	sst s7  }
0x10: {  	[smem:$0x3FB2] =	sst s8  }
0x11: {  	[smem:$0x3FB3] =	sst s9;
	s0 =	simm.s32 @!p0 $0x0  }
0x12: {  	s1 =	sld [smem:$0x3F99];
	s0 =	simm.s32 @p0 $0x1  }
0x13: {  	[smem:$0x3FB4] =	sst s0;
	s0 =	simm.s32 @!p1 $0x0  }
0x14: {  	s2 =	sld [smem:$0x3F98];
	s0 =	simm.s32 @p1 $0x1  }
0x15: {  	[smem:$0x3FB5] =	sst s0;
	s0 =	simm.s32 @!p2 $0x0  }
0x16: {  	s3 =	sld [smem:$0x3FDB];
	s0 =	simm.s32 @p2 $0x1  }
0x17: {  	s4 =	simm.s32 $0x1BF5;
	[smem:$0x3FB7] =	sst s0  }
0x18: {  	s0 =	sld [smem:$0x3F9A];
	_ =	swait.ge [sflag:s4], $0x0  }
0x19: {  	s7 =	sld [smem:$0x3F9B]  }
0x1a: {  	s8 =	sadd.s32 $0xFFFFE003, lr  }
0x1b: {  	s9 =	sadd.s32 $0xFFFFFEF7, lr;
	s5 =	simm.s32 $0xFFFFFFFF;
	p2 =	slt.u32 s8, $0xFFFFF086  }
0x1c: {  	p1 =	slt.u32 s9, $0xF7A;
	s5 =	simm.s32 @!p2 $0x0  }
0x1d: {  	s5 =	simm.s32 @p1 $0x1;
	p0 =	seq.s32 s7, s2  }
0x1e: {  	s7 =	smul.u32 @!p0 $0xF7A, s2;
	p2 =	seq.s32 @!p0 s5, $0x0  }
0x1f: {  	s9 =	smul.u32 $0xF7A, s1;
	s8 =	simm.s32 @!p0 $0x1BF5;
	p2 =	por !p2, p0  }
0x20: {  	[sflag:s8] =	ssyncset.s32 @!p0 $0xFFFFF086;
	s6 =	sadd.s32 @!p0 s3, s7;
	s7 =	simm.s32 @!p0 $0x108  }
0x21: {  	s3 =	sadd.s32 s3, s9;
	s6 =	sadd.s32 @!p0 $0x88, s6;
	s7 =	simm.s32 @p2 $0x1082  }
0x22: {  	[simem:s7], [sflag:s8] =	dma.local @!p0 [hbm:s6], $0xF7A  }
0x23: {  	s9 =	sor.u32 $0xD0000000, s2;
	s6 =	simm.s32 $0x108;
	_ =	swait.ge @!p0 [sflag:s8], $0x0  }
0x24: {  	s3 =	sadd.s32 $0x88, s3;
	s6 =	simm.s32 @!p1 $0x1082;
	[sflag:s4] =	ssyncset.s32 $0xFFFFF086  }
0x25: {  	[simem:s6], [sflag:s4] =	dma.local [hbm:s3], $0xF7A  }
0x26: {  	[smem:$0x3F9B] =	sst s1;
	(tag) =	ssettag s2;
	_ =	strace s9  }
0x27: {  	s1 =	sld [smem:$0x3FAB]  }
0x28: {  	s2 =	sld [smem:$0x3FAC]  }
0x29: {  	s4 =	sld [smem:$0x3FAE]  }
0x2a: {  	p0 =	seq.s32 s5, $0x0;
	s5 =	sld [smem:$0x3FAF]  }
0x2b: {  	s6 =	sld [smem:$0x3FB0]  }
0x2c: {  	s7 =	sld [smem:$0x3FB1]  }
0x2d: {  	s3 =	simm.s32 $0x108;
	s8 =	sld [smem:$0x3FB2]  }
0x2e: {  	s3 =	simm.s32 @!p0 $0x1082;
	s9 =	sld [smem:$0x3FB3]  }
0x2f: {  	lr =	sadd.s32 s0, s3;
	s0 =	sld [smem:$0x3FAA]  }
0x30: {  	s3 =	sld [smem:$0x3FAD]  }
0x31: {  	[smem:$0x3FB6] =	sst s10  }
0x32: {  	s10 =	sld [smem:$0x3FB4];
	_ =	sdelay $0x3  }
0x33: {  	p0 =	seq.s32 s10, $0x1;
	s10 =	sld [smem:$0x3FB6];
	_ =	sdelay $0x3  }
0x34: {  	[smem:$0x3FB6] =	sst s10  }
0x35: {  	s10 =	sld [smem:$0x3FB5];
	_ =	sdelay $0x3  }
0x36: {  	p1 =	seq.s32 s10, $0x1;
	s10 =	sld [smem:$0x3FB6];
	_ =	sdelay $0x3  }
0x37: {  	[smem:$0x3FB6] =	sst s10  }
0x38: {  	s10 =	sld [smem:$0x3FB7]  }
0x39: {  	_ = 	snop;
	(pc) =	sbr.ind lr, $3  }
0x3a: {  	_ = 	snop  }
0x3b: {  	_ = 	snop  }
0x3c: {  	p2 =	seq.s32 s10, $0x1;
	s10 =	sld [smem:$0x3FB6]  }
0x3d: {  	_ =	shalt  }
0x3e: {  	_ =	shalt  }
0x3f: {  	_ =	shalt  }
0x40: {  	_ =	shalt  }
0x41: {  	_ =	shalt  }
0x42: {  	_ =	shalt  }
0x43: {  	_ =	shalt  }
0x44: {  	_ =	shalt  }
0x45: {  	_ =	shalt  }
0x46: {  	_ =	shalt  }
0x47: {  	_ =	shalt  }
0x48: {  	_ =	shalt  }
0x49: {  	_ =	shalt  }
0x4a: {  	_ =	shalt  }
0x4b: {  	_ =	shalt  }
0x4c: {  	_ =	shalt  }
0x4d: {  	_ =	shalt  }
0x4e: {  	_ =	shalt  }
0x4f: {  	_ =	shalt  }
0x50: {  	_ =	shalt  }
0x51: {  	_ =	shalt  }
0x52: {  	_ =	shalt  }
0x53: {  	_ =	shalt  }
0x54: {  	_ =	shalt  }
0x55: {  	_ =	shalt  }
0x56: {  	_ =	shalt  }
0x57: {  	_ =	shalt  }
0x58: {  	_ =	shalt  }
0x59: {  	_ =	shalt  }
0x5a: {  	_ =	shalt  }
0x5b: {  	_ =	shalt  }
0x5c: {  	_ =	shalt  }
0x5d: {  	_ =	shalt  }
0x5e: {  	_ =	shalt  }
0x5f: {  	_ =	shalt  }
0x60: {  	_ =	shalt  }
0x61: {  	_ =	shalt  }
0x62: {  	_ =	shalt  }
0x63: {  	_ =	shalt  }
0x64: {  	_ =	shalt  }
0x65: {  	_ =	shalt  }
0x66: {  	_ =	shalt  }
0x67: {  	_ =	shalt  }
0x68: {  	_ =	shalt  }
0x69: {  	_ =	shalt  }
0x6a: {  	_ =	shalt  }
0x6b: {  	_ =	shalt  }
0x6c: {  	_ =	shalt  }
0x6d: {  	_ =	shalt  }
0x6e: {  	_ =	shalt  }
0x6f: {  	_ =	shalt  }
0x70: {  	_ =	shalt  }
0x71: {  	_ =	shalt  }
0x72: {  	_ =	shalt  }
0x73: {  	_ =	shalt  }
0x74: {  	_ =	shalt  }
0x75: {  	_ =	shalt  }
0x76: {  	_ =	shalt  }
0x77: {  	_ =	shalt  }
0x78: {  	_ =	shalt  }
0x79: {  	_ =	shalt  }
0x7a: {  	_ =	shalt  }
0x7b: {  	_ =	shalt  }
0x7c: {  	_ =	shalt  }
0x7d: {  	_ =	shalt  }
0x7e: {  	_ =	shalt  }
0x7f: {  	_ =	shalt  }
0x80: {  	_ =	shalt  }
0x81: {  	_ =	shalt  }
0x82: {  	_ =	shalt  }
0x83: {  	_ =	shalt  }
0x84: {  	_ =	shalt  }
0x85: {  	_ =	shalt  }
0x86: {  	_ =	shalt  }
0x87: {  	_ =	shalt  }
.Lfunc_end0:
.L_simem_size_0:
called_computation.1_lowered:
.L_overlay_start_0:
0x88: {  	s2 =	sld [smem:$0x3FD9]  }
0x89: {  	s3 =	sld [smem:$0x3FFE];
	_ =	sdelay $0x1  }
0x8a: {  	s1 =	srdreg.scid  }
0x8b: {  	s0 =	sand.u32 $0x1, s1  }
0x8c: {  	s16 =	sshll.u32 s0, $0xA;
	s2 =	sadd.s32 s3, s2  }
0x8d: {  	s2 =	sadd.s32 s2, s16  }
0x8e: {  	[smem:$0x3FC2] =	sst s2  }
0x8f: {  	_ = 	snop  }
0x90: {  	(tm) =	ssettm $0x1  }
0x91: {  	s17 =	sld [smem:$0x3FFB];
	_ =	sdelay $0x3  }
0x92: {  	_ =	strace s17  }
0x93: {  	s2 =	sld [smem:$0x3FFC];
	_ =	sdelay $0x3  }
0x94: {  	_ =	strace s2  }
0x95: {  	s2 =	sld [smem:$0x3FFD];
	_ =	sdelay $0x3  }
0x96: {  	_ =	strace s2  }
0x97: {  	_ =	strace $0x8FFFFFFF  }
0x98: {  	s18 =	sld [smem:$0x3FDB];
	_ =	sdelay $0x1  }
0x99: {  	s19 =	simm.s32 $_scs_section_size  }
0x9a: {  	s4 =	simm.s32 $_size__tile_overlayer_lowered;
	s5 =	simm.s32 $_tile_overlayer_lowered  }
0x9b: {  	s22 =	simm.s32 $0x1BFF;
	s21 =	sshll.u32 s5, $0x1;
	s2 =	sadd.s32 s19, s18  }
0x9c: {  	s6 =	simm.s32 $0x0;
	s20 =	sshll.u32 s4, $0x1;
	s4 =	sadd.s32 s21, s2  }
0x9d: {  	[timem:s6], [sflag:s22] =	dma.local [hbm:s4], s20  }
0x9e: {  	_ =	swait.ge [sflag:s22], s20  }
0x9f: {  	s3 =	ssub.s32 $0x0, s20;
	[sflag:s22] =	ssyncset.done $0x0  }
0xa0: {  	[sflag:s22] =	ssyncadd.s32 s3;
	_ =	sdelay $0x1  }
0xa1: {  	s23 =	simm.s32 $0x1B8B  }
0xa2: {  	_ =	swait.ge [sflag:s23], $0x1  }
0xa3: {  	[sflag:s23] =	ssyncset.done $0x0  }
0xa4: {  	s25 =	simm.s32 $0x1B8E;
	s24 =	sld [smem:$0x3FFE];
	[sflag:s23] =	ssyncadd.s32 $0xFFFFFFFF  }
0xa5: {  	s26 =	simm.s32 $execute0_lowered;
	[smem:$0x3FD2] =	sst s25  }
0xa6: {  	s4 =	sshll.u32 s26, $0x1;
	_ =	strace $0x80000049;
	[dreg:$0x1] =	wrdreg $0xFFFFFFFF  }
0xa7: {  	s28 =	simm.s32 $_size_execute0_lowered;
	s2 =	sadd.s32 s2, s4;
	[dreg:$0x0] =	wrdreg $0x0  }
0xa8: {  	s4 =	sshll.u32 s28, $0x1;
	[dreg:$0x2] =	wrdreg s2  }
0xa9: {  	[dreg:$0x3] =	wrdreg s4  }
0xaa: {  	[dreg:$0x4] =	wrdreg $0xC0  }
0xab: {  	_ =	task [dreg:s6], $0x5FFFF  }
0xac: {  	[dreg:$0x1] =	wrdreg $0xFFFFFFFF  }
0xad: {  	[dreg:$0x0] =	wrdreg $0x60  }
0xae: {  	[dreg:$0x2] =	wrdreg s24  }
0xaf: {  	[dreg:$0x3] =	wrdreg $0x120000  }
0xb0: {  	[dreg:$0x4] =	wrdreg $0x16F000  }
0xb1: {  	[dreg:$0x5] =	wrdreg $0x9  }
0xb2: {  	_ =	task.clear_ibuf [dreg:s6], $0x6FFFF;
	_ =	strace $0x90000049  }
0xb3: {  	s29 =	simm.s32 $0x9;
	_ =	strace $0x8000004B  }
0xb4: {  	_ =	swait.ge [sflag:s29], $0x1  }
0xb5: {  	[sflag:s29] =	ssyncadd.s32 $0xFFFFFFFF  }
0xb6: {  	_ =	strace $0x9000004B  }
0xb7: {  	_ =	sfence  }
0xb8: {  	s30 =	sld [smem:$0x0];
	_ =	sdelay $0x2  }
0xb9: {  	s31 =	sshll.u32 s1, $0xD;
	s1 =	sshrl.u32 s1, $0x2  }
0xba: {  	s3 =	sand.u32 $0x4000, s31;
	s1 =	sadd.s32 s1, s30  }
0xbb: {  	s0 =	sor.u32 s3, s0;
	s1 =	sshll.u32 s1, $0x11  }
0xbc: {  	s0 =	sor.u32 s1, s0  }
0xbd: {  	s0 =	sadd.s32 $0x8F2B, s0  }
0xbe: {  	[sflag:s0] =	ssyncadd.remote.s32 $0x1  }
0xbf: {  	_ =	sfence.sel $0xFFFF  }
0xc0: {  	[dreg:$0x0] =	wrdreg $0xFFFFFFFF;
	(pc) =	sbr.abs _section_cstart, $3  }
0xc1: {  	[dreg:$0x1] =	wrdreg $0xFFFFFFFF  }
0xc2: {  	_ =	task.clear_ibuf [dreg:s6], $0x2FFFF;
	_ =	strace $0x9FFFFFFF  }
0xc3: {  	(tm) =	ssettm $0x7FFFFFFF  }
tec
execute0_lowered:
.L_overlay_start_1:
0x0: {  	(tag) =	ssettag $0x1  }
0x1: {  	s0 =	rddreg [dreg:$0x0]  }
0x2: {  	s10 =	stileid.u32;
	s2 =	rddreg [dreg:$0x1]  }
0x3: {  	s1 =	srdreg.scid;
	s3 =	rddreg [dreg:$0x2];
	s4 =	simm.s32 $0x0  }
0x4: {  	s15 =	simm.s32 $0x80;
	s16 =	simm.s32 $0xA000;
	s17 =	simm.s32 $0xB000  }
0x5: {  	s19 =	simm.s32 $0xC000;
	s21 =	simm.s32 $0xD000;
	s22 =	simm.s32 $0x1  }
0x6: {  	s28 =	simm.s32 $0x3;
	s29 =	simm.s32 $0x2;
	s30 =	simm.s32 $0x4  }
0x7: {  	s31 =	simm.s32 $0x0;
	s1 =	sand.u32 $0x1, s1;
	s8 =	smul.u32 $0x4F00, s10  }
0x8: {  	[smem:$0x7FF] =	sst s4;
	s6 =	smul.u32 $0xA00, s10;
	s26 =	sshll.u32 s10, $0x6  }
0x9: {  	s10 =	simm.s32 $0x5;
	s5 =	smul.u32 $0x4F000, s1;
	_ =	strace $0x8000004A  }
0xa: {  	s1 =	ssub.s32 $0x2, s1;
	s12 =	sor.u32 $0x1C05, s26;
	s26 =	simm.s32 $0x11000  }
0xb: {  	s6 =	sadd.s32 s6, s0;
	s23 =	sshrl.u32 s1, $0x1;
	s11 =	sadd.s32 s8, s2  }
0xc: {  	s14 =	sadd.s32 s8, s3;
	s5 =	sadd.s32 s8, s5;
	s1 =	ssub.s32 s1, s23  }
0xd: {  	s24 =	sadd.s32 $0xB200, s6;
	s25 =	sadd.s32 $0x1000, s6;
	s13 =	sshrl.u32 s11, $0x3  }
0xe: {  	s14 =	sshrl.u32 s14, $0x3;
	s5 =	sshrl.u32 s5, $0x3;
	[dreg:$0x4] =	wrdreg s24  }
0xf: {  	s23 =	simm.s32 $0xE000;
	[dreg:$0x5] =	wrdreg s25;
	s0 =	sadd.s32 s5, s0  }
0x10: {  	s9 =	smax.u32 s1, $0x1;
	s7 =	sadd.s32 $0x64200, s0;
	s0 =	sadd.s32 $0x15200, s0  }
0x11: {  	s24 =	simm.s32 $0xF000;
	s25 =	simm.s32 $0x10000;
	[dreg:$0x6] =	wrdreg s0  }
.LBB2_1:
0x12: {  	s0 =	rddreg [dreg:$0x4]  }
0x13: {  	[tilespmem:s4], [sflag:$0x5] =	stream.linear.gather [hbm4b:s0+s4], $0x5000, $0x38;
	[tilespmem:$0x1BE00] =	vst v63  }
0x14: {  	_ =	swait.ge [sflag:s10], $0x5000  }
0x15: {  	[sflag:s10] =	ssyncset.done $0x0  }
0x16: {  	s1 =	simm.s32 $0x5000;
	s20 =	rddreg [dreg:$0x5];
	[sflag:s10] =	ssyncadd.s32 $0xFFFFB000  }
0x17: {  	[tilespmem:s1], [sflag:$0x5] =	stream.linear.gather [hbm4b:s20+s4], $0x5000, $0x38;
	[tilespmem:$0x1BE00] =	vst v63  }
0x18: {  	_ =	swait.ge [sflag:s10], $0x5000  }
0x19: {  	[sflag:s10] =	ssyncset.done $0x0  }
0x1a: {  	[sflag:s10] =	ssyncadd.s32 $0xFFFFB000  }
0x1b: {  	[spmem:s13], [sflag:s12] =	dma.local [hbm:s7], $0x9E0  }
0x1c: {  	_ =	swait.ge [sflag:s10], $0x9E0  }
0x1d: {  	[sflag:s10] =	ssyncset.done $0x0  }
0x1e: {  	[sflag:s10] =	ssyncadd.s32 $0xFFFFF620  }
0x1f: {  	[spmem:s14], [sflag:s12] =	dma.local [hbm:s7], $0x9E0  }
0x20: {  	_ =	swait.ge [sflag:s10], $0x9E0  }
0x21: {  	[sflag:s10] =	ssyncset.done $0x0  }
0x22: {  	[sflag:s10] =	ssyncadd.s32 $0xFFFFF620  }
0x23: {  	[bflag:$0x0] =	sbarrier.arrive $0xFFFF  }
0x24: {  	[tilespmem:s16], [sflag:$0x1] =	stream.indirect.gather [spmem:s3], $0x20, s4, s15, $0xb8;
	[tilespmem:$0x1BE00] =	vst v63  }
0x25: {  	_ = 	snop  }
0x26: {  	[tilespmem:s17], [sflag:$0x1] =	stream.indirect.gather [spmem:s3], $0x20, s15, s15, $0xb8;
	[tilespmem:$0x1BE00] =	vst v63  }
0x27: {  	s1 =	simm.s32 $0x100  }
0x28: {  	[tilespmem:s19], [sflag:$0x1] =	stream.indirect.gather [spmem:s3], $0x20, s1, s15, $0xb8;
	[tilespmem:$0x1BE00] =	vst v63  }
0x29: {  	s5 =	simm.s32 $0x180  }
0x2a: {  	[tilespmem:s21], [sflag:$0x1] =	stream.indirect.gather [spmem:s3], $0x20, s5, s15, $0xb8;
	[tilespmem:$0x1BE00] =	vst v63  }
0x2b: {  	_ =	swait.ge [sflag:s22], $0x1000  }
0x2c: {  	[sflag:s22] =	ssyncset.done $0x0  }
0x2d: {  	[sflag:s22] =	ssyncadd.s32 $0xFFFFF000  }
0x2e: {  	_ =	swait.ge [sflag:s22], $0x1000  }
0x2f: {  	[sflag:s22] =	ssyncset.done $0x0  }
0x30: {  	[sflag:s22] =	ssyncadd.s32 $0xFFFFF000  }
0x31: {  	_ =	swait.ge [sflag:s22], $0x1000  }
0x32: {  	[sflag:s22] =	ssyncset.done $0x0  }
0x33: {  	[sflag:s22] =	ssyncadd.s32 $0xFFFFF000  }
0x34: {  	_ =	swait.ge [sflag:s22], $0x1000  }
0x35: {  	[sflag:s22] =	ssyncset.done $0x0  }
0x36: {  	s6 =	simm.s32 $0x200;
	[sflag:s22] =	ssyncadd.s32 $0xFFFFF000  }
0x37: {  	[tilespmem:s23], [sflag:$0x2] =	stream.indirect.gather [spmem:s3], $0x20, s6, s15, $0xb8;
	[tilespmem:$0x1BE00] =	vst v63  }
0x38: {  	s8 =	simm.s32 $0x280  }
0x39: {  	[tilespmem:s24], [sflag:$0x2] =	stream.indirect.gather [spmem:s3], $0x20, s8, s15, $0xb8;
	[tilespmem:$0x1BE00] =	vst v63  }
0x3a: {  	s11 =	simm.s32 $0x300  }
0x3b: {  	[tilespmem:s25], [sflag:$0x2] =	stream.indirect.gather [spmem:s3], $0x20, s11, s15, $0xb8;
	[tilespmem:$0x1BE00] =	vst v63  }
0x3c: {  	s18 =	simm.s32 $0x380  }
0x3d: {  	[tilespmem:s26], [sflag:$0x2] =	stream.indirect.gather [spmem:s3], $0x20, s18, s15, $0xb8;
	[tilespmem:$0x1BE00] =	vst v63  }
0x3e: {  	s20 =	simm.s32 $0x5000  }
0x3f: {  	[spmem:s2] =	stream.indirect.scatter.add.f32 [tilespmem:s16], [sflag:$0x3], $0x20, s20, s15, $0xb8;
	[tilespmem:$0x1BE00] =	vst v63  }
0x40: {  	s1 =	simm.s32 $0x5080  }
0x41: {  	[spmem:s2] =	stream.indirect.scatter.add.f32 [tilespmem:s17], [sflag:$0x3], $0x20, s1, s15, $0xb8;
	[tilespmem:$0x1BE00] =	vst v63  }
0x42: {  	s5 =	simm.s32 $0x5100  }
0x43: {  	[spmem:s2] =	stream.indirect.scatter.add.f32 [tilespmem:s19], [sflag:$0x3], $0x20, s5, s15, $0xb8;
	[tilespmem:$0x1BE00] =	vst v63  }
0x44: {  	s6 =	simm.s32 $0x5180  }
0x45: {  	[spmem:s2] =	stream.indirect.scatter.add.f32 [tilespmem:s21], [sflag:$0x3], $0x20, s6, s15, $0xb8;
	[tilespmem:$0x1BE00] =	vst v63  }
0x46: {  	_ =	swait.ge [sflag:s28], $0x1000  }
0x47: {  	[sflag:s28] =	ssyncset.done $0x0  }
0x48: {  	[sflag:s28] =	ssyncadd.s32 $0xFFFFF000  }
0x49: {  	_ =	swait.ge [sflag:s28], $0x1000  }
0x4a: {  	[sflag:s28] =	ssyncset.done $0x0  }
0x4b: {  	[sflag:s28] =	ssyncadd.s32 $0xFFFFF000  }
0x4c: {  	_ =	swait.ge [sflag:s28], $0x1000  }
0x4d: {  	[sflag:s28] =	ssyncset.done $0x0  }
0x4e: {  	[sflag:s28] =	ssyncadd.s32 $0xFFFFF000  }
0x4f: {  	_ =	swait.ge [sflag:s28], $0x1000  }
0x50: {  	[sflag:s28] =	ssyncset.done $0x0  }
0x51: {  	[sflag:s28] =	ssyncadd.s32 $0xFFFFF000  }
0x52: {  	_ =	swait.ge [sflag:s29], $0x1000  }
0x53: {  	[sflag:s29] =	ssyncset.done $0x0  }
0x54: {  	[sflag:s29] =	ssyncadd.s32 $0xFFFFF000  }
0x55: {  	_ =	swait.ge [sflag:s29], $0x1000  }
0x56: {  	[sflag:s29] =	ssyncset.done $0x0  }
0x57: {  	[sflag:s29] =	ssyncadd.s32 $0xFFFFF000  }
0x58: {  	_ =	swait.ge [sflag:s29], $0x1000  }
0x59: {  	[sflag:s29] =	ssyncset.done $0x0  }
0x5a: {  	[sflag:s29] =	ssyncadd.s32 $0xFFFFF000  }
0x5b: {  	p0 =	por $0x0, $0x0;
	_ =	swait.ge [sflag:s29], $0x1000  }
0x5c: {  	s0 =	simm.s32 @!p0 $0xA000;
	[sflag:s29] =	ssyncset.done $0x0  }
0x5d: {  	s11 =	simm.s32 @!p0 $0x80;
	s1 =	simm.s32 @!p0 $0x400;
	[sflag:s29] =	ssyncadd.s32 $0xFFFFF000  }
0x5e: {  	[tilespmem:s0], [sflag:$0x1] =	stream.indirect.gather @!p0 [spmem:s3], $0x20, s1, s11, $0xb8;
	[tilespmem:$0x1BE00] =	vst v63  }
0x5f: {  	s0 =	simm.s32 @!p0 $0x480;
	s1 =	simm.s32 @!p0 $0xB000  }
0x60: {  	[tilespmem:s1], [sflag:$0x1] =	stream.indirect.gather @!p0 [spmem:s3], $0x20, s0, s11, $0xb8;
	[tilespmem:$0x1BE00] =	vst v63  }
0x61: {  	s0 =	simm.s32 @!p0 $0x500;
	s1 =	simm.s32 @!p0 $0xC000  }
0x62: {  	[tilespmem:s1], [sflag:$0x1] =	stream.indirect.gather @!p0 [spmem:s3], $0x20, s0, s11, $0xb8;
	[tilespmem:$0x1BE00] =	vst v63  }
0x63: {  	s0 =	simm.s32 @!p0 $0x580;
	s1 =	simm.s32 @!p0 $0xD000  }
0x64: {  	[tilespmem:s1], [sflag:$0x1] =	stream.indirect.gather @!p0 [spmem:s3], $0x20, s0, s11, $0xb8;
	[tilespmem:$0x1BE00] =	vst v63  }
0x65: {  	s8 =	simm.s32 $0x5200  }
0x66: {  	[spmem:s2] =	stream.indirect.scatter.add.f32 [tilespmem:s23], [sflag:$0x4], $0x20, s8, s15, $0xb8;
	[tilespmem:$0x1BE00] =	vst v63  }
0x67: {  	s11 =	simm.s32 $0x5280  }
0x68: {  	[spmem:s2] =	stream.indirect.scatter.add.f32 [tilespmem:s24], [sflag:$0x4], $0x20, s11, s15, $0xb8;
	[tilespmem:$0x1BE00] =	vst v63  }
0x69: {  	s18 =	simm.s32 $0x5300  }
0x6a: {  	[spmem:s2] =	stream.indirect.scatter.add.f32 [tilespmem:s25], [sflag:$0x4], $0x20, s18, s15, $0xb8;
	[tilespmem:$0x1BE00] =	vst v63  }
0x6b: {  	s20 =	simm.s32 $0x5380  }
0x6c: {  	[spmem:s2] =	stream.indirect.scatter.add.f32 [tilespmem:s26], [sflag:$0x4], $0x20, s20, s15, $0xb8;
	[tilespmem:$0x1BE00] =	vst v63  }
0x6d: {  	_ =	swait.ge [sflag:s30], $0x1000  }
0x6e: {  	[sflag:s30] =	ssyncset.done $0x0  }
0x6f: {  	[sflag:s30] =	ssyncadd.s32 $0xFFFFF000  }
0x70: {  	_ =	swait.ge [sflag:s30], $0x1000  }
0x71: {  	[sflag:s30] =	ssyncset.done $0x0  }
0x72: {  	[sflag:s30] =	ssyncadd.s32 $0xFFFFF000  }
0x73: {  	_ =	swait.ge [sflag:s30], $0x1000  }
0x74: {  	[sflag:s30] =	ssyncset.done $0x0  }
0x75: {  	[sflag:s30] =	ssyncadd.s32 $0xFFFFF000  }
0x76: {  	s1 =	simm.s32 $0x1000;
	_ =	swait.ge [sflag:s30], $0x1000  }
.LBB2_2:
0x77: {  	[sflag:s30] =	ssyncset.done $0x0;
	s11 =	smov.u32 s1;
	s1 =	sadd.s32 $0x1000, s1  }
0x78: {  	p0 =	sne.s32 s1, $0x14000;
	[sflag:s30] =	ssyncadd.s32 $0xFFFFF000  }
0x79: {  	_ =	swait.ge [sflag:s22], $0x1000  }
0x7a: {  	[sflag:s22] =	ssyncset.done $0x0  }
0x7b: {  	[sflag:s22] =	ssyncadd.s32 $0xFFFFF000  }
0x7c: {  	_ =	swait.ge [sflag:s22], $0x1000  }
0x7d: {  	[sflag:s22] =	ssyncset.done $0x0  }
0x7e: {  	[sflag:s22] =	ssyncadd.s32 $0xFFFFF000  }
0x7f: {  	_ =	swait.ge [sflag:s22], $0x1000  }
0x80: {  	[sflag:s22] =	ssyncset.done $0x0  }
0x81: {  	[sflag:s22] =	ssyncadd.s32 $0xFFFFF000  }
0x82: {  	s0 =	sshra.s32 s11, $0x2;
	_ =	swait.ge [sflag:s22], $0x1000  }
0x83: {  	s18 =	sadd.s32 $0x200, s0;
	[sflag:s22] =	ssyncset.done $0x0  }
0x84: {  	[sflag:s22] =	ssyncadd.s32 $0xFFFFF000  }
0x85: {  	[tilespmem:s23], [sflag:$0x2] =	stream.indirect.gather [spmem:s3], $0x20, s18, s15, $0xb8;
	[tilespmem:$0x1BE00] =	vst v63  }
0x86: {  	s18 =	sadd.s32 $0x280, s0  }
0x87: {  	[tilespmem:s24], [sflag:$0x2] =	stream.indirect.gather [spmem:s3], $0x20, s18, s15, $0xb8;
	[tilespmem:$0x1BE00] =	vst v63  }
0x88: {  	s18 =	sadd.s32 $0x300, s0  }
0x89: {  	[tilespmem:s25], [sflag:$0x2] =	stream.indirect.gather [spmem:s3], $0x20, s18, s15, $0xb8;
	[tilespmem:$0x1BE00] =	vst v63  }
0x8a: {  	s18 =	sadd.s32 $0x380, s0  }
0x8b: {  	[tilespmem:s26], [sflag:$0x2] =	stream.indirect.gather [spmem:s3], $0x20, s18, s15, $0xb8;
	[tilespmem:$0x1BE00] =	vst v63  }
0x8c: {  	s18 =	sadd.s32 $0x5000, s0  }
0x8d: {  	[spmem:s2] =	stream.indirect.scatter.add.f32 [tilespmem:s16], [sflag:$0x3], $0x20, s18, s15, $0xb8;
	[tilespmem:$0x1BE00] =	vst v63  }
0x8e: {  	s18 =	sadd.s32 $0x5080, s0  }
0x8f: {  	[spmem:s2] =	stream.indirect.scatter.add.f32 [tilespmem:s17], [sflag:$0x3], $0x20, s18, s15, $0xb8;
	[tilespmem:$0x1BE00] =	vst v63  }
0x90: {  	s18 =	sadd.s32 $0x5100, s0  }
0x91: {  	[spmem:s2] =	stream.indirect.scatter.add.f32 [tilespmem:s19], [sflag:$0x3], $0x20, s18, s15, $0xb8;
	[tilespmem:$0x1BE00] =	vst v63  }
0x92: {  	s18 =	sadd.s32 $0x5180, s0  }
0x93: {  	[spmem:s2] =	stream.indirect.scatter.add.f32 [tilespmem:s21], [sflag:$0x3], $0x20, s18, s15, $0xb8;
	[tilespmem:$0x1BE00] =	vst v63  }
0x94: {  	_ =	swait.ge [sflag:s28], $0x1000  }
0x95: {  	[sflag:s28] =	ssyncset.done $0x0  }
0x96: {  	[sflag:s28] =	ssyncadd.s32 $0xFFFFF000  }
0x97: {  	_ =	swait.ge [sflag:s28], $0x1000  }
0x98: {  	[sflag:s28] =	ssyncset.done $0x0  }
0x99: {  	[sflag:s28] =	ssyncadd.s32 $0xFFFFF000  }
0x9a: {  	_ =	swait.ge [sflag:s28], $0x1000  }
0x9b: {  	[sflag:s28] =	ssyncset.done $0x0  }
0x9c: {  	[sflag:s28] =	ssyncadd.s32 $0xFFFFF000  }
0x9d: {  	_ =	swait.ge [sflag:s28], $0x1000  }
0x9e: {  	[sflag:s28] =	ssyncset.done $0x0  }
0x9f: {  	[sflag:s28] =	ssyncadd.s32 $0xFFFFF000  }
0xa0: {  	_ =	swait.ge [sflag:s29], $0x1000  }
0xa1: {  	[sflag:s29] =	ssyncset.done $0x0  }
0xa2: {  	[sflag:s29] =	ssyncadd.s32 $0xFFFFF000  }
0xa3: {  	_ =	swait.ge [sflag:s29], $0x1000  }
0xa4: {  	[sflag:s29] =	ssyncset.done $0x0  }
0xa5: {  	[sflag:s29] =	ssyncadd.s32 $0xFFFFF000  }
0xa6: {  	_ =	swait.ge [sflag:s29], $0x1000  }
0xa7: {  	[sflag:s29] =	ssyncset.done $0x0  }
0xa8: {  	p1 =	seq.s32 s11, $0x13000;
	[sflag:s29] =	ssyncadd.s32 $0xFFFFF000  }
0xa9: {  	s11 =	sshra.s32 @!p1 s11, $0x2;
	s18 =	simm.s32 @!p1 $0xA000;
	_ =	swait.ge [sflag:s29], $0x1000  }
0xaa: {  	s20 =	sadd.s32 @!p1 $0x400, s11;
	s5 =	sadd.s32 @!p1 $0x480, s11;
	[sflag:s29] =	ssyncset.done $0x0  }
0xab: {  	s6 =	simm.s32 @!p1 $0x80;
	s8 =	sadd.s32 @!p1 $0x500, s11;
	[sflag:s29] =	ssyncadd.s32 $0xFFFFF000  }
0xac: {  	[tilespmem:s18], [sflag:$0x1] =	stream.indirect.gather @!p1 [spmem:s3], $0x20, s20, s6, $0xb8;
	[tilespmem:$0x1BE00] =	vst v63  }
0xad: {  	s11 =	sadd.s32 @!p1 $0x580, s11;
	s18 =	simm.s32 @!p1 $0xB000  }
0xae: {  	[tilespmem:s18], [sflag:$0x1] =	stream.indirect.gather @!p1 [spmem:s3], $0x20, s5, s6, $0xb8;
	[tilespmem:$0x1BE00] =	vst v63  }
0xaf: {  	s5 =	simm.s32 @!p1 $0xC000  }
0xb0: {  	[tilespmem:s5], [sflag:$0x1] =	stream.indirect.gather @!p1 [spmem:s3], $0x20, s8, s6, $0xb8;
	[tilespmem:$0x1BE00] =	vst v63  }
0xb1: {  	s5 =	simm.s32 @!p1 $0xD000  }
0xb2: {  	[tilespmem:s5], [sflag:$0x1] =	stream.indirect.gather @!p1 [spmem:s3], $0x20, s11, s6, $0xb8;
	[tilespmem:$0x1BE00] =	vst v63  }
0xb3: {  	s5 =	sadd.s32 $0x5200, s0  }
0xb4: {  	[spmem:s2] =	stream.indirect.scatter.add.f32 [tilespmem:s23], [sflag:$0x4], $0x20, s5, s15, $0xb8;
	[tilespmem:$0x1BE00] =	vst v63  }
0xb5: {  	s6 =	sadd.s32 $0x5300, s0;
	s5 =	sadd.s32 $0x5280, s0  }
0xb6: {  	[spmem:s2] =	stream.indirect.scatter.add.f32 [tilespmem:s24], [sflag:$0x4], $0x20, s5, s15, $0xb8;
	[tilespmem:$0x1BE00] =	vst v63  }
0xb7: {  	s0 =	sadd.s32 $0x5380, s0  }
0xb8: {  	[spmem:s2] =	stream.indirect.scatter.add.f32 [tilespmem:s25], [sflag:$0x4], $0x20, s6, s15, $0xb8;
	[tilespmem:$0x1BE00] =	vst v63  }
0xb9: {  	_ = 	snop  }
0xba: {  	[spmem:s2] =	stream.indirect.scatter.add.f32 [tilespmem:s26], [sflag:$0x4], $0x20, s0, s15, $0xb8;
	[tilespmem:$0x1BE00] =	vst v63  }
0xbb: {  	_ =	swait.ge [sflag:s30], $0x1000  }
0xbc: {  	[sflag:s30] =	ssyncset.done $0x0  }
0xbd: {  	[sflag:s30] =	ssyncadd.s32 $0xFFFFF000  }
0xbe: {  	_ =	swait.ge [sflag:s30], $0x1000  }
0xbf: {  	[sflag:s30] =	ssyncset.done $0x0  }
.Ltmp0:
0xc0: {  	[sflag:s30] =	ssyncadd.s32 $0xFFFFF000;
	(pc) =	sbr.rel @p0 .LBB2_2-.Ltmp0, $4  }
0xc1: {  	_ =	swait.ge [sflag:s30], $0x1000  }
0xc2: {  	[sflag:s30] =	ssyncset.done $0x0  }
0xc3: {  	[sflag:s30] =	ssyncadd.s32 $0xFFFFF000  }
0xc4: {  	_ =	swait.ge [sflag:s30], $0x1000  }
0xc5: {  	[sflag:s30] =	ssyncset.done $0x0  }
0xc6: {  	s31 =	sadd.s32 $0x1, s31;
	[sflag:s30] =	ssyncadd.s32 $0xFFFFF000  }
0xc7: {  	p0 =	sne.s32 s31, s9;
	[bflag:$0x0] =	sbarrier.arrive $0xFFFF  }
.Ltmp1:
0xc8: {  	s0 =	rddreg [dreg:$0x6];
	(pc) =	sbr.rel @p0 .LBB2_1-.Ltmp1, $4  }
0xc9: {  	[hbm:s0], [sflag:s12] =	dma.local [spmem:s13], $0x9E0  }
0xca: {  	_ =	swait.ge [sflag:s10], $0x9E0  }
0xcb: {  	[sflag:s10] =	ssyncset.done $0x0  }
0xcc: {  	[sflag:s10] =	ssyncadd.s32 $0xFFFFF620  }
0xcd: {  	_ =	sfence.sel $0x180000  }
0xce: {  	[bflag:$0x0] =	sbarrier.arrive $0xFFFF  }
0xcf: {  	_ =	strace $0x9000004A  }
0xd0: {  	s0 =	stileid.u32;
	[bflag:$0x2] =	sbarrier.arrive $0xFFFF  }
0xd1: {  	p0 =	sne.s32 s0, $0x0;
	s0 =	rddreg [dreg:$0x3]  }
0xd2: {  	s0 =	sadd.s32 @!p0 $0x100000, s0  }
0xd3: {  	[sflag:s0] =	ssyncadd.tile.s32 @!p0 $0x1;
	_ =	shalt  }
.Lfunc_end2:
_tile_overlayer_lowered:
.L_overlay_start_2:
0xd4: {  	(tag) =	ssettag $0x2  }
0xd5: {  	s0 =	rddreg [dreg:$0x0];
	s2 =	stileid.u32  }
0xd6: {  	s1 =	rddreg [dreg:$0x1];
	p0 =	sne.s32 s2, $0x0  }
0xd7: {  	s3 =	rddreg [dreg:$0x2];
	[bflag:$0x3] =	sbarrier.arrive $0xFFFF;
	s2 =	simm.s32 @!p0 $0x1C05  }
0xd8: {  	[timem:s3], [sflag:s2] =	dma.local @!p0 [hbm:s0], s1  }
0xd9: {  	s0 =	simm.s32 @!p0 $0x5  }
0xda: {  	_ =	swait.ge @!p0 [sflag:s0], s1  }
0xdb: {  	s1 =	ssub.s32 @!p0 $0x0, s1;
	[sflag:s0] =	ssyncset.done @!p0 $0x0  }
0xdc: {  	[sflag:s0] =	ssyncadd.s32 @!p0 s1  }
0xdd: {  	[bflag:$0x3] =	sbarrier.arrive $0xFFFF  }
0xde: {  	_ =	shalt  }

// kernel: kernel.15.cloned.1.call-start
scs
__scs_entry_jumppad:
0x0: {  	(pc) =	sbr.rel $0x88, $3  }
0x1: {  	(tag) =	ssettag $0x0;
	lr =	simm.s32 $0x1  }
0x2: {  	[smem:$0x3F9B] =	sst lr;
	_ =	strace $0xD0000000  }
0x3: {  	_ = 	snop  }
0x4: {  	_ = 	snop  }
0x5: {  	_ = 	snop  }
0x6: {  	_ = 	snop  }
0x7: {  	_ = 	snop  }
__scs_overlays_trampoline_lowered:
0x8: {  	[smem:$0x3FAA] =	sst s0  }
0x9: {  	[smem:$0x3FAB] =	sst s1  }
0xa: {  	[smem:$0x3FAC] =	sst s2  }
0xb: {  	[smem:$0x3FAD] =	sst s3  }
0xc: {  	[smem:$0x3FAE] =	sst s4  }
0xd: {  	[smem:$0x3FAF] =	sst s5  }
0xe: {  	[smem:$0x3FB0] =	sst s6  }
0xf: {  	[smem:$0x3FB1] =	sst s7  }
0x10: {  	[smem:$0x3FB2] =	sst s8  }
0x11: {  	[smem:$0x3FB3] =	sst s9;
	s0 =	simm.s32 @!p0 $0x0  }
0x12: {  	s1 =	sld [smem:$0x3F99];
	s0 =	simm.s32 @p0 $0x1  }
0x13: {  	[smem:$0x3FB4] =	sst s0;
	s0 =	simm.s32 @!p1 $0x0  }
0x14: {  	s2 =	sld [smem:$0x3F98];
	s0 =	simm.s32 @p1 $0x1  }
0x15: {  	[smem:$0x3FB5] =	sst s0;
	s0 =	simm.s32 @!p2 $0x0  }
0x16: {  	s3 =	sld [smem:$0x3FDB];
	s0 =	simm.s32 @p2 $0x1  }
0x17: {  	s4 =	simm.s32 $0x1BF5;
	[smem:$0x3FB7] =	sst s0  }
0x18: {  	s0 =	sld [smem:$0x3F9A];
	_ =	swait.ge [sflag:s4], $0x0  }
0x19: {  	s7 =	sld [smem:$0x3F9B]  }
0x1a: {  	s8 =	sadd.s32 $0xFFFFE003, lr  }
0x1b: {  	s9 =	sadd.s32 $0xFFFFFEF7, lr;
	s5 =	simm.s32 $0xFFFFFFFF;
	p2 =	slt.u32 s8, $0xFFFFF086  }
0x1c: {  	p1 =	slt.u32 s9, $0xF7A;
	s5 =	simm.s32 @!p2 $0x0  }
0x1d: {  	s5 =	simm.s32 @p1 $0x1;
	p0 =	seq.s32 s7, s2  }
0x1e: {  	s7 =	smul.u32 @!p0 $0xF7A, s2;
	p2 =	seq.s32 @!p0 s5, $0x0  }
0x1f: {  	s9 =	smul.u32 $0xF7A, s1;
	s8 =	simm.s32 @!p0 $0x1BF5;
	p2 =	por !p2, p0  }
0x20: {  	[sflag:s8] =	ssyncset.s32 @!p0 $0xFFFFF086;
	s6 =	sadd.s32 @!p0 s3, s7;
	s7 =	simm.s32 @!p0 $0x108  }
0x21: {  	s3 =	sadd.s32 s3, s9;
	s6 =	sadd.s32 @!p0 $0x88, s6;
	s7 =	simm.s32 @p2 $0x1082  }
0x22: {  	[simem:s7], [sflag:s8] =	dma.local @!p0 [hbm:s6], $0xF7A  }
0x23: {  	s9 =	sor.u32 $0xD0000000, s2;
	s6 =	simm.s32 $0x108;
	_ =	swait.ge @!p0 [sflag:s8], $0x0  }
0x24: {  	s3 =	sadd.s32 $0x88, s3;
	s6 =	simm.s32 @!p1 $0x1082;
	[sflag:s4] =	ssyncset.s32 $0xFFFFF086  }
0x25: {  	[simem:s6], [sflag:s4] =	dma.local [hbm:s3], $0xF7A  }
0x26: {  	[smem:$0x3F9B] =	sst s1;
	(tag) =	ssettag s2;
	_ =	strace s9  }
0x27: {  	s1 =	sld [smem:$0x3FAB]  }
0x28: {  	s2 =	sld [smem:$0x3FAC]  }
0x29: {  	s4 =	sld [smem:$0x3FAE]  }
0x2a: {  	p0 =	seq.s32 s5, $0x0;
	s5 =	sld [smem:$0x3FAF]  }
0x2b: {  	s6 =	sld [smem:$0x3FB0]  }
0x2c: {  	s7 =	sld [smem:$0x3FB1]  }
0x2d: {  	s3 =	simm.s32 $0x108;
	s8 =	sld [smem:$0x3FB2]  }
0x2e: {  	s3 =	simm.s32 @!p0 $0x1082;
	s9 =	sld [smem:$0x3FB3]  }
0x2f: {  	lr =	sadd.s32 s0, s3;
	s0 =	sld [smem:$0x3FAA]  }
0x30: {  	s3 =	sld [smem:$0x3FAD]  }
0x31: {  	[smem:$0x3FB6] =	sst s10  }
0x32: {  	s10 =	sld [smem:$0x3FB4];
	_ =	sdelay $0x3  }
0x33: {  	p0 =	seq.s32 s10, $0x1;
	s10 =	sld [smem:$0x3FB6];
	_ =	sdelay $0x3  }
0x34: {  	[smem:$0x3FB6] =	sst s10  }
0x35: {  	s10 =	sld [smem:$0x3FB5];
	_ =	sdelay $0x3  }
0x36: {  	p1 =	seq.s32 s10, $0x1;
	s10 =	sld [smem:$0x3FB6];
	_ =	sdelay $0x3  }
0x37: {  	[smem:$0x3FB6] =	sst s10  }
0x38: {  	s10 =	sld [smem:$0x3FB7]  }
0x39: {  	_ = 	snop;
	(pc) =	sbr.ind lr, $3  }
0x3a: {  	_ = 	snop  }
0x3b: {  	_ = 	snop  }
0x3c: {  	p2 =	seq.s32 s10, $0x1;
	s10 =	sld [smem:$0x3FB6]  }
0x3d: {  	_ =	shalt  }
0x3e: {  	_ =	shalt  }
0x3f: {  	_ =	shalt  }
0x40: {  	_ =	shalt  }
0x41: {  	_ =	shalt  }
0x42: {  	_ =	shalt  }
0x43: {  	_ =	shalt  }
0x44: {  	_ =	shalt  }
0x45: {  	_ =	shalt  }
0x46: {  	_ =	shalt  }
0x47: {  	_ =	shalt  }
0x48: {  	_ =	shalt  }
0x49: {  	_ =	shalt  }
0x4a: {  	_ =	shalt  }
0x4b: {  	_ =	shalt  }
0x4c: {  	_ =	shalt  }
0x4d: {  	_ =	shalt  }
0x4e: {  	_ =	shalt  }
0x4f: {  	_ =	shalt  }
0x50: {  	_ =	shalt  }
0x51: {  	_ =	shalt  }
0x52: {  	_ =	shalt  }
0x53: {  	_ =	shalt  }
0x54: {  	_ =	shalt  }
0x55: {  	_ =	shalt  }
0x56: {  	_ =	shalt  }
0x57: {  	_ =	shalt  }
0x58: {  	_ =	shalt  }
0x59: {  	_ =	shalt  }
0x5a: {  	_ =	shalt  }
0x5b: {  	_ =	shalt  }
0x5c: {  	_ =	shalt  }
0x5d: {  	_ =	shalt  }
0x5e: {  	_ =	shalt  }
0x5f: {  	_ =	shalt  }
0x60: {  	_ =	shalt  }
0x61: {  	_ =	shalt  }
0x62: {  	_ =	shalt  }
0x63: {  	_ =	shalt  }
0x64: {  	_ =	shalt  }
0x65: {  	_ =	shalt  }
0x66: {  	_ =	shalt  }
0x67: {  	_ =	shalt  }
0x68: {  	_ =	shalt  }
0x69: {  	_ =	shalt  }
0x6a: {  	_ =	shalt  }
0x6b: {  	_ =	shalt  }
0x6c: {  	_ =	shalt  }
0x6d: {  	_ =	shalt  }
0x6e: {  	_ =	shalt  }
0x6f: {  	_ =	shalt  }
0x70: {  	_ =	shalt  }
0x71: {  	_ =	shalt  }
0x72: {  	_ =	shalt  }
0x73: {  	_ =	shalt  }
0x74: {  	_ =	shalt  }
0x75: {  	_ =	shalt  }
0x76: {  	_ =	shalt  }
0x77: {  	_ =	shalt  }
0x78: {  	_ =	shalt  }
0x79: {  	_ =	shalt  }
0x7a: {  	_ =	shalt  }
0x7b: {  	_ =	shalt  }
0x7c: {  	_ =	shalt  }
0x7d: {  	_ =	shalt  }
0x7e: {  	_ =	shalt  }
0x7f: {  	_ =	shalt  }
0x80: {  	_ =	shalt  }
0x81: {  	_ =	shalt  }
0x82: {  	_ =	shalt  }
0x83: {  	_ =	shalt  }
0x84: {  	_ =	shalt  }
0x85: {  	_ =	shalt  }
0x86: {  	_ =	shalt  }
0x87: {  	_ =	shalt  }
.Lfunc_end0:
.L_simem_size_0:
called_computation.2_lowered:
.L_overlay_start_0:
0x88: {  	s2 =	sld [smem:$0x3FD9]  }
0x89: {  	s3 =	sld [smem:$0x3FFE];
	_ =	sdelay $0x1  }
0x8a: {  	s1 =	srdreg.scid  }
0x8b: {  	s0 =	sand.u32 $0x1, s1  }
0x8c: {  	s17 =	sshll.u32 s0, $0xA;
	s2 =	sadd.s32 s3, s2  }
0x8d: {  	s2 =	sadd.s32 s2, s17  }
0x8e: {  	[smem:$0x3FC2] =	sst s2  }
0x8f: {  	_ = 	snop  }
0x90: {  	s2 =	sld [smem:$0x3FD0];
	(tm) =	ssettm $0x1  }
0x91: {  	s18 =	sld [smem:$0x3FFB];
	_ =	sdelay $0x3  }
0x92: {  	_ =	strace s18  }
0x93: {  	s3 =	sld [smem:$0x3FFC];
	_ =	sdelay $0x3  }
0x94: {  	_ =	strace s3  }
0x95: {  	s3 =	sld [smem:$0x3FFD];
	_ =	sdelay $0x3  }
0x96: {  	_ =	strace s3  }
0x97: {  	_ =	strace $0x8FFFFFFF  }
0x98: {  	s19 =	sld [smem:$0x3FDB];
	_ =	sdelay $0x1  }
0x99: {  	s4 =	simm.s32 $_scs_section_size  }
0x9a: {  	s5 =	simm.s32 $_size__tile_overlayer_lowered;
	s6 =	simm.s32 $_tile_overlayer_lowered  }
0x9b: {  	s22 =	simm.s32 $0x1BFF;
	s21 =	sshll.u32 s6, $0x1;
	s3 =	sadd.s32 s4, s19  }
0x9c: {  	s7 =	simm.s32 $0x0;
	s20 =	sshll.u32 s5, $0x1;
	s5 =	sadd.s32 s21, s3  }
0x9d: {  	[timem:s7], [sflag:s22] =	dma.local [hbm:s5], s20  }
0x9e: {  	_ =	swait.ge [sflag:s22], s20  }
0x9f: {  	s4 =	ssub.s32 $0x0, s20;
	[sflag:s22] =	ssyncset.done $0x0  }
0xa0: {  	[sflag:s22] =	ssyncadd.s32 s4;
	_ =	sdelay $0x1  }
0xa1: {  	s23 =	simm.s32 $0x1B8B  }
0xa2: {  	_ =	swait.ge [sflag:s23], $0x1  }
0xa3: {  	[sflag:s23] =	ssyncset.done $0x0  }
0xa4: {  	s25 =	simm.s32 $0x1B8E;
	s24 =	sld [smem:$0x3FFE];
	[sflag:s23] =	ssyncadd.s32 $0xFFFFFFFF  }
0xa5: {  	s26 =	simm.s32 $execute0_lowered;
	[smem:$0x3FD2] =	sst s25  }
0xa6: {  	s5 =	sshll.u32 s26, $0x1;
	_ =	strace $0x8000004C;
	[dreg:$0x1] =	wrdreg $0xFFFFFFFF  }
0xa7: {  	s28 =	simm.s32 $_size_execute0_lowered;
	s3 =	sadd.s32 s3, s5;
	[dreg:$0x0] =	wrdreg $0x0  }
0xa8: {  	s5 =	sshll.u32 s28, $0x1;
	[dreg:$0x2] =	wrdreg s3  }
0xa9: {  	[dreg:$0x3] =	wrdreg s5  }
0xaa: {  	[dreg:$0x4] =	wrdreg $0xC0  }
0xab: {  	_ =	task [dreg:s7], $0x5FFFF  }
0xac: {  	[dreg:$0x1] =	wrdreg $0xFFFFFFFF  }
0xad: {  	[dreg:$0x0] =	wrdreg $0x60  }
0xae: {  	[dreg:$0x2] =	wrdreg s2  }
0xaf: {  	[dreg:$0x3] =	wrdreg s24  }
0xb0: {  	[dreg:$0x4] =	wrdreg $0xD0000  }
0xb1: {  	[dreg:$0x5] =	wrdreg $0xF7800  }
0xb2: {  	[dreg:$0x6] =	wrdreg $0x9  }
0xb3: {  	_ =	task.clear_ibuf [dreg:s7], $0x7FFFF;
	_ =	strace $0x9000004C  }
0xb4: {  	s29 =	simm.s32 $0x9;
	_ =	strace $0x8000004E  }
0xb5: {  	_ =	swait.ge [sflag:s29], $0x1  }
0xb6: {  	[sflag:s29] =	ssyncadd.s32 $0xFFFFFFFF  }
0xb7: {  	_ =	strace $0x9000004E  }
0xb8: {  	_ =	sfence  }
0xb9: {  	s30 =	sld [smem:$0x0];
	_ =	sdelay $0x2  }
0xba: {  	s31 =	sshll.u32 s1, $0xD;
	s1 =	sshrl.u32 s1, $0x2  }
0xbb: {  	s3 =	sand.u32 $0x4000, s31;
	s1 =	sadd.s32 s1, s30  }
0xbc: {  	s0 =	sor.u32 s3, s0;
	s1 =	sshll.u32 s1, $0x11  }
0xbd: {  	s0 =	sor.u32 s1, s0  }
0xbe: {  	s0 =	sadd.s32 $0x8F2B, s0  }
0xbf: {  	[sflag:s0] =	ssyncadd.remote.s32 $0x1  }
0xc0: {  	_ =	sfence.sel $0xFFFF  }
0xc1: {  	[dreg:$0x0] =	wrdreg $0xFFFFFFFF;
	(pc) =	sbr.abs _section_cstart, $3  }
0xc2: {  	[dreg:$0x1] =	wrdreg $0xFFFFFFFF  }
0xc3: {  	_ =	task.clear_ibuf [dreg:s7], $0x2FFFF;
	_ =	strace $0x9FFFFFFF  }
0xc4: {  	(tm) =	ssettm $0x7FFFFFFF  }
0xc5: {  	_ =	shalt  }
tec
execute0_lowered:
.L_overlay_start_1:
0x0: {  	(tag) =	ssettag $0x1  }
0x1: {  	s0 =	srdreg.scid;
	s1 =	rddreg [dreg:$0x0]  }
0x2: {  	s4 =	stileid.u32;
	s5 =	rddreg [dreg:$0x1];
	s9 =	simm.s32 $0x0  }
0x3: {  	s29 =	simm.s32 $0x7000;
	s31 =	simm.s32 $0x7800;
	s28 =	simm.s32 $0x9000  }
0x4: {  	s30 =	simm.s32 $0x9800;
	s13 =	simm.s32 $0xA800;
	s14 =	simm.s32 $0x2  }
0x5: {  	s15 =	simm.s32 $0x4;
	s0 =	sand.u32 $0x1, s0;
	s7 =	smul.u32 $0x2780, s4  }
0x6: {  	s2 =	sshll.u32 s4, $0x1;
	[smem:$0x7FF] =	sst s9;
	s10 =	smul.u32 $0x9E00, s4  }
0x7: {  	s11 =	sadd.s32 $0x15200, s5;
	s9 =	simm.s32 $0x5;
	s25 =	sshll.u32 s4, $0x6  }
0x8: {  	s3 =	sor.u32 s0, s2;
	s2 =	rddreg [dreg:$0x2];
	s8 =	smul.u32 $0x27800, s0  }
0x9: {  	s18 =	ssub.s32 $0x2, s0;
	p0 =	sne.s32 s0, $0x0;
	s17 =	sor.u32 $0x1C05, s25  }
0xa: {  	s25 =	simm.s32 $0x1;
	s6 =	smul.u32 $0x500, s3;
	s3 =	rddreg [dreg:$0x3]  }
0xb: {  	_ =	strace $0x8000004D;
	[dreg:$0x5] =	wrdreg s11;
	s19 =	sshrl.u32 s18, $0x1  }
0xc: {  	s21 =	sshrl.u32 s10, $0x2;
	s22 =	sshrl.u32 s7, $0x3;
	s10 =	sadd.s32 s7, s2  }
0xd: {  	s0 =	sshll.u32 @p0 s4, $0x6;
	s11 =	simm.s32 $0x3;
	[dreg:$0x10] =	wrdreg s17  }
0xe: {  	s8 =	sadd.s32 s7, s8;
	s1 =	sadd.s32 s1, s22;
	s23 =	sadd.s32 s7, s3  }
0xf: {  	s0 =	sor.u32 @p0 $0x1C05, s0;
	[dreg:$0x8] =	wrdreg s10;
	s7 =	simm.s32 $0xC000  }
0x10: {  	s6 =	sadd.s32 s6, s5;
	s8 =	sshrl.u32 s8, $0x3;
	[dreg:$0x9] =	wrdreg s1  }
0x11: {  	[dreg:$0xc] =	wrdreg s0;
	s26 =	sshrl.u32 s23, $0x3;
	s23 =	simm.s32 $0x8800  }
0x12: {  	s1 =	simm.s32 $0xA000;
	s5 =	sadd.s32 s8, s5;
	s8 =	ssub.s32 s18, s19  }
0x13: {  	s20 =	sadd.s32 $0xB200, s6;
	s6 =	sadd.s32 $0x1000, s6;
	[dreg:$0x11] =	wrdreg s26  }
0x14: {  	s18 =	simm.s32 $0x5000;
	s26 =	simm.s32 $0x6800;
	[dreg:$0x6] =	wrdreg s20  }
0x15: {  	[dreg:$0x7] =	wrdreg s6;
	s6 =	sadd.s32 s21, s2;
	s5 =	sadd.s32 $0x15800, s5  }
0x16: {  	s24 =	smax.u32 s8, $0x1;
	s20 =	simm.s32 $0x80;
	[dreg:$0xa] =	wrdreg s5  }
0x17: {  	s21 =	simm.s32 $0x5800;
	[dreg:$0xb] =	wrdreg s24;
	s0 =	sshrl.u32 @p0 s6, $0x3  }
0x18: {  	s8 =	simm.s32 $0x0;
	[dreg:$0xd] =	wrdreg s0;
	s0 =	sshll.u32 @!p0 s4, $0x6  }
0x19: {  	s24 =	simm.s32 $0x6000;
	s5 =	simm.s32 $0xB000;
	s0 =	sor.u32 @!p0 $0x1C05, s0  }
0x1a: {  	s6 =	simm.s32 $0xB800;
	[dreg:$0xe] =	wrdreg s0;
	s0 =	sshrl.u32 @!p0 s10, $0x3  }
0x1b: {  	s10 =	simm.s32 $0xC800;
	[dreg:$0xf] =	wrdreg s0;
	s0 =	simm.s32 $0x8000  }
.LBB2_1:
0x1c: {  	[dreg:$0x12] =	wrdreg s8  }
0x1d: {  	s4 =	simm.s32 $0x0;
	s19 =	rddreg [dreg:$0x6]  }
0x1e: {  	[tilespmem:s4], [sflag:$0x5] =	stream.linear.gather [hbm4b:s19+s4], $0x2800, $0x38;
	[tilespmem:$0x11F00] =	vst v63  }
0x1f: {  	_ =	swait.ge [sflag:s9], $0x2800  }
0x20: {  	[sflag:s9] =	ssyncset.done $0x0  }
0x21: {  	s12 =	simm.s32 $0x2800;
	s22 =	rddreg [dreg:$0x7];
	[sflag:s9] =	ssyncadd.s32 $0xFFFFD800  }
0x22: {  	[tilespmem:s12], [sflag:$0x5] =	stream.linear.gather [hbm4b:s22+s4], $0x2800, $0x38;
	[tilespmem:$0x11F00] =	vst v63  }
0x23: {  	_ =	swait.ge [sflag:s9], $0x2800  }
0x24: {  	s8 =	rddreg [dreg:$0x5]  }
0x25: {  	[sflag:s9] =	ssyncset.done $0x0;
	s12 =	rddreg [dreg:$0xc]  }
0x26: {  	s16 =	rddreg [dreg:$0xd];
	[sflag:s9] =	ssyncadd.s32 $0xFFFFD800  }
0x27: {  	[spmem:s16], [sflag:s12] =	dma.local @p0 [hbm:s8], $0x4F0  }
0x28: {  	s8 =	rddreg [dreg:$0x9]  }
0x29: {  	s12 =	rddreg [dreg:$0xe]  }
0x2a: {  	s16 =	rddreg [dreg:$0xf]  }
0x2b: {  	[spmem:s16], [sflag:s12] =	dma.local @!p0 [hbm:s8], $0x4F0  }
0x2c: {  	_ =	swait.ge [sflag:s9], $0x4F0  }
0x2d: {  	[sflag:s9] =	ssyncset.done $0x0  }
0x2e: {  	s16 =	rddreg [dreg:$0x11];
	[sflag:s9] =	ssyncadd.s32 $0xFFFFFB10  }
0x2f: {  	[spmem:s16], [sflag:s17] =	dma.local [hbm:s8], $0x4F0  }
0x30: {  	_ =	swait.ge [sflag:s9], $0x4F0  }
0x31: {  	[sflag:s9] =	ssyncset.done $0x0  }
0x32: {  	[sflag:s9] =	ssyncadd.s32 $0xFFFFFB10  }
0x33: {  	[bflag:$0x0] =	sbarrier.arrive $0xFFFF  }
0x34: {  	[tilespmem:s18], [sflag:$0x1] =	stream.indirect.gather [spmem:s3], $0x10, s4, s20, $0xb8;
	[tilespmem:$0x11F00] =	vst v63  }
0x35: {  	_ = 	snop  }
0x36: {  	[tilespmem:s21], [sflag:$0x1] =	stream.indirect.gather [spmem:s3], $0x10, s20, s20, $0xb8;
	[tilespmem:$0x11F00] =	vst v63  }
0x37: {  	s19 =	simm.s32 $0x100  }
0x38: {  	[tilespmem:s24], [sflag:$0x1] =	stream.indirect.gather [spmem:s3], $0x10, s19, s20, $0xb8;
	[tilespmem:$0x11F00] =	vst v63  }
0x39: {  	s22 =	simm.s32 $0x180  }
0x3a: {  	[tilespmem:s26], [sflag:$0x1] =	stream.indirect.gather [spmem:s3], $0x10, s22, s20, $0xb8;
	[tilespmem:$0x11F00] =	vst v63  }
0x3b: {  	s8 =	simm.s32 $0x200  }
0x3c: {  	[tilespmem:s29], [sflag:$0x1] =	stream.indirect.gather [spmem:s3], $0x10, s8, s20, $0xb8;
	[tilespmem:$0x11F00] =	vst v63  }
0x3d: {  	s9 =	simm.s32 $0x280  }
0x3e: {  	[tilespmem:s31], [sflag:$0x1] =	stream.indirect.gather [spmem:s3], $0x10, s9, s20, $0xb8;
	[tilespmem:$0x11F00] =	vst v63  }
0x3f: {  	s12 =	simm.s32 $0x300  }
0x40: {  	[tilespmem:s0], [sflag:$0x1] =	stream.indirect.gather [spmem:s3], $0x10, s12, s20, $0xb8;
	[tilespmem:$0x11F00] =	vst v63  }
0x41: {  	s16 =	simm.s32 $0x380  }
0x42: {  	[tilespmem:s23], [sflag:$0x1] =	stream.indirect.gather [spmem:s3], $0x10, s16, s20, $0xb8;
	[tilespmem:$0x11F00] =	vst v63  }
0x43: {  	_ =	swait.ge [sflag:s25], $0x800  }
0x44: {  	[sflag:s25] =	ssyncset.done $0x0  }
0x45: {  	[sflag:s25] =	ssyncadd.s32 $0xFFFFF800  }
0x46: {  	_ =	swait.ge [sflag:s25], $0x800  }
0x47: {  	[sflag:s25] =	ssyncset.done $0x0  }
0x48: {  	[sflag:s25] =	ssyncadd.s32 $0xFFFFF800  }
0x49: {  	_ =	swait.ge [sflag:s25], $0x800  }
0x4a: {  	[sflag:s25] =	ssyncset.done $0x0  }
0x4b: {  	[sflag:s25] =	ssyncadd.s32 $0xFFFFF800  }
0x4c: {  	_ =	swait.ge [sflag:s25], $0x800  }
0x4d: {  	[sflag:s25] =	ssyncset.done $0x0  }
0x4e: {  	[sflag:s25] =	ssyncadd.s32 $0xFFFFF800  }
0x4f: {  	_ =	swait.ge [sflag:s25], $0x800  }
0x50: {  	[sflag:s25] =	ssyncset.done $0x0  }
0x51: {  	[sflag:s25] =	ssyncadd.s32 $0xFFFFF800  }
0x52: {  	_ =	swait.ge [sflag:s25], $0x800  }
0x53: {  	[sflag:s25] =	ssyncset.done $0x0  }
0x54: {  	[sflag:s25] =	ssyncadd.s32 $0xFFFFF800  }
0x55: {  	_ =	swait.ge [sflag:s25], $0x800  }
0x56: {  	[sflag:s25] =	ssyncset.done $0x0  }
0x57: {  	[sflag:s25] =	ssyncadd.s32 $0xFFFFF800  }
0x58: {  	_ =	swait.ge [sflag:s25], $0x800  }
0x59: {  	[sflag:s25] =	ssyncset.done $0x0  }
0x5a: {  	s17 =	simm.s32 $0x400;
	[sflag:s25] =	ssyncadd.s32 $0xFFFFF800  }
0x5b: {  	[tilespmem:s28], [sflag:$0x2] =	stream.indirect.gather [spmem:s3], $0x10, s17, s20, $0xb8;
	[tilespmem:$0x11F00] =	vst v63  }
0x5c: {  	s19 =	simm.s32 $0x480  }
0x5d: {  	[tilespmem:s30], [sflag:$0x2] =	stream.indirect.gather [spmem:s3], $0x10, s19, s20, $0xb8;
	[tilespmem:$0x11F00] =	vst v63  }
0x5e: {  	s22 =	simm.s32 $0x500  }
0x5f: {  	[tilespmem:s1], [sflag:$0x2] =	stream.indirect.gather [spmem:s3], $0x10, s22, s20, $0xb8;
	[tilespmem:$0x11F00] =	vst v63  }
0x60: {  	s4 =	simm.s32 $0x580  }
0x61: {  	[tilespmem:s13], [sflag:$0x2] =	stream.indirect.gather [spmem:s3], $0x10, s4, s20, $0xb8;
	[tilespmem:$0x11F00] =	vst v63  }
0x62: {  	s9 =	simm.s32 $0x600  }
0x63: {  	[tilespmem:s5], [sflag:$0x2] =	stream.indirect.gather [spmem:s3], $0x10, s9, s20, $0xb8;
	[tilespmem:$0x11F00] =	vst v63  }
0x64: {  	s12 =	simm.s32 $0x680  }
0x65: {  	[tilespmem:s6], [sflag:$0x2] =	stream.indirect.gather [spmem:s3], $0x10, s12, s20, $0xb8;
	[tilespmem:$0x11F00] =	vst v63  }
0x66: {  	s16 =	simm.s32 $0x700  }
0x67: {  	[tilespmem:s7], [sflag:$0x2] =	stream.indirect.gather [spmem:s3], $0x10, s16, s20, $0xb8;
	[tilespmem:$0x11F00] =	vst v63  }
0x68: {  	s17 =	simm.s32 $0x780  }
0x69: {  	[tilespmem:s10], [sflag:$0x2] =	stream.indirect.gather [spmem:s3], $0x10, s17, s20, $0xb8;
	[tilespmem:$0x11F00] =	vst v63  }
0x6a: {  	s19 =	simm.s32 $0x2800  }
0x6b: {  	[spmem:s2] =	stream.indirect.scatter.add.f32 [tilespmem:s18], [sflag:$0x3], $0x10, s19, s20, $0xb8;
	[tilespmem:$0x11F00] =	vst v63  }
0x6c: {  	s22 =	simm.s32 $0x2880  }
0x6d: {  	[spmem:s2] =	stream.indirect.scatter.add.f32 [tilespmem:s21], [sflag:$0x3], $0x10, s22, s20, $0xb8;
	[tilespmem:$0x11F00] =	vst v63  }
0x6e: {  	s4 =	simm.s32 $0x2900  }
0x6f: {  	[spmem:s2] =	stream.indirect.scatter.add.f32 [tilespmem:s24], [sflag:$0x3], $0x10, s4, s20, $0xb8;
	[tilespmem:$0x11F00] =	vst v63  }
0x70: {  	s9 =	simm.s32 $0x2980  }
0x71: {  	[spmem:s2] =	stream.indirect.scatter.add.f32 [tilespmem:s26], [sflag:$0x3], $0x10, s9, s20, $0xb8;
	[tilespmem:$0x11F00] =	vst v63  }
0x72: {  	s12 =	simm.s32 $0x2A00  }
0x73: {  	[spmem:s2] =	stream.indirect.scatter.add.f32 [tilespmem:s29], [sflag:$0x3], $0x10, s12, s20, $0xb8;
	[tilespmem:$0x11F00] =	vst v63  }
0x74: {  	s16 =	simm.s32 $0x2A80  }
0x75: {  	[spmem:s2] =	stream.indirect.scatter.add.f32 [tilespmem:s31], [sflag:$0x3], $0x10, s16, s20, $0xb8;
	[tilespmem:$0x11F00] =	vst v63  }
0x76: {  	s17 =	simm.s32 $0x2B00  }
0x77: {  	[spmem:s2] =	stream.indirect.scatter.add.f32 [tilespmem:s0], [sflag:$0x3], $0x10, s17, s20, $0xb8;
	[tilespmem:$0x11F00] =	vst v63  }
0x78: {  	s19 =	simm.s32 $0x2B80  }
0x79: {  	[spmem:s2] =	stream.indirect.scatter.add.f32 [tilespmem:s23], [sflag:$0x3], $0x10, s19, s20, $0xb8;
	[tilespmem:$0x11F00] =	vst v63  }
0x7a: {  	_ =	swait.ge [sflag:s11], $0x800  }
0x7b: {  	[sflag:s11] =	ssyncset.done $0x0  }
0x7c: {  	[sflag:s11] =	ssyncadd.s32 $0xFFFFF800  }
0x7d: {  	_ =	swait.ge [sflag:s11], $0x800  }
0x7e: {  	[sflag:s11] =	ssyncset.done $0x0  }
0x7f: {  	[sflag:s11] =	ssyncadd.s32 $0xFFFFF800  }
0x80: {  	_ =	swait.ge [sflag:s11], $0x800  }
0x81: {  	[sflag:s11] =	ssyncset.done $0x0  }
0x82: {  	[sflag:s11] =	ssyncadd.s32 $0xFFFFF800  }
0x83: {  	_ =	swait.ge [sflag:s11], $0x800  }
0x84: {  	[sflag:s11] =	ssyncset.done $0x0  }
0x85: {  	[sflag:s11] =	ssyncadd.s32 $0xFFFFF800  }
0x86: {  	_ =	swait.ge [sflag:s11], $0x800  }
0x87: {  	[sflag:s11] =	ssyncset.done $0x0  }
0x88: {  	[sflag:s11] =	ssyncadd.s32 $0xFFFFF800  }
0x89: {  	_ =	swait.ge [sflag:s11], $0x800  }
0x8a: {  	[sflag:s11] =	ssyncset.done $0x0  }
0x8b: {  	[sflag:s11] =	ssyncadd.s32 $0xFFFFF800  }
0x8c: {  	_ =	swait.ge [sflag:s11], $0x800  }
0x8d: {  	[sflag:s11] =	ssyncset.done $0x0  }
0x8e: {  	[sflag:s11] =	ssyncadd.s32 $0xFFFFF800  }
0x8f: {  	_ =	swait.ge [sflag:s11], $0x800  }
0x90: {  	[sflag:s11] =	ssyncset.done $0x0  }
0x91: {  	[sflag:s11] =	ssyncadd.s32 $0xFFFFF800  }
0x92: {  	_ =	swait.ge [sflag:s14], $0x800  }
0x93: {  	[sflag:s14] =	ssyncset.done $0x0  }
0x94: {  	[sflag:s14] =	ssyncadd.s32 $0xFFFFF800  }
0x95: {  	_ =	swait.ge [sflag:s14], $0x800  }
0x96: {  	[sflag:s14] =	ssyncset.done $0x0  }
0x97: {  	[sflag:s14] =	ssyncadd.s32 $0xFFFFF800  }
0x98: {  	_ =	swait.ge [sflag:s14], $0x800  }
0x99: {  	[sflag:s14] =	ssyncset.done $0x0  }
0x9a: {  	[sflag:s14] =	ssyncadd.s32 $0xFFFFF800  }
0x9b: {  	_ =	swait.ge [sflag:s14], $0x800  }
0x9c: {  	[sflag:s14] =	ssyncset.done $0x0  }
0x9d: {  	[sflag:s14] =	ssyncadd.s32 $0xFFFFF800  }
0x9e: {  	_ =	swait.ge [sflag:s14], $0x800  }
0x9f: {  	[sflag:s14] =	ssyncset.done $0x0  }
0xa0: {  	[sflag:s14] =	ssyncadd.s32 $0xFFFFF800  }
0xa1: {  	_ =	swait.ge [sflag:s14], $0x800  }
0xa2: {  	[sflag:s14] =	ssyncset.done $0x0  }
0xa3: {  	[sflag:s14] =	ssyncadd.s32 $0xFFFFF800  }
0xa4: {  	_ =	swait.ge [sflag:s14], $0x800  }
0xa5: {  	[sflag:s14] =	ssyncset.done $0x0  }
0xa6: {  	[sflag:s14] =	ssyncadd.s32 $0xFFFFF800  }
0xa7: {  	p1 =	por $0x0, $0x0;
	_ =	swait.ge [sflag:s14], $0x800  }
0xa8: {  	s8 =	simm.s32 @!p1 $0x80;
	[sflag:s14] =	ssyncset.done $0x0  }
0xa9: {  	s17 =	simm.s32 @!p1 $0x800;
	s19 =	simm.s32 @!p1 $0x5000;
	[sflag:s14] =	ssyncadd.s32 $0xFFFFF800  }
0xaa: {  	[tilespmem:s19], [sflag:$0x1] =	stream.indirect.gather @!p1 [spmem:s3], $0x10, s17, s8, $0xb8;
	[tilespmem:$0x11F00] =	vst v63  }
0xab: {  	s17 =	simm.s32 @!p1 $0x5800;
	s19 =	simm.s32 @!p1 $0x880  }
0xac: {  	[tilespmem:s17], [sflag:$0x1] =	stream.indirect.gather @!p1 [spmem:s3], $0x10, s19, s8, $0xb8;
	[tilespmem:$0x11F00] =	vst v63  }
0xad: {  	s17 =	simm.s32 @!p1 $0x900;
	s19 =	simm.s32 @!p1 $0x6000  }
0xae: {  	[tilespmem:s19], [sflag:$0x1] =	stream.indirect.gather @!p1 [spmem:s3], $0x10, s17, s8, $0xb8;
	[tilespmem:$0x11F00] =	vst v63  }
0xaf: {  	s17 =	simm.s32 @!p1 $0x980;
	s19 =	simm.s32 @!p1 $0x6800  }
0xb0: {  	[tilespmem:s19], [sflag:$0x1] =	stream.indirect.gather @!p1 [spmem:s3], $0x10, s17, s8, $0xb8;
	[tilespmem:$0x11F00] =	vst v63  }
0xb1: {  	s17 =	simm.s32 @!p1 $0xA00;
	s19 =	simm.s32 @!p1 $0x7000  }
0xb2: {  	[tilespmem:s19], [sflag:$0x1] =	stream.indirect.gather @!p1 [spmem:s3], $0x10, s17, s8, $0xb8;
	[tilespmem:$0x11F00] =	vst v63  }
0xb3: {  	s17 =	simm.s32 @!p1 $0xA80;
	s19 =	simm.s32 @!p1 $0x7800  }
0xb4: {  	[tilespmem:s19], [sflag:$0x1] =	stream.indirect.gather @!p1 [spmem:s3], $0x10, s17, s8, $0xb8;
	[tilespmem:$0x11F00] =	vst v63  }
0xb5: {  	s17 =	simm.s32 @!p1 $0xB00;
	s19 =	simm.s32 @!p1 $0x8000  }
0xb6: {  	[tilespmem:s19], [sflag:$0x1] =	stream.indirect.gather @!p1 [spmem:s3], $0x10, s17, s8, $0xb8;
	[tilespmem:$0x11F00] =	vst v63  }
0xb7: {  	s17 =	simm.s32 @!p1 $0xB80;
	s19 =	simm.s32 @!p1 $0x8800  }
0xb8: {  	[tilespmem:s19], [sflag:$0x1] =	stream.indirect.gather @!p1 [spmem:s3], $0x10, s17, s8, $0xb8;
	[tilespmem:$0x11F00] =	vst v63  }
0xb9: {  	s22 =	simm.s32 $0x2C00  }
0xba: {  	[spmem:s2] =	stream.indirect.scatter.add.f32 [tilespmem:s28], [sflag:$0x4], $0x10, s22, s20, $0xb8;
	[tilespmem:$0x11F00] =	vst v63  }
0xbb: {  	s4 =	simm.s32 $0x2C80  }
0xbc: {  	[spmem:s2] =	stream.indirect.scatter.add.f32 [tilespmem:s30], [sflag:$0x4], $0x10, s4, s20, $0xb8;
	[tilespmem:$0x11F00] =	vst v63  }
0xbd: {  	s9 =	simm.s32 $0x2D00  }
0xbe: {  	[spmem:s2] =	stream.indirect.scatter.add.f32 [tilespmem:s1], [sflag:$0x4], $0x10, s9, s20, $0xb8;
	[tilespmem:$0x11F00] =	vst v63  }
0xbf: {  	s12 =	simm.s32 $0x2D80  }
0xc0: {  	[spmem:s2] =	stream.indirect.scatter.add.f32 [tilespmem:s13], [sflag:$0x4], $0x10, s12, s20, $0xb8;
	[tilespmem:$0x11F00] =	vst v63  }
0xc1: {  	s16 =	simm.s32 $0x2E00  }
0xc2: {  	[spmem:s2] =	stream.indirect.scatter.add.f32 [tilespmem:s5], [sflag:$0x4], $0x10, s16, s20, $0xb8;
	[tilespmem:$0x11F00] =	vst v63  }
0xc3: {  	s17 =	simm.s32 $0x2E80  }
0xc4: {  	[spmem:s2] =	stream.indirect.scatter.add.f32 [tilespmem:s6], [sflag:$0x4], $0x10, s17, s20, $0xb8;
	[tilespmem:$0x11F00] =	vst v63  }
0xc5: {  	s19 =	simm.s32 $0x2F00  }
0xc6: {  	[spmem:s2] =	stream.indirect.scatter.add.f32 [tilespmem:s7], [sflag:$0x4], $0x10, s19, s20, $0xb8;
	[tilespmem:$0x11F00] =	vst v63  }
0xc7: {  	s22 =	simm.s32 $0x2F80  }
0xc8: {  	[spmem:s2] =	stream.indirect.scatter.add.f32 [tilespmem:s10], [sflag:$0x4], $0x10, s22, s20, $0xb8;
	[tilespmem:$0x11F00] =	vst v63  }
0xc9: {  	_ =	swait.ge [sflag:s15], $0x800  }
0xca: {  	[sflag:s15] =	ssyncset.done $0x0  }
0xcb: {  	[sflag:s15] =	ssyncadd.s32 $0xFFFFF800  }
0xcc: {  	_ =	swait.ge [sflag:s15], $0x800  }
0xcd: {  	[sflag:s15] =	ssyncset.done $0x0  }
0xce: {  	[sflag:s15] =	ssyncadd.s32 $0xFFFFF800  }
0xcf: {  	_ =	swait.ge [sflag:s15], $0x800  }
0xd0: {  	[sflag:s15] =	ssyncset.done $0x0  }
0xd1: {  	[sflag:s15] =	ssyncadd.s32 $0xFFFFF800  }
0xd2: {  	_ =	swait.ge [sflag:s15], $0x800  }
0xd3: {  	[sflag:s15] =	ssyncset.done $0x0  }
0xd4: {  	[sflag:s15] =	ssyncadd.s32 $0xFFFFF800  }
0xd5: {  	_ =	swait.ge [sflag:s15], $0x800  }
0xd6: {  	[sflag:s15] =	ssyncset.done $0x0  }
0xd7: {  	[sflag:s15] =	ssyncadd.s32 $0xFFFFF800  }
0xd8: {  	_ =	swait.ge [sflag:s15], $0x800  }
0xd9: {  	[sflag:s15] =	ssyncset.done $0x0  }
0xda: {  	[sflag:s15] =	ssyncadd.s32 $0xFFFFF800  }
0xdb: {  	_ =	swait.ge [sflag:s15], $0x800  }
0xdc: {  	[sflag:s15] =	ssyncset.done $0x0  }
0xdd: {  	[sflag:s15] =	ssyncadd.s32 $0xFFFFF800  }
0xde: {  	s17 =	simm.s32 $0x2000;
	_ =	swait.ge [sflag:s15], $0x800  }
.LBB2_2:
0xdf: {  	[sflag:s15] =	ssyncset.done $0x0;
	s8 =	smov.u32 s17;
	s17 =	sadd.s32 $0x2000, s17  }
0xe0: {  	p1 =	sne.s32 s17, $0xA000;
	[sflag:s15] =	ssyncadd.s32 $0xFFFFF800  }
0xe1: {  	_ =	swait.ge [sflag:s25], $0x800  }
0xe2: {  	[sflag:s25] =	ssyncset.done $0x0  }
0xe3: {  	[sflag:s25] =	ssyncadd.s32 $0xFFFFF800  }
0xe4: {  	_ =	swait.ge [sflag:s25], $0x800  }
0xe5: {  	[sflag:s25] =	ssyncset.done $0x0  }
0xe6: {  	[sflag:s25] =	ssyncadd.s32 $0xFFFFF800  }
0xe7: {  	_ =	swait.ge [sflag:s25], $0x800  }
0xe8: {  	[sflag:s25] =	ssyncset.done $0x0  }
0xe9: {  	[sflag:s25] =	ssyncadd.s32 $0xFFFFF800  }
0xea: {  	_ =	swait.ge [sflag:s25], $0x800  }
0xeb: {  	[sflag:s25] =	ssyncset.done $0x0  }
0xec: {  	[sflag:s25] =	ssyncadd.s32 $0xFFFFF800  }
0xed: {  	_ =	swait.ge [sflag:s25], $0x800  }
0xee: {  	[sflag:s25] =	ssyncset.done $0x0  }
0xef: {  	[sflag:s25] =	ssyncadd.s32 $0xFFFFF800  }
0xf0: {  	_ =	swait.ge [sflag:s25], $0x800  }
0xf1: {  	[sflag:s25] =	ssyncset.done $0x0  }
0xf2: {  	[sflag:s25] =	ssyncadd.s32 $0xFFFFF800  }
0xf3: {  	_ =	swait.ge [sflag:s25], $0x800  }
0xf4: {  	[sflag:s25] =	ssyncset.done $0x0  }
0xf5: {  	[sflag:s25] =	ssyncadd.s32 $0xFFFFF800  }
0xf6: {  	s19 =	sshra.s32 s8, $0x2;
	_ =	swait.ge [sflag:s25], $0x800  }
0xf7: {  	s4 =	sadd.s32 $0x400, s19;
	[sflag:s25] =	ssyncset.done $0x0  }
0xf8: {  	[sflag:s25] =	ssyncadd.s32 $0xFFFFF800  }
0xf9: {  	[tilespmem:s28], [sflag:$0x2] =	stream.indirect.gather [spmem:s3], $0x10, s4, s20, $0xb8;
	[tilespmem:$0x11F00] =	vst v63  }
0xfa: {  	s4 =	sadd.s32 $0x480, s19  }
0xfb: {  	[tilespmem:s30], [sflag:$0x2] =	stream.indirect.gather [spmem:s3], $0x10, s4, s20, $0xb8;
	[tilespmem:$0x11F00] =	vst v63  }
0xfc: {  	s4 =	sadd.s32 $0x500, s19  }
0xfd: {  	[tilespmem:s1], [sflag:$0x2] =	stream.indirect.gather [spmem:s3], $0x10, s4, s20, $0xb8;
	[tilespmem:$0x11F00] =	vst v63  }
0xfe: {  	s4 =	sadd.s32 $0x580, s19  }
0xff: {  	[tilespmem:s13], [sflag:$0x2] =	stream.indirect.gather [spmem:s3], $0x10, s4, s20, $0xb8;
	[tilespmem:$0x11F00] =	vst v63  }
0x100: {  	s4 =	sadd.s32 $0x600, s19  }
0x101: {  	[tilespmem:s5], [sflag:$0x2] =	stream.indirect.gather [spmem:s3], $0x10, s4, s20, $0xb8;
	[tilespmem:$0x11F00] =	vst v63  }
0x102: {  	s4 =	sadd.s32 $0x680, s19  }
0x103: {  	[tilespmem:s6], [sflag:$0x2] =	stream.indirect.gather [spmem:s3], $0x10, s4, s20, $0xb8;
	[tilespmem:$0x11F00] =	vst v63  }
0x104: {  	s4 =	sadd.s32 $0x700, s19  }
0x105: {  	[tilespmem:s7], [sflag:$0x2] =	stream.indirect.gather [spmem:s3], $0x10, s4, s20, $0xb8;
	[tilespmem:$0x11F00] =	vst v63  }
0x106: {  	s4 =	sadd.s32 $0x780, s19  }
0x107: {  	[tilespmem:s10], [sflag:$0x2] =	stream.indirect.gather [spmem:s3], $0x10, s4, s20, $0xb8;
	[tilespmem:$0x11F00] =	vst v63  }
0x108: {  	s4 =	sadd.s32 $0x2800, s19  }
0x109: {  	[spmem:s2] =	stream.indirect.scatter.add.f32 [tilespmem:s18], [sflag:$0x3], $0x10, s4, s20, $0xb8;
	[tilespmem:$0x11F00] =	vst v63  }
0x10a: {  	s4 =	sadd.s32 $0x2880, s19  }
0x10b: {  	[spmem:s2] =	stream.indirect.scatter.add.f32 [tilespmem:s21], [sflag:$0x3], $0x10, s4, s20, $0xb8;
	[tilespmem:$0x11F00] =	vst v63  }
0x10c: {  	s4 =	sadd.s32 $0x2900, s19  }
0x10d: {  	[spmem:s2] =	stream.indirect.scatter.add.f32 [tilespmem:s24], [sflag:$0x3], $0x10, s4, s20, $0xb8;
	[tilespmem:$0x11F00] =	vst v63  }
0x10e: {  	s4 =	sadd.s32 $0x2980, s19  }
0x10f: {  	[spmem:s2] =	stream.indirect.scatter.add.f32 [tilespmem:s26], [sflag:$0x3], $0x10, s4, s20, $0xb8;
	[tilespmem:$0x11F00] =	vst v63  }
0x110: {  	s4 =	sadd.s32 $0x2A00, s19  }
0x111: {  	[spmem:s2] =	stream.indirect.scatter.add.f32 [tilespmem:s29], [sflag:$0x3], $0x10, s4, s20, $0xb8;
	[tilespmem:$0x11F00] =	vst v63  }
0x112: {  	s4 =	sadd.s32 $0x2A80, s19  }
0x113: {  	[spmem:s2] =	stream.indirect.scatter.add.f32 [tilespmem:s31], [sflag:$0x3], $0x10, s4, s20, $0xb8;
	[tilespmem:$0x11F00] =	vst v63  }
0x114: {  	s4 =	sadd.s32 $0x2B00, s19  }
0x115: {  	[spmem:s2] =	stream.indirect.scatter.add.f32 [tilespmem:s0], [sflag:$0x3], $0x10, s4, s20, $0xb8;
	[tilespmem:$0x11F00] =	vst v63  }
0x116: {  	s4 =	sadd.s32 $0x2B80, s19  }
0x117: {  	[spmem:s2] =	stream.indirect.scatter.add.f32 [tilespmem:s23], [sflag:$0x3], $0x10, s4, s20, $0xb8;
	[tilespmem:$0x11F00] =	vst v63  }
0x118: {  	_ =	swait.ge [sflag:s11], $0x800  }
0x119: {  	[sflag:s11] =	ssyncset.done $0x0  }
0x11a: {  	[sflag:s11] =	ssyncadd.s32 $0xFFFFF800  }
0x11b: {  	_ =	swait.ge [sflag:s11], $0x800  }
0x11c: {  	[sflag:s11] =	ssyncset.done $0x0  }
0x11d: {  	[sflag:s11] =	ssyncadd.s32 $0xFFFFF800  }
0x11e: {  	_ =	swait.ge [sflag:s11], $0x800  }
0x11f: {  	[sflag:s11] =	ssyncset.done $0x0  }
0x120: {  	[sflag:s11] =	ssyncadd.s32 $0xFFFFF800  }
0x121: {  	_ =	swait.ge [sflag:s11], $0x800  }
0x122: {  	[sflag:s11] =	ssyncset.done $0x0  }
0x123: {  	[sflag:s11] =	ssyncadd.s32 $0xFFFFF800  }
0x124: {  	_ =	swait.ge [sflag:s11], $0x800  }
0x125: {  	[sflag:s11] =	ssyncset.done $0x0  }
0x126: {  	[sflag:s11] =	ssyncadd.s32 $0xFFFFF800  }
0x127: {  	_ =	swait.ge [sflag:s11], $0x800  }
0x128: {  	[sflag:s11] =	ssyncset.done $0x0  }
0x129: {  	[sflag:s11] =	ssyncadd.s32 $0xFFFFF800  }
0x12a: {  	_ =	swait.ge [sflag:s11], $0x800  }
0x12b: {  	[sflag:s11] =	ssyncset.done $0x0  }
0x12c: {  	[sflag:s11] =	ssyncadd.s32 $0xFFFFF800  }
0x12d: {  	_ =	swait.ge [sflag:s11], $0x800  }
0x12e: {  	[sflag:s11] =	ssyncset.done $0x0  }
0x12f: {  	[sflag:s11] =	ssyncadd.s32 $0xFFFFF800  }
0x130: {  	_ =	swait.ge [sflag:s14], $0x800  }
0x131: {  	[sflag:s14] =	ssyncset.done $0x0  }
0x132: {  	[sflag:s14] =	ssyncadd.s32 $0xFFFFF800  }
0x133: {  	_ =	swait.ge [sflag:s14], $0x800  }
0x134: {  	[sflag:s14] =	ssyncset.done $0x0  }
0x135: {  	[sflag:s14] =	ssyncadd.s32 $0xFFFFF800  }
0x136: {  	_ =	swait.ge [sflag:s14], $0x800  }
0x137: {  	[sflag:s14] =	ssyncset.done $0x0  }
0x138: {  	[sflag:s14] =	ssyncadd.s32 $0xFFFFF800  }
0x139: {  	_ =	swait.ge [sflag:s14], $0x800  }
0x13a: {  	[sflag:s14] =	ssyncset.done $0x0  }
0x13b: {  	[sflag:s14] =	ssyncadd.s32 $0xFFFFF800  }
0x13c: {  	_ =	swait.ge [sflag:s14], $0x800  }
0x13d: {  	[sflag:s14] =	ssyncset.done $0x0  }
0x13e: {  	[sflag:s14] =	ssyncadd.s32 $0xFFFFF800  }
0x13f: {  	_ =	swait.ge [sflag:s14], $0x800  }
0x140: {  	[sflag:s14] =	ssyncset.done $0x0  }
0x141: {  	[sflag:s14] =	ssyncadd.s32 $0xFFFFF800  }
0x142: {  	_ =	swait.ge [sflag:s14], $0x800  }
0x143: {  	[sflag:s14] =	ssyncset.done $0x0  }
0x144: {  	p2 =	seq.s32 s8, $0x8000;
	[sflag:s14] =	ssyncadd.s32 $0xFFFFF800  }
0x145: {  	s4 =	sshra.s32 @!p2 s8, $0x2;
	s8 =	simm.s32 @!p2 $0x80;
	_ =	swait.ge [sflag:s14], $0x800  }
0x146: {  	s18 =	simm.s32 @!p2 $0x5800;
	s9 =	sadd.s32 @!p2 $0x800, s4;
	[sflag:s14] =	ssyncset.done $0x0  }
0x147: {  	s16 =	simm.s32 @!p2 $0x5000;
	s12 =	sadd.s32 @!p2 $0x880, s4;
	[sflag:s14] =	ssyncadd.s32 $0xFFFFF800  }
0x148: {  	[tilespmem:s16], [sflag:$0x1] =	stream.indirect.gather @!p2 [spmem:s3], $0x10, s9, s8, $0xb8;
	[tilespmem:$0x11F00] =	vst v63  }
0x149: {  	s21 =	sadd.s32 @!p2 $0xA00, s4;
	s9 =	sadd.s32 @!p2 $0x900, s4;
	s16 =	sadd.s32 @!p2 $0x980, s4  }
0x14a: {  	[tilespmem:s18], [sflag:$0x1] =	stream.indirect.gather @!p2 [spmem:s3], $0x10, s12, s8, $0xb8;
	[tilespmem:$0x11F00] =	vst v63  }
0x14b: {  	s22 =	sadd.s32 @!p2 $0xB00, s4;
	s12 =	simm.s32 @!p2 $0x6000;
	s18 =	sadd.s32 @!p2 $0xA80, s4  }
0x14c: {  	[tilespmem:s12], [sflag:$0x1] =	stream.indirect.gather @!p2 [spmem:s3], $0x10, s9, s8, $0xb8;
	[tilespmem:$0x11F00] =	vst v63  }
0x14d: {  	s4 =	sadd.s32 @!p2 $0xB80, s4;
	s9 =	simm.s32 @!p2 $0x6800  }
0x14e: {  	[tilespmem:s9], [sflag:$0x1] =	stream.indirect.gather @!p2 [spmem:s3], $0x10, s16, s8, $0xb8;
	[tilespmem:$0x11F00] =	vst v63  }
0x14f: {  	s9 =	simm.s32 @!p2 $0x7000  }
0x150: {  	[tilespmem:s9], [sflag:$0x1] =	stream.indirect.gather @!p2 [spmem:s3], $0x10, s21, s8, $0xb8;
	[tilespmem:$0x11F00] =	vst v63  }
0x151: {  	s21 =	simm.s32 $0x5800  }
0x152: {  	s9 =	simm.s32 @!p2 $0x7800  }
0x153: {  	[tilespmem:s9], [sflag:$0x1] =	stream.indirect.gather @!p2 [spmem:s3], $0x10, s18, s8, $0xb8;
	[tilespmem:$0x11F00] =	vst v63  }
0x154: {  	s18 =	simm.s32 $0x5000  }
0x155: {  	s12 =	simm.s32 @!p2 $0x8800;
	s9 =	simm.s32 @!p2 $0x8000  }
0x156: {  	[tilespmem:s9], [sflag:$0x1] =	stream.indirect.gather @!p2 [spmem:s3], $0x10, s22, s8, $0xb8;
	[tilespmem:$0x11F00] =	vst v63  }
0x157: {  	_ = 	snop  }
0x158: {  	[tilespmem:s12], [sflag:$0x1] =	stream.indirect.gather @!p2 [spmem:s3], $0x10, s4, s8, $0xb8;
	[tilespmem:$0x11F00] =	vst v63  }
0x159: {  	s4 =	sadd.s32 $0x2C00, s19  }
0x15a: {  	[spmem:s2] =	stream.indirect.scatter.add.f32 [tilespmem:s28], [sflag:$0x4], $0x10, s4, s20, $0xb8;
	[tilespmem:$0x11F00] =	vst v63  }
0x15b: {  	s4 =	sadd.s32 $0x2C80, s19  }
0x15c: {  	[spmem:s2] =	stream.indirect.scatter.add.f32 [tilespmem:s30], [sflag:$0x4], $0x10, s4, s20, $0xb8;
	[tilespmem:$0x11F00] =	vst v63  }
0x15d: {  	s8 =	sadd.s32 $0x2D80, s19;
	s4 =	sadd.s32 $0x2D00, s19  }
0x15e: {  	[spmem:s2] =	stream.indirect.scatter.add.f32 [tilespmem:s1], [sflag:$0x4], $0x10, s4, s20, $0xb8;
	[tilespmem:$0x11F00] =	vst v63  }
0x15f: {  	s4 =	sadd.s32 $0x2E00, s19  }
0x160: {  	[spmem:s2] =	stream.indirect.scatter.add.f32 [tilespmem:s13], [sflag:$0x4], $0x10, s8, s20, $0xb8;
	[tilespmem:$0x11F00] =	vst v63  }
0x161: {  	s8 =	sadd.s32 $0x2E80, s19  }
0x162: {  	[spmem:s2] =	stream.indirect.scatter.add.f32 [tilespmem:s5], [sflag:$0x4], $0x10, s4, s20, $0xb8;
	[tilespmem:$0x11F00] =	vst v63  }
0x163: {  	s4 =	sadd.s32 $0x2F00, s19  }
0x164: {  	[spmem:s2] =	stream.indirect.scatter.add.f32 [tilespmem:s6], [sflag:$0x4], $0x10, s8, s20, $0xb8;
	[tilespmem:$0x11F00] =	vst v63  }
0x165: {  	s8 =	sadd.s32 $0x2F80, s19  }
0x166: {  	[spmem:s2] =	stream.indirect.scatter.add.f32 [tilespmem:s7], [sflag:$0x4], $0x10, s4, s20, $0xb8;
	[tilespmem:$0x11F00] =	vst v63  }
0x167: {  	_ = 	snop  }
0x168: {  	[spmem:s2] =	stream.indirect.scatter.add.f32 [tilespmem:s10], [sflag:$0x4], $0x10, s8, s20, $0xb8;
	[tilespmem:$0x11F00] =	vst v63  }
0x169: {  	_ =	swait.ge [sflag:s15], $0x800  }
0x16a: {  	[sflag:s15] =	ssyncset.done $0x0  }
0x16b: {  	[sflag:s15] =	ssyncadd.s32 $0xFFFFF800  }
0x16c: {  	_ =	swait.ge [sflag:s15], $0x800  }
0x16d: {  	[sflag:s15] =	ssyncset.done $0x0  }
0x16e: {  	[sflag:s15] =	ssyncadd.s32 $0xFFFFF800  }
0x16f: {  	_ =	swait.ge [sflag:s15], $0x800  }
0x170: {  	[sflag:s15] =	ssyncset.done $0x0  }
0x171: {  	[sflag:s15] =	ssyncadd.s32 $0xFFFFF800  }
0x172: {  	_ =	swait.ge [sflag:s15], $0x800  }
0x173: {  	[sflag:s15] =	ssyncset.done $0x0  }
0x174: {  	[sflag:s15] =	ssyncadd.s32 $0xFFFFF800  }
0x175: {  	_ =	swait.ge [sflag:s15], $0x800  }
0x176: {  	[sflag:s15] =	ssyncset.done $0x0  }
0x177: {  	[sflag:s15] =	ssyncadd.s32 $0xFFFFF800  }
0x178: {  	_ =	swait.ge [sflag:s15], $0x800  }
0x179: {  	[sflag:s15] =	ssyncset.done $0x0  }
.Ltmp0:
0x17a: {  	[sflag:s15] =	ssyncadd.s32 $0xFFFFF800;
	(pc) =	sbr.rel @p1 .LBB2_2-.Ltmp0, $4  }
0x17b: {  	_ =	swait.ge [sflag:s15], $0x800  }
0x17c: {  	[sflag:s15] =	ssyncset.done $0x0  }
0x17d: {  	[sflag:s15] =	ssyncadd.s32 $0xFFFFF800  }
0x17e: {  	_ =	swait.ge [sflag:s15], $0x800  }
0x17f: {  	[sflag:s15] =	ssyncset.done $0x0  }
0x180: {  	[sflag:s15] =	ssyncadd.s32 $0xFFFFF800  }
0x181: {  	[bflag:$0x0] =	sbarrier.arrive $0xFFFF  }
0x182: {  	s4 =	rddreg [dreg:$0x8]  }
0x183: {  	s8 =	rddreg [dreg:$0xa]  }
0x184: {  	s9 =	simm.s32 $0x5;
	s17 =	rddreg [dreg:$0x10];
	s4 =	sshrl.u32 s4, $0x3  }
0x185: {  	[hbm:s8], [sflag:s17] =	dma.local [spmem:s4], $0x4F0  }
0x186: {  	_ =	swait.ge [sflag:s9], $0x4F0  }
0x187: {  	s19 =	rddreg [dreg:$0x12]  }
0x188: {  	s22 =	rddreg [dreg:$0xb];
	s8 =	sadd.s32 $0x1, s19  }
0x189: {  	p1 =	sne.s32 s8, s22  }
.Ltmp1:
0x18a: {  	_ = 	snop;
	(pc) =	sbr.rel @p1 .LBB2_1-.Ltmp1, $3  }
0x18b: {  	_ =	sdelay $0x1  }
0x18c: {  	[sflag:s9] =	ssyncset.done $0x0  }
0x18d: {  	[sflag:s9] =	ssyncadd.s32 $0xFFFFFB10  }
0x18e: {  	_ =	sfence.sel $0x180000  }
0x18f: {  	[bflag:$0x0] =	sbarrier.arrive $0xFFFF  }
0x190: {  	_ =	strace $0x9000004D  }
0x191: {  	s0 =	stileid.u32;
	[bflag:$0x2] =	sbarrier.arrive $0xFFFF  }
0x192: {  	p0 =	sne.s32 s0, $0x0;
	s0 =	rddreg [dreg:$0x4]  }
0x193: {  	s0 =	sadd.s32 @!p0 $0x100000, s0  }
0x194: {  	[sflag:s0] =	ssyncadd.tile.s32 @!p0 $0x1;
	_ =	shalt  }
.Lfunc_end2:
_tile_overlayer_lowered:
.L_overlay_start_2:
0x195: {  	(tag) =	ssettag $0x2  }
0x196: {  	s0 =	rddreg [dreg:$0x0];
	s2 =	stileid.u32  }
0x197: {  	s1 =	rddreg [dreg:$0x1];
	p0 =	sne.s32 s2, $0x0  }
0x198: {  	s3 =	rddreg [dreg:$0x2];
	[bflag:$0x3] =	sbarrier.arrive $0xFFFF;
	s2 =	simm.s32 @!p0 $0x1C05  }
0x199: {  	[timem:s3], [sflag:s2] =	dma.local @!p0 [hbm:s0], s1  }
0x19a: {  	s0 =	simm.s32 @!p0 $0x5  }
0x19b: {  	_ =	swait.ge @!p0 [sflag:s0], s1  }
0x19c: {  	s1 =	ssub.s32 @!p0 $0x0, s1;
	[sflag:s0] =	ssyncset.done @!p0 $0x0  }
0x19d: {  	[sflag:s0] =	ssyncadd.s32 @!p0 s1  }
0x19e: {  	[bflag:$0x3] =	sbarrier.arrive $0xFFFF  }
0x19f: {  	_ =	shalt  }

// kernel: kernel.9.cloned.1.call-start
scs
__scs_entry_jumppad:
0x0: {  	(pc) =	sbr.rel $0x88, $3  }
0x1: {  	(tag) =	ssettag $0x0;
	lr =	simm.s32 $0x1  }
0x2: {  	[smem:$0x3F9B] =	sst lr;
	_ =	strace $0xD0000000  }
0x3: {  	_ = 	snop  }
0x4: {  	_ = 	snop  }
0x5: {  	_ = 	snop  }
0x6: {  	_ = 	snop  }
0x7: {  	_ = 	snop  }
__scs_overlays_trampoline_lowered:
0x8: {  	[smem:$0x3FAA] =	sst s0  }
0x9: {  	[smem:$0x3FAB] =	sst s1  }
0xa: {  	[smem:$0x3FAC] =	sst s2  }
0xb: {  	[smem:$0x3FAD] =	sst s3  }
0xc: {  	[smem:$0x3FAE] =	sst s4  }
0xd: {  	[smem:$0x3FAF] =	sst s5  }
0xe: {  	[smem:$0x3FB0] =	sst s6  }
0xf: {  	[smem:$0x3FB1] =	sst s7  }
0x10: {  	[smem:$0x3FB2] =	sst s8  }
0x11: {  	[smem:$0x3FB3] =	sst s9;
	s0 =	simm.s32 @!p0 $0x0  }
0x12: {  	s1 =	sld [smem:$0x3F99];
	s0 =	simm.s32 @p0 $0x1  }
0x13: {  	[smem:$0x3FB4] =	sst s0;
	s0 =	simm.s32 @!p1 $0x0  }
0x14: {  	s2 =	sld [smem:$0x3F98];
	s0 =	simm.s32 @p1 $0x1  }
0x15: {  	[smem:$0x3FB5] =	sst s0;
	s0 =	simm.s32 @!p2 $0x0  }
0x16: {  	s3 =	sld [smem:$0x3FDB];
	s0 =	simm.s32 @p2 $0x1  }
0x17: {  	s4 =	simm.s32 $0x1BF5;
	[smem:$0x3FB7] =	sst s0  }
0x18: {  	s0 =	sld [smem:$0x3F9A];
	_ =	swait.ge [sflag:s4], $0x0  }
0x19: {  	s7 =	sld [smem:$0x3F9B]  }
0x1a: {  	s8 =	sadd.s32 $0xFFFFE003, lr  }
0x1b: {  	s9 =	sadd.s32 $0xFFFFFEF7, lr;
	s5 =	simm.s32 $0xFFFFFFFF;
	p2 =	slt.u32 s8, $0xFFFFF086  }
0x1c: {  	p1 =	slt.u32 s9, $0xF7A;
	s5 =	simm.s32 @!p2 $0x0  }
0x1d: {  	s5 =	simm.s32 @p1 $0x1;
	p0 =	seq.s32 s7, s2  }
0x1e: {  	s7 =	smul.u32 @!p0 $0xF7A, s2;
	p2 =	seq.s32 @!p0 s5, $0x0  }
0x1f: {  	s9 =	smul.u32 $0xF7A, s1;
	s8 =	simm.s32 @!p0 $0x1BF5;
	p2 =	por !p2, p0  }
0x20: {  	[sflag:s8] =	ssyncset.s32 @!p0 $0xFFFFF086;
	s6 =	sadd.s32 @!p0 s3, s7;
	s7 =	simm.s32 @!p0 $0x108  }
0x21: {  	s3 =	sadd.s32 s3, s9;
	s6 =	sadd.s32 @!p0 $0x88, s6;
	s7 =	simm.s32 @p2 $0x1082  }
0x22: {  	[simem:s7], [sflag:s8] =	dma.local @!p0 [hbm:s6], $0xF7A  }
0x23: {  	s9 =	sor.u32 $0xD0000000, s2;
	s6 =	simm.s32 $0x108;
	_ =	swait.ge @!p0 [sflag:s8], $0x0  }
0x24: {  	s3 =	sadd.s32 $0x88, s3;
	s6 =	simm.s32 @!p1 $0x1082;
	[sflag:s4] =	ssyncset.s32 $0xFFFFF086  }
0x25: {  	[simem:s6], [sflag:s4] =	dma.local [hbm:s3], $0xF7A  }
0x26: {  	[smem:$0x3F9B] =	sst s1;
	(tag) =	ssettag s2;
	_ =	strace s9  }
0x27: {  	s1 =	sld [smem:$0x3FAB]  }
0x28: {  	s2 =	sld [smem:$0x3FAC]  }
0x29: {  	s4 =	sld [smem:$0x3FAE]  }
0x2a: {  	p0 =	seq.s32 s5, $0x0;
	s5 =	sld [smem:$0x3FAF]  }
0x2b: {  	s6 =	sld [smem:$0x3FB0]  }
0x2c: {  	s7 =	sld [smem:$0x3FB1]  }
0x2d: {  	s3 =	simm.s32 $0x108;
	s8 =	sld [smem:$0x3FB2]  }
0x2e: {  	s3 =	simm.s32 @!p0 $0x1082;
	s9 =	sld [smem:$0x3FB3]  }
0x2f: {  	lr =	sadd.s32 s0, s3;
	s0 =	sld [smem:$0x3FAA]  }
0x30: {  	s3 =	sld [smem:$0x3FAD]  }
0x31: {  	[smem:$0x3FB6] =	sst s10  }
0x32: {  	s10 =	sld [smem:$0x3FB4];
	_ =	sdelay $0x3  }
0x33: {  	p0 =	seq.s32 s10, $0x1;
	s10 =	sld [smem:$0x3FB6];
	_ =	sdelay $0x3  }
0x34: {  	[smem:$0x3FB6] =	sst s10  }
0x35: {  	s10 =	sld [smem:$0x3FB5];
	_ =	sdelay $0x3  }
0x36: {  	p1 =	seq.s32 s10, $0x1;
	s10 =	sld [smem:$0x3FB6];
	_ =	sdelay $0x3  }
0x37: {  	[smem:$0x3FB6] =	sst s10  }
0x38: {  	s10 =	sld [smem:$0x3FB7]  }
0x39: {  	_ = 	snop;
	(pc) =	sbr.ind lr, $3  }
0x3a: {  	_ = 	snop  }
0x3b: {  	_ = 	snop  }
0x3c: {  	p2 =	seq.s32 s10, $0x1;
	s10 =	sld [smem:$0x3FB6]  }
0x3d: {  	_ =	shalt  }
0x3e: {  	_ =	shalt  }
0x3f: {  	_ =	shalt  }
0x40: {  	_ =	shalt  }
0x41: {  	_ =	shalt  }
0x42: {  	_ =	shalt  }
0x43: {  	_ =	shalt  }
0x44: {  	_ =	shalt  }
0x45: {  	_ =	shalt  }
0x46: {  	_ =	shalt  }
0x47: {  	_ =	shalt  }
0x48: {  	_ =	shalt  }
0x49: {  	_ =	shalt  }
0x4a: {  	_ =	shalt  }
0x4b: {  	_ =	shalt  }
0x4c: {  	_ =	shalt  }
0x4d: {  	_ =	shalt  }
0x4e: {  	_ =	shalt  }
0x4f: {  	_ =	shalt  }
0x50: {  	_ =	shalt  }
0x51: {  	_ =	shalt  }
0x52: {  	_ =	shalt  }
0x53: {  	_ =	shalt  }
0x54: {  	_ =	shalt  }
0x55: {  	_ =	shalt  }
0x56: {  	_ =	shalt  }
0x57: {  	_ =	shalt  }
0x58: {  	_ =	shalt  }
0x59: {  	_ =	shalt  }
0x5a: {  	_ =	shalt  }
0x5b: {  	_ =	shalt  }
0x5c: {  	_ =	shalt  }
0x5d: {  	_ =	shalt  }
0x5e: {  	_ =	shalt  }
0x5f: {  	_ =	shalt  }
0x60: {  	_ =	shalt  }
0x61: {  	_ =	shalt  }
0x62: {  	_ =	shalt  }
0x63: {  	_ =	shalt  }
0x64: {  	_ =	shalt  }
0x65: {  	_ =	shalt  }
0x66: {  	_ =	shalt  }
0x67: {  	_ =	shalt  }
0x68: {  	_ =	shalt  }
0x69: {  	_ =	shalt  }
0x6a: {  	_ =	shalt  }
0x6b: {  	_ =	shalt  }
0x6c: {  	_ =	shalt  }
0x6d: {  	_ =	shalt  }
0x6e: {  	_ =	shalt  }
0x6f: {  	_ =	shalt  }
0x70: {  	_ =	shalt  }
0x71: {  	_ =	shalt  }
0x72: {  	_ =	shalt  }
0x73: {  	_ =	shalt  }
0x74: {  	_ =	shalt  }
0x75: {  	_ =	shalt  }
0x76: {  	_ =	shalt  }
0x77: {  	_ =	shalt  }
0x78: {  	_ =	shalt  }
0x79: {  	_ =	shalt  }
0x7a: {  	_ =	shalt  }
0x7b: {  	_ =	shalt  }
0x7c: {  	_ =	shalt  }
0x7d: {  	_ =	shalt  }
0x7e: {  	_ =	shalt  }
0x7f: {  	_ =	shalt  }
0x80: {  	_ =	shalt  }
0x81: {  	_ =	shalt  }
0x82: {  	_ =	shalt  }
0x83: {  	_ =	shalt  }
0x84: {  	_ =	shalt  }
0x85: {  	_ =	shalt  }
0x86: {  	_ =	shalt  }
0x87: {  	_ =	shalt  }
.Lfunc_end0:
.L_simem_size_0:
called_computation_lowered:
.L_overlay_start_0:
0x88: {  	s2 =	sld [smem:$0x3FD9]  }
0x89: {  	s3 =	sld [smem:$0x3FFE];
	_ =	sdelay $0x1  }
0x8a: {  	s1 =	srdreg.scid  }
0x8b: {  	s0 =	sand.u32 $0x1, s1  }
0x8c: {  	s17 =	sshll.u32 s0, $0xA;
	s2 =	sadd.s32 s3, s2  }
0x8d: {  	s2 =	sadd.s32 s2, s17  }
0x8e: {  	[smem:$0x3FC2] =	sst s2  }
0x8f: {  	_ = 	snop  }
0x90: {  	s2 =	sld [smem:$0x3FD0];
	(tm) =	ssettm $0x1  }
0x91: {  	s18 =	sld [smem:$0x3FFB];
	_ =	sdelay $0x3  }
0x92: {  	_ =	strace s18  }
0x93: {  	s3 =	sld [smem:$0x3FFC];
	_ =	sdelay $0x3  }
0x94: {  	_ =	strace s3  }
0x95: {  	s3 =	sld [smem:$0x3FFD];
	_ =	sdelay $0x3  }
0x96: {  	_ =	strace s3  }
0x97: {  	_ =	strace $0x8FFFFFFF  }
0x98: {  	s19 =	sld [smem:$0x3FDB];
	_ =	sdelay $0x1  }
0x99: {  	s4 =	simm.s32 $_scs_section_size  }
0x9a: {  	s5 =	simm.s32 $_size__tile_overlayer_lowered;
	s6 =	simm.s32 $_tile_overlayer_lowered  }
0x9b: {  	s22 =	simm.s32 $0x1BFF;
	s21 =	sshll.u32 s6, $0x1;
	s3 =	sadd.s32 s4, s19  }
0x9c: {  	s7 =	simm.s32 $0x0;
	s20 =	sshll.u32 s5, $0x1;
	s5 =	sadd.s32 s21, s3  }
0x9d: {  	[timem:s7], [sflag:s22] =	dma.local [hbm:s5], s20  }
0x9e: {  	_ =	swait.ge [sflag:s22], s20  }
0x9f: {  	s4 =	ssub.s32 $0x0, s20;
	[sflag:s22] =	ssyncset.done $0x0  }
0xa0: {  	[sflag:s22] =	ssyncadd.s32 s4;
	_ =	sdelay $0x1  }
0xa1: {  	s23 =	simm.s32 $0x1B8B  }
0xa2: {  	_ =	swait.ge [sflag:s23], $0x1  }
0xa3: {  	[sflag:s23] =	ssyncset.done $0x0  }
0xa4: {  	s25 =	simm.s32 $0x1B8E;
	s24 =	sld [smem:$0x3FFE];
	[sflag:s23] =	ssyncadd.s32 $0xFFFFFFFF  }
0xa5: {  	s26 =	simm.s32 $execute0_lowered;
	[smem:$0x3FD2] =	sst s25  }
0xa6: {  	s5 =	sshll.u32 s26, $0x1;
	_ =	strace $0x80000046;
	[dreg:$0x1] =	wrdreg $0xFFFFFFFF  }
0xa7: {  	s28 =	simm.s32 $_size_execute0_lowered;
	s3 =	sadd.s32 s3, s5;
	[dreg:$0x0] =	wrdreg $0x0  }
0xa8: {  	s5 =	sshll.u32 s28, $0x1;
	[dreg:$0x2] =	wrdreg s3  }
0xa9: {  	[dreg:$0x3] =	wrdreg s5  }
0xaa: {  	[dreg:$0x4] =	wrdreg $0xC0  }
0xab: {  	_ =	task [dreg:s7], $0x5FFFF  }
0xac: {  	[dreg:$0x1] =	wrdreg $0xFFFFFFFF  }
0xad: {  	[dreg:$0x0] =	wrdreg $0x60  }
0xae: {  	[dreg:$0x2] =	wrdreg s24  }
0xaf: {  	[dreg:$0x3] =	wrdreg s2  }
0xb0: {  	[dreg:$0x4] =	wrdreg $0x28800  }
0xb1: {  	[dreg:$0x5] =	wrdreg $0x9  }
0xb2: {  	_ =	task.clear_ibuf [dreg:s7], $0x6FFFF;
	_ =	strace $0x90000046  }
0xb3: {  	s29 =	simm.s32 $0x9;
	_ =	strace $0x80000048  }
0xb4: {  	_ =	swait.ge [sflag:s29], $0x1  }
0xb5: {  	[sflag:s29] =	ssyncadd.s32 $0xFFFFFFFF  }
0xb6: {  	_ =	strace $0x90000048  }
0xb7: {  	_ =	sfence  }
0xb8: {  	s30 =	sld [smem:$0x0];
	_ =	sdelay $0x2  }
0xb9: {  	s31 =	sshll.u32 s1, $0xD;
	s1 =	sshrl.u32 s1, $0x2  }
0xba: {  	s3 =	sand.u32 $0x4000, s31;
	s1 =	sadd.s32 s1, s30  }
0xbb: {  	s0 =	sor.u32 s3, s0;
	s1 =	sshll.u32 s1, $0x11  }
0xbc: {  	s0 =	sor.u32 s1, s0  }
0xbd: {  	s0 =	sadd.s32 $0x8F2B, s0  }
0xbe: {  	[sflag:s0] =	ssyncadd.remote.s32 $0x1  }
0xbf: {  	_ =	sfence.sel $0xFFFF  }
0xc0: {  	[dreg:$0x0] =	wrdreg $0xFFFFFFFF;
	(pc) =	sbr.abs _section_cstart, $3  }
0xc1: {  	[dreg:$0x1] =	wrdreg $0xFFFFFFFF  }
0xc2: {  	_ =	task.clear_ibuf [dreg:s7], $0x2FFFF;
	_ =	strace $0x9FFFFFFF  }
0xc3: {  	(tm) =	ssettm $0x7FFFFFFF  }
tec
execute0_lowered:
.L_overlay_start_1:
0x0: {  	(tag) =	ssettag $0x1  }
0x1: {  	s4 =	rddreg [dreg:$0x0]  }
0x2: {  	s1 =	srdreg.scid;
	s6 =	rddreg [dreg:$0x1]  }
0x3: {  	s0 =	stileid.u32;
	s2 =	rddreg [dreg:$0x2];
	s3 =	simm.s32 $0x0  }
0x4: {  	s12 =	simm.s32 $0x2800;
	s13 =	simm.s32 $0x0;
	s5 =	sand.u32 $0x1, s1  }
0x5: {  	s28 =	sshll.u32 s0, $0x1;
	s8 =	smul.u32 $0x278, s0;
	[smem:$0x7FF] =	sst s3  }
0x6: {  	s1 =	sor.u32 s5, s28;
	s9 =	ssub.s32 $0x2, s5;
	s5 =	smul.u32 $0x2780, s5  }
0x7: {  	s31 =	sshll.u32 s0, $0x6;
	s7 =	smul.u32 $0x500, s1;
	s1 =	rddreg [dreg:$0x3]  }
0x8: {  	_ =	strace $0x80000047;
	s10 =	sshrl.u32 s9, $0x1;
	s11 =	sadd.s32 s8, s2  }
0x9: {  	s9 =	ssub.s32 s9, s10;
	s29 =	sadd.s32 s8, s5;
	s8 =	simm.s32 $0x1  }
0xa: {  	s10 =	sshrl.u32 s11, $0x3;
	s11 =	simm.s32 $0x80;
	s7 =	sadd.s32 s7, s4  }
0xb: {  	s4 =	sadd.s32 $0xB000, s4;
	s30 =	sshrl.u32 s29, $0x3;
	s5 =	sadd.s32 $0x1000, s7  }
0xc: {  	v0 =	vimm.f32 $1.000000000e+00;
	s6 =	sadd.s32 s6, s30;
	s7 =	smax.u32 s9, $0x1;
	s9 =	sor.u32 $0x1C01, s31  }
.LBB2_1:
0xd: {  	[tilespmem:s3], [sflag:$0x1] =	stream.linear.gather [hbm4b:s5+s3], $0x2800, $0x38;
	[tilespmem:$0x2AF8] =	vst v63  }
0xe: {  	_ =	swait.ge [sflag:s8], $0x2800  }
0xf: {  	[sflag:s8] =	ssyncset.done $0x0  }
0x10: {  	[sflag:s8] =	ssyncadd.s32 $0xFFFFD800  }
0x11: {  	[tilespmem:$0x2800] =	vst v0  }
0x12: {  	[tilespmem:$0x2810] =	vst v0  }
0x13: {  	[tilespmem:$0x2820] =	vst v0  }
0x14: {  	[tilespmem:$0x2830] =	vst v0  }
0x15: {  	[tilespmem:$0x2840] =	vst v0  }
0x16: {  	[tilespmem:$0x2850] =	vst v0  }
0x17: {  	[tilespmem:$0x2860] =	vst v0  }
0x18: {  	[tilespmem:$0x2870] =	vst v0  }
0x19: {  	[spmem:s10], [sflag:s9] =	dma.local [hbm:s4], $0x4F  }
0x1a: {  	_ =	swait.ge [sflag:s8], $0x4F  }
0x1b: {  	[sflag:s8] =	ssyncset.done $0x0  }
0x1c: {  	[sflag:s8] =	ssyncadd.s32 $0xFFFFFFB1  }
0x1d: {  	s14 =	simm.s32 $0x0;
	[bflag:$0x0] =	sbarrier.arrive $0xFFFF  }
0x1e: {  	[spmem:s2] =	stream.indirect.scatter.add.f32 [tilespmem:s12], [sflag:$0x1], $0x1, s14, s11, $0xb8;
	[tilespmem:$0x2AF8] =	vst v63  }
0x1f: {  	_ =	swait.ge [sflag:s8], $0x80  }
0x20: {  	s14 =	simm.s32 $0x200;
	[sflag:s8] =	ssyncset.done $0x0  }
.LBB2_2:
0x21: {  	s15 =	sshra.s32 s14, $0x2;
	[sflag:s8] =	ssyncadd.s32 $0xFFFFFF80;
	p0 =	sne.s32 s14, $0x9E00  }
0x22: {  	[spmem:s2] =	stream.indirect.scatter.add.f32 [tilespmem:s12], [sflag:$0x1], $0x1, s15, s11, $0xb8;
	[tilespmem:$0x2AF8] =	vst v63  }
.Ltmp0:
0x23: {  	_ = 	snop;
	(pc) =	sbr.rel @p0 .LBB2_2-.Ltmp0, $4  }
0x24: {  	_ = 	snop  }
0x25: {  	s14 =	sadd.s32 $0x200, s14  }
0x26: {  	_ =	swait.ge [sflag:s8], $0x80  }
0x27: {  	[sflag:s8] =	ssyncset.done $0x0  }
0x28: {  	s13 =	sadd.s32 $0x1, s13  }
0x29: {  	[sflag:s8] =	ssyncadd.s32 $0xFFFFFF80;
	p0 =	sne.s32 s13, s7  }
.Ltmp1:
0x2a: {  	[bflag:$0x0] =	sbarrier.arrive $0xFFFF;
	(pc) =	sbr.rel @p0 .LBB2_1-.Ltmp1, $4  }
0x2b: {  	[hbm:s6], [sflag:s9] =	dma.local [spmem:s10], $0x4F  }
0x2c: {  	_ =	swait.ge [sflag:s8], $0x4F  }
0x2d: {  	[sflag:s8] =	ssyncset.done $0x0  }
0x2e: {  	[sflag:s8] =	ssyncadd.s32 $0xFFFFFFB1  }
0x2f: {  	_ =	sfence.sel $0x180000  }
0x30: {  	[bflag:$0x0] =	sbarrier.arrive $0xFFFF  }
0x31: {  	p0 =	sne.s32 s0, $0x0;
	_ =	strace $0x90000047  }
0x32: {  	s0 =	sadd.s32 @!p0 $0x100000, s1;
	[bflag:$0x2] =	sbarrier.arrive $0xFFFF  }
0x33: {  	[sflag:s0] =	ssyncadd.tile.s32 @!p0 $0x1;
	_ =	shalt  }
.Lfunc_end2:
_tile_overlayer_lowered:
.L_overlay_start_2:
0x34: {  	(tag) =	ssettag $0x2  }
0x35: {  	s0 =	rddreg [dreg:$0x0];
	s2 =	stileid.u32  }
0x36: {  	s1 =	rddreg [dreg:$0x1];
	p0 =	sne.s32 s2, $0x0  }
0x37: {  	s3 =	rddreg [dreg:$0x2];
	[bflag:$0x3] =	sbarrier.arrive $0xFFFF;
	s2 =	simm.s32 @!p0 $0x1C01  }
0x38: {  	[timem:s3], [sflag:s2] =	dma.local @!p0 [hbm:s0], s1  }
0x39: {  	s0 =	simm.s32 @!p0 $0x1  }
0x3a: {  	_ =	swait.ge @!p0 [sflag:s0], s1  }
0x3b: {  	s1 =	ssub.s32 @!p0 $0x0, s1;
	[sflag:s0] =	ssyncset.done @!p0 $0x0  }
0x3c: {  	[sflag:s0] =	ssyncadd.s32 @!p0 s1  }
0x3d: {  	[bflag:$0x3] =	sbarrier.arrive $0xFFFF  }
0x3e: {  	_ =	shalt  }

</sc_bundles>
